<compile_context>
chip_gen: v7x
topology: tpu7x:2x2x1
jax: 0.10.2.dev20260603
libtpu: 0.0.44.dev20260713+nightly
codegen_flags: <defaults>
</compile_context>

<pallas_src>
import jax
import jax.numpy as jnp
from jax import lax
from jax.experimental import pallas as pl
from jax.experimental.pallas import tpu as pltpu
from jax.experimental.pallas import tpu_sc as plsc

B = 16384
V = 100000
EMB = 32
HID = 128
N_EFF = 1000
N_OUT = 1000

_NC = 2
_NS = 16
_NW = _NC * _NS
_CHUNKS = 2
_BC = B // _CHUNKS
_B_PER_W = _BC // _NW
_GRP = 128 // EMB


def _gather_one(idx_hbm, tbl_hbm, out_hbm, base, idx_v, grp_v, off_v,
                rows_v, ext_v, sem):
  pltpu.sync_copy(idx_hbm.at[pl.ds(base, _B_PER_W)], idx_v)

  def prep(i, _):
    c = idx_v[pl.ds(i * 16, 16)]
    grp_v[pl.ds(i * 16, 16)] = jnp.bitwise_or(
        lax.shift_left(lax.shift_right_logical(c, 9), 7), jnp.bitwise_and(c, 127))
    off_v[pl.ds(i * 16, 16)] = lax.shift_left(
        jnp.bitwise_and(lax.shift_right_logical(c, 7), 3), 5)
    return 0

  lax.fori_loop(0, _B_PER_W // 16, prep, 0)
  pltpu.async_copy(tbl_hbm.at[grp_v], rows_v, sem).wait()

  def ext(g, _):
    offs = off_v[pl.ds(g * 16, 16)]
    for l in range(16):
      j = g * 16 + l
      off = offs[l]
      ext_v[j, pl.ds(0, 16)] = rows_v[j, pl.ds(off, 16)]
      ext_v[j, pl.ds(16, 16)] = rows_v[j, pl.ds(off + 16, 16)]
    return 0

  lax.fori_loop(0, _B_PER_W // 16, ext, 0)
  pltpu.sync_copy(ext_v, out_hbm.at[pl.ds(base, _B_PER_W)])


def _sc_gather_body(drug_hbm, geno_hbm, demb_hbm, gemb_hbm,
                    outd_hbm, outg_hbm,
                    idx_v, grp_v, off_v, rows_v, ext_v, sem):
  wid = lax.axis_index("s") * _NC + lax.axis_index("c")
  base = wid * _B_PER_W
  _gather_one(drug_hbm, demb_hbm, outd_hbm, base, idx_v, grp_v, off_v,
              rows_v, ext_v, sem)
  _gather_one(geno_hbm, gemb_hbm, outg_hbm, base, idx_v, grp_v, off_v,
              rows_v, ext_v, sem)


_sc_gather = pl.kernel(
    _sc_gather_body,
    out_type=(
        jax.ShapeDtypeStruct((_BC, EMB), jnp.float32),
        jax.ShapeDtypeStruct((_BC, EMB), jnp.float32),
    ),
    mesh=plsc.VectorSubcoreMesh(core_axis_name="c", subcore_axis_name="s"),
    scratch_types=[
        pltpu.VMEM((_B_PER_W,), jnp.int32),
        pltpu.VMEM((_B_PER_W,), jnp.int32),
        pltpu.VMEM((_B_PER_W,), jnp.int32),
        pltpu.VMEM((_B_PER_W, 128), jnp.float32),
        pltpu.VMEM((_B_PER_W, EMB), jnp.float32),
        pltpu.SemaphoreType.DMA,
    ],
    compiler_params=pltpu.CompilerParams(use_tc_tiling_on_sc=True),
    cost_estimate=pl.CostEstimate(
        flops=100_000, bytes_accessed=20_000_000, transcendentals=0),
)




_TB = 8192
_TG = 13
_OROWS = _TG * _TB // _GRP
_DT = (((0,), (0,)), ((), ()))


def _tp_body(sel_ref, dT_ref, gT_ref, od_ref, og_ref):
  sel = sel_ref[...]
  for src, dst in ((dT_ref, od_ref), (gT_ref, og_ref)):
    x = src[...]
    for m in range(_TB // 512):
      acc = None
      for q in range(4):
        xq = x[:, 512 * m + 128 * q:512 * m + 128 * (q + 1)]
        eq = sel[:, 128 * q:128 * (q + 1)]
        t = lax.dot_general(xq, eq, _DT, preferred_element_type=jnp.float32)
        acc = t if acc is None else acc + t
      dst[128 * m:128 * (m + 1), :] = acc


def _relayout(dT, gT):
  cols = jnp.arange(512)
  sel = ((cols[None, :] % 128 - 32 * (cols[None, :] // 128))
         == jnp.arange(EMB)[:, None]).astype(jnp.float32)
  return pl.pallas_call(
      _tp_body,
      grid=(_TG,),
      in_specs=[
          pl.BlockSpec((EMB, 512), lambda i: (0, 0)),
          pl.BlockSpec((EMB, _TB), lambda i: (0, i)),
          pl.BlockSpec((EMB, _TB), lambda i: (0, i)),
      ],
      out_specs=[
          pl.BlockSpec((_TB // _GRP, 128), lambda i: (i, 0)),
          pl.BlockSpec((_TB // _GRP, 128), lambda i: (i, 0)),
      ],
      out_shape=[
          jax.ShapeDtypeStruct((_OROWS, 128), jnp.float32),
          jax.ShapeDtypeStruct((_OROWS, 128), jnp.float32),
      ],
  )(sel, dT, gT)


_BM = 1024
_DN = (((0,), (1,)), ((), ()))


def _mlp_body(xd_ref, xg_ref, w1d_ref, w1g_ref, b1_ref, w2_ref, b2_ref,
              we_ref, be_ref, wo_ref, bo_ref, effT_ref, outT_ref):
  h = jnp.dot(xd_ref[...], w1d_ref[...], preferred_element_type=jnp.float32)
  h += jnp.dot(xg_ref[...], w1g_ref[...], preferred_element_type=jnp.float32)
  h = jnp.maximum(h + b1_ref[...], 0.0)
  h = jnp.dot(h, w2_ref[...], preferred_element_type=jnp.float32)
  h = jnp.maximum(h + b2_ref[...], 0.0)
  effT = lax.dot_general(we_ref[...], h, _DN, preferred_element_type=jnp.float32)
  outT = lax.dot_general(wo_ref[...], h, _DN, preferred_element_type=jnp.float32)
  effT_ref[...] = effT + jnp.transpose(be_ref[...])
  outT_ref[...] = outT + jnp.transpose(bo_ref[...])


def _mlp(xd, xg, W1, b1, W2, b2, We, be, Wo, bo, c, prev):
  w1d = W1[:EMB]
  w1g = W1[EMB:]
  grid = (_BC // _BM,)
  off = c * (_BC // _BM)
  full = lambda shape: pl.BlockSpec(shape, lambda i: (0, 0))
  ins = [
      pl.BlockSpec((_BM, EMB), lambda i: (i, 0)),
      pl.BlockSpec((_BM, EMB), lambda i: (i, 0)),
      full((EMB, HID)),
      full((EMB, HID)),
      full((1, HID)),
      full((HID, HID // 2)),
      full((1, HID // 2)),
      full((HID // 2, N_EFF)),
      full((1, N_EFF)),
      full((HID // 2, N_OUT)),
      full((1, N_OUT)),
  ]
  args = [xd, xg, w1d, w1g, b1.reshape(1, HID), W2, b2.reshape(1, HID // 2),
          We, be.reshape(1, N_EFF), Wo, bo.reshape(1, N_OUT)]
  aliases = {}
  if prev is not None:
    ins = ins + [pl.BlockSpec(memory_space=pl.ANY),
                 pl.BlockSpec(memory_space=pl.ANY)]
    args = args + [prev[0], prev[1]]
    aliases = {11: 0, 12: 1}
  body = _mlp_body if prev is None else _mlp_body_alias
  return pl.pallas_call(
      body,
      grid=grid,
      in_specs=ins,
      out_specs=[
          pl.BlockSpec((N_EFF, _BM), lambda i: (0, i + off)),
          pl.BlockSpec((N_OUT, _BM), lambda i: (0, i + off)),
      ],
      out_shape=[
          jax.ShapeDtypeStruct((N_EFF, B), jnp.float32),
          jax.ShapeDtypeStruct((N_OUT, B), jnp.float32),
      ],
      input_output_aliases=aliases,
  )(*args)


def _mlp_body_alias(xd_ref, xg_ref, w1d_ref, w1g_ref, b1_ref, w2_ref, b2_ref,
                    we_ref, be_ref, wo_ref, bo_ref, pe_ref, po_ref,
                    effT_ref, outT_ref):
  _mlp_body(xd_ref, xg_ref, w1d_ref, w1g_ref, b1_ref, w2_ref, b2_ref,
            we_ref, be_ref, wo_ref, bo_ref, effT_ref, outT_ref)


def kernel(drug, genotype, drug_emb, geno_emb, W1, b1, W2, b2, We, be, Wo, bo):
  dembq, gembq = _relayout(drug_emb.T, geno_emb.T)
  drug = drug.astype(jnp.int32)
  genotype = genotype.astype(jnp.int32)
  prev = None
  for c in range(_CHUNKS):
    sl = slice(c * _BC, (c + 1) * _BC)
    drug_f, geno_f = _sc_gather(drug[sl], genotype[sl], dembq, gembq)
    prev = _mlp(drug_f, geno_f,
                W1, b1, W2, b2, We, be, Wo, bo, c, prev)
  return (prev[0].T, prev[1].T)

# --- scband reference (transcript-rebuilt; emitter-appended) ---
"""Pipeline reference for scband-pharmaco-model-8169027797282 (READ-ONLY COPY).

The authoritative reference and input builder live on the scoring server;
editing this copy changes nothing except your own understanding.
"""

import jax, jax.numpy as jnp
import numpy as np

B = 16384
V_DRUG = 100000
V_GENO = 100000
EMB = 32
HID = 128
N_EFF = 1000
N_OUT = 1000


def setup_inputs(seed: int = 0) -> dict:
    key = jax.random.key(seed)
    ks = jax.random.split(key, 12)
    drug = jax.random.randint(ks[0], (B,), 0, V_DRUG, dtype=jnp.int64 if jax.config.jax_enable_x64 else jnp.int32)
    genotype = jax.random.randint(ks[1], (B,), 0, V_GENO, dtype=jnp.int64 if jax.config.jax_enable_x64 else jnp.int32)
    drug_emb = jax.random.normal(ks[2], (V_DRUG, EMB), dtype=jnp.float32) * 0.02
    geno_emb = jax.random.normal(ks[3], (V_GENO, EMB), dtype=jnp.float32) * 0.02
    W1 = jax.random.normal(ks[4], (2 * EMB, HID), dtype=jnp.float32) * 0.05
    b1 = jnp.zeros((HID,), dtype=jnp.float32)
    W2 = jax.random.normal(ks[5], (HID, HID // 2), dtype=jnp.float32) * 0.05
    b2 = jnp.zeros((HID // 2,), dtype=jnp.float32)
    We = jax.random.normal(ks[6], (HID // 2, N_EFF), dtype=jnp.float32) * 0.05
    be = jnp.zeros((N_EFF,), dtype=jnp.float32)
    Wo = jax.random.normal(ks[7], (HID // 2, N_OUT), dtype=jnp.float32) * 0.05
    bo = jnp.zeros((N_OUT,), dtype=jnp.float32)
    return {
        "drug": drug,
        "genotype": genotype,
        "drug_emb": drug_emb,
        "geno_emb": geno_emb,
        "W1": W1, "b1": b1,
        "W2": W2, "b2": b2,
        "We": We, "be": be,
        "Wo": Wo, "bo": bo,
    }


def reference(drug, genotype, drug_emb, geno_emb, W1, b1, W2, b2, We, be, Wo, bo):
    # embedding lookups (gather)
    drug_e = jnp.take(drug_emb, drug, axis=0)
    geno_e = jnp.take(geno_emb, genotype, axis=0)
    x = jnp.concatenate([drug_e, geno_e], axis=-1)
    x = jax.nn.relu(x @ W1 + b1)
    x = jax.nn.relu(x @ W2 + b2)
    effect = x @ We + be
    outcome = x @ Wo + bo
    return (effect, outcome)

if __name__ == "__main__":
    import jax
    _d = setup_inputs()
    print(jax.jit(kernel)(*tuple(_d.values())))

</pallas_src>

<mosaic_0001>
#map = affine_map<(d0, d1) -> (0)>
#map1 = affine_map<(d0, d1) -> (0, 0)>
module attributes {stable_mosaic.version = 14 : i64} {
  func.func @_sc_gather_body(%arg0: i32, %arg1: i32, %arg2: memref<8192xi32, #tpu.memory_space<hbm>>, %arg3: memref<8192xi32, #tpu.memory_space<hbm>>, %arg4: memref<26624x128xf32, #tpu.memory_space<hbm>>, %arg5: memref<26624x128xf32, #tpu.memory_space<hbm>>, %arg6: memref<8192x32xf32, #tpu.memory_space<hbm>>, %arg7: memref<8192x32xf32, #tpu.memory_space<hbm>>, %arg8: memref<256xi32, #tpu.memory_space<vmem>>, %arg9: memref<256xi32, #tpu.memory_space<vmem>>, %arg10: memref<256xi32, #tpu.memory_space<vmem>>, %arg11: memref<256x128xf32, #tpu.memory_space<vmem>>, %arg12: memref<256x32xf32, #tpu.memory_space<vmem>>, %arg13: memref<!tpu.dma_semaphore, #tpu.memory_space<semaphore_mem>>) attributes {dimension_semantics = [#tpu.dimension_semantics<core_parallel>, #tpu.dimension_semantics<subcore_parallel>], iteration_bounds = array<i64: 2, 16>, scalar_prefetch = 0 : i64, scratch_operands = 6 : i64, tpu.core_type = #tpu.core_type<sc_vector_subcore>, window_params = [{transform_indices = #map}, {transform_indices = #map}, {transform_indices = #map1}, {transform_indices = #map1}, {transform_indices = #map1}, {transform_indices = #map1}]} {
    %mul3A = arith.constant 2 : i32
    %mul3A_0 = arith.muli %arg1, %mul3A : i32
    %add3A = arith.addi %mul3A_0, %arg0 : i32
    %mul3A_1 = arith.constant 256 : i32
    %mul3A_2 = arith.muli %add3A, %mul3A_1 : i32
    "tpu.region"() ({
      %run_scoped3A = tpu.sem_alloc : memref<!tpu.dma_semaphore, #tpu.memory_space<semaphore_mem>>
      %dma_start3A_40 = tpu.memref_slice %arg2[%mul3A_2] : memref<8192xi32, #tpu.memory_space<hbm>> -> memref<256xi32, #tpu.memory_space<hbm>>
      %dma_start3A_41 = tpu.memref_slice %arg2[%mul3A_2] : memref<8192xi32, #tpu.memory_space<hbm>> -> memref<256xi32, #tpu.memory_space<hbm>>
      tpu.enqueue_dma source(%dma_start3A_41 : memref<256xi32, #tpu.memory_space<hbm>>) target(%arg8 : memref<256xi32, #tpu.memory_space<vmem>>) target_semaphore(%run_scoped3A : memref<!tpu.dma_semaphore, #tpu.memory_space<semaphore_mem>>)
      %dma_wait3A_42 = tpu.memref_slice %arg2[%mul3A_2] : memref<8192xi32, #tpu.memory_space<hbm>> -> memref<256xi32, #tpu.memory_space<hbm>>
      %dma_wait3A_43 = tpu.memref_slice %arg2[%mul3A_2] : memref<8192xi32, #tpu.memory_space<hbm>> -> memref<256xi32, #tpu.memory_space<hbm>>
      tpu.wait_dma2 semaphore(%run_scoped3A : memref<!tpu.dma_semaphore, #tpu.memory_space<semaphore_mem>>) src(%dma_wait3A_43 : memref<256xi32, #tpu.memory_space<hbm>>) dst(%arg8 : memref<256xi32, #tpu.memory_space<vmem>>)
      tpu.yield
    }) : () -> ()
    %scan3A = arith.constant 0 : i32
    %scan3A_3 = arith.constant 0 : i32
    %scan3A_4 = arith.constant 16 : i32
    %scan3A_5 = arith.addi %scan3A_3, %scan3A_4 : i32
    %scan3A_6 = arith.constant 1 : i32
    %scan3A_7 = scf.for %scan3A_40 = %scan3A_3 to %scan3A_5 step %scan3A_6 iter_args(%scan3A_41 = %scan3A) -> (i32)  : i32 {
      %mul3A_42 = arith.constant 16 : i32
      %mul3A_43 = arith.muli %scan3A_40, %mul3A_42 : i32
      %get3A = arith.index_cast %mul3A_43 : i32 to index
      %get3A_44 = tpu.vector_load %arg8[%get3A] {strides = array<i32>} : memref<256xi32, #tpu.memory_space<vmem>>, vector<16xi32>,
      %get3A_45 = vector.shape_cast %get3A_44 : vector<16xi32> to vector<16xi32>
      %shift_right_logical3A = arith.constant 9 : i32
      %shift_right_logical3A_46 = vector.broadcast %shift_right_logical3A : i32 to vector<16xi32>
      %shift_right_logical3A_47 = arith.shrui %get3A_45, %shift_right_logical3A_46 : vector<16xi32>
      %shift_left3A = arith.constant 7 : i32
      %shift_left3A_48 = vector.broadcast %shift_left3A : i32 to vector<16xi32>
      %shift_left3A_49 = arith.shli %shift_right_logical3A_47, %shift_left3A_48 : vector<16xi32>
      %and3A = arith.constant 127 : i32
      %and3A_50 = vector.broadcast %and3A : i32 to vector<16xi32>
      %and3A_51 = arith.andi %get3A_45, %and3A_50 : vector<16xi32>
      %or3A = arith.ori %shift_left3A_49, %and3A_51 : vector<16xi32>
      %mul3A_52 = arith.constant 16 : i32
      %mul3A_53 = arith.muli %scan3A_40, %mul3A_52 : i32
      %swap3A = arith.index_cast %mul3A_53 : i32 to index
      %swap3A_54 = tpu.vector_load %arg9[%swap3A] {strides = array<i32>} : memref<256xi32, #tpu.memory_space<vmem>>, vector<16xi32>,
      %swap3A_55 = vector.shape_cast %swap3A_54 : vector<16xi32> to vector<16xi32>
      %swap3A_56 = vector.shape_cast %or3A : vector<16xi32> to vector<16xi32>
      tpu.vector_store %arg9[%swap3A], %swap3A_56 {strides = array<i32>} : memref<256xi32, #tpu.memory_space<vmem>>, vector<16xi32>,
      %shift_right_logical3A_57 = arith.constant 7 : i32
      %shift_right_logical3A_58 = vector.broadcast %shift_right_logical3A_57 : i32 to vector<16xi32>
      %shift_right_logical3A_59 = arith.shrui %get3A_45, %shift_right_logical3A_58 : vector<16xi32>
      %and3A_60 = arith.constant 3 : i32
      %and3A_61 = vector.broadcast %and3A_60 : i32 to vector<16xi32>
      %and3A_62 = arith.andi %shift_right_logical3A_59, %and3A_61 : vector<16xi32>
      %shift_left3A_63 = arith.constant 5 : i32
      %shift_left3A_64 = vector.broadcast %shift_left3A_63 : i32 to vector<16xi32>
      %shift_left3A_65 = arith.shli %and3A_62, %shift_left3A_64 : vector<16xi32>
      %mul3A_66 = arith.constant 16 : i32
      %mul3A_67 = arith.muli %scan3A_40, %mul3A_66 : i32
      %swap3A_68 = arith.index_cast %mul3A_67 : i32 to index
      %swap3A_69 = tpu.vector_load %arg10[%swap3A_68] {strides = array<i32>} : memref<256xi32, #tpu.memory_space<vmem>>, vector<16xi32>,
      %swap3A_70 = vector.shape_cast %swap3A_69 : vector<16xi32> to vector<16xi32>
      %swap3A_71 = vector.shape_cast %shift_left3A_65 : vector<16xi32> to vector<16xi32>
      tpu.vector_store %arg10[%swap3A_68], %swap3A_71 {strides = array<i32>} : memref<256xi32, #tpu.memory_space<vmem>>, vector<16xi32>,
      %scan3A_72 = arith.constant 0 : i32
      scf.yield %scan3A_72 : i32
    }
    %scan3A_8 = arith.constant 16 : i32
    %dma_start3A = arith.constant 0 : i32
    %dma_start3A_9 = arith.constant 0 : i32
    %dma_start3A_10 = tpu.memref_slice %arg4[%dma_start3A, %dma_start3A_9] : memref<26624x128xf32, #tpu.memory_space<hbm>> -> memref<26624x128xf32, #tpu.memory_space<hbm>>
    tpu.enqueue_indirect_dma source(%dma_start3A_10 : memref<26624x128xf32, #tpu.memory_space<hbm>>) target(%arg11 : memref<256x128xf32, #tpu.memory_space<vmem>>) offsets(%arg9 : memref<256xi32, #tpu.memory_space<vmem>>) semaphore(%arg13 : memref<!tpu.dma_semaphore, #tpu.memory_space<semaphore_mem>>)
    %dma_wait3A = arith.constant 0 : i32
    %dma_wait3A_11 = arith.constant 0 : i32
    %dma_wait3A_12 = tpu.memref_slice %arg4[%dma_wait3A, %dma_wait3A_11] : memref<26624x128xf32, #tpu.memory_space<hbm>> -> memref<26624x128xf32, #tpu.memory_space<hbm>>
    tpu.wait_indirect_dma semaphore(%arg13 : memref<!tpu.dma_semaphore, #tpu.memory_space<semaphore_mem>>) src(%dma_wait3A_12 : memref<26624x128xf32, #tpu.memory_space<hbm>>) dst(%arg11 : memref<256x128xf32, #tpu.memory_space<vmem>>)
    %scan3A_13 = arith.constant 0 : i32
    %scan3A_14 = arith.constant 0 : i32
    %scan3A_15 = arith.constant 16 : i32
    %scan3A_16 = arith.addi %scan3A_14, %scan3A_15 : i32
    %scan3A_17 = arith.constant 1 : i32
    %scan3A_18 = scf.for %scan3A_40 = %scan3A_14 to %scan3A_16 step %scan3A_17 iter_args(%scan3A_41 = %scan3A_13) -> (i32)  : i32 {
      %mul3A_42 = arith.constant 16 : i32
      %mul3A_43 = arith.muli %scan3A_40, %mul3A_42 : i32
      %get3A = arith.index_cast %mul3A_43 : i32 to index
      %get3A_44 = tpu.vector_load %arg10[%get3A] {strides = array<i32>} : memref<256xi32, #tpu.memory_space<vmem>>, vector<16xi32>,
      %get3A_45 = vector.shape_cast %get3A_44 : vector<16xi32> to vector<16xi32>
      %mul3A_46 = arith.constant 16 : i32
      %mul3A_47 = arith.muli %scan3A_40, %mul3A_46 : i32
      %add3A_48 = arith.constant 0 : i32
      %add3A_49 = arith.addi %mul3A_47, %add3A_48 : i32
      %slice3A = vector.extract_strided_slice %get3A_45 {offsets = [0], sizes = [1], strides = [1]} : vector<16xi32> to vector<1xi32>
      %squeeze3A = vector.extract %slice3A[0] : i32 from vector<1xi32>
      %get3A_50 = arith.index_cast %add3A_49 : i32 to index
      %get3A_51 = arith.index_cast %squeeze3A : i32 to index
      %get3A_52 = tpu.vector_load %arg11[%get3A_50, %get3A_51] {strides = array<i32>} : memref<256x128xf32, #tpu.memory_space<vmem>>, vector<1x16xf32>,
      %get3A_53 = vector.shape_cast %get3A_52 : vector<1x16xf32> to vector<16xf32>
      %swap3A = arith.index_cast %add3A_49 : i32 to index
      %swap3A_54 = arith.constant 0 : index
      %swap3A_55 = tpu.vector_load %arg12[%swap3A, %swap3A_54] {strides = array<i32>} : memref<256x32xf32, #tpu.memory_space<vmem>>, vector<1x16xf32>,
      %swap3A_56 = vector.shape_cast %swap3A_55 : vector<1x16xf32> to vector<16xf32>
      %swap3A_57 = vector.shape_cast %get3A_53 : vector<16xf32> to vector<1x16xf32>
      tpu.vector_store %arg12[%swap3A, %swap3A_54], %swap3A_57 {strides = array<i32>} : memref<256x32xf32, #tpu.memory_space<vmem>>, vector<1x16xf32>,
      %add3A_58 = arith.constant 16 : i32
      %add3A_59 = arith.addi %squeeze3A, %add3A_58 : i32
      %get3A_60 = arith.index_cast %add3A_49 : i32 to index
      %get3A_61 = arith.index_cast %add3A_59 : i32 to index
      %get3A_62 = tpu.vector_load %arg11[%get3A_60, %get3A_61] {strides = array<i32>} : memref<256x128xf32, #tpu.memory_space<vmem>>, vector<1x16xf32>,
      %get3A_63 = vector.shape_cast %get3A_62 : vector<1x16xf32> to vector<16xf32>
      %swap3A_64 = arith.index_cast %add3A_49 : i32 to index
      %swap3A_65 = arith.constant 16 : index
      %swap3A_66 = tpu.vector_load %arg12[%swap3A_64, %swap3A_65] {strides = array<i32>} : memref<256x32xf32, #tpu.memory_space<vmem>>, vector<1x16xf32>,
      %swap3A_67 = vector.shape_cast %swap3A_66 : vector<1x16xf32> to vector<16xf32>
      %swap3A_68 = vector.shape_cast %get3A_63 : vector<16xf32> to vector<1x16xf32>
      tpu.vector_store %arg12[%swap3A_64, %swap3A_65], %swap3A_68 {strides = array<i32>} : memref<256x32xf32, #tpu.memory_space<vmem>>, vector<1x16xf32>,
      %mul3A_69 = arith.constant 16 : i32
      %mul3A_70 = arith.muli %scan3A_40, %mul3A_69 : i32
      %add3A_71 = arith.constant 1 : i32
      %add3A_72 = arith.addi %mul3A_70, %add3A_71 : i32
      %slice3A_73 = vector.extract_strided_slice %get3A_45 {offsets = [1], sizes = [1], strides = [1]} : vector<16xi32> to vector<1xi32>
      %squeeze3A_74 = vector.extract %slice3A_73[0] : i32 from vector<1xi32>
      %get3A_75 = arith.index_cast %add3A_72 : i32 to index
      %get3A_76 = arith.index_cast %squeeze3A_74 : i32 to index
      %get3A_77 = tpu.vector_load %arg11[%get3A_75, %get3A_76] {strides = array<i32>} : memref<256x128xf32, #tpu.memory_space<vmem>>, vector<1x16xf32>,
      %get3A_78 = vector.shape_cast %get3A_77 : vector<1x16xf32> to vector<16xf32>
      %swap3A_79 = arith.index_cast %add3A_72 : i32 to index
      %swap3A_80 = arith.constant 0 : index
      %swap3A_81 = tpu.vector_load %arg12[%swap3A_79, %swap3A_80] {strides = array<i32>} : memref<256x32xf32, #tpu.memory_space<vmem>>, vector<1x16xf32>,
      %swap3A_82 = vector.shape_cast %swap3A_81 : vector<1x16xf32> to vector<16xf32>
      %swap3A_83 = vector.shape_cast %get3A_78 : vector<16xf32> to vector<1x16xf32>
      tpu.vector_store %arg12[%swap3A_79, %swap3A_80], %swap3A_83 {strides = array<i32>} : memref<256x32xf32, #tpu.memory_space<vmem>>, vector<1x16xf32>,
      %add3A_84 = arith.constant 16 : i32
      %add3A_85 = arith.addi %squeeze3A_74, %add3A_84 : i32
      %get3A_86 = arith.index_cast %add3A_72 : i32 to index
      %get3A_87 = arith.index_cast %add3A_85 : i32 to index
      %get3A_88 = tpu.vector_load %arg11[%get3A_86, %get3A_87] {strides = array<i32>} : memref<256x128xf32, #tpu.memory_space<vmem>>, vector<1x16xf32>,
      %get3A_89 = vector.shape_cast %get3A_88 : vector<1x16xf32> to vector<16xf32>
      %swap3A_90 = arith.index_cast %add3A_72 : i32 to index
      %swap3A_91 = arith.constant 16 : index
      %swap3A_92 = tpu.vector_load %arg12[%swap3A_90, %swap3A_91] {strides = array<i32>} : memref<256x32xf32, #tpu.memory_space<vmem>>, vector<1x16xf32>,
      %swap3A_93 = vector.shape_cast %swap3A_92 : vector<1x16xf32> to vector<16xf32>
      %swap3A_94 = vector.shape_cast %get3A_89 : vector<16xf32> to vector<1x16xf32>
      tpu.vector_store %arg12[%swap3A_90, %swap3A_91], %swap3A_94 {strides = array<i32>} : memref<256x32xf32, #tpu.memory_space<vmem>>, vector<1x16xf32>,
      %mul3A_95 = arith.constant 16 : i32
      %mul3A_96 = arith.muli %scan3A_40, %mul3A_95 : i32
      %add3A_97 = arith.constant 2 : i32
      %add3A_98 = arith.addi %mul3A_96, %add3A_97 : i32
      %slice3A_99 = vector.extract_strided_slice %get3A_45 {offsets = [2], sizes = [1], strides = [1]} : vector<16xi32> to vector<1xi32>
      %squeeze3A_100 = vector.extract %slice3A_99[0] : i32 from vector<1xi32>
      %get3A_101 = arith.index_cast %add3A_98 : i32 to index
      %get3A_102 = arith.index_cast %squeeze3A_100 : i32 to index
      %get3A_103 = tpu.vector_load %arg11[%get3A_101, %get3A_102] {strides = array<i32>} : memref<256x128xf32, #tpu.memory_space<vmem>>, vector<1x16xf32>,
      %get3A_104 = vector.shape_cast %get3A_103 : vector<1x16xf32> to vector<16xf32>
      %swap3A_105 = arith.index_cast %add3A_98 : i32 to index
      %swap3A_106 = arith.constant 0 : index
      %swap3A_107 = tpu.vector_load %arg12[%swap3A_105, %swap3A_106] {strides = array<i32>} : memref<256x32xf32, #tpu.memory_space<vmem>>, vector<1x16xf32>,
      %swap3A_108 = vector.shape_cast %swap3A_107 : vector<1x16xf32> to vector<16xf32>
      %swap3A_109 = vector.shape_cast %get3A_104 : vector<16xf32> to vector<1x16xf32>
      tpu.vector_store %arg12[%swap3A_105, %swap3A_106], %swap3A_109 {strides = array<i32>} : memref<256x32xf32, #tpu.memory_space<vmem>>, vector<1x16xf32>,
      %add3A_110 = arith.constant 16 : i32
      %add3A_111 = arith.addi %squeeze3A_100, %add3A_110 : i32
      %get3A_112 = arith.index_cast %add3A_98 : i32 to index
      %get3A_113 = arith.index_cast %add3A_111 : i32 to index
      %get3A_114 = tpu.vector_load %arg11[%get3A_112, %get3A_113] {strides = array<i32>} : memref<256x128xf32, #tpu.memory_space<vmem>>, vector<1x16xf32>,
      %get3A_115 = vector.shape_cast %get3A_114 : vector<1x16xf32> to vector<16xf32>
      %swap3A_116 = arith.index_cast %add3A_98 : i32 to index
      %swap3A_117 = arith.constant 16 : index
      %swap3A_118 = tpu.vector_load %arg12[%swap3A_116, %swap3A_117] {strides = array<i32>} : memref<256x32xf32, #tpu.memory_space<vmem>>, vector<1x16xf32>,
      %swap3A_119 = vector.shape_cast %swap3A_118 : vector<1x16xf32> to vector<16xf32>
      %swap3A_120 = vector.shape_cast %get3A_115 : vector<16xf32> to vector<1x16xf32>
      tpu.vector_store %arg12[%swap3A_116, %swap3A_117], %swap3A_120 {strides = array<i32>} : memref<256x32xf32, #tpu.memory_space<vmem>>, vector<1x16xf32>,
      %mul3A_121 = arith.constant 16 : i32
      %mul3A_122 = arith.muli %scan3A_40, %mul3A_121 : i32
      %add3A_123 = arith.constant 3 : i32
      %add3A_124 = arith.addi %mul3A_122, %add3A_123 : i32
      %slice3A_125 = vector.extract_strided_slice %get3A_45 {offsets = [3], sizes = [1], strides = [1]} : vector<16xi32> to vector<1xi32>
      %squeeze3A_126 = vector.extract %slice3A_125[0] : i32 from vector<1xi32>
      %get3A_127 = arith.index_cast %add3A_124 : i32 to index
      %get3A_128 = arith.index_cast %squeeze3A_126 : i32 to index
      %get3A_129 = tpu.vector_load %arg11[%get3A_127, %get3A_128] {strides = array<i32>} : memref<256x128xf32, #tpu.memory_space<vmem>>, vector<1x16xf32>,
      %get3A_130 = vector.shape_cast %get3A_129 : vector<1x16xf32> to vector<16xf32>
      %swap3A_131 = arith.index_cast %add3A_124 : i32 to index
      %swap3A_132 = arith.constant 0 : index
      %swap3A_133 = tpu.vector_load %arg12[%swap3A_131, %swap3A_132] {strides = array<i32>} : memref<256x32xf32, #tpu.memory_space<vmem>>, vector<1x16xf32>,
      %swap3A_134 = vector.shape_cast %swap3A_133 : vector<1x16xf32> to vector<16xf32>
      %swap3A_135 = vector.shape_cast %get3A_130 : vector<16xf32> to vector<1x16xf32>
      tpu.vector_store %arg12[%swap3A_131, %swap3A_132], %swap3A_135 {strides = array<i32>} : memref<256x32xf32, #tpu.memory_space<vmem>>, vector<1x16xf32>,
      %add3A_136 = arith.constant 16 : i32
      %add3A_137 = arith.addi %squeeze3A_126, %add3A_136 : i32
      %get3A_138 = arith.index_cast %add3A_124 : i32 to index
      %get3A_139 = arith.index_cast %add3A_137 : i32 to index
      %get3A_140 = tpu.vector_load %arg11[%get3A_138, %get3A_139] {strides = array<i32>} : memref<256x128xf32, #tpu.memory_space<vmem>>, vector<1x16xf32>,
      %get3A_141 = vector.shape_cast %get3A_140 : vector<1x16xf32> to vector<16xf32>
      %swap3A_142 = arith.index_cast %add3A_124 : i32 to index
      %swap3A_143 = arith.constant 16 : index
      %swap3A_144 = tpu.vector_load %arg12[%swap3A_142, %swap3A_143] {strides = array<i32>} : memref<256x32xf32, #tpu.memory_space<vmem>>, vector<1x16xf32>,
      %swap3A_145 = vector.shape_cast %swap3A_144 : vector<1x16xf32> to vector<16xf32>
      %swap3A_146 = vector.shape_cast %get3A_141 : vector<16xf32> to vector<1x16xf32>
      tpu.vector_store %arg12[%swap3A_142, %swap3A_143], %swap3A_146 {strides = array<i32>} : memref<256x32xf32, #tpu.memory_space<vmem>>, vector<1x16xf32>,
      %mul3A_147 = arith.constant 16 : i32
      %mul3A_148 = arith.muli %scan3A_40, %mul3A_147 : i32
      %add3A_149 = arith.constant 4 : i32
      %add3A_150 = arith.addi %mul3A_148, %add3A_149 : i32
      %slice3A_151 = vector.extract_strided_slice %get3A_45 {offsets = [4], sizes = [1], strides = [1]} : vector<16xi32> to vector<1xi32>
      %squeeze3A_152 = vector.extract %slice3A_151[0] : i32 from vector<1xi32>
      %get3A_153 = arith.index_cast %add3A_150 : i32 to index
      %get3A_154 = arith.index_cast %squeeze3A_152 : i32 to index
      %get3A_155 = tpu.vector_load %arg11[%get3A_153, %get3A_154] {strides = array<i32>} : memref<256x128xf32, #tpu.memory_space<vmem>>, vector<1x16xf32>,
      %get3A_156 = vector.shape_cast %get3A_155 : vector<1x16xf32> to vector<16xf32>
      %swap3A_157 = arith.index_cast %add3A_150 : i32 to index
      %swap3A_158 = arith.constant 0 : index
      %swap3A_159 = tpu.vector_load %arg12[%swap3A_157, %swap3A_158] {strides = array<i32>} : memref<256x32xf32, #tpu.memory_space<vmem>>, vector<1x16xf32>,
      %swap3A_160 = vector.shape_cast %swap3A_159 : vector<1x16xf32> to vector<16xf32>
      %swap3A_161 = vector.shape_cast %get3A_156 : vector<16xf32> to vector<1x16xf32>
      tpu.vector_store %arg12[%swap3A_157, %swap3A_158], %swap3A_161 {strides = array<i32>} : memref<256x32xf32, #tpu.memory_space<vmem>>, vector<1x16xf32>,
      %add3A_162 = arith.constant 16 : i32
      %add3A_163 = arith.addi %squeeze3A_152, %add3A_162 : i32
      %get3A_164 = arith.index_cast %add3A_150 : i32 to index
      %get3A_165 = arith.index_cast %add3A_163 : i32 to index
      %get3A_166 = tpu.vector_load %arg11[%get3A_164, %get3A_165] {strides = array<i32>} : memref<256x128xf32, #tpu.memory_space<vmem>>, vector<1x16xf32>,
      %get3A_167 = vector.shape_cast %get3A_166 : vector<1x16xf32> to vector<16xf32>
      %swap3A_168 = arith.index_cast %add3A_150 : i32 to index
      %swap3A_169 = arith.constant 16 : index
      %swap3A_170 = tpu.vector_load %arg12[%swap3A_168, %swap3A_169] {strides = array<i32>} : memref<256x32xf32, #tpu.memory_space<vmem>>, vector<1x16xf32>,
      %swap3A_171 = vector.shape_cast %swap3A_170 : vector<1x16xf32> to vector<16xf32>
      %swap3A_172 = vector.shape_cast %get3A_167 : vector<16xf32> to vector<1x16xf32>
      tpu.vector_store %arg12[%swap3A_168, %swap3A_169], %swap3A_172 {strides = array<i32>} : memref<256x32xf32, #tpu.memory_space<vmem>>, vector<1x16xf32>,
      %mul3A_173 = arith.constant 16 : i32
      %mul3A_174 = arith.muli %scan3A_40, %mul3A_173 : i32
      %add3A_175 = arith.constant 5 : i32
      %add3A_176 = arith.addi %mul3A_174, %add3A_175 : i32
      %slice3A_177 = vector.extract_strided_slice %get3A_45 {offsets = [5], sizes = [1], strides = [1]} : vector<16xi32> to vector<1xi32>
      %squeeze3A_178 = vector.extract %slice3A_177[0] : i32 from vector<1xi32>
      %get3A_179 = arith.index_cast %add3A_176 : i32 to index
      %get3A_180 = arith.index_cast %squeeze3A_178 : i32 to index
      %get3A_181 = tpu.vector_load %arg11[%get3A_179, %get3A_180] {strides = array<i32>} : memref<256x128xf32, #tpu.memory_space<vmem>>, vector<1x16xf32>,
      %get3A_182 = vector.shape_cast %get3A_181 : vector<1x16xf32> to vector<16xf32>
      %swap3A_183 = arith.index_cast %add3A_176 : i32 to index
      %swap3A_184 = arith.constant 0 : index
      %swap3A_185 = tpu.vector_load %arg12[%swap3A_183, %swap3A_184] {strides = array<i32>} : memref<256x32xf32, #tpu.memory_space<vmem>>, vector<1x16xf32>,
      %swap3A_186 = vector.shape_cast %swap3A_185 : vector<1x16xf32> to vector<16xf32>
      %swap3A_187 = vector.shape_cast %get3A_182 : vector<16xf32> to vector<1x16xf32>
      tpu.vector_store %arg12[%swap3A_183, %swap3A_184], %swap3A_187 {strides = array<i32>} : memref<256x32xf32, #tpu.memory_space<vmem>>, vector<1x16xf32>,
      %add3A_188 = arith.constant 16 : i32
      %add3A_189 = arith.addi %squeeze3A_178, %add3A_188 : i32
      %get3A_190 = arith.index_cast %add3A_176 : i32 to index
      %get3A_191 = arith.index_cast %add3A_189 : i32 to index
      %get3A_192 = tpu.vector_load %arg11[%get3A_190, %get3A_191] {strides = array<i32>} : memref<256x128xf32, #tpu.memory_space<vmem>>, vector<1x16xf32>,
      %get3A_193 = vector.shape_cast %get3A_192 : vector<1x16xf32> to vector<16xf32>
      %swap3A_194 = arith.index_cast %add3A_176 : i32 to index
      %swap3A_195 = arith.constant 16 : index
      %swap3A_196 = tpu.vector_load %arg12[%swap3A_194, %swap3A_195] {strides = array<i32>} : memref<256x32xf32, #tpu.memory_space<vmem>>, vector<1x16xf32>,
      %swap3A_197 = vector.shape_cast %swap3A_196 : vector<1x16xf32> to vector<16xf32>
      %swap3A_198 = vector.shape_cast %get3A_193 : vector<16xf32> to vector<1x16xf32>
      tpu.vector_store %arg12[%swap3A_194, %swap3A_195], %swap3A_198 {strides = array<i32>} : memref<256x32xf32, #tpu.memory_space<vmem>>, vector<1x16xf32>,
      %mul3A_199 = arith.constant 16 : i32
      %mul3A_200 = arith.muli %scan3A_40, %mul3A_199 : i32
      %add3A_201 = arith.constant 6 : i32
      %add3A_202 = arith.addi %mul3A_200, %add3A_201 : i32
      %slice3A_203 = vector.extract_strided_slice %get3A_45 {offsets = [6], sizes = [1], strides = [1]} : vector<16xi32> to vector<1xi32>
      %squeeze3A_204 = vector.extract %slice3A_203[0] : i32 from vector<1xi32>
      %get3A_205 = arith.index_cast %add3A_202 : i32 to index
      %get3A_206 = arith.index_cast %squeeze3A_204 : i32 to index
      %get3A_207 = tpu.vector_load %arg11[%get3A_205, %get3A_206] {strides = array<i32>} : memref<256x128xf32, #tpu.memory_space<vmem>>, vector<1x16xf32>,
      %get3A_208 = vector.shape_cast %get3A_207 : vector<1x16xf32> to vector<16xf32>
      %swap3A_209 = arith.index_cast %add3A_202 : i32 to index
      %swap3A_210 = arith.constant 0 : index
      %swap3A_211 = tpu.vector_load %arg12[%swap3A_209, %swap3A_210] {strides = array<i32>} : memref<256x32xf32, #tpu.memory_space<vmem>>, vector<1x16xf32>,
      %swap3A_212 = vector.shape_cast %swap3A_211 : vector<1x16xf32> to vector<16xf32>
      %swap3A_213 = vector.shape_cast %get3A_208 : vector<16xf32> to vector<1x16xf32>
      tpu.vector_store %arg12[%swap3A_209, %swap3A_210], %swap3A_213 {strides = array<i32>} : memref<256x32xf32, #tpu.memory_space<vmem>>, vector<1x16xf32>,
      %add3A_214 = arith.constant 16 : i32
      %add3A_215 = arith.addi %squeeze3A_204, %add3A_214 : i32
      %get3A_216 = arith.index_cast %add3A_202 : i32 to index
      %get3A_217 = arith.index_cast %add3A_215 : i32 to index
      %get3A_218 = tpu.vector_load %arg11[%get3A_216, %get3A_217] {strides = array<i32>} : memref<256x128xf32, #tpu.memory_space<vmem>>, vector<1x16xf32>,
      %get3A_219 = vector.shape_cast %get3A_218 : vector<1x16xf32> to vector<16xf32>
      %swap3A_220 = arith.index_cast %add3A_202 : i32 to index
      %swap3A_221 = arith.constant 16 : index
      %swap3A_222 = tpu.vector_load %arg12[%swap3A_220, %swap3A_221] {strides = array<i32>} : memref<256x32xf32, #tpu.memory_space<vmem>>, vector<1x16xf32>,
      %swap3A_223 = vector.shape_cast %swap3A_222 : vector<1x16xf32> to vector<16xf32>
      %swap3A_224 = vector.shape_cast %get3A_219 : vector<16xf32> to vector<1x16xf32>
      tpu.vector_store %arg12[%swap3A_220, %swap3A_221], %swap3A_224 {strides = array<i32>} : memref<256x32xf32, #tpu.memory_space<vmem>>, vector<1x16xf32>,
      %mul3A_225 = arith.constant 16 : i32
      %mul3A_226 = arith.muli %scan3A_40, %mul3A_225 : i32
      %add3A_227 = arith.constant 7 : i32
      %add3A_228 = arith.addi %mul3A_226, %add3A_227 : i32
      %slice3A_229 = vector.extract_strided_slice %get3A_45 {offsets = [7], sizes = [1], strides = [1]} : vector<16xi32> to vector<1xi32>
      %squeeze3A_230 = vector.extract %slice3A_229[0] : i32 from vector<1xi32>
      %get3A_231 = arith.index_cast %add3A_228 : i32 to index
      %get3A_232 = arith.index_cast %squeeze3A_230 : i32 to index
      %get3A_233 = tpu.vector_load %arg11[%get3A_231, %get3A_232] {strides = array<i32>} : memref<256x128xf32, #tpu.memory_space<vmem>>, vector<1x16xf32>,
      %get3A_234 = vector.shape_cast %get3A_233 : vector<1x16xf32> to vector<16xf32>
      %swap3A_235 = arith.index_cast %add3A_228 : i32 to index
      %swap3A_236 = arith.constant 0 : index
      %swap3A_237 = tpu.vector_load %arg12[%swap3A_235, %swap3A_236] {strides = array<i32>} : memref<256x32xf32, #tpu.memory_space<vmem>>, vector<1x16xf32>,
      %swap3A_238 = vector.shape_cast %swap3A_237 : vector<1x16xf32> to vector<16xf32>
      %swap3A_239 = vector.shape_cast %get3A_234 : vector<16xf32> to vector<1x16xf32>
      tpu.vector_store %arg12[%swap3A_235, %swap3A_236], %swap3A_239 {strides = array<i32>} : memref<256x32xf32, #tpu.memory_space<vmem>>, vector<1x16xf32>,
      %add3A_240 = arith.constant 16 : i32
      %add3A_241 = arith.addi %squeeze3A_230, %add3A_240 : i32
      %get3A_242 = arith.index_cast %add3A_228 : i32 to index
      %get3A_243 = arith.index_cast %add3A_241 : i32 to index
      %get3A_244 = tpu.vector_load %arg11[%get3A_242, %get3A_243] {strides = array<i32>} : memref<256x128xf32, #tpu.memory_space<vmem>>, vector<1x16xf32>,
      %get3A_245 = vector.shape_cast %get3A_244 : vector<1x16xf32> to vector<16xf32>
      %swap3A_246 = arith.index_cast %add3A_228 : i32 to index
      %swap3A_247 = arith.constant 16 : index
      %swap3A_248 = tpu.vector_load %arg12[%swap3A_246, %swap3A_247] {strides = array<i32>} : memref<256x32xf32, #tpu.memory_space<vmem>>, vector<1x16xf32>,
      %swap3A_249 = vector.shape_cast %swap3A_248 : vector<1x16xf32> to vector<16xf32>
      %swap3A_250 = vector.shape_cast %get3A_245 : vector<16xf32> to vector<1x16xf32>
      tpu.vector_store %arg12[%swap3A_246, %swap3A_247], %swap3A_250 {strides = array<i32>} : memref<256x32xf32, #tpu.memory_space<vmem>>, vector<1x16xf32>,
      %mul3A_251 = arith.constant 16 : i32
      %mul3A_252 = arith.muli %scan3A_40, %mul3A_251 : i32
      %add3A_253 = arith.constant 8 : i32
      %add3A_254 = arith.addi %mul3A_252, %add3A_253 : i32
      %slice3A_255 = vector.extract_strided_slice %get3A_45 {offsets = [8], sizes = [1], strides = [1]} : vector<16xi32> to vector<1xi32>
      %squeeze3A_256 = vector.extract %slice3A_255[0] : i32 from vector<1xi32>
      %get3A_257 = arith.index_cast %add3A_254 : i32 to index
      %get3A_258 = arith.index_cast %squeeze3A_256 : i32 to index
      %get3A_259 = tpu.vector_load %arg11[%get3A_257, %get3A_258] {strides = array<i32>} : memref<256x128xf32, #tpu.memory_space<vmem>>, vector<1x16xf32>,
      %get3A_260 = vector.shape_cast %get3A_259 : vector<1x16xf32> to vector<16xf32>
      %swap3A_261 = arith.index_cast %add3A_254 : i32 to index
      %swap3A_262 = arith.constant 0 : index
      %swap3A_263 = tpu.vector_load %arg12[%swap3A_261, %swap3A_262] {strides = array<i32>} : memref<256x32xf32, #tpu.memory_space<vmem>>, vector<1x16xf32>,
      %swap3A_264 = vector.shape_cast %swap3A_263 : vector<1x16xf32> to vector<16xf32>
      %swap3A_265 = vector.shape_cast %get3A_260 : vector<16xf32> to vector<1x16xf32>
      tpu.vector_store %arg12[%swap3A_261, %swap3A_262], %swap3A_265 {strides = array<i32>} : memref<256x32xf32, #tpu.memory_space<vmem>>, vector<1x16xf32>,
      %add3A_266 = arith.constant 16 : i32
      %add3A_267 = arith.addi %squeeze3A_256, %add3A_266 : i32
      %get3A_268 = arith.index_cast %add3A_254 : i32 to index
      %get3A_269 = arith.index_cast %add3A_267 : i32 to index
      %get3A_270 = tpu.vector_load %arg11[%get3A_268, %get3A_269] {strides = array<i32>} : memref<256x128xf32, #tpu.memory_space<vmem>>, vector<1x16xf32>,
      %get3A_271 = vector.shape_cast %get3A_270 : vector<1x16xf32> to vector<16xf32>
      %swap3A_272 = arith.index_cast %add3A_254 : i32 to index
      %swap3A_273 = arith.constant 16 : index
      %swap3A_274 = tpu.vector_load %arg12[%swap3A_272, %swap3A_273] {strides = array<i32>} : memref<256x32xf32, #tpu.memory_space<vmem>>, vector<1x16xf32>,
      %swap3A_275 = vector.shape_cast %swap3A_274 : vector<1x16xf32> to vector<16xf32>
      %swap3A_276 = vector.shape_cast %get3A_271 : vector<16xf32> to vector<1x16xf32>
      tpu.vector_store %arg12[%swap3A_272, %swap3A_273], %swap3A_276 {strides = array<i32>} : memref<256x32xf32, #tpu.memory_space<vmem>>, vector<1x16xf32>,
      %mul3A_277 = arith.constant 16 : i32
      %mul3A_278 = arith.muli %scan3A_40, %mul3A_277 : i32
      %add3A_279 = arith.constant 9 : i32
      %add3A_280 = arith.addi %mul3A_278, %add3A_279 : i32
      %slice3A_281 = vector.extract_strided_slice %get3A_45 {offsets = [9], sizes = [1], strides = [1]} : vector<16xi32> to vector<1xi32>
      %squeeze3A_282 = vector.extract %slice3A_281[0] : i32 from vector<1xi32>
      %get3A_283 = arith.index_cast %add3A_280 : i32 to index
      %get3A_284 = arith.index_cast %squeeze3A_282 : i32 to index
      %get3A_285 = tpu.vector_load %arg11[%get3A_283, %get3A_284] {strides = array<i32>} : memref<256x128xf32, #tpu.memory_space<vmem>>, vector<1x16xf32>,
      %get3A_286 = vector.shape_cast %get3A_285 : vector<1x16xf32> to vector<16xf32>
      %swap3A_287 = arith.index_cast %add3A_280 : i32 to index
      %swap3A_288 = arith.constant 0 : index
      %swap3A_289 = tpu.vector_load %arg12[%swap3A_287, %swap3A_288] {strides = array<i32>} : memref<256x32xf32, #tpu.memory_space<vmem>>, vector<1x16xf32>,
      %swap3A_290 = vector.shape_cast %swap3A_289 : vector<1x16xf32> to vector<16xf32>
      %swap3A_291 = vector.shape_cast %get3A_286 : vector<16xf32> to vector<1x16xf32>
      tpu.vector_store %arg12[%swap3A_287, %swap3A_288], %swap3A_291 {strides = array<i32>} : memref<256x32xf32, #tpu.memory_space<vmem>>, vector<1x16xf32>,
      %add3A_292 = arith.constant 16 : i32
      %add3A_293 = arith.addi %squeeze3A_282, %add3A_292 : i32
      %get3A_294 = arith.index_cast %add3A_280 : i32 to index
      %get3A_295 = arith.index_cast %add3A_293 : i32 to index
      %get3A_296 = tpu.vector_load %arg11[%get3A_294, %get3A_295] {strides = array<i32>} : memref<256x128xf32, #tpu.memory_space<vmem>>, vector<1x16xf32>,
      %get3A_297 = vector.shape_cast %get3A_296 : vector<1x16xf32> to vector<16xf32>
      %swap3A_298 = arith.index_cast %add3A_280 : i32 to index
      %swap3A_299 = arith.constant 16 : index
      %swap3A_300 = tpu.vector_load %arg12[%swap3A_298, %swap3A_299] {strides = array<i32>} : memref<256x32xf32, #tpu.memory_space<vmem>>, vector<1x16xf32>,
      %swap3A_301 = vector.shape_cast %swap3A_300 : vector<1x16xf32> to vector<16xf32>
      %swap3A_302 = vector.shape_cast %get3A_297 : vector<16xf32> to vector<1x16xf32>
      tpu.vector_store %arg12[%swap3A_298, %swap3A_299], %swap3A_302 {strides = array<i32>} : memref<256x32xf32, #tpu.memory_space<vmem>>, vector<1x16xf32>,
      %mul3A_303 = arith.constant 16 : i32
      %mul3A_304 = arith.muli %scan3A_40, %mul3A_303 : i32
      %add3A_305 = arith.constant 10 : i32
      %add3A_306 = arith.addi %mul3A_304, %add3A_305 : i32
      %slice3A_307 = vector.extract_strided_slice %get3A_45 {offsets = [10], sizes = [1], strides = [1]} : vector<16xi32> to vector<1xi32>
      %squeeze3A_308 = vector.extract %slice3A_307[0] : i32 from vector<1xi32>
      %get3A_309 = arith.index_cast %add3A_306 : i32 to index
      %get3A_310 = arith.index_cast %squeeze3A_308 : i32 to index
      %get3A_311 = tpu.vector_load %arg11[%get3A_309, %get3A_310] {strides = array<i32>} : memref<256x128xf32, #tpu.memory_space<vmem>>, vector<1x16xf32>,
      %get3A_312 = vector.shape_cast %get3A_311 : vector<1x16xf32> to vector<16xf32>
      %swap3A_313 = arith.index_cast %add3A_306 : i32 to index
      %swap3A_314 = arith.constant 0 : index
      %swap3A_315 = tpu.vector_load %arg12[%swap3A_313, %swap3A_314] {strides = array<i32>} : memref<256x32xf32, #tpu.memory_space<vmem>>, vector<1x16xf32>,
      %swap3A_316 = vector.shape_cast %swap3A_315 : vector<1x16xf32> to vector<16xf32>
      %swap3A_317 = vector.shape_cast %get3A_312 : vector<16xf32> to vector<1x16xf32>
      tpu.vector_store %arg12[%swap3A_313, %swap3A_314], %swap3A_317 {strides = array<i32>} : memref<256x32xf32, #tpu.memory_space<vmem>>, vector<1x16xf32>,
      %add3A_318 = arith.constant 16 : i32
      %add3A_319 = arith.addi %squeeze3A_308, %add3A_318 : i32
      %get3A_320 = arith.index_cast %add3A_306 : i32 to index
      %get3A_321 = arith.index_cast %add3A_319 : i32 to index
      %get3A_322 = tpu.vector_load %arg11[%get3A_320, %get3A_321] {strides = array<i32>} : memref<256x128xf32, #tpu.memory_space<vmem>>, vector<1x16xf32>,
      %get3A_323 = vector.shape_cast %get3A_322 : vector<1x16xf32> to vector<16xf32>
      %swap3A_324 = arith.index_cast %add3A_306 : i32 to index
      %swap3A_325 = arith.constant 16 : index
      %swap3A_326 = tpu.vector_load %arg12[%swap3A_324, %swap3A_325] {strides = array<i32>} : memref<256x32xf32, #tpu.memory_space<vmem>>, vector<1x16xf32>,
      %swap3A_327 = vector.shape_cast %swap3A_326 : vector<1x16xf32> to vector<16xf32>
      %swap3A_328 = vector.shape_cast %get3A_323 : vector<16xf32> to vector<1x16xf32>
      tpu.vector_store %arg12[%swap3A_324, %swap3A_325], %swap3A_328 {strides = array<i32>} : memref<256x32xf32, #tpu.memory_space<vmem>>, vector<1x16xf32>,
      %mul3A_329 = arith.constant 16 : i32
      %mul3A_330 = arith.muli %scan3A_40, %mul3A_329 : i32
      %add3A_331 = arith.constant 11 : i32
      %add3A_332 = arith.addi %mul3A_330, %add3A_331 : i32
      %slice3A_333 = vector.extract_strided_slice %get3A_45 {offsets = [11], sizes = [1], strides = [1]} : vector<16xi32> to vector<1xi32>
      %squeeze3A_334 = vector.extract %slice3A_333[0] : i32 from vector<1xi32>
      %get3A_335 = arith.index_cast %add3A_332 : i32 to index
      %get3A_336 = arith.index_cast %squeeze3A_334 : i32 to index
      %get3A_337 = tpu.vector_load %arg11[%get3A_335, %get3A_336] {strides = array<i32>} : memref<256x128xf32, #tpu.memory_space<vmem>>, vector<1x16xf32>,
      %get3A_338 = vector.shape_cast %get3A_337 : vector<1x16xf32> to vector<16xf32>
      %swap3A_339 = arith.index_cast %add3A_332 : i32 to index
      %swap3A_340 = arith.constant 0 : index
      %swap3A_341 = tpu.vector_load %arg12[%swap3A_339, %swap3A_340] {strides = array<i32>} : memref<256x32xf32, #tpu.memory_space<vmem>>, vector<1x16xf32>,
      %swap3A_342 = vector.shape_cast %swap3A_341 : vector<1x16xf32> to vector<16xf32>
      %swap3A_343 = vector.shape_cast %get3A_338 : vector<16xf32> to vector<1x16xf32>
      tpu.vector_store %arg12[%swap3A_339, %swap3A_340], %swap3A_343 {strides = array<i32>} : memref<256x32xf32, #tpu.memory_space<vmem>>, vector<1x16xf32>,
      %add3A_344 = arith.constant 16 : i32
      %add3A_345 = arith.addi %squeeze3A_334, %add3A_344 : i32
      %get3A_346 = arith.index_cast %add3A_332 : i32 to index
      %get3A_347 = arith.index_cast %add3A_345 : i32 to index
      %get3A_348 = tpu.vector_load %arg11[%get3A_346, %get3A_347] {strides = array<i32>} : memref<256x128xf32, #tpu.memory_space<vmem>>, vector<1x16xf32>,
      %get3A_349 = vector.shape_cast %get3A_348 : vector<1x16xf32> to vector<16xf32>
      %swap3A_350 = arith.index_cast %add3A_332 : i32 to index
      %swap3A_351 = arith.constant 16 : index
      %swap3A_352 = tpu.vector_load %arg12[%swap3A_350, %swap3A_351] {strides = array<i32>} : memref<256x32xf32, #tpu.memory_space<vmem>>, vector<1x16xf32>,
      %swap3A_353 = vector.shape_cast %swap3A_352 : vector<1x16xf32> to vector<16xf32>
      %swap3A_354 = vector.shape_cast %get3A_349 : vector<16xf32> to vector<1x16xf32>
      tpu.vector_store %arg12[%swap3A_350, %swap3A_351], %swap3A_354 {strides = array<i32>} : memref<256x32xf32, #tpu.memory_space<vmem>>, vector<1x16xf32>,
      %mul3A_355 = arith.constant 16 : i32
      %mul3A_356 = arith.muli %scan3A_40, %mul3A_355 : i32
      %add3A_357 = arith.constant 12 : i32
      %add3A_358 = arith.addi %mul3A_356, %add3A_357 : i32
      %slice3A_359 = vector.extract_strided_slice %get3A_45 {offsets = [12], sizes = [1], strides = [1]} : vector<16xi32> to vector<1xi32>
      %squeeze3A_360 = vector.extract %slice3A_359[0] : i32 from vector<1xi32>
      %get3A_361 = arith.index_cast %add3A_358 : i32 to index
      %get3A_362 = arith.index_cast %squeeze3A_360 : i32 to index
      %get3A_363 = tpu.vector_load %arg11[%get3A_361, %get3A_362] {strides = array<i32>} : memref<256x128xf32, #tpu.memory_space<vmem>>, vector<1x16xf32>,
      %get3A_364 = vector.shape_cast %get3A_363 : vector<1x16xf32> to vector<16xf32>
      %swap3A_365 = arith.index_cast %add3A_358 : i32 to index
      %swap3A_366 = arith.constant 0 : index
      %swap3A_367 = tpu.vector_load %arg12[%swap3A_365, %swap3A_366] {strides = array<i32>} : memref<256x32xf32, #tpu.memory_space<vmem>>, vector<1x16xf32>,
      %swap3A_368 = vector.shape_cast %swap3A_367 : vector<1x16xf32> to vector<16xf32>
      %swap3A_369 = vector.shape_cast %get3A_364 : vector<16xf32> to vector<1x16xf32>
      tpu.vector_store %arg12[%swap3A_365, %swap3A_366], %swap3A_369 {strides = array<i32>} : memref<256x32xf32, #tpu.memory_space<vmem>>, vector<1x16xf32>,
      %add3A_370 = arith.constant 16 : i32
      %add3A_371 = arith.addi %squeeze3A_360, %add3A_370 : i32
      %get3A_372 = arith.index_cast %add3A_358 : i32 to index
      %get3A_373 = arith.index_cast %add3A_371 : i32 to index
      %get3A_374 = tpu.vector_load %arg11[%get3A_372, %get3A_373] {strides = array<i32>} : memref<256x128xf32, #tpu.memory_space<vmem>>, vector<1x16xf32>,
      %get3A_375 = vector.shape_cast %get3A_374 : vector<1x16xf32> to vector<16xf32>
      %swap3A_376 = arith.index_cast %add3A_358 : i32 to index
      %swap3A_377 = arith.constant 16 : index
      %swap3A_378 = tpu.vector_load %arg12[%swap3A_376, %swap3A_377] {strides = array<i32>} : memref<256x32xf32, #tpu.memory_space<vmem>>, vector<1x16xf32>,
      %swap3A_379 = vector.shape_cast %swap3A_378 : vector<1x16xf32> to vector<16xf32>
      %swap3A_380 = vector.shape_cast %get3A_375 : vector<16xf32> to vector<1x16xf32>
      tpu.vector_store %arg12[%swap3A_376, %swap3A_377], %swap3A_380 {strides = array<i32>} : memref<256x32xf32, #tpu.memory_space<vmem>>, vector<1x16xf32>,
      %mul3A_381 = arith.constant 16 : i32
      %mul3A_382 = arith.muli %scan3A_40, %mul3A_381 : i32
      %add3A_383 = arith.constant 13 : i32
      %add3A_384 = arith.addi %mul3A_382, %add3A_383 : i32
      %slice3A_385 = vector.extract_strided_slice %get3A_45 {offsets = [13], sizes = [1], strides = [1]} : vector<16xi32> to vector<1xi32>
      %squeeze3A_386 = vector.extract %slice3A_385[0] : i32 from vector<1xi32>
      %get3A_387 = arith.index_cast %add3A_384 : i32 to index
      %get3A_388 = arith.index_cast %squeeze3A_386 : i32 to index
      %get3A_389 = tpu.vector_load %arg11[%get3A_387, %get3A_388] {strides = array<i32>} : memref<256x128xf32, #tpu.memory_space<vmem>>, vector<1x16xf32>,
      %get3A_390 = vector.shape_cast %get3A_389 : vector<1x16xf32> to vector<16xf32>
      %swap3A_391 = arith.index_cast %add3A_384 : i32 to index
      %swap3A_392 = arith.constant 0 : index
      %swap3A_393 = tpu.vector_load %arg12[%swap3A_391, %swap3A_392] {strides = array<i32>} : memref<256x32xf32, #tpu.memory_space<vmem>>, vector<1x16xf32>,
      %swap3A_394 = vector.shape_cast %swap3A_393 : vector<1x16xf32> to vector<16xf32>
      %swap3A_395 = vector.shape_cast %get3A_390 : vector<16xf32> to vector<1x16xf32>
      tpu.vector_store %arg12[%swap3A_391, %swap3A_392], %swap3A_395 {strides = array<i32>} : memref<256x32xf32, #tpu.memory_space<vmem>>, vector<1x16xf32>,
      %add3A_396 = arith.constant 16 : i32
      %add3A_397 = arith.addi %squeeze3A_386, %add3A_396 : i32
      %get3A_398 = arith.index_cast %add3A_384 : i32 to index
      %get3A_399 = arith.index_cast %add3A_397 : i32 to index
      %get3A_400 = tpu.vector_load %arg11[%get3A_398, %get3A_399] {strides = array<i32>} : memref<256x128xf32, #tpu.memory_space<vmem>>, vector<1x16xf32>,
      %get3A_401 = vector.shape_cast %get3A_400 : vector<1x16xf32> to vector<16xf32>
      %swap3A_402 = arith.index_cast %add3A_384 : i32 to index
      %swap3A_403 = arith.constant 16 : index
      %swap3A_404 = tpu.vector_load %arg12[%swap3A_402, %swap3A_403] {strides = array<i32>} : memref<256x32xf32, #tpu.memory_space<vmem>>, vector<1x16xf32>,
      %swap3A_405 = vector.shape_cast %swap3A_404 : vector<1x16xf32> to vector<16xf32>
      %swap3A_406 = vector.shape_cast %get3A_401 : vector<16xf32> to vector<1x16xf32>
      tpu.vector_store %arg12[%swap3A_402, %swap3A_403], %swap3A_406 {strides = array<i32>} : memref<256x32xf32, #tpu.memory_space<vmem>>, vector<1x16xf32>,
      %mul3A_407 = arith.constant 16 : i32
      %mul3A_408 = arith.muli %scan3A_40, %mul3A_407 : i32
      %add3A_409 = arith.constant 14 : i32
      %add3A_410 = arith.addi %mul3A_408, %add3A_409 : i32
      %slice3A_411 = vector.extract_strided_slice %get3A_45 {offsets = [14], sizes = [1], strides = [1]} : vector<16xi32> to vector<1xi32>
      %squeeze3A_412 = vector.extract %slice3A_411[0] : i32 from vector<1xi32>
      %get3A_413 = arith.index_cast %add3A_410 : i32 to index
      %get3A_414 = arith.index_cast %squeeze3A_412 : i32 to index
      %get3A_415 = tpu.vector_load %arg11[%get3A_413, %get3A_414] {strides = array<i32>} : memref<256x128xf32, #tpu.memory_space<vmem>>, vector<1x16xf32>,
      %get3A_416 = vector.shape_cast %get3A_415 : vector<1x16xf32> to vector<16xf32>
      %swap3A_417 = arith.index_cast %add3A_410 : i32 to index
      %swap3A_418 = arith.constant 0 : index
      %swap3A_419 = tpu.vector_load %arg12[%swap3A_417, %swap3A_418] {strides = array<i32>} : memref<256x32xf32, #tpu.memory_space<vmem>>, vector<1x16xf32>,
      %swap3A_420 = vector.shape_cast %swap3A_419 : vector<1x16xf32> to vector<16xf32>
      %swap3A_421 = vector.shape_cast %get3A_416 : vector<16xf32> to vector<1x16xf32>
      tpu.vector_store %arg12[%swap3A_417, %swap3A_418], %swap3A_421 {strides = array<i32>} : memref<256x32xf32, #tpu.memory_space<vmem>>, vector<1x16xf32>,
      %add3A_422 = arith.constant 16 : i32
      %add3A_423 = arith.addi %squeeze3A_412, %add3A_422 : i32
      %get3A_424 = arith.index_cast %add3A_410 : i32 to index
      %get3A_425 = arith.index_cast %add3A_423 : i32 to index
      %get3A_426 = tpu.vector_load %arg11[%get3A_424, %get3A_425] {strides = array<i32>} : memref<256x128xf32, #tpu.memory_space<vmem>>, vector<1x16xf32>,
      %get3A_427 = vector.shape_cast %get3A_426 : vector<1x16xf32> to vector<16xf32>
      %swap3A_428 = arith.index_cast %add3A_410 : i32 to index
      %swap3A_429 = arith.constant 16 : index
      %swap3A_430 = tpu.vector_load %arg12[%swap3A_428, %swap3A_429] {strides = array<i32>} : memref<256x32xf32, #tpu.memory_space<vmem>>, vector<1x16xf32>,
      %swap3A_431 = vector.shape_cast %swap3A_430 : vector<1x16xf32> to vector<16xf32>
      %swap3A_432 = vector.shape_cast %get3A_427 : vector<16xf32> to vector<1x16xf32>
      tpu.vector_store %arg12[%swap3A_428, %swap3A_429], %swap3A_432 {strides = array<i32>} : memref<256x32xf32, #tpu.memory_space<vmem>>, vector<1x16xf32>,
      %mul3A_433 = arith.constant 16 : i32
      %mul3A_434 = arith.muli %scan3A_40, %mul3A_433 : i32
      %add3A_435 = arith.constant 15 : i32
      %add3A_436 = arith.addi %mul3A_434, %add3A_435 : i32
      %slice3A_437 = vector.extract_strided_slice %get3A_45 {offsets = [15], sizes = [1], strides = [1]} : vector<16xi32> to vector<1xi32>
      %squeeze3A_438 = vector.extract %slice3A_437[0] : i32 from vector<1xi32>
      %get3A_439 = arith.index_cast %add3A_436 : i32 to index
      %get3A_440 = arith.index_cast %squeeze3A_438 : i32 to index
      %get3A_441 = tpu.vector_load %arg11[%get3A_439, %get3A_440] {strides = array<i32>} : memref<256x128xf32, #tpu.memory_space<vmem>>, vector<1x16xf32>,
      %get3A_442 = vector.shape_cast %get3A_441 : vector<1x16xf32> to vector<16xf32>
      %swap3A_443 = arith.index_cast %add3A_436 : i32 to index
      %swap3A_444 = arith.constant 0 : index
      %swap3A_445 = tpu.vector_load %arg12[%swap3A_443, %swap3A_444] {strides = array<i32>} : memref<256x32xf32, #tpu.memory_space<vmem>>, vector<1x16xf32>,
      %swap3A_446 = vector.shape_cast %swap3A_445 : vector<1x16xf32> to vector<16xf32>
      %swap3A_447 = vector.shape_cast %get3A_442 : vector<16xf32> to vector<1x16xf32>
      tpu.vector_store %arg12[%swap3A_443, %swap3A_444], %swap3A_447 {strides = array<i32>} : memref<256x32xf32, #tpu.memory_space<vmem>>, vector<1x16xf32>,
      %add3A_448 = arith.constant 16 : i32
      %add3A_449 = arith.addi %squeeze3A_438, %add3A_448 : i32
      %get3A_450 = arith.index_cast %add3A_436 : i32 to index
      %get3A_451 = arith.index_cast %add3A_449 : i32 to index
      %get3A_452 = tpu.vector_load %arg11[%get3A_450, %get3A_451] {strides = array<i32>} : memref<256x128xf32, #tpu.memory_space<vmem>>, vector<1x16xf32>,
      %get3A_453 = vector.shape_cast %get3A_452 : vector<1x16xf32> to vector<16xf32>
      %swap3A_454 = arith.index_cast %add3A_436 : i32 to index
      %swap3A_455 = arith.constant 16 : index
      %swap3A_456 = tpu.vector_load %arg12[%swap3A_454, %swap3A_455] {strides = array<i32>} : memref<256x32xf32, #tpu.memory_space<vmem>>, vector<1x16xf32>,
      %swap3A_457 = vector.shape_cast %swap3A_456 : vector<1x16xf32> to vector<16xf32>
      %swap3A_458 = vector.shape_cast %get3A_453 : vector<16xf32> to vector<1x16xf32>
      tpu.vector_store %arg12[%swap3A_454, %swap3A_455], %swap3A_458 {strides = array<i32>} : memref<256x32xf32, #tpu.memory_space<vmem>>, vector<1x16xf32>,
      %scan3A_459 = arith.constant 0 : i32
      scf.yield %scan3A_459 : i32
    }
    %scan3A_19 = arith.constant 16 : i32
    "tpu.region"() ({
      %run_scoped3A = tpu.sem_alloc : memref<!tpu.dma_semaphore, #tpu.memory_space<semaphore_mem>>
      %dma_start3A_40 = arith.constant 0 : i32
      %dma_start3A_41 = tpu.memref_slice %arg6[%mul3A_2, %dma_start3A_40] : memref<8192x32xf32, #tpu.memory_space<hbm>> -> memref<256x32xf32, #tpu.memory_space<hbm>>
      %dma_start3A_42 = arith.constant 0 : i32
      %dma_start3A_43 = tpu.memref_slice %arg6[%mul3A_2, %dma_start3A_42] : memref<8192x32xf32, #tpu.memory_space<hbm>> -> memref<256x32xf32, #tpu.memory_space<hbm>>
      tpu.enqueue_dma source(%arg12 : memref<256x32xf32, #tpu.memory_space<vmem>>) target(%dma_start3A_43 : memref<256x32xf32, #tpu.memory_space<hbm>>) target_semaphore(%run_scoped3A : memref<!tpu.dma_semaphore, #tpu.memory_space<semaphore_mem>>)
      %dma_wait3A_44 = arith.constant 0 : i32
      %dma_wait3A_45 = tpu.memref_slice %arg6[%mul3A_2, %dma_wait3A_44] : memref<8192x32xf32, #tpu.memory_space<hbm>> -> memref<256x32xf32, #tpu.memory_space<hbm>>
      %dma_wait3A_46 = arith.constant 0 : i32
      %dma_wait3A_47 = tpu.memref_slice %arg6[%mul3A_2, %dma_wait3A_46] : memref<8192x32xf32, #tpu.memory_space<hbm>> -> memref<256x32xf32, #tpu.memory_space<hbm>>
      tpu.wait_dma2 semaphore(%run_scoped3A : memref<!tpu.dma_semaphore, #tpu.memory_space<semaphore_mem>>) src(%arg12 : memref<256x32xf32, #tpu.memory_space<vmem>>) dst(%dma_wait3A_47 : memref<256x32xf32, #tpu.memory_space<hbm>>)
      tpu.yield
    }) : () -> ()
    "tpu.region"() ({
      %run_scoped3A = tpu.sem_alloc : memref<!tpu.dma_semaphore, #tpu.memory_space<semaphore_mem>>
      %dma_start3A_40 = tpu.memref_slice %arg3[%mul3A_2] : memref<8192xi32, #tpu.memory_space<hbm>> -> memref<256xi32, #tpu.memory_space<hbm>>
      %dma_start3A_41 = tpu.memref_slice %arg3[%mul3A_2] : memref<8192xi32, #tpu.memory_space<hbm>> -> memref<256xi32, #tpu.memory_space<hbm>>
      tpu.enqueue_dma source(%dma_start3A_41 : memref<256xi32, #tpu.memory_space<hbm>>) target(%arg8 : memref<256xi32, #tpu.memory_space<vmem>>) target_semaphore(%run_scoped3A : memref<!tpu.dma_semaphore, #tpu.memory_space<semaphore_mem>>)
      %dma_wait3A_42 = tpu.memref_slice %arg3[%mul3A_2] : memref<8192xi32, #tpu.memory_space<hbm>> -> memref<256xi32, #tpu.memory_space<hbm>>
      %dma_wait3A_43 = tpu.memref_slice %arg3[%mul3A_2] : memref<8192xi32, #tpu.memory_space<hbm>> -> memref<256xi32, #tpu.memory_space<hbm>>
      tpu.wait_dma2 semaphore(%run_scoped3A : memref<!tpu.dma_semaphore, #tpu.memory_space<semaphore_mem>>) src(%dma_wait3A_43 : memref<256xi32, #tpu.memory_space<hbm>>) dst(%arg8 : memref<256xi32, #tpu.memory_space<vmem>>)
      tpu.yield
    }) : () -> ()
    %scan3A_20 = arith.constant 0 : i32
    %scan3A_21 = arith.constant 0 : i32
    %scan3A_22 = arith.constant 16 : i32
    %scan3A_23 = arith.addi %scan3A_21, %scan3A_22 : i32
    %scan3A_24 = arith.constant 1 : i32
    %scan3A_25 = scf.for %scan3A_40 = %scan3A_21 to %scan3A_23 step %scan3A_24 iter_args(%scan3A_41 = %scan3A_20) -> (i32)  : i32 {
      %mul3A_42 = arith.constant 16 : i32
      %mul3A_43 = arith.muli %scan3A_40, %mul3A_42 : i32
      %get3A = arith.index_cast %mul3A_43 : i32 to index
      %get3A_44 = tpu.vector_load %arg8[%get3A] {strides = array<i32>} : memref<256xi32, #tpu.memory_space<vmem>>, vector<16xi32>,
      %get3A_45 = vector.shape_cast %get3A_44 : vector<16xi32> to vector<16xi32>
      %shift_right_logical3A = arith.constant 9 : i32
      %shift_right_logical3A_46 = vector.broadcast %shift_right_logical3A : i32 to vector<16xi32>
      %shift_right_logical3A_47 = arith.shrui %get3A_45, %shift_right_logical3A_46 : vector<16xi32>
      %shift_left3A = arith.constant 7 : i32
      %shift_left3A_48 = vector.broadcast %shift_left3A : i32 to vector<16xi32>
      %shift_left3A_49 = arith.shli %shift_right_logical3A_47, %shift_left3A_48 : vector<16xi32>
      %and3A = arith.constant 127 : i32
      %and3A_50 = vector.broadcast %and3A : i32 to vector<16xi32>
      %and3A_51 = arith.andi %get3A_45, %and3A_50 : vector<16xi32>
      %or3A = arith.ori %shift_left3A_49, %and3A_51 : vector<16xi32>
      %mul3A_52 = arith.constant 16 : i32
      %mul3A_53 = arith.muli %scan3A_40, %mul3A_52 : i32
      %swap3A = arith.index_cast %mul3A_53 : i32 to index
      %swap3A_54 = tpu.vector_load %arg9[%swap3A] {strides = array<i32>} : memref<256xi32, #tpu.memory_space<vmem>>, vector<16xi32>,
      %swap3A_55 = vector.shape_cast %swap3A_54 : vector<16xi32> to vector<16xi32>
      %swap3A_56 = vector.shape_cast %or3A : vector<16xi32> to vector<16xi32>
      tpu.vector_store %arg9[%swap3A], %swap3A_56 {strides = array<i32>} : memref<256xi32, #tpu.memory_space<vmem>>, vector<16xi32>,
      %shift_right_logical3A_57 = arith.constant 7 : i32
      %shift_right_logical3A_58 = vector.broadcast %shift_right_logical3A_57 : i32 to vector<16xi32>
      %shift_right_logical3A_59 = arith.shrui %get3A_45, %shift_right_logical3A_58 : vector<16xi32>
      %and3A_60 = arith.constant 3 : i32
      %and3A_61 = vector.broadcast %and3A_60 : i32 to vector<16xi32>
      %and3A_62 = arith.andi %shift_right_logical3A_59, %and3A_61 : vector<16xi32>
      %shift_left3A_63 = arith.constant 5 : i32
      %shift_left3A_64 = vector.broadcast %shift_left3A_63 : i32 to vector<16xi32>
      %shift_left3A_65 = arith.shli %and3A_62, %shift_left3A_64 : vector<16xi32>
      %mul3A_66 = arith.constant 16 : i32
      %mul3A_67 = arith.muli %scan3A_40, %mul3A_66 : i32
      %swap3A_68 = arith.index_cast %mul3A_67 : i32 to index
      %swap3A_69 = tpu.vector_load %arg10[%swap3A_68] {strides = array<i32>} : memref<256xi32, #tpu.memory_space<vmem>>, vector<16xi32>,
      %swap3A_70 = vector.shape_cast %swap3A_69 : vector<16xi32> to vector<16xi32>
      %swap3A_71 = vector.shape_cast %shift_left3A_65 : vector<16xi32> to vector<16xi32>
      tpu.vector_store %arg10[%swap3A_68], %swap3A_71 {strides = array<i32>} : memref<256xi32, #tpu.memory_space<vmem>>, vector<16xi32>,
      %scan3A_72 = arith.constant 0 : i32
      scf.yield %scan3A_72 : i32
    }
    %scan3A_26 = arith.constant 16 : i32
    %dma_start3A_27 = arith.constant 0 : i32
    %dma_start3A_28 = arith.constant 0 : i32
    %dma_start3A_29 = tpu.memref_slice %arg5[%dma_start3A_27, %dma_start3A_28] : memref<26624x128xf32, #tpu.memory_space<hbm>> -> memref<26624x128xf32, #tpu.memory_space<hbm>>
    tpu.enqueue_indirect_dma source(%dma_start3A_29 : memref<26624x128xf32, #tpu.memory_space<hbm>>) target(%arg11 : memref<256x128xf32, #tpu.memory_space<vmem>>) offsets(%arg9 : memref<256xi32, #tpu.memory_space<vmem>>) semaphore(%arg13 : memref<!tpu.dma_semaphore, #tpu.memory_space<semaphore_mem>>)
    %dma_wait3A_30 = arith.constant 0 : i32
    %dma_wait3A_31 = arith.constant 0 : i32
    %dma_wait3A_32 = tpu.memref_slice %arg5[%dma_wait3A_30, %dma_wait3A_31] : memref<26624x128xf32, #tpu.memory_space<hbm>> -> memref<26624x128xf32, #tpu.memory_space<hbm>>
    tpu.wait_indirect_dma semaphore(%arg13 : memref<!tpu.dma_semaphore, #tpu.memory_space<semaphore_mem>>) src(%dma_wait3A_32 : memref<26624x128xf32, #tpu.memory_space<hbm>>) dst(%arg11 : memref<256x128xf32, #tpu.memory_space<vmem>>)
    %scan3A_33 = arith.constant 0 : i32
    %scan3A_34 = arith.constant 0 : i32
    %scan3A_35 = arith.constant 16 : i32
    %scan3A_36 = arith.addi %scan3A_34, %scan3A_35 : i32
    %scan3A_37 = arith.constant 1 : i32
    %scan3A_38 = scf.for %scan3A_40 = %scan3A_34 to %scan3A_36 step %scan3A_37 iter_args(%scan3A_41 = %scan3A_33) -> (i32)  : i32 {
      %mul3A_42 = arith.constant 16 : i32
      %mul3A_43 = arith.muli %scan3A_40, %mul3A_42 : i32
      %get3A = arith.index_cast %mul3A_43 : i32 to index
      %get3A_44 = tpu.vector_load %arg10[%get3A] {strides = array<i32>} : memref<256xi32, #tpu.memory_space<vmem>>, vector<16xi32>,
      %get3A_45 = vector.shape_cast %get3A_44 : vector<16xi32> to vector<16xi32>
      %mul3A_46 = arith.constant 16 : i32
      %mul3A_47 = arith.muli %scan3A_40, %mul3A_46 : i32
      %add3A_48 = arith.constant 0 : i32
      %add3A_49 = arith.addi %mul3A_47, %add3A_48 : i32
      %slice3A = vector.extract_strided_slice %get3A_45 {offsets = [0], sizes = [1], strides = [1]} : vector<16xi32> to vector<1xi32>
      %squeeze3A = vector.extract %slice3A[0] : i32 from vector<1xi32>
      %get3A_50 = arith.index_cast %add3A_49 : i32 to index
      %get3A_51 = arith.index_cast %squeeze3A : i32 to index
      %get3A_52 = tpu.vector_load %arg11[%get3A_50, %get3A_51] {strides = array<i32>} : memref<256x128xf32, #tpu.memory_space<vmem>>, vector<1x16xf32>,
      %get3A_53 = vector.shape_cast %get3A_52 : vector<1x16xf32> to vector<16xf32>
      %swap3A = arith.index_cast %add3A_49 : i32 to index
      %swap3A_54 = arith.constant 0 : index
      %swap3A_55 = tpu.vector_load %arg12[%swap3A, %swap3A_54] {strides = array<i32>} : memref<256x32xf32, #tpu.memory_space<vmem>>, vector<1x16xf32>,
      %swap3A_56 = vector.shape_cast %swap3A_55 : vector<1x16xf32> to vector<16xf32>
      %swap3A_57 = vector.shape_cast %get3A_53 : vector<16xf32> to vector<1x16xf32>
      tpu.vector_store %arg12[%swap3A, %swap3A_54], %swap3A_57 {strides = array<i32>} : memref<256x32xf32, #tpu.memory_space<vmem>>, vector<1x16xf32>,
      %add3A_58 = arith.constant 16 : i32
      %add3A_59 = arith.addi %squeeze3A, %add3A_58 : i32
      %get3A_60 = arith.index_cast %add3A_49 : i32 to index
      %get3A_61 = arith.index_cast %add3A_59 : i32 to index
      %get3A_62 = tpu.vector_load %arg11[%get3A_60, %get3A_61] {strides = array<i32>} : memref<256x128xf32, #tpu.memory_space<vmem>>, vector<1x16xf32>,
      %get3A_63 = vector.shape_cast %get3A_62 : vector<1x16xf32> to vector<16xf32>
      %swap3A_64 = arith.index_cast %add3A_49 : i32 to index
      %swap3A_65 = arith.constant 16 : index
      %swap3A_66 = tpu.vector_load %arg12[%swap3A_64, %swap3A_65] {strides = array<i32>} : memref<256x32xf32, #tpu.memory_space<vmem>>, vector<1x16xf32>,
      %swap3A_67 = vector.shape_cast %swap3A_66 : vector<1x16xf32> to vector<16xf32>
      %swap3A_68 = vector.shape_cast %get3A_63 : vector<16xf32> to vector<1x16xf32>
      tpu.vector_store %arg12[%swap3A_64, %swap3A_65], %swap3A_68 {strides = array<i32>} : memref<256x32xf32, #tpu.memory_space<vmem>>, vector<1x16xf32>,
      %mul3A_69 = arith.constant 16 : i32
      %mul3A_70 = arith.muli %scan3A_40, %mul3A_69 : i32
      %add3A_71 = arith.constant 1 : i32
      %add3A_72 = arith.addi %mul3A_70, %add3A_71 : i32
      %slice3A_73 = vector.extract_strided_slice %get3A_45 {offsets = [1], sizes = [1], strides = [1]} : vector<16xi32> to vector<1xi32>
      %squeeze3A_74 = vector.extract %slice3A_73[0] : i32 from vector<1xi32>
      %get3A_75 = arith.index_cast %add3A_72 : i32 to index
      %get3A_76 = arith.index_cast %squeeze3A_74 : i32 to index
      %get3A_77 = tpu.vector_load %arg11[%get3A_75, %get3A_76] {strides = array<i32>} : memref<256x128xf32, #tpu.memory_space<vmem>>, vector<1x16xf32>,
      %get3A_78 = vector.shape_cast %get3A_77 : vector<1x16xf32> to vector<16xf32>
      %swap3A_79 = arith.index_cast %add3A_72 : i32 to index
      %swap3A_80 = arith.constant 0 : index
      %swap3A_81 = tpu.vector_load %arg12[%swap3A_79, %swap3A_80] {strides = array<i32>} : memref<256x32xf32, #tpu.memory_space<vmem>>, vector<1x16xf32>,
      %swap3A_82 = vector.shape_cast %swap3A_81 : vector<1x16xf32> to vector<16xf32>
      %swap3A_83 = vector.shape_cast %get3A_78 : vector<16xf32> to vector<1x16xf32>
      tpu.vector_store %arg12[%swap3A_79, %swap3A_80], %swap3A_83 {strides = array<i32>} : memref<256x32xf32, #tpu.memory_space<vmem>>, vector<1x16xf32>,
      %add3A_84 = arith.constant 16 : i32
      %add3A_85 = arith.addi %squeeze3A_74, %add3A_84 : i32
      %get3A_86 = arith.index_cast %add3A_72 : i32 to index
      %get3A_87 = arith.index_cast %add3A_85 : i32 to index
      %get3A_88 = tpu.vector_load %arg11[%get3A_86, %get3A_87] {strides = array<i32>} : memref<256x128xf32, #tpu.memory_space<vmem>>, vector<1x16xf32>,
      %get3A_89 = vector.shape_cast %get3A_88 : vector<1x16xf32> to vector<16xf32>
      %swap3A_90 = arith.index_cast %add3A_72 : i32 to index
      %swap3A_91 = arith.constant 16 : index
      %swap3A_92 = tpu.vector_load %arg12[%swap3A_90, %swap3A_91] {strides = array<i32>} : memref<256x32xf32, #tpu.memory_space<vmem>>, vector<1x16xf32>,
      %swap3A_93 = vector.shape_cast %swap3A_92 : vector<1x16xf32> to vector<16xf32>
      %swap3A_94 = vector.shape_cast %get3A_89 : vector<16xf32> to vector<1x16xf32>
      tpu.vector_store %arg12[%swap3A_90, %swap3A_91], %swap3A_94 {strides = array<i32>} : memref<256x32xf32, #tpu.memory_space<vmem>>, vector<1x16xf32>,
      %mul3A_95 = arith.constant 16 : i32
      %mul3A_96 = arith.muli %scan3A_40, %mul3A_95 : i32
      %add3A_97 = arith.constant 2 : i32
      %add3A_98 = arith.addi %mul3A_96, %add3A_97 : i32
      %slice3A_99 = vector.extract_strided_slice %get3A_45 {offsets = [2], sizes = [1], strides = [1]} : vector<16xi32> to vector<1xi32>
      %squeeze3A_100 = vector.extract %slice3A_99[0] : i32 from vector<1xi32>
      %get3A_101 = arith.index_cast %add3A_98 : i32 to index
      %get3A_102 = arith.index_cast %squeeze3A_100 : i32 to index
      %get3A_103 = tpu.vector_load %arg11[%get3A_101, %get3A_102] {strides = array<i32>} : memref<256x128xf32, #tpu.memory_space<vmem>>, vector<1x16xf32>,
      %get3A_104 = vector.shape_cast %get3A_103 : vector<1x16xf32> to vector<16xf32>
      %swap3A_105 = arith.index_cast %add3A_98 : i32 to index
      %swap3A_106 = arith.constant 0 : index
      %swap3A_107 = tpu.vector_load %arg12[%swap3A_105, %swap3A_106] {strides = array<i32>} : memref<256x32xf32, #tpu.memory_space<vmem>>, vector<1x16xf32>,
      %swap3A_108 = vector.shape_cast %swap3A_107 : vector<1x16xf32> to vector<16xf32>
      %swap3A_109 = vector.shape_cast %get3A_104 : vector<16xf32> to vector<1x16xf32>
      tpu.vector_store %arg12[%swap3A_105, %swap3A_106], %swap3A_109 {strides = array<i32>} : memref<256x32xf32, #tpu.memory_space<vmem>>, vector<1x16xf32>,
      %add3A_110 = arith.constant 16 : i32
      %add3A_111 = arith.addi %squeeze3A_100, %add3A_110 : i32
      %get3A_112 = arith.index_cast %add3A_98 : i32 to index
      %get3A_113 = arith.index_cast %add3A_111 : i32 to index
      %get3A_114 = tpu.vector_load %arg11[%get3A_112, %get3A_113] {strides = array<i32>} : memref<256x128xf32, #tpu.memory_space<vmem>>, vector<1x16xf32>,
      %get3A_115 = vector.shape_cast %get3A_114 : vector<1x16xf32> to vector<16xf32>
      %swap3A_116 = arith.index_cast %add3A_98 : i32 to index
      %swap3A_117 = arith.constant 16 : index
      %swap3A_118 = tpu.vector_load %arg12[%swap3A_116, %swap3A_117] {strides = array<i32>} : memref<256x32xf32, #tpu.memory_space<vmem>>, vector<1x16xf32>,
      %swap3A_119 = vector.shape_cast %swap3A_118 : vector<1x16xf32> to vector<16xf32>
      %swap3A_120 = vector.shape_cast %get3A_115 : vector<16xf32> to vector<1x16xf32>
      tpu.vector_store %arg12[%swap3A_116, %swap3A_117], %swap3A_120 {strides = array<i32>} : memref<256x32xf32, #tpu.memory_space<vmem>>, vector<1x16xf32>,
      %mul3A_121 = arith.constant 16 : i32
      %mul3A_122 = arith.muli %scan3A_40, %mul3A_121 : i32
      %add3A_123 = arith.constant 3 : i32
      %add3A_124 = arith.addi %mul3A_122, %add3A_123 : i32
      %slice3A_125 = vector.extract_strided_slice %get3A_45 {offsets = [3], sizes = [1], strides = [1]} : vector<16xi32> to vector<1xi32>
      %squeeze3A_126 = vector.extract %slice3A_125[0] : i32 from vector<1xi32>
      %get3A_127 = arith.index_cast %add3A_124 : i32 to index
      %get3A_128 = arith.index_cast %squeeze3A_126 : i32 to index
      %get3A_129 = tpu.vector_load %arg11[%get3A_127, %get3A_128] {strides = array<i32>} : memref<256x128xf32, #tpu.memory_space<vmem>>, vector<1x16xf32>,
      %get3A_130 = vector.shape_cast %get3A_129 : vector<1x16xf32> to vector<16xf32>
      %swap3A_131 = arith.index_cast %add3A_124 : i32 to index
      %swap3A_132 = arith.constant 0 : index
      %swap3A_133 = tpu.vector_load %arg12[%swap3A_131, %swap3A_132] {strides = array<i32>} : memref<256x32xf32, #tpu.memory_space<vmem>>, vector<1x16xf32>,
      %swap3A_134 = vector.shape_cast %swap3A_133 : vector<1x16xf32> to vector<16xf32>
      %swap3A_135 = vector.shape_cast %get3A_130 : vector<16xf32> to vector<1x16xf32>
      tpu.vector_store %arg12[%swap3A_131, %swap3A_132], %swap3A_135 {strides = array<i32>} : memref<256x32xf32, #tpu.memory_space<vmem>>, vector<1x16xf32>,
      %add3A_136 = arith.constant 16 : i32
      %add3A_137 = arith.addi %squeeze3A_126, %add3A_136 : i32
      %get3A_138 = arith.index_cast %add3A_124 : i32 to index
      %get3A_139 = arith.index_cast %add3A_137 : i32 to index
      %get3A_140 = tpu.vector_load %arg11[%get3A_138, %get3A_139] {strides = array<i32>} : memref<256x128xf32, #tpu.memory_space<vmem>>, vector<1x16xf32>,
      %get3A_141 = vector.shape_cast %get3A_140 : vector<1x16xf32> to vector<16xf32>
      %swap3A_142 = arith.index_cast %add3A_124 : i32 to index
      %swap3A_143 = arith.constant 16 : index
      %swap3A_144 = tpu.vector_load %arg12[%swap3A_142, %swap3A_143] {strides = array<i32>} : memref<256x32xf32, #tpu.memory_space<vmem>>, vector<1x16xf32>,
      %swap3A_145 = vector.shape_cast %swap3A_144 : vector<1x16xf32> to vector<16xf32>
      %swap3A_146 = vector.shape_cast %get3A_141 : vector<16xf32> to vector<1x16xf32>
      tpu.vector_store %arg12[%swap3A_142, %swap3A_143], %swap3A_146 {strides = array<i32>} : memref<256x32xf32, #tpu.memory_space<vmem>>, vector<1x16xf32>,
      %mul3A_147 = arith.constant 16 : i32
      %mul3A_148 = arith.muli %scan3A_40, %mul3A_147 : i32
      %add3A_149 = arith.constant 4 : i32
      %add3A_150 = arith.addi %mul3A_148, %add3A_149 : i32
      %slice3A_151 = vector.extract_strided_slice %get3A_45 {offsets = [4], sizes = [1], strides = [1]} : vector<16xi32> to vector<1xi32>
      %squeeze3A_152 = vector.extract %slice3A_151[0] : i32 from vector<1xi32>
      %get3A_153 = arith.index_cast %add3A_150 : i32 to index
      %get3A_154 = arith.index_cast %squeeze3A_152 : i32 to index
      %get3A_155 = tpu.vector_load %arg11[%get3A_153, %get3A_154] {strides = array<i32>} : memref<256x128xf32, #tpu.memory_space<vmem>>, vector<1x16xf32>,
      %get3A_156 = vector.shape_cast %get3A_155 : vector<1x16xf32> to vector<16xf32>
      %swap3A_157 = arith.index_cast %add3A_150 : i32 to index
      %swap3A_158 = arith.constant 0 : index
      %swap3A_159 = tpu.vector_load %arg12[%swap3A_157, %swap3A_158] {strides = array<i32>} : memref<256x32xf32, #tpu.memory_space<vmem>>, vector<1x16xf32>,
      %swap3A_160 = vector.shape_cast %swap3A_159 : vector<1x16xf32> to vector<16xf32>
      %swap3A_161 = vector.shape_cast %get3A_156 : vector<16xf32> to vector<1x16xf32>
      tpu.vector_store %arg12[%swap3A_157, %swap3A_158], %swap3A_161 {strides = array<i32>} : memref<256x32xf32, #tpu.memory_space<vmem>>, vector<1x16xf32>,
      %add3A_162 = arith.constant 16 : i32
      %add3A_163 = arith.addi %squeeze3A_152, %add3A_162 : i32
      %get3A_164 = arith.index_cast %add3A_150 : i32 to index
      %get3A_165 = arith.index_cast %add3A_163 : i32 to index
      %get3A_166 = tpu.vector_load %arg11[%get3A_164, %get3A_165] {strides = array<i32>} : memref<256x128xf32, #tpu.memory_space<vmem>>, vector<1x16xf32>,
      %get3A_167 = vector.shape_cast %get3A_166 : vector<1x16xf32> to vector<16xf32>
      %swap3A_168 = arith.index_cast %add3A_150 : i32 to index
      %swap3A_169 = arith.constant 16 : index
      %swap3A_170 = tpu.vector_load %arg12[%swap3A_168, %swap3A_169] {strides = array<i32>} : memref<256x32xf32, #tpu.memory_space<vmem>>, vector<1x16xf32>,
      %swap3A_171 = vector.shape_cast %swap3A_170 : vector<1x16xf32> to vector<16xf32>
      %swap3A_172 = vector.shape_cast %get3A_167 : vector<16xf32> to vector<1x16xf32>
      tpu.vector_store %arg12[%swap3A_168, %swap3A_169], %swap3A_172 {strides = array<i32>} : memref<256x32xf32, #tpu.memory_space<vmem>>, vector<1x16xf32>,
      %mul3A_173 = arith.constant 16 : i32
      %mul3A_174 = arith.muli %scan3A_40, %mul3A_173 : i32
      %add3A_175 = arith.constant 5 : i32
      %add3A_176 = arith.addi %mul3A_174, %add3A_175 : i32
      %slice3A_177 = vector.extract_strided_slice %get3A_45 {offsets = [5], sizes = [1], strides = [1]} : vector<16xi32> to vector<1xi32>
      %squeeze3A_178 = vector.extract %slice3A_177[0] : i32 from vector<1xi32>
      %get3A_179 = arith.index_cast %add3A_176 : i32 to index
      %get3A_180 = arith.index_cast %squeeze3A_178 : i32 to index
      %get3A_181 = tpu.vector_load %arg11[%get3A_179, %get3A_180] {strides = array<i32>} : memref<256x128xf32, #tpu.memory_space<vmem>>, vector<1x16xf32>,
      %get3A_182 = vector.shape_cast %get3A_181 : vector<1x16xf32> to vector<16xf32>
      %swap3A_183 = arith.index_cast %add3A_176 : i32 to index
      %swap3A_184 = arith.constant 0 : index
      %swap3A_185 = tpu.vector_load %arg12[%swap3A_183, %swap3A_184] {strides = array<i32>} : memref<256x32xf32, #tpu.memory_space<vmem>>, vector<1x16xf32>,
      %swap3A_186 = vector.shape_cast %swap3A_185 : vector<1x16xf32> to vector<16xf32>
      %swap3A_187 = vector.shape_cast %get3A_182 : vector<16xf32> to vector<1x16xf32>
      tpu.vector_store %arg12[%swap3A_183, %swap3A_184], %swap3A_187 {strides = array<i32>} : memref<256x32xf32, #tpu.memory_space<vmem>>, vector<1x16xf32>,
      %add3A_188 = arith.constant 16 : i32
      %add3A_189 = arith.addi %squeeze3A_178, %add3A_188 : i32
      %get3A_190 = arith.index_cast %add3A_176 : i32 to index
      %get3A_191 = arith.index_cast %add3A_189 : i32 to index
      %get3A_192 = tpu.vector_load %arg11[%get3A_190, %get3A_191] {strides = array<i32>} : memref<256x128xf32, #tpu.memory_space<vmem>>, vector<1x16xf32>,
      %get3A_193 = vector.shape_cast %get3A_192 : vector<1x16xf32> to vector<16xf32>
      %swap3A_194 = arith.index_cast %add3A_176 : i32 to index
      %swap3A_195 = arith.constant 16 : index
      %swap3A_196 = tpu.vector_load %arg12[%swap3A_194, %swap3A_195] {strides = array<i32>} : memref<256x32xf32, #tpu.memory_space<vmem>>, vector<1x16xf32>,
      %swap3A_197 = vector.shape_cast %swap3A_196 : vector<1x16xf32> to vector<16xf32>
      %swap3A_198 = vector.shape_cast %get3A_193 : vector<16xf32> to vector<1x16xf32>
      tpu.vector_store %arg12[%swap3A_194, %swap3A_195], %swap3A_198 {strides = array<i32>} : memref<256x32xf32, #tpu.memory_space<vmem>>, vector<1x16xf32>,
      %mul3A_199 = arith.constant 16 : i32
      %mul3A_200 = arith.muli %scan3A_40, %mul3A_199 : i32
      %add3A_201 = arith.constant 6 : i32
      %add3A_202 = arith.addi %mul3A_200, %add3A_201 : i32
      %slice3A_203 = vector.extract_strided_slice %get3A_45 {offsets = [6], sizes = [1], strides = [1]} : vector<16xi32> to vector<1xi32>
      %squeeze3A_204 = vector.extract %slice3A_203[0] : i32 from vector<1xi32>
      %get3A_205 = arith.index_cast %add3A_202 : i32 to index
      %get3A_206 = arith.index_cast %squeeze3A_204 : i32 to index
      %get3A_207 = tpu.vector_load %arg11[%get3A_205, %get3A_206] {strides = array<i32>} : memref<256x128xf32, #tpu.memory_space<vmem>>, vector<1x16xf32>,
      %get3A_208 = vector.shape_cast %get3A_207 : vector<1x16xf32> to vector<16xf32>
      %swap3A_209 = arith.index_cast %add3A_202 : i32 to index
      %swap3A_210 = arith.constant 0 : index
      %swap3A_211 = tpu.vector_load %arg12[%swap3A_209, %swap3A_210] {strides = array<i32>} : memref<256x32xf32, #tpu.memory_space<vmem>>, vector<1x16xf32>,
      %swap3A_212 = vector.shape_cast %swap3A_211 : vector<1x16xf32> to vector<16xf32>
      %swap3A_213 = vector.shape_cast %get3A_208 : vector<16xf32> to vector<1x16xf32>
      tpu.vector_store %arg12[%swap3A_209, %swap3A_210], %swap3A_213 {strides = array<i32>} : memref<256x32xf32, #tpu.memory_space<vmem>>, vector<1x16xf32>,
      %add3A_214 = arith.constant 16 : i32
      %add3A_215 = arith.addi %squeeze3A_204, %add3A_214 : i32
      %get3A_216 = arith.index_cast %add3A_202 : i32 to index
      %get3A_217 = arith.index_cast %add3A_215 : i32 to index
      %get3A_218 = tpu.vector_load %arg11[%get3A_216, %get3A_217] {strides = array<i32>} : memref<256x128xf32, #tpu.memory_space<vmem>>, vector<1x16xf32>,
      %get3A_219 = vector.shape_cast %get3A_218 : vector<1x16xf32> to vector<16xf32>
      %swap3A_220 = arith.index_cast %add3A_202 : i32 to index
      %swap3A_221 = arith.constant 16 : index
      %swap3A_222 = tpu.vector_load %arg12[%swap3A_220, %swap3A_221] {strides = array<i32>} : memref<256x32xf32, #tpu.memory_space<vmem>>, vector<1x16xf32>,
      %swap3A_223 = vector.shape_cast %swap3A_222 : vector<1x16xf32> to vector<16xf32>
      %swap3A_224 = vector.shape_cast %get3A_219 : vector<16xf32> to vector<1x16xf32>
      tpu.vector_store %arg12[%swap3A_220, %swap3A_221], %swap3A_224 {strides = array<i32>} : memref<256x32xf32, #tpu.memory_space<vmem>>, vector<1x16xf32>,
      %mul3A_225 = arith.constant 16 : i32
      %mul3A_226 = arith.muli %scan3A_40, %mul3A_225 : i32
      %add3A_227 = arith.constant 7 : i32
      %add3A_228 = arith.addi %mul3A_226, %add3A_227 : i32
      %slice3A_229 = vector.extract_strided_slice %get3A_45 {offsets = [7], sizes = [1], strides = [1]} : vector<16xi32> to vector<1xi32>
      %squeeze3A_230 = vector.extract %slice3A_229[0] : i32 from vector<1xi32>
      %get3A_231 = arith.index_cast %add3A_228 : i32 to index
      %get3A_232 = arith.index_cast %squeeze3A_230 : i32 to index
      %get3A_233 = tpu.vector_load %arg11[%get3A_231, %get3A_232] {strides = array<i32>} : memref<256x128xf32, #tpu.memory_space<vmem>>, vector<1x16xf32>,
      %get3A_234 = vector.shape_cast %get3A_233 : vector<1x16xf32> to vector<16xf32>
      %swap3A_235 = arith.index_cast %add3A_228 : i32 to index
      %swap3A_236 = arith.constant 0 : index
      %swap3A_237 = tpu.vector_load %arg12[%swap3A_235, %swap3A_236] {strides = array<i32>} : memref<256x32xf32, #tpu.memory_space<vmem>>, vector<1x16xf32>,
      %swap3A_238 = vector.shape_cast %swap3A_237 : vector<1x16xf32> to vector<16xf32>
      %swap3A_239 = vector.shape_cast %get3A_234 : vector<16xf32> to vector<1x16xf32>
      tpu.vector_store %arg12[%swap3A_235, %swap3A_236], %swap3A_239 {strides = array<i32>} : memref<256x32xf32, #tpu.memory_space<vmem>>, vector<1x16xf32>,
      %add3A_240 = arith.constant 16 : i32
      %add3A_241 = arith.addi %squeeze3A_230, %add3A_240 : i32
      %get3A_242 = arith.index_cast %add3A_228 : i32 to index
      %get3A_243 = arith.index_cast %add3A_241 : i32 to index
      %get3A_244 = tpu.vector_load %arg11[%get3A_242, %get3A_243] {strides = array<i32>} : memref<256x128xf32, #tpu.memory_space<vmem>>, vector<1x16xf32>,
      %get3A_245 = vector.shape_cast %get3A_244 : vector<1x16xf32> to vector<16xf32>
      %swap3A_246 = arith.index_cast %add3A_228 : i32 to index
      %swap3A_247 = arith.constant 16 : index
      %swap3A_248 = tpu.vector_load %arg12[%swap3A_246, %swap3A_247] {strides = array<i32>} : memref<256x32xf32, #tpu.memory_space<vmem>>, vector<1x16xf32>,
      %swap3A_249 = vector.shape_cast %swap3A_248 : vector<1x16xf32> to vector<16xf32>
      %swap3A_250 = vector.shape_cast %get3A_245 : vector<16xf32> to vector<1x16xf32>
      tpu.vector_store %arg12[%swap3A_246, %swap3A_247], %swap3A_250 {strides = array<i32>} : memref<256x32xf32, #tpu.memory_space<vmem>>, vector<1x16xf32>,
      %mul3A_251 = arith.constant 16 : i32
      %mul3A_252 = arith.muli %scan3A_40, %mul3A_251 : i32
      %add3A_253 = arith.constant 8 : i32
      %add3A_254 = arith.addi %mul3A_252, %add3A_253 : i32
      %slice3A_255 = vector.extract_strided_slice %get3A_45 {offsets = [8], sizes = [1], strides = [1]} : vector<16xi32> to vector<1xi32>
      %squeeze3A_256 = vector.extract %slice3A_255[0] : i32 from vector<1xi32>
      %get3A_257 = arith.index_cast %add3A_254 : i32 to index
      %get3A_258 = arith.index_cast %squeeze3A_256 : i32 to index
      %get3A_259 = tpu.vector_load %arg11[%get3A_257, %get3A_258] {strides = array<i32>} : memref<256x128xf32, #tpu.memory_space<vmem>>, vector<1x16xf32>,
      %get3A_260 = vector.shape_cast %get3A_259 : vector<1x16xf32> to vector<16xf32>
      %swap3A_261 = arith.index_cast %add3A_254 : i32 to index
      %swap3A_262 = arith.constant 0 : index
      %swap3A_263 = tpu.vector_load %arg12[%swap3A_261, %swap3A_262] {strides = array<i32>} : memref<256x32xf32, #tpu.memory_space<vmem>>, vector<1x16xf32>,
      %swap3A_264 = vector.shape_cast %swap3A_263 : vector<1x16xf32> to vector<16xf32>
      %swap3A_265 = vector.shape_cast %get3A_260 : vector<16xf32> to vector<1x16xf32>
      tpu.vector_store %arg12[%swap3A_261, %swap3A_262], %swap3A_265 {strides = array<i32>} : memref<256x32xf32, #tpu.memory_space<vmem>>, vector<1x16xf32>,
      %add3A_266 = arith.constant 16 : i32
      %add3A_267 = arith.addi %squeeze3A_256, %add3A_266 : i32
      %get3A_268 = arith.index_cast %add3A_254 : i32 to index
      %get3A_269 = arith.index_cast %add3A_267 : i32 to index
      %get3A_270 = tpu.vector_load %arg11[%get3A_268, %get3A_269] {strides = array<i32>} : memref<256x128xf32, #tpu.memory_space<vmem>>, vector<1x16xf32>,
      %get3A_271 = vector.shape_cast %get3A_270 : vector<1x16xf32> to vector<16xf32>
      %swap3A_272 = arith.index_cast %add3A_254 : i32 to index
      %swap3A_273 = arith.constant 16 : index
      %swap3A_274 = tpu.vector_load %arg12[%swap3A_272, %swap3A_273] {strides = array<i32>} : memref<256x32xf32, #tpu.memory_space<vmem>>, vector<1x16xf32>,
      %swap3A_275 = vector.shape_cast %swap3A_274 : vector<1x16xf32> to vector<16xf32>
      %swap3A_276 = vector.shape_cast %get3A_271 : vector<16xf32> to vector<1x16xf32>
      tpu.vector_store %arg12[%swap3A_272, %swap3A_273], %swap3A_276 {strides = array<i32>} : memref<256x32xf32, #tpu.memory_space<vmem>>, vector<1x16xf32>,
      %mul3A_277 = arith.constant 16 : i32
      %mul3A_278 = arith.muli %scan3A_40, %mul3A_277 : i32
      %add3A_279 = arith.constant 9 : i32
      %add3A_280 = arith.addi %mul3A_278, %add3A_279 : i32
      %slice3A_281 = vector.extract_strided_slice %get3A_45 {offsets = [9], sizes = [1], strides = [1]} : vector<16xi32> to vector<1xi32>
      %squeeze3A_282 = vector.extract %slice3A_281[0] : i32 from vector<1xi32>
      %get3A_283 = arith.index_cast %add3A_280 : i32 to index
      %get3A_284 = arith.index_cast %squeeze3A_282 : i32 to index
      %get3A_285 = tpu.vector_load %arg11[%get3A_283, %get3A_284] {strides = array<i32>} : memref<256x128xf32, #tpu.memory_space<vmem>>, vector<1x16xf32>,
      %get3A_286 = vector.shape_cast %get3A_285 : vector<1x16xf32> to vector<16xf32>
      %swap3A_287 = arith.index_cast %add3A_280 : i32 to index
      %swap3A_288 = arith.constant 0 : index
      %swap3A_289 = tpu.vector_load %arg12[%swap3A_287, %swap3A_288] {strides = array<i32>} : memref<256x32xf32, #tpu.memory_space<vmem>>, vector<1x16xf32>,
      %swap3A_290 = vector.shape_cast %swap3A_289 : vector<1x16xf32> to vector<16xf32>
      %swap3A_291 = vector.shape_cast %get3A_286 : vector<16xf32> to vector<1x16xf32>
      tpu.vector_store %arg12[%swap3A_287, %swap3A_288], %swap3A_291 {strides = array<i32>} : memref<256x32xf32, #tpu.memory_space<vmem>>, vector<1x16xf32>,
      %add3A_292 = arith.constant 16 : i32
      %add3A_293 = arith.addi %squeeze3A_282, %add3A_292 : i32
      %get3A_294 = arith.index_cast %add3A_280 : i32 to index
      %get3A_295 = arith.index_cast %add3A_293 : i32 to index
      %get3A_296 = tpu.vector_load %arg11[%get3A_294, %get3A_295] {strides = array<i32>} : memref<256x128xf32, #tpu.memory_space<vmem>>, vector<1x16xf32>,
      %get3A_297 = vector.shape_cast %get3A_296 : vector<1x16xf32> to vector<16xf32>
      %swap3A_298 = arith.index_cast %add3A_280 : i32 to index
      %swap3A_299 = arith.constant 16 : index
      %swap3A_300 = tpu.vector_load %arg12[%swap3A_298, %swap3A_299] {strides = array<i32>} : memref<256x32xf32, #tpu.memory_space<vmem>>, vector<1x16xf32>,
      %swap3A_301 = vector.shape_cast %swap3A_300 : vector<1x16xf32> to vector<16xf32>
      %swap3A_302 = vector.shape_cast %get3A_297 : vector<16xf32> to vector<1x16xf32>
      tpu.vector_store %arg12[%swap3A_298, %swap3A_299], %swap3A_302 {strides = array<i32>} : memref<256x32xf32, #tpu.memory_space<vmem>>, vector<1x16xf32>,
      %mul3A_303 = arith.constant 16 : i32
      %mul3A_304 = arith.muli %scan3A_40, %mul3A_303 : i32
      %add3A_305 = arith.constant 10 : i32
      %add3A_306 = arith.addi %mul3A_304, %add3A_305 : i32
      %slice3A_307 = vector.extract_strided_slice %get3A_45 {offsets = [10], sizes = [1], strides = [1]} : vector<16xi32> to vector<1xi32>
      %squeeze3A_308 = vector.extract %slice3A_307[0] : i32 from vector<1xi32>
      %get3A_309 = arith.index_cast %add3A_306 : i32 to index
      %get3A_310 = arith.index_cast %squeeze3A_308 : i32 to index
      %get3A_311 = tpu.vector_load %arg11[%get3A_309, %get3A_310] {strides = array<i32>} : memref<256x128xf32, #tpu.memory_space<vmem>>, vector<1x16xf32>,
      %get3A_312 = vector.shape_cast %get3A_311 : vector<1x16xf32> to vector<16xf32>
      %swap3A_313 = arith.index_cast %add3A_306 : i32 to index
      %swap3A_314 = arith.constant 0 : index
      %swap3A_315 = tpu.vector_load %arg12[%swap3A_313, %swap3A_314] {strides = array<i32>} : memref<256x32xf32, #tpu.memory_space<vmem>>, vector<1x16xf32>,
      %swap3A_316 = vector.shape_cast %swap3A_315 : vector<1x16xf32> to vector<16xf32>
      %swap3A_317 = vector.shape_cast %get3A_312 : vector<16xf32> to vector<1x16xf32>
      tpu.vector_store %arg12[%swap3A_313, %swap3A_314], %swap3A_317 {strides = array<i32>} : memref<256x32xf32, #tpu.memory_space<vmem>>, vector<1x16xf32>,
      %add3A_318 = arith.constant 16 : i32
      %add3A_319 = arith.addi %squeeze3A_308, %add3A_318 : i32
      %get3A_320 = arith.index_cast %add3A_306 : i32 to index
      %get3A_321 = arith.index_cast %add3A_319 : i32 to index
      %get3A_322 = tpu.vector_load %arg11[%get3A_320, %get3A_321] {strides = array<i32>} : memref<256x128xf32, #tpu.memory_space<vmem>>, vector<1x16xf32>,
      %get3A_323 = vector.shape_cast %get3A_322 : vector<1x16xf32> to vector<16xf32>
      %swap3A_324 = arith.index_cast %add3A_306 : i32 to index
      %swap3A_325 = arith.constant 16 : index
      %swap3A_326 = tpu.vector_load %arg12[%swap3A_324, %swap3A_325] {strides = array<i32>} : memref<256x32xf32, #tpu.memory_space<vmem>>, vector<1x16xf32>,
      %swap3A_327 = vector.shape_cast %swap3A_326 : vector<1x16xf32> to vector<16xf32>
      %swap3A_328 = vector.shape_cast %get3A_323 : vector<16xf32> to vector<1x16xf32>
      tpu.vector_store %arg12[%swap3A_324, %swap3A_325], %swap3A_328 {strides = array<i32>} : memref<256x32xf32, #tpu.memory_space<vmem>>, vector<1x16xf32>,
      %mul3A_329 = arith.constant 16 : i32
      %mul3A_330 = arith.muli %scan3A_40, %mul3A_329 : i32
      %add3A_331 = arith.constant 11 : i32
      %add3A_332 = arith.addi %mul3A_330, %add3A_331 : i32
      %slice3A_333 = vector.extract_strided_slice %get3A_45 {offsets = [11], sizes = [1], strides = [1]} : vector<16xi32> to vector<1xi32>
      %squeeze3A_334 = vector.extract %slice3A_333[0] : i32 from vector<1xi32>
      %get3A_335 = arith.index_cast %add3A_332 : i32 to index
      %get3A_336 = arith.index_cast %squeeze3A_334 : i32 to index
      %get3A_337 = tpu.vector_load %arg11[%get3A_335, %get3A_336] {strides = array<i32>} : memref<256x128xf32, #tpu.memory_space<vmem>>, vector<1x16xf32>,
      %get3A_338 = vector.shape_cast %get3A_337 : vector<1x16xf32> to vector<16xf32>
      %swap3A_339 = arith.index_cast %add3A_332 : i32 to index
      %swap3A_340 = arith.constant 0 : index
      %swap3A_341 = tpu.vector_load %arg12[%swap3A_339, %swap3A_340] {strides = array<i32>} : memref<256x32xf32, #tpu.memory_space<vmem>>, vector<1x16xf32>,
      %swap3A_342 = vector.shape_cast %swap3A_341 : vector<1x16xf32> to vector<16xf32>
      %swap3A_343 = vector.shape_cast %get3A_338 : vector<16xf32> to vector<1x16xf32>
      tpu.vector_store %arg12[%swap3A_339, %swap3A_340], %swap3A_343 {strides = array<i32>} : memref<256x32xf32, #tpu.memory_space<vmem>>, vector<1x16xf32>,
      %add3A_344 = arith.constant 16 : i32
      %add3A_345 = arith.addi %squeeze3A_334, %add3A_344 : i32
      %get3A_346 = arith.index_cast %add3A_332 : i32 to index
      %get3A_347 = arith.index_cast %add3A_345 : i32 to index
      %get3A_348 = tpu.vector_load %arg11[%get3A_346, %get3A_347] {strides = array<i32>} : memref<256x128xf32, #tpu.memory_space<vmem>>, vector<1x16xf32>,
      %get3A_349 = vector.shape_cast %get3A_348 : vector<1x16xf32> to vector<16xf32>
      %swap3A_350 = arith.index_cast %add3A_332 : i32 to index
      %swap3A_351 = arith.constant 16 : index
      %swap3A_352 = tpu.vector_load %arg12[%swap3A_350, %swap3A_351] {strides = array<i32>} : memref<256x32xf32, #tpu.memory_space<vmem>>, vector<1x16xf32>,
      %swap3A_353 = vector.shape_cast %swap3A_352 : vector<1x16xf32> to vector<16xf32>
      %swap3A_354 = vector.shape_cast %get3A_349 : vector<16xf32> to vector<1x16xf32>
      tpu.vector_store %arg12[%swap3A_350, %swap3A_351], %swap3A_354 {strides = array<i32>} : memref<256x32xf32, #tpu.memory_space<vmem>>, vector<1x16xf32>,
      %mul3A_355 = arith.constant 16 : i32
      %mul3A_356 = arith.muli %scan3A_40, %mul3A_355 : i32
      %add3A_357 = arith.constant 12 : i32
      %add3A_358 = arith.addi %mul3A_356, %add3A_357 : i32
      %slice3A_359 = vector.extract_strided_slice %get3A_45 {offsets = [12], sizes = [1], strides = [1]} : vector<16xi32> to vector<1xi32>
      %squeeze3A_360 = vector.extract %slice3A_359[0] : i32 from vector<1xi32>
      %get3A_361 = arith.index_cast %add3A_358 : i32 to index
      %get3A_362 = arith.index_cast %squeeze3A_360 : i32 to index
      %get3A_363 = tpu.vector_load %arg11[%get3A_361, %get3A_362] {strides = array<i32>} : memref<256x128xf32, #tpu.memory_space<vmem>>, vector<1x16xf32>,
      %get3A_364 = vector.shape_cast %get3A_363 : vector<1x16xf32> to vector<16xf32>
      %swap3A_365 = arith.index_cast %add3A_358 : i32 to index
      %swap3A_366 = arith.constant 0 : index
      %swap3A_367 = tpu.vector_load %arg12[%swap3A_365, %swap3A_366] {strides = array<i32>} : memref<256x32xf32, #tpu.memory_space<vmem>>, vector<1x16xf32>,
      %swap3A_368 = vector.shape_cast %swap3A_367 : vector<1x16xf32> to vector<16xf32>
      %swap3A_369 = vector.shape_cast %get3A_364 : vector<16xf32> to vector<1x16xf32>
      tpu.vector_store %arg12[%swap3A_365, %swap3A_366], %swap3A_369 {strides = array<i32>} : memref<256x32xf32, #tpu.memory_space<vmem>>, vector<1x16xf32>,
      %add3A_370 = arith.constant 16 : i32
      %add3A_371 = arith.addi %squeeze3A_360, %add3A_370 : i32
      %get3A_372 = arith.index_cast %add3A_358 : i32 to index
      %get3A_373 = arith.index_cast %add3A_371 : i32 to index
      %get3A_374 = tpu.vector_load %arg11[%get3A_372, %get3A_373] {strides = array<i32>} : memref<256x128xf32, #tpu.memory_space<vmem>>, vector<1x16xf32>,
      %get3A_375 = vector.shape_cast %get3A_374 : vector<1x16xf32> to vector<16xf32>
      %swap3A_376 = arith.index_cast %add3A_358 : i32 to index
      %swap3A_377 = arith.constant 16 : index
      %swap3A_378 = tpu.vector_load %arg12[%swap3A_376, %swap3A_377] {strides = array<i32>} : memref<256x32xf32, #tpu.memory_space<vmem>>, vector<1x16xf32>,
      %swap3A_379 = vector.shape_cast %swap3A_378 : vector<1x16xf32> to vector<16xf32>
      %swap3A_380 = vector.shape_cast %get3A_375 : vector<16xf32> to vector<1x16xf32>
      tpu.vector_store %arg12[%swap3A_376, %swap3A_377], %swap3A_380 {strides = array<i32>} : memref<256x32xf32, #tpu.memory_space<vmem>>, vector<1x16xf32>,
      %mul3A_381 = arith.constant 16 : i32
      %mul3A_382 = arith.muli %scan3A_40, %mul3A_381 : i32
      %add3A_383 = arith.constant 13 : i32
      %add3A_384 = arith.addi %mul3A_382, %add3A_383 : i32
      %slice3A_385 = vector.extract_strided_slice %get3A_45 {offsets = [13], sizes = [1], strides = [1]} : vector<16xi32> to vector<1xi32>
      %squeeze3A_386 = vector.extract %slice3A_385[0] : i32 from vector<1xi32>
      %get3A_387 = arith.index_cast %add3A_384 : i32 to index
      %get3A_388 = arith.index_cast %squeeze3A_386 : i32 to index
      %get3A_389 = tpu.vector_load %arg11[%get3A_387, %get3A_388] {strides = array<i32>} : memref<256x128xf32, #tpu.memory_space<vmem>>, vector<1x16xf32>,
      %get3A_390 = vector.shape_cast %get3A_389 : vector<1x16xf32> to vector<16xf32>
      %swap3A_391 = arith.index_cast %add3A_384 : i32 to index
      %swap3A_392 = arith.constant 0 : index
      %swap3A_393 = tpu.vector_load %arg12[%swap3A_391, %swap3A_392] {strides = array<i32>} : memref<256x32xf32, #tpu.memory_space<vmem>>, vector<1x16xf32>,
      %swap3A_394 = vector.shape_cast %swap3A_393 : vector<1x16xf32> to vector<16xf32>
      %swap3A_395 = vector.shape_cast %get3A_390 : vector<16xf32> to vector<1x16xf32>
      tpu.vector_store %arg12[%swap3A_391, %swap3A_392], %swap3A_395 {strides = array<i32>} : memref<256x32xf32, #tpu.memory_space<vmem>>, vector<1x16xf32>,
      %add3A_396 = arith.constant 16 : i32
      %add3A_397 = arith.addi %squeeze3A_386, %add3A_396 : i32
      %get3A_398 = arith.index_cast %add3A_384 : i32 to index
      %get3A_399 = arith.index_cast %add3A_397 : i32 to index
      %get3A_400 = tpu.vector_load %arg11[%get3A_398, %get3A_399] {strides = array<i32>} : memref<256x128xf32, #tpu.memory_space<vmem>>, vector<1x16xf32>,
      %get3A_401 = vector.shape_cast %get3A_400 : vector<1x16xf32> to vector<16xf32>
      %swap3A_402 = arith.index_cast %add3A_384 : i32 to index
      %swap3A_403 = arith.constant 16 : index
      %swap3A_404 = tpu.vector_load %arg12[%swap3A_402, %swap3A_403] {strides = array<i32>} : memref<256x32xf32, #tpu.memory_space<vmem>>, vector<1x16xf32>,
      %swap3A_405 = vector.shape_cast %swap3A_404 : vector<1x16xf32> to vector<16xf32>
      %swap3A_406 = vector.shape_cast %get3A_401 : vector<16xf32> to vector<1x16xf32>
      tpu.vector_store %arg12[%swap3A_402, %swap3A_403], %swap3A_406 {strides = array<i32>} : memref<256x32xf32, #tpu.memory_space<vmem>>, vector<1x16xf32>,
      %mul3A_407 = arith.constant 16 : i32
      %mul3A_408 = arith.muli %scan3A_40, %mul3A_407 : i32
      %add3A_409 = arith.constant 14 : i32
      %add3A_410 = arith.addi %mul3A_408, %add3A_409 : i32
      %slice3A_411 = vector.extract_strided_slice %get3A_45 {offsets = [14], sizes = [1], strides = [1]} : vector<16xi32> to vector<1xi32>
      %squeeze3A_412 = vector.extract %slice3A_411[0] : i32 from vector<1xi32>
      %get3A_413 = arith.index_cast %add3A_410 : i32 to index
      %get3A_414 = arith.index_cast %squeeze3A_412 : i32 to index
      %get3A_415 = tpu.vector_load %arg11[%get3A_413, %get3A_414] {strides = array<i32>} : memref<256x128xf32, #tpu.memory_space<vmem>>, vector<1x16xf32>,
      %get3A_416 = vector.shape_cast %get3A_415 : vector<1x16xf32> to vector<16xf32>
      %swap3A_417 = arith.index_cast %add3A_410 : i32 to index
      %swap3A_418 = arith.constant 0 : index
      %swap3A_419 = tpu.vector_load %arg12[%swap3A_417, %swap3A_418] {strides = array<i32>} : memref<256x32xf32, #tpu.memory_space<vmem>>, vector<1x16xf32>,
      %swap3A_420 = vector.shape_cast %swap3A_419 : vector<1x16xf32> to vector<16xf32>
      %swap3A_421 = vector.shape_cast %get3A_416 : vector<16xf32> to vector<1x16xf32>
      tpu.vector_store %arg12[%swap3A_417, %swap3A_418], %swap3A_421 {strides = array<i32>} : memref<256x32xf32, #tpu.memory_space<vmem>>, vector<1x16xf32>,
      %add3A_422 = arith.constant 16 : i32
      %add3A_423 = arith.addi %squeeze3A_412, %add3A_422 : i32
      %get3A_424 = arith.index_cast %add3A_410 : i32 to index
      %get3A_425 = arith.index_cast %add3A_423 : i32 to index
      %get3A_426 = tpu.vector_load %arg11[%get3A_424, %get3A_425] {strides = array<i32>} : memref<256x128xf32, #tpu.memory_space<vmem>>, vector<1x16xf32>,
      %get3A_427 = vector.shape_cast %get3A_426 : vector<1x16xf32> to vector<16xf32>
      %swap3A_428 = arith.index_cast %add3A_410 : i32 to index
      %swap3A_429 = arith.constant 16 : index
      %swap3A_430 = tpu.vector_load %arg12[%swap3A_428, %swap3A_429] {strides = array<i32>} : memref<256x32xf32, #tpu.memory_space<vmem>>, vector<1x16xf32>,
      %swap3A_431 = vector.shape_cast %swap3A_430 : vector<1x16xf32> to vector<16xf32>
      %swap3A_432 = vector.shape_cast %get3A_427 : vector<16xf32> to vector<1x16xf32>
      tpu.vector_store %arg12[%swap3A_428, %swap3A_429], %swap3A_432 {strides = array<i32>} : memref<256x32xf32, #tpu.memory_space<vmem>>, vector<1x16xf32>,
      %mul3A_433 = arith.constant 16 : i32
      %mul3A_434 = arith.muli %scan3A_40, %mul3A_433 : i32
      %add3A_435 = arith.constant 15 : i32
      %add3A_436 = arith.addi %mul3A_434, %add3A_435 : i32
      %slice3A_437 = vector.extract_strided_slice %get3A_45 {offsets = [15], sizes = [1], strides = [1]} : vector<16xi32> to vector<1xi32>
      %squeeze3A_438 = vector.extract %slice3A_437[0] : i32 from vector<1xi32>
      %get3A_439 = arith.index_cast %add3A_436 : i32 to index
      %get3A_440 = arith.index_cast %squeeze3A_438 : i32 to index
      %get3A_441 = tpu.vector_load %arg11[%get3A_439, %get3A_440] {strides = array<i32>} : memref<256x128xf32, #tpu.memory_space<vmem>>, vector<1x16xf32>,
      %get3A_442 = vector.shape_cast %get3A_441 : vector<1x16xf32> to vector<16xf32>
      %swap3A_443 = arith.index_cast %add3A_436 : i32 to index
      %swap3A_444 = arith.constant 0 : index
      %swap3A_445 = tpu.vector_load %arg12[%swap3A_443, %swap3A_444] {strides = array<i32>} : memref<256x32xf32, #tpu.memory_space<vmem>>, vector<1x16xf32>,
      %swap3A_446 = vector.shape_cast %swap3A_445 : vector<1x16xf32> to vector<16xf32>
      %swap3A_447 = vector.shape_cast %get3A_442 : vector<16xf32> to vector<1x16xf32>
      tpu.vector_store %arg12[%swap3A_443, %swap3A_444], %swap3A_447 {strides = array<i32>} : memref<256x32xf32, #tpu.memory_space<vmem>>, vector<1x16xf32>,
      %add3A_448 = arith.constant 16 : i32
      %add3A_449 = arith.addi %squeeze3A_438, %add3A_448 : i32
      %get3A_450 = arith.index_cast %add3A_436 : i32 to index
      %get3A_451 = arith.index_cast %add3A_449 : i32 to index
      %get3A_452 = tpu.vector_load %arg11[%get3A_450, %get3A_451] {strides = array<i32>} : memref<256x128xf32, #tpu.memory_space<vmem>>, vector<1x16xf32>,
      %get3A_453 = vector.shape_cast %get3A_452 : vector<1x16xf32> to vector<16xf32>
      %swap3A_454 = arith.index_cast %add3A_436 : i32 to index
      %swap3A_455 = arith.constant 16 : index
      %swap3A_456 = tpu.vector_load %arg12[%swap3A_454, %swap3A_455] {strides = array<i32>} : memref<256x32xf32, #tpu.memory_space<vmem>>, vector<1x16xf32>,
      %swap3A_457 = vector.shape_cast %swap3A_456 : vector<1x16xf32> to vector<16xf32>
      %swap3A_458 = vector.shape_cast %get3A_453 : vector<16xf32> to vector<1x16xf32>
      tpu.vector_store %arg12[%swap3A_454, %swap3A_455], %swap3A_458 {strides = array<i32>} : memref<256x32xf32, #tpu.memory_space<vmem>>, vector<1x16xf32>,
      %scan3A_459 = arith.constant 0 : i32
      scf.yield %scan3A_459 : i32
    }
    %scan3A_39 = arith.constant 16 : i32
    "tpu.region"() ({
      %run_scoped3A = tpu.sem_alloc : memref<!tpu.dma_semaphore, #tpu.memory_space<semaphore_mem>>
      %dma_start3A_40 = arith.constant 0 : i32
      %dma_start3A_41 = tpu.memref_slice %arg7[%mul3A_2, %dma_start3A_40] : memref<8192x32xf32, #tpu.memory_space<hbm>> -> memref<256x32xf32, #tpu.memory_space<hbm>>
      %dma_start3A_42 = arith.constant 0 : i32
      %dma_start3A_43 = tpu.memref_slice %arg7[%mul3A_2, %dma_start3A_42] : memref<8192x32xf32, #tpu.memory_space<hbm>> -> memref<256x32xf32, #tpu.memory_space<hbm>>
      tpu.enqueue_dma source(%arg12 : memref<256x32xf32, #tpu.memory_space<vmem>>) target(%dma_start3A_43 : memref<256x32xf32, #tpu.memory_space<hbm>>) target_semaphore(%run_scoped3A : memref<!tpu.dma_semaphore, #tpu.memory_space<semaphore_mem>>)
      %dma_wait3A_44 = arith.constant 0 : i32
      %dma_wait3A_45 = tpu.memref_slice %arg7[%mul3A_2, %dma_wait3A_44] : memref<8192x32xf32, #tpu.memory_space<hbm>> -> memref<256x32xf32, #tpu.memory_space<hbm>>
      %dma_wait3A_46 = arith.constant 0 : i32
      %dma_wait3A_47 = tpu.memref_slice %arg7[%mul3A_2, %dma_wait3A_46] : memref<8192x32xf32, #tpu.memory_space<hbm>> -> memref<256x32xf32, #tpu.memory_space<hbm>>
      tpu.wait_dma2 semaphore(%run_scoped3A : memref<!tpu.dma_semaphore, #tpu.memory_space<semaphore_mem>>) src(%arg12 : memref<256x32xf32, #tpu.memory_space<vmem>>) dst(%dma_wait3A_47 : memref<256x32xf32, #tpu.memory_space<hbm>>)
      tpu.yield
    }) : () -> ()
    return
  }
}

#map = affine_map<(d0, d1) -> (0)>
#map1 = affine_map<(d0, d1) -> (0, 0)>
module attributes {stable_mosaic.version = 14 : i64} {
  func.func @_sc_gather_body(%arg0: i32, %arg1: i32, %arg2: memref<8192xi32, #tpu.memory_space<hbm>>, %arg3: memref<8192xi32, #tpu.memory_space<hbm>>, %arg4: memref<26624x128xf32, #tpu.memory_space<hbm>>, %arg5: memref<26624x128xf32, #tpu.memory_space<hbm>>, %arg6: memref<8192x32xf32, #tpu.memory_space<hbm>>, %arg7: memref<8192x32xf32, #tpu.memory_space<hbm>>, %arg8: memref<256xi32, #tpu.memory_space<vmem>>, %arg9: memref<256xi32, #tpu.memory_space<vmem>>, %arg10: memref<256xi32, #tpu.memory_space<vmem>>, %arg11: memref<256x128xf32, #tpu.memory_space<vmem>>, %arg12: memref<256x32xf32, #tpu.memory_space<vmem>>, %arg13: memref<!tpu.dma_semaphore, #tpu.memory_space<semaphore_mem>>) attributes {dimension_semantics = [#tpu.dimension_semantics<core_parallel>, #tpu.dimension_semantics<subcore_parallel>], iteration_bounds = array<i64: 2, 16>, scalar_prefetch = 0 : i64, scratch_operands = 6 : i64, tpu.core_type = #tpu.core_type<sc_vector_subcore>, window_params = [{transform_indices = #map}, {transform_indices = #map}, {transform_indices = #map1}, {transform_indices = #map1}, {transform_indices = #map1}, {transform_indices = #map1}]} {
    %mul3A = arith.constant 2 : i32
    %mul3A_0 = arith.muli %arg1, %mul3A : i32
    %add3A = arith.addi %mul3A_0, %arg0 : i32
    %mul3A_1 = arith.constant 256 : i32
    %mul3A_2 = arith.muli %add3A, %mul3A_1 : i32
    "tpu.region"() ({
      %run_scoped3A = tpu.sem_alloc : memref<!tpu.dma_semaphore, #tpu.memory_space<semaphore_mem>>
      %dma_start3A_40 = tpu.memref_slice %arg2[%mul3A_2] : memref<8192xi32, #tpu.memory_space<hbm>> -> memref<256xi32, #tpu.memory_space<hbm>>
      %dma_start3A_41 = tpu.memref_slice %arg2[%mul3A_2] : memref<8192xi32, #tpu.memory_space<hbm>> -> memref<256xi32, #tpu.memory_space<hbm>>
      tpu.enqueue_dma source(%dma_start3A_41 : memref<256xi32, #tpu.memory_space<hbm>>) target(%arg8 : memref<256xi32, #tpu.memory_space<vmem>>) target_semaphore(%run_scoped3A : memref<!tpu.dma_semaphore, #tpu.memory_space<semaphore_mem>>)
      %dma_wait3A_42 = tpu.memref_slice %arg2[%mul3A_2] : memref<8192xi32, #tpu.memory_space<hbm>> -> memref<256xi32, #tpu.memory_space<hbm>>
      %dma_wait3A_43 = tpu.memref_slice %arg2[%mul3A_2] : memref<8192xi32, #tpu.memory_space<hbm>> -> memref<256xi32, #tpu.memory_space<hbm>>
      tpu.wait_dma2 semaphore(%run_scoped3A : memref<!tpu.dma_semaphore, #tpu.memory_space<semaphore_mem>>) src(%dma_wait3A_43 : memref<256xi32, #tpu.memory_space<hbm>>) dst(%arg8 : memref<256xi32, #tpu.memory_space<vmem>>)
      tpu.yield
    }) : () -> ()
    %scan3A = arith.constant 0 : i32
    %scan3A_3 = arith.constant 0 : i32
    %scan3A_4 = arith.constant 16 : i32
    %scan3A_5 = arith.addi %scan3A_3, %scan3A_4 : i32
    %scan3A_6 = arith.constant 1 : i32
    %scan3A_7 = scf.for %scan3A_40 = %scan3A_3 to %scan3A_5 step %scan3A_6 iter_args(%scan3A_41 = %scan3A) -> (i32)  : i32 {
      %mul3A_42 = arith.constant 16 : i32
      %mul3A_43 = arith.muli %scan3A_40, %mul3A_42 : i32
      %get3A = arith.index_cast %mul3A_43 : i32 to index
      %get3A_44 = tpu.vector_load %arg8[%get3A] {strides = array<i32>} : memref<256xi32, #tpu.memory_space<vmem>>, vector<16xi32>,
      %get3A_45 = vector.shape_cast %get3A_44 : vector<16xi32> to vector<16xi32>
      %shift_right_logical3A = arith.constant 9 : i32
      %shift_right_logical3A_46 = vector.broadcast %shift_right_logical3A : i32 to vector<16xi32>
      %shift_right_logical3A_47 = arith.shrui %get3A_45, %shift_right_logical3A_46 : vector<16xi32>
      %shift_left3A = arith.constant 7 : i32
      %shift_left3A_48 = vector.broadcast %shift_left3A : i32 to vector<16xi32>
      %shift_left3A_49 = arith.shli %shift_right_logical3A_47, %shift_left3A_48 : vector<16xi32>
      %and3A = arith.constant 127 : i32
      %and3A_50 = vector.broadcast %and3A : i32 to vector<16xi32>
      %and3A_51 = arith.andi %get3A_45, %and3A_50 : vector<16xi32>
      %or3A = arith.ori %shift_left3A_49, %and3A_51 : vector<16xi32>
      %mul3A_52 = arith.constant 16 : i32
      %mul3A_53 = arith.muli %scan3A_40, %mul3A_52 : i32
      %swap3A = arith.index_cast %mul3A_53 : i32 to index
      %swap3A_54 = tpu.vector_load %arg9[%swap3A] {strides = array<i32>} : memref<256xi32, #tpu.memory_space<vmem>>, vector<16xi32>,
      %swap3A_55 = vector.shape_cast %swap3A_54 : vector<16xi32> to vector<16xi32>
      %swap3A_56 = vector.shape_cast %or3A : vector<16xi32> to vector<16xi32>
      tpu.vector_store %arg9[%swap3A], %swap3A_56 {strides = array<i32>} : memref<256xi32, #tpu.memory_space<vmem>>, vector<16xi32>,
      %shift_right_logical3A_57 = arith.constant 7 : i32
      %shift_right_logical3A_58 = vector.broadcast %shift_right_logical3A_57 : i32 to vector<16xi32>
      %shift_right_logical3A_59 = arith.shrui %get3A_45, %shift_right_logical3A_58 : vector<16xi32>
      %and3A_60 = arith.constant 3 : i32
      %and3A_61 = vector.broadcast %and3A_60 : i32 to vector<16xi32>
      %and3A_62 = arith.andi %shift_right_logical3A_59, %and3A_61 : vector<16xi32>
      %shift_left3A_63 = arith.constant 5 : i32
      %shift_left3A_64 = vector.broadcast %shift_left3A_63 : i32 to vector<16xi32>
      %shift_left3A_65 = arith.shli %and3A_62, %shift_left3A_64 : vector<16xi32>
      %mul3A_66 = arith.constant 16 : i32
      %mul3A_67 = arith.muli %scan3A_40, %mul3A_66 : i32
      %swap3A_68 = arith.index_cast %mul3A_67 : i32 to index
      %swap3A_69 = tpu.vector_load %arg10[%swap3A_68] {strides = array<i32>} : memref<256xi32, #tpu.memory_space<vmem>>, vector<16xi32>,
      %swap3A_70 = vector.shape_cast %swap3A_69 : vector<16xi32> to vector<16xi32>
      %swap3A_71 = vector.shape_cast %shift_left3A_65 : vector<16xi32> to vector<16xi32>
      tpu.vector_store %arg10[%swap3A_68], %swap3A_71 {strides = array<i32>} : memref<256xi32, #tpu.memory_space<vmem>>, vector<16xi32>,
      %scan3A_72 = arith.constant 0 : i32
      scf.yield %scan3A_72 : i32
    }
    %scan3A_8 = arith.constant 16 : i32
    %dma_start3A = arith.constant 0 : i32
    %dma_start3A_9 = arith.constant 0 : i32
    %dma_start3A_10 = tpu.memref_slice %arg4[%dma_start3A, %dma_start3A_9] : memref<26624x128xf32, #tpu.memory_space<hbm>> -> memref<26624x128xf32, #tpu.memory_space<hbm>>
    tpu.enqueue_indirect_dma source(%dma_start3A_10 : memref<26624x128xf32, #tpu.memory_space<hbm>>) target(%arg11 : memref<256x128xf32, #tpu.memory_space<vmem>>) offsets(%arg9 : memref<256xi32, #tpu.memory_space<vmem>>) semaphore(%arg13 : memref<!tpu.dma_semaphore, #tpu.memory_space<semaphore_mem>>)
    %dma_wait3A = arith.constant 0 : i32
    %dma_wait3A_11 = arith.constant 0 : i32
    %dma_wait3A_12 = tpu.memref_slice %arg4[%dma_wait3A, %dma_wait3A_11] : memref<26624x128xf32, #tpu.memory_space<hbm>> -> memref<26624x128xf32, #tpu.memory_space<hbm>>
    tpu.wait_indirect_dma semaphore(%arg13 : memref<!tpu.dma_semaphore, #tpu.memory_space<semaphore_mem>>) src(%dma_wait3A_12 : memref<26624x128xf32, #tpu.memory_space<hbm>>) dst(%arg11 : memref<256x128xf32, #tpu.memory_space<vmem>>)
    %scan3A_13 = arith.constant 0 : i32
    %scan3A_14 = arith.constant 0 : i32
    %scan3A_15 = arith.constant 16 : i32
    %scan3A_16 = arith.addi %scan3A_14, %scan3A_15 : i32
    %scan3A_17 = arith.constant 1 : i32
    %scan3A_18 = scf.for %scan3A_40 = %scan3A_14 to %scan3A_16 step %scan3A_17 iter_args(%scan3A_41 = %scan3A_13) -> (i32)  : i32 {
      %mul3A_42 = arith.constant 16 : i32
      %mul3A_43 = arith.muli %scan3A_40, %mul3A_42 : i32
      %get3A = arith.index_cast %mul3A_43 : i32 to index
      %get3A_44 = tpu.vector_load %arg10[%get3A] {strides = array<i32>} : memref<256xi32, #tpu.memory_space<vmem>>, vector<16xi32>,
      %get3A_45 = vector.shape_cast %get3A_44 : vector<16xi32> to vector<16xi32>
      %mul3A_46 = arith.constant 16 : i32
      %mul3A_47 = arith.muli %scan3A_40, %mul3A_46 : i32
      %add3A_48 = arith.constant 0 : i32
      %add3A_49 = arith.addi %mul3A_47, %add3A_48 : i32
      %slice3A = vector.extract_strided_slice %get3A_45 {offsets = [0], sizes = [1], strides = [1]} : vector<16xi32> to vector<1xi32>
      %squeeze3A = vector.extract %slice3A[0] : i32 from vector<1xi32>
      %get3A_50 = arith.index_cast %add3A_49 : i32 to index
      %get3A_51 = arith.index_cast %squeeze3A : i32 to index
      %get3A_52 = tpu.vector_load %arg11[%get3A_50, %get3A_51] {strides = array<i32>} : memref<256x128xf32, #tpu.memory_space<vmem>>, vector<1x16xf32>,
      %get3A_53 = vector.shape_cast %get3A_52 : vector<1x16xf32> to vector<16xf32>
      %swap3A = arith.index_cast %add3A_49 : i32 to index
      %swap3A_54 = arith.constant 0 : index
      %swap3A_55 = tpu.vector_load %arg12[%swap3A, %swap3A_54] {strides = array<i32>} : memref<256x32xf32, #tpu.memory_space<vmem>>, vector<1x16xf32>,
      %swap3A_56 = vector.shape_cast %swap3A_55 : vector<1x16xf32> to vector<16xf32>
      %swap3A_57 = vector.shape_cast %get3A_53 : vector<16xf32> to vector<1x16xf32>
      tpu.vector_store %arg12[%swap3A, %swap3A_54], %swap3A_57 {strides = array<i32>} : memref<256x32xf32, #tpu.memory_space<vmem>>, vector<1x16xf32>,
      %add3A_58 = arith.constant 16 : i32
      %add3A_59 = arith.addi %squeeze3A, %add3A_58 : i32
      %get3A_60 = arith.index_cast %add3A_49 : i32 to index
      %get3A_61 = arith.index_cast %add3A_59 : i32 to index
      %get3A_62 = tpu.vector_load %arg11[%get3A_60, %get3A_61] {strides = array<i32>} : memref<256x128xf32, #tpu.memory_space<vmem>>, vector<1x16xf32>,
      %get3A_63 = vector.shape_cast %get3A_62 : vector<1x16xf32> to vector<16xf32>
      %swap3A_64 = arith.index_cast %add3A_49 : i32 to index
      %swap3A_65 = arith.constant 16 : index
      %swap3A_66 = tpu.vector_load %arg12[%swap3A_64, %swap3A_65] {strides = array<i32>} : memref<256x32xf32, #tpu.memory_space<vmem>>, vector<1x16xf32>,
      %swap3A_67 = vector.shape_cast %swap3A_66 : vector<1x16xf32> to vector<16xf32>
      %swap3A_68 = vector.shape_cast %get3A_63 : vector<16xf32> to vector<1x16xf32>
      tpu.vector_store %arg12[%swap3A_64, %swap3A_65], %swap3A_68 {strides = array<i32>} : memref<256x32xf32, #tpu.memory_space<vmem>>, vector<1x16xf32>,
      %mul3A_69 = arith.constant 16 : i32
      %mul3A_70 = arith.muli %scan3A_40, %mul3A_69 : i32
      %add3A_71 = arith.constant 1 : i32
      %add3A_72 = arith.addi %mul3A_70, %add3A_71 : i32
      %slice3A_73 = vector.extract_strided_slice %get3A_45 {offsets = [1], sizes = [1], strides = [1]} : vector<16xi32> to vector<1xi32>
      %squeeze3A_74 = vector.extract %slice3A_73[0] : i32 from vector<1xi32>
      %get3A_75 = arith.index_cast %add3A_72 : i32 to index
      %get3A_76 = arith.index_cast %squeeze3A_74 : i32 to index
      %get3A_77 = tpu.vector_load %arg11[%get3A_75, %get3A_76] {strides = array<i32>} : memref<256x128xf32, #tpu.memory_space<vmem>>, vector<1x16xf32>,
      %get3A_78 = vector.shape_cast %get3A_77 : vector<1x16xf32> to vector<16xf32>
      %swap3A_79 = arith.index_cast %add3A_72 : i32 to index
      %swap3A_80 = arith.constant 0 : index
      %swap3A_81 = tpu.vector_load %arg12[%swap3A_79, %swap3A_80] {strides = array<i32>} : memref<256x32xf32, #tpu.memory_space<vmem>>, vector<1x16xf32>,
      %swap3A_82 = vector.shape_cast %swap3A_81 : vector<1x16xf32> to vector<16xf32>
      %swap3A_83 = vector.shape_cast %get3A_78 : vector<16xf32> to vector<1x16xf32>
      tpu.vector_store %arg12[%swap3A_79, %swap3A_80], %swap3A_83 {strides = array<i32>} : memref<256x32xf32, #tpu.memory_space<vmem>>, vector<1x16xf32>,
      %add3A_84 = arith.constant 16 : i32
      %add3A_85 = arith.addi %squeeze3A_74, %add3A_84 : i32
      %get3A_86 = arith.index_cast %add3A_72 : i32 to index
      %get3A_87 = arith.index_cast %add3A_85 : i32 to index
      %get3A_88 = tpu.vector_load %arg11[%get3A_86, %get3A_87] {strides = array<i32>} : memref<256x128xf32, #tpu.memory_space<vmem>>, vector<1x16xf32>,
      %get3A_89 = vector.shape_cast %get3A_88 : vector<1x16xf32> to vector<16xf32>
      %swap3A_90 = arith.index_cast %add3A_72 : i32 to index
      %swap3A_91 = arith.constant 16 : index
      %swap3A_92 = tpu.vector_load %arg12[%swap3A_90, %swap3A_91] {strides = array<i32>} : memref<256x32xf32, #tpu.memory_space<vmem>>, vector<1x16xf32>,
      %swap3A_93 = vector.shape_cast %swap3A_92 : vector<1x16xf32> to vector<16xf32>
      %swap3A_94 = vector.shape_cast %get3A_89 : vector<16xf32> to vector<1x16xf32>
      tpu.vector_store %arg12[%swap3A_90, %swap3A_91], %swap3A_94 {strides = array<i32>} : memref<256x32xf32, #tpu.memory_space<vmem>>, vector<1x16xf32>,
      %mul3A_95 = arith.constant 16 : i32
      %mul3A_96 = arith.muli %scan3A_40, %mul3A_95 : i32
      %add3A_97 = arith.constant 2 : i32
      %add3A_98 = arith.addi %mul3A_96, %add3A_97 : i32
      %slice3A_99 = vector.extract_strided_slice %get3A_45 {offsets = [2], sizes = [1], strides = [1]} : vector<16xi32> to vector<1xi32>
      %squeeze3A_100 = vector.extract %slice3A_99[0] : i32 from vector<1xi32>
      %get3A_101 = arith.index_cast %add3A_98 : i32 to index
      %get3A_102 = arith.index_cast %squeeze3A_100 : i32 to index
      %get3A_103 = tpu.vector_load %arg11[%get3A_101, %get3A_102] {strides = array<i32>} : memref<256x128xf32, #tpu.memory_space<vmem>>, vector<1x16xf32>,
      %get3A_104 = vector.shape_cast %get3A_103 : vector<1x16xf32> to vector<16xf32>
      %swap3A_105 = arith.index_cast %add3A_98 : i32 to index
      %swap3A_106 = arith.constant 0 : index
      %swap3A_107 = tpu.vector_load %arg12[%swap3A_105, %swap3A_106] {strides = array<i32>} : memref<256x32xf32, #tpu.memory_space<vmem>>, vector<1x16xf32>,
      %swap3A_108 = vector.shape_cast %swap3A_107 : vector<1x16xf32> to vector<16xf32>
      %swap3A_109 = vector.shape_cast %get3A_104 : vector<16xf32> to vector<1x16xf32>
      tpu.vector_store %arg12[%swap3A_105, %swap3A_106], %swap3A_109 {strides = array<i32>} : memref<256x32xf32, #tpu.memory_space<vmem>>, vector<1x16xf32>,
      %add3A_110 = arith.constant 16 : i32
      %add3A_111 = arith.addi %squeeze3A_100, %add3A_110 : i32
      %get3A_112 = arith.index_cast %add3A_98 : i32 to index
      %get3A_113 = arith.index_cast %add3A_111 : i32 to index
      %get3A_114 = tpu.vector_load %arg11[%get3A_112, %get3A_113] {strides = array<i32>} : memref<256x128xf32, #tpu.memory_space<vmem>>, vector<1x16xf32>,
      %get3A_115 = vector.shape_cast %get3A_114 : vector<1x16xf32> to vector<16xf32>
      %swap3A_116 = arith.index_cast %add3A_98 : i32 to index
      %swap3A_117 = arith.constant 16 : index
      %swap3A_118 = tpu.vector_load %arg12[%swap3A_116, %swap3A_117] {strides = array<i32>} : memref<256x32xf32, #tpu.memory_space<vmem>>, vector<1x16xf32>,
      %swap3A_119 = vector.shape_cast %swap3A_118 : vector<1x16xf32> to vector<16xf32>
      %swap3A_120 = vector.shape_cast %get3A_115 : vector<16xf32> to vector<1x16xf32>
      tpu.vector_store %arg12[%swap3A_116, %swap3A_117], %swap3A_120 {strides = array<i32>} : memref<256x32xf32, #tpu.memory_space<vmem>>, vector<1x16xf32>,
      %mul3A_121 = arith.constant 16 : i32
      %mul3A_122 = arith.muli %scan3A_40, %mul3A_121 : i32
      %add3A_123 = arith.constant 3 : i32
      %add3A_124 = arith.addi %mul3A_122, %add3A_123 : i32
      %slice3A_125 = vector.extract_strided_slice %get3A_45 {offsets = [3], sizes = [1], strides = [1]} : vector<16xi32> to vector<1xi32>
      %squeeze3A_126 = vector.extract %slice3A_125[0] : i32 from vector<1xi32>
      %get3A_127 = arith.index_cast %add3A_124 : i32 to index
      %get3A_128 = arith.index_cast %squeeze3A_126 : i32 to index
      %get3A_129 = tpu.vector_load %arg11[%get3A_127, %get3A_128] {strides = array<i32>} : memref<256x128xf32, #tpu.memory_space<vmem>>, vector<1x16xf32>,
      %get3A_130 = vector.shape_cast %get3A_129 : vector<1x16xf32> to vector<16xf32>
      %swap3A_131 = arith.index_cast %add3A_124 : i32 to index
      %swap3A_132 = arith.constant 0 : index
      %swap3A_133 = tpu.vector_load %arg12[%swap3A_131, %swap3A_132] {strides = array<i32>} : memref<256x32xf32, #tpu.memory_space<vmem>>, vector<1x16xf32>,
      %swap3A_134 = vector.shape_cast %swap3A_133 : vector<1x16xf32> to vector<16xf32>
      %swap3A_135 = vector.shape_cast %get3A_130 : vector<16xf32> to vector<1x16xf32>
      tpu.vector_store %arg12[%swap3A_131, %swap3A_132], %swap3A_135 {strides = array<i32>} : memref<256x32xf32, #tpu.memory_space<vmem>>, vector<1x16xf32>,
      %add3A_136 = arith.constant 16 : i32
      %add3A_137 = arith.addi %squeeze3A_126, %add3A_136 : i32
      %get3A_138 = arith.index_cast %add3A_124 : i32 to index
      %get3A_139 = arith.index_cast %add3A_137 : i32 to index
      %get3A_140 = tpu.vector_load %arg11[%get3A_138, %get3A_139] {strides = array<i32>} : memref<256x128xf32, #tpu.memory_space<vmem>>, vector<1x16xf32>,
      %get3A_141 = vector.shape_cast %get3A_140 : vector<1x16xf32> to vector<16xf32>
      %swap3A_142 = arith.index_cast %add3A_124 : i32 to index
      %swap3A_143 = arith.constant 16 : index
      %swap3A_144 = tpu.vector_load %arg12[%swap3A_142, %swap3A_143] {strides = array<i32>} : memref<256x32xf32, #tpu.memory_space<vmem>>, vector<1x16xf32>,
      %swap3A_145 = vector.shape_cast %swap3A_144 : vector<1x16xf32> to vector<16xf32>
      %swap3A_146 = vector.shape_cast %get3A_141 : vector<16xf32> to vector<1x16xf32>
      tpu.vector_store %arg12[%swap3A_142, %swap3A_143], %swap3A_146 {strides = array<i32>} : memref<256x32xf32, #tpu.memory_space<vmem>>, vector<1x16xf32>,
      %mul3A_147 = arith.constant 16 : i32
      %mul3A_148 = arith.muli %scan3A_40, %mul3A_147 : i32
      %add3A_149 = arith.constant 4 : i32
      %add3A_150 = arith.addi %mul3A_148, %add3A_149 : i32
      %slice3A_151 = vector.extract_strided_slice %get3A_45 {offsets = [4], sizes = [1], strides = [1]} : vector<16xi32> to vector<1xi32>
      %squeeze3A_152 = vector.extract %slice3A_151[0] : i32 from vector<1xi32>
      %get3A_153 = arith.index_cast %add3A_150 : i32 to index
      %get3A_154 = arith.index_cast %squeeze3A_152 : i32 to index
      %get3A_155 = tpu.vector_load %arg11[%get3A_153, %get3A_154] {strides = array<i32>} : memref<256x128xf32, #tpu.memory_space<vmem>>, vector<1x16xf32>,
      %get3A_156 = vector.shape_cast %get3A_155 : vector<1x16xf32> to vector<16xf32>
      %swap3A_157 = arith.index_cast %add3A_150 : i32 to index
      %swap3A_158 = arith.constant 0 : index
      %swap3A_159 = tpu.vector_load %arg12[%swap3A_157, %swap3A_158] {strides = array<i32>} : memref<256x32xf32, #tpu.memory_space<vmem>>, vector<1x16xf32>,
      %swap3A_160 = vector.shape_cast %swap3A_159 : vector<1x16xf32> to vector<16xf32>
      %swap3A_161 = vector.shape_cast %get3A_156 : vector<16xf32> to vector<1x16xf32>
      tpu.vector_store %arg12[%swap3A_157, %swap3A_158], %swap3A_161 {strides = array<i32>} : memref<256x32xf32, #tpu.memory_space<vmem>>, vector<1x16xf32>,
      %add3A_162 = arith.constant 16 : i32
      %add3A_163 = arith.addi %squeeze3A_152, %add3A_162 : i32
      %get3A_164 = arith.index_cast %add3A_150 : i32 to index
      %get3A_165 = arith.index_cast %add3A_163 : i32 to index
      %get3A_166 = tpu.vector_load %arg11[%get3A_164, %get3A_165] {strides = array<i32>} : memref<256x128xf32, #tpu.memory_space<vmem>>, vector<1x16xf32>,
      %get3A_167 = vector.shape_cast %get3A_166 : vector<1x16xf32> to vector<16xf32>
      %swap3A_168 = arith.index_cast %add3A_150 : i32 to index
      %swap3A_169 = arith.constant 16 : index
      %swap3A_170 = tpu.vector_load %arg12[%swap3A_168, %swap3A_169] {strides = array<i32>} : memref<256x32xf32, #tpu.memory_space<vmem>>, vector<1x16xf32>,
      %swap3A_171 = vector.shape_cast %swap3A_170 : vector<1x16xf32> to vector<16xf32>
      %swap3A_172 = vector.shape_cast %get3A_167 : vector<16xf32> to vector<1x16xf32>
      tpu.vector_store %arg12[%swap3A_168, %swap3A_169], %swap3A_172 {strides = array<i32>} : memref<256x32xf32, #tpu.memory_space<vmem>>, vector<1x16xf32>,
      %mul3A_173 = arith.constant 16 : i32
      %mul3A_174 = arith.muli %scan3A_40, %mul3A_173 : i32
      %add3A_175 = arith.constant 5 : i32
      %add3A_176 = arith.addi %mul3A_174, %add3A_175 : i32
      %slice3A_177 = vector.extract_strided_slice %get3A_45 {offsets = [5], sizes = [1], strides = [1]} : vector<16xi32> to vector<1xi32>
      %squeeze3A_178 = vector.extract %slice3A_177[0] : i32 from vector<1xi32>
      %get3A_179 = arith.index_cast %add3A_176 : i32 to index
      %get3A_180 = arith.index_cast %squeeze3A_178 : i32 to index
      %get3A_181 = tpu.vector_load %arg11[%get3A_179, %get3A_180] {strides = array<i32>} : memref<256x128xf32, #tpu.memory_space<vmem>>, vector<1x16xf32>,
      %get3A_182 = vector.shape_cast %get3A_181 : vector<1x16xf32> to vector<16xf32>
      %swap3A_183 = arith.index_cast %add3A_176 : i32 to index
      %swap3A_184 = arith.constant 0 : index
      %swap3A_185 = tpu.vector_load %arg12[%swap3A_183, %swap3A_184] {strides = array<i32>} : memref<256x32xf32, #tpu.memory_space<vmem>>, vector<1x16xf32>,
      %swap3A_186 = vector.shape_cast %swap3A_185 : vector<1x16xf32> to vector<16xf32>
      %swap3A_187 = vector.shape_cast %get3A_182 : vector<16xf32> to vector<1x16xf32>
      tpu.vector_store %arg12[%swap3A_183, %swap3A_184], %swap3A_187 {strides = array<i32>} : memref<256x32xf32, #tpu.memory_space<vmem>>, vector<1x16xf32>,
      %add3A_188 = arith.constant 16 : i32
      %add3A_189 = arith.addi %squeeze3A_178, %add3A_188 : i32
      %get3A_190 = arith.index_cast %add3A_176 : i32 to index
      %get3A_191 = arith.index_cast %add3A_189 : i32 to index
      %get3A_192 = tpu.vector_load %arg11[%get3A_190, %get3A_191] {strides = array<i32>} : memref<256x128xf32, #tpu.memory_space<vmem>>, vector<1x16xf32>,
      %get3A_193 = vector.shape_cast %get3A_192 : vector<1x16xf32> to vector<16xf32>
      %swap3A_194 = arith.index_cast %add3A_176 : i32 to index
      %swap3A_195 = arith.constant 16 : index
      %swap3A_196 = tpu.vector_load %arg12[%swap3A_194, %swap3A_195] {strides = array<i32>} : memref<256x32xf32, #tpu.memory_space<vmem>>, vector<1x16xf32>,
      %swap3A_197 = vector.shape_cast %swap3A_196 : vector<1x16xf32> to vector<16xf32>
      %swap3A_198 = vector.shape_cast %get3A_193 : vector<16xf32> to vector<1x16xf32>
      tpu.vector_store %arg12[%swap3A_194, %swap3A_195], %swap3A_198 {strides = array<i32>} : memref<256x32xf32, #tpu.memory_space<vmem>>, vector<1x16xf32>,
      %mul3A_199 = arith.constant 16 : i32
      %mul3A_200 = arith.muli %scan3A_40, %mul3A_199 : i32
      %add3A_201 = arith.constant 6 : i32
      %add3A_202 = arith.addi %mul3A_200, %add3A_201 : i32
      %slice3A_203 = vector.extract_strided_slice %get3A_45 {offsets = [6], sizes = [1], strides = [1]} : vector<16xi32> to vector<1xi32>
      %squeeze3A_204 = vector.extract %slice3A_203[0] : i32 from vector<1xi32>
      %get3A_205 = arith.index_cast %add3A_202 : i32 to index
      %get3A_206 = arith.index_cast %squeeze3A_204 : i32 to index
      %get3A_207 = tpu.vector_load %arg11[%get3A_205, %get3A_206] {strides = array<i32>} : memref<256x128xf32, #tpu.memory_space<vmem>>, vector<1x16xf32>,
      %get3A_208 = vector.shape_cast %get3A_207 : vector<1x16xf32> to vector<16xf32>
      %swap3A_209 = arith.index_cast %add3A_202 : i32 to index
      %swap3A_210 = arith.constant 0 : index
      %swap3A_211 = tpu.vector_load %arg12[%swap3A_209, %swap3A_210] {strides = array<i32>} : memref<256x32xf32, #tpu.memory_space<vmem>>, vector<1x16xf32>,
      %swap3A_212 = vector.shape_cast %swap3A_211 : vector<1x16xf32> to vector<16xf32>
      %swap3A_213 = vector.shape_cast %get3A_208 : vector<16xf32> to vector<1x16xf32>
      tpu.vector_store %arg12[%swap3A_209, %swap3A_210], %swap3A_213 {strides = array<i32>} : memref<256x32xf32, #tpu.memory_space<vmem>>, vector<1x16xf32>,
      %add3A_214 = arith.constant 16 : i32
      %add3A_215 = arith.addi %squeeze3A_204, %add3A_214 : i32
      %get3A_216 = arith.index_cast %add3A_202 : i32 to index
      %get3A_217 = arith.index_cast %add3A_215 : i32 to index
      %get3A_218 = tpu.vector_load %arg11[%get3A_216, %get3A_217] {strides = array<i32>} : memref<256x128xf32, #tpu.memory_space<vmem>>, vector<1x16xf32>,
      %get3A_219 = vector.shape_cast %get3A_218 : vector<1x16xf32> to vector<16xf32>
      %swap3A_220 = arith.index_cast %add3A_202 : i32 to index
      %swap3A_221 = arith.constant 16 : index
      %swap3A_222 = tpu.vector_load %arg12[%swap3A_220, %swap3A_221] {strides = array<i32>} : memref<256x32xf32, #tpu.memory_space<vmem>>, vector<1x16xf32>,
      %swap3A_223 = vector.shape_cast %swap3A_222 : vector<1x16xf32> to vector<16xf32>
      %swap3A_224 = vector.shape_cast %get3A_219 : vector<16xf32> to vector<1x16xf32>
      tpu.vector_store %arg12[%swap3A_220, %swap3A_221], %swap3A_224 {strides = array<i32>} : memref<256x32xf32, #tpu.memory_space<vmem>>, vector<1x16xf32>,
      %mul3A_225 = arith.constant 16 : i32
      %mul3A_226 = arith.muli %scan3A_40, %mul3A_225 : i32
      %add3A_227 = arith.constant 7 : i32
      %add3A_228 = arith.addi %mul3A_226, %add3A_227 : i32
      %slice3A_229 = vector.extract_strided_slice %get3A_45 {offsets = [7], sizes = [1], strides = [1]} : vector<16xi32> to vector<1xi32>
      %squeeze3A_230 = vector.extract %slice3A_229[0] : i32 from vector<1xi32>
      %get3A_231 = arith.index_cast %add3A_228 : i32 to index
      %get3A_232 = arith.index_cast %squeeze3A_230 : i32 to index
      %get3A_233 = tpu.vector_load %arg11[%get3A_231, %get3A_232] {strides = array<i32>} : memref<256x128xf32, #tpu.memory_space<vmem>>, vector<1x16xf32>,
      %get3A_234 = vector.shape_cast %get3A_233 : vector<1x16xf32> to vector<16xf32>
      %swap3A_235 = arith.index_cast %add3A_228 : i32 to index
      %swap3A_236 = arith.constant 0 : index
      %swap3A_237 = tpu.vector_load %arg12[%swap3A_235, %swap3A_236] {strides = array<i32>} : memref<256x32xf32, #tpu.memory_space<vmem>>, vector<1x16xf32>,
      %swap3A_238 = vector.shape_cast %swap3A_237 : vector<1x16xf32> to vector<16xf32>
      %swap3A_239 = vector.shape_cast %get3A_234 : vector<16xf32> to vector<1x16xf32>
      tpu.vector_store %arg12[%swap3A_235, %swap3A_236], %swap3A_239 {strides = array<i32>} : memref<256x32xf32, #tpu.memory_space<vmem>>, vector<1x16xf32>,
      %add3A_240 = arith.constant 16 : i32
      %add3A_241 = arith.addi %squeeze3A_230, %add3A_240 : i32
      %get3A_242 = arith.index_cast %add3A_228 : i32 to index
      %get3A_243 = arith.index_cast %add3A_241 : i32 to index
      %get3A_244 = tpu.vector_load %arg11[%get3A_242, %get3A_243] {strides = array<i32>} : memref<256x128xf32, #tpu.memory_space<vmem>>, vector<1x16xf32>,
      %get3A_245 = vector.shape_cast %get3A_244 : vector<1x16xf32> to vector<16xf32>
      %swap3A_246 = arith.index_cast %add3A_228 : i32 to index
      %swap3A_247 = arith.constant 16 : index
      %swap3A_248 = tpu.vector_load %arg12[%swap3A_246, %swap3A_247] {strides = array<i32>} : memref<256x32xf32, #tpu.memory_space<vmem>>, vector<1x16xf32>,
      %swap3A_249 = vector.shape_cast %swap3A_248 : vector<1x16xf32> to vector<16xf32>
      %swap3A_250 = vector.shape_cast %get3A_245 : vector<16xf32> to vector<1x16xf32>
      tpu.vector_store %arg12[%swap3A_246, %swap3A_247], %swap3A_250 {strides = array<i32>} : memref<256x32xf32, #tpu.memory_space<vmem>>, vector<1x16xf32>,
      %mul3A_251 = arith.constant 16 : i32
      %mul3A_252 = arith.muli %scan3A_40, %mul3A_251 : i32
      %add3A_253 = arith.constant 8 : i32
      %add3A_254 = arith.addi %mul3A_252, %add3A_253 : i32
      %slice3A_255 = vector.extract_strided_slice %get3A_45 {offsets = [8], sizes = [1], strides = [1]} : vector<16xi32> to vector<1xi32>
      %squeeze3A_256 = vector.extract %slice3A_255[0] : i32 from vector<1xi32>
      %get3A_257 = arith.index_cast %add3A_254 : i32 to index
      %get3A_258 = arith.index_cast %squeeze3A_256 : i32 to index
      %get3A_259 = tpu.vector_load %arg11[%get3A_257, %get3A_258] {strides = array<i32>} : memref<256x128xf32, #tpu.memory_space<vmem>>, vector<1x16xf32>,
      %get3A_260 = vector.shape_cast %get3A_259 : vector<1x16xf32> to vector<16xf32>
      %swap3A_261 = arith.index_cast %add3A_254 : i32 to index
      %swap3A_262 = arith.constant 0 : index
      %swap3A_263 = tpu.vector_load %arg12[%swap3A_261, %swap3A_262] {strides = array<i32>} : memref<256x32xf32, #tpu.memory_space<vmem>>, vector<1x16xf32>,
      %swap3A_264 = vector.shape_cast %swap3A_263 : vector<1x16xf32> to vector<16xf32>
      %swap3A_265 = vector.shape_cast %get3A_260 : vector<16xf32> to vector<1x16xf32>
      tpu.vector_store %arg12[%swap3A_261, %swap3A_262], %swap3A_265 {strides = array<i32>} : memref<256x32xf32, #tpu.memory_space<vmem>>, vector<1x16xf32>,
      %add3A_266 = arith.constant 16 : i32
      %add3A_267 = arith.addi %squeeze3A_256, %add3A_266 : i32
      %get3A_268 = arith.index_cast %add3A_254 : i32 to index
      %get3A_269 = arith.index_cast %add3A_267 : i32 to index
      %get3A_270 = tpu.vector_load %arg11[%get3A_268, %get3A_269] {strides = array<i32>} : memref<256x128xf32, #tpu.memory_space<vmem>>, vector<1x16xf32>,
      %get3A_271 = vector.shape_cast %get3A_270 : vector<1x16xf32> to vector<16xf32>
      %swap3A_272 = arith.index_cast %add3A_254 : i32 to index
      %swap3A_273 = arith.constant 16 : index
      %swap3A_274 = tpu.vector_load %arg12[%swap3A_272, %swap3A_273] {strides = array<i32>} : memref<256x32xf32, #tpu.memory_space<vmem>>, vector<1x16xf32>,
      %swap3A_275 = vector.shape_cast %swap3A_274 : vector<1x16xf32> to vector<16xf32>
      %swap3A_276 = vector.shape_cast %get3A_271 : vector<16xf32> to vector<1x16xf32>
      tpu.vector_store %arg12[%swap3A_272, %swap3A_273], %swap3A_276 {strides = array<i32>} : memref<256x32xf32, #tpu.memory_space<vmem>>, vector<1x16xf32>,
      %mul3A_277 = arith.constant 16 : i32
      %mul3A_278 = arith.muli %scan3A_40, %mul3A_277 : i32
      %add3A_279 = arith.constant 9 : i32
      %add3A_280 = arith.addi %mul3A_278, %add3A_279 : i32
      %slice3A_281 = vector.extract_strided_slice %get3A_45 {offsets = [9], sizes = [1], strides = [1]} : vector<16xi32> to vector<1xi32>
      %squeeze3A_282 = vector.extract %slice3A_281[0] : i32 from vector<1xi32>
      %get3A_283 = arith.index_cast %add3A_280 : i32 to index
      %get3A_284 = arith.index_cast %squeeze3A_282 : i32 to index
      %get3A_285 = tpu.vector_load %arg11[%get3A_283, %get3A_284] {strides = array<i32>} : memref<256x128xf32, #tpu.memory_space<vmem>>, vector<1x16xf32>,
      %get3A_286 = vector.shape_cast %get3A_285 : vector<1x16xf32> to vector<16xf32>
      %swap3A_287 = arith.index_cast %add3A_280 : i32 to index
      %swap3A_288 = arith.constant 0 : index
      %swap3A_289 = tpu.vector_load %arg12[%swap3A_287, %swap3A_288] {strides = array<i32>} : memref<256x32xf32, #tpu.memory_space<vmem>>, vector<1x16xf32>,
      %swap3A_290 = vector.shape_cast %swap3A_289 : vector<1x16xf32> to vector<16xf32>
      %swap3A_291 = vector.shape_cast %get3A_286 : vector<16xf32> to vector<1x16xf32>
      tpu.vector_store %arg12[%swap3A_287, %swap3A_288], %swap3A_291 {strides = array<i32>} : memref<256x32xf32, #tpu.memory_space<vmem>>, vector<1x16xf32>,
      %add3A_292 = arith.constant 16 : i32
      %add3A_293 = arith.addi %squeeze3A_282, %add3A_292 : i32
      %get3A_294 = arith.index_cast %add3A_280 : i32 to index
      %get3A_295 = arith.index_cast %add3A_293 : i32 to index
      %get3A_296 = tpu.vector_load %arg11[%get3A_294, %get3A_295] {strides = array<i32>} : memref<256x128xf32, #tpu.memory_space<vmem>>, vector<1x16xf32>,
      %get3A_297 = vector.shape_cast %get3A_296 : vector<1x16xf32> to vector<16xf32>
      %swap3A_298 = arith.index_cast %add3A_280 : i32 to index
      %swap3A_299 = arith.constant 16 : index
      %swap3A_300 = tpu.vector_load %arg12[%swap3A_298, %swap3A_299] {strides = array<i32>} : memref<256x32xf32, #tpu.memory_space<vmem>>, vector<1x16xf32>,
      %swap3A_301 = vector.shape_cast %swap3A_300 : vector<1x16xf32> to vector<16xf32>
      %swap3A_302 = vector.shape_cast %get3A_297 : vector<16xf32> to vector<1x16xf32>
      tpu.vector_store %arg12[%swap3A_298, %swap3A_299], %swap3A_302 {strides = array<i32>} : memref<256x32xf32, #tpu.memory_space<vmem>>, vector<1x16xf32>,
      %mul3A_303 = arith.constant 16 : i32
      %mul3A_304 = arith.muli %scan3A_40, %mul3A_303 : i32
      %add3A_305 = arith.constant 10 : i32
      %add3A_306 = arith.addi %mul3A_304, %add3A_305 : i32
      %slice3A_307 = vector.extract_strided_slice %get3A_45 {offsets = [10], sizes = [1], strides = [1]} : vector<16xi32> to vector<1xi32>
      %squeeze3A_308 = vector.extract %slice3A_307[0] : i32 from vector<1xi32>
      %get3A_309 = arith.index_cast %add3A_306 : i32 to index
      %get3A_310 = arith.index_cast %squeeze3A_308 : i32 to index
      %get3A_311 = tpu.vector_load %arg11[%get3A_309, %get3A_310] {strides = array<i32>} : memref<256x128xf32, #tpu.memory_space<vmem>>, vector<1x16xf32>,
      %get3A_312 = vector.shape_cast %get3A_311 : vector<1x16xf32> to vector<16xf32>
      %swap3A_313 = arith.index_cast %add3A_306 : i32 to index
      %swap3A_314 = arith.constant 0 : index
      %swap3A_315 = tpu.vector_load %arg12[%swap3A_313, %swap3A_314] {strides = array<i32>} : memref<256x32xf32, #tpu.memory_space<vmem>>, vector<1x16xf32>,
      %swap3A_316 = vector.shape_cast %swap3A_315 : vector<1x16xf32> to vector<16xf32>
      %swap3A_317 = vector.shape_cast %get3A_312 : vector<16xf32> to vector<1x16xf32>
      tpu.vector_store %arg12[%swap3A_313, %swap3A_314], %swap3A_317 {strides = array<i32>} : memref<256x32xf32, #tpu.memory_space<vmem>>, vector<1x16xf32>,
      %add3A_318 = arith.constant 16 : i32
      %add3A_319 = arith.addi %squeeze3A_308, %add3A_318 : i32
      %get3A_320 = arith.index_cast %add3A_306 : i32 to index
      %get3A_321 = arith.index_cast %add3A_319 : i32 to index
      %get3A_322 = tpu.vector_load %arg11[%get3A_320, %get3A_321] {strides = array<i32>} : memref<256x128xf32, #tpu.memory_space<vmem>>, vector<1x16xf32>,
      %get3A_323 = vector.shape_cast %get3A_322 : vector<1x16xf32> to vector<16xf32>
      %swap3A_324 = arith.index_cast %add3A_306 : i32 to index
      %swap3A_325 = arith.constant 16 : index
      %swap3A_326 = tpu.vector_load %arg12[%swap3A_324, %swap3A_325] {strides = array<i32>} : memref<256x32xf32, #tpu.memory_space<vmem>>, vector<1x16xf32>,
      %swap3A_327 = vector.shape_cast %swap3A_326 : vector<1x16xf32> to vector<16xf32>
      %swap3A_328 = vector.shape_cast %get3A_323 : vector<16xf32> to vector<1x16xf32>
      tpu.vector_store %arg12[%swap3A_324, %swap3A_325], %swap3A_328 {strides = array<i32>} : memref<256x32xf32, #tpu.memory_space<vmem>>, vector<1x16xf32>,
      %mul3A_329 = arith.constant 16 : i32
      %mul3A_330 = arith.muli %scan3A_40, %mul3A_329 : i32
      %add3A_331 = arith.constant 11 : i32
      %add3A_332 = arith.addi %mul3A_330, %add3A_331 : i32
      %slice3A_333 = vector.extract_strided_slice %get3A_45 {offsets = [11], sizes = [1], strides = [1]} : vector<16xi32> to vector<1xi32>
      %squeeze3A_334 = vector.extract %slice3A_333[0] : i32 from vector<1xi32>
      %get3A_335 = arith.index_cast %add3A_332 : i32 to index
      %get3A_336 = arith.index_cast %squeeze3A_334 : i32 to index
      %get3A_337 = tpu.vector_load %arg11[%get3A_335, %get3A_336] {strides = array<i32>} : memref<256x128xf32, #tpu.memory_space<vmem>>, vector<1x16xf32>,
      %get3A_338 = vector.shape_cast %get3A_337 : vector<1x16xf32> to vector<16xf32>
      %swap3A_339 = arith.index_cast %add3A_332 : i32 to index
      %swap3A_340 = arith.constant 0 : index
      %swap3A_341 = tpu.vector_load %arg12[%swap3A_339, %swap3A_340] {strides = array<i32>} : memref<256x32xf32, #tpu.memory_space<vmem>>, vector<1x16xf32>,
      %swap3A_342 = vector.shape_cast %swap3A_341 : vector<1x16xf32> to vector<16xf32>
      %swap3A_343 = vector.shape_cast %get3A_338 : vector<16xf32> to vector<1x16xf32>
      tpu.vector_store %arg12[%swap3A_339, %swap3A_340], %swap3A_343 {strides = array<i32>} : memref<256x32xf32, #tpu.memory_space<vmem>>, vector<1x16xf32>,
      %add3A_344 = arith.constant 16 : i32
      %add3A_345 = arith.addi %squeeze3A_334, %add3A_344 : i32
      %get3A_346 = arith.index_cast %add3A_332 : i32 to index
      %get3A_347 = arith.index_cast %add3A_345 : i32 to index
      %get3A_348 = tpu.vector_load %arg11[%get3A_346, %get3A_347] {strides = array<i32>} : memref<256x128xf32, #tpu.memory_space<vmem>>, vector<1x16xf32>,
      %get3A_349 = vector.shape_cast %get3A_348 : vector<1x16xf32> to vector<16xf32>
      %swap3A_350 = arith.index_cast %add3A_332 : i32 to index
      %swap3A_351 = arith.constant 16 : index
      %swap3A_352 = tpu.vector_load %arg12[%swap3A_350, %swap3A_351] {strides = array<i32>} : memref<256x32xf32, #tpu.memory_space<vmem>>, vector<1x16xf32>,
      %swap3A_353 = vector.shape_cast %swap3A_352 : vector<1x16xf32> to vector<16xf32>
      %swap3A_354 = vector.shape_cast %get3A_349 : vector<16xf32> to vector<1x16xf32>
      tpu.vector_store %arg12[%swap3A_350, %swap3A_351], %swap3A_354 {strides = array<i32>} : memref<256x32xf32, #tpu.memory_space<vmem>>, vector<1x16xf32>,
      %mul3A_355 = arith.constant 16 : i32
      %mul3A_356 = arith.muli %scan3A_40, %mul3A_355 : i32
      %add3A_357 = arith.constant 12 : i32
      %add3A_358 = arith.addi %mul3A_356, %add3A_357 : i32
      %slice3A_359 = vector.extract_strided_slice %get3A_45 {offsets = [12], sizes = [1], strides = [1]} : vector<16xi32> to vector<1xi32>
      %squeeze3A_360 = vector.extract %slice3A_359[0] : i32 from vector<1xi32>
      %get3A_361 = arith.index_cast %add3A_358 : i32 to index
      %get3A_362 = arith.index_cast %squeeze3A_360 : i32 to index
      %get3A_363 = tpu.vector_load %arg11[%get3A_361, %get3A_362] {strides = array<i32>} : memref<256x128xf32, #tpu.memory_space<vmem>>, vector<1x16xf32>,
      %get3A_364 = vector.shape_cast %get3A_363 : vector<1x16xf32> to vector<16xf32>
      %swap3A_365 = arith.index_cast %add3A_358 : i32 to index
      %swap3A_366 = arith.constant 0 : index
      %swap3A_367 = tpu.vector_load %arg12[%swap3A_365, %swap3A_366] {strides = array<i32>} : memref<256x32xf32, #tpu.memory_space<vmem>>, vector<1x16xf32>,
      %swap3A_368 = vector.shape_cast %swap3A_367 : vector<1x16xf32> to vector<16xf32>
      %swap3A_369 = vector.shape_cast %get3A_364 : vector<16xf32> to vector<1x16xf32>
      tpu.vector_store %arg12[%swap3A_365, %swap3A_366], %swap3A_369 {strides = array<i32>} : memref<256x32xf32, #tpu.memory_space<vmem>>, vector<1x16xf32>,
      %add3A_370 = arith.constant 16 : i32
      %add3A_371 = arith.addi %squeeze3A_360, %add3A_370 : i32
      %get3A_372 = arith.index_cast %add3A_358 : i32 to index
      %get3A_373 = arith.index_cast %add3A_371 : i32 to index
      %get3A_374 = tpu.vector_load %arg11[%get3A_372, %get3A_373] {strides = array<i32>} : memref<256x128xf32, #tpu.memory_space<vmem>>, vector<1x16xf32>,
      %get3A_375 = vector.shape_cast %get3A_374 : vector<1x16xf32> to vector<16xf32>
      %swap3A_376 = arith.index_cast %add3A_358 : i32 to index
      %swap3A_377 = arith.constant 16 : index
      %swap3A_378 = tpu.vector_load %arg12[%swap3A_376, %swap3A_377] {strides = array<i32>} : memref<256x32xf32, #tpu.memory_space<vmem>>, vector<1x16xf32>,
      %swap3A_379 = vector.shape_cast %swap3A_378 : vector<1x16xf32> to vector<16xf32>
      %swap3A_380 = vector.shape_cast %get3A_375 : vector<16xf32> to vector<1x16xf32>
      tpu.vector_store %arg12[%swap3A_376, %swap3A_377], %swap3A_380 {strides = array<i32>} : memref<256x32xf32, #tpu.memory_space<vmem>>, vector<1x16xf32>,
      %mul3A_381 = arith.constant 16 : i32
      %mul3A_382 = arith.muli %scan3A_40, %mul3A_381 : i32
      %add3A_383 = arith.constant 13 : i32
      %add3A_384 = arith.addi %mul3A_382, %add3A_383 : i32
      %slice3A_385 = vector.extract_strided_slice %get3A_45 {offsets = [13], sizes = [1], strides = [1]} : vector<16xi32> to vector<1xi32>
      %squeeze3A_386 = vector.extract %slice3A_385[0] : i32 from vector<1xi32>
      %get3A_387 = arith.index_cast %add3A_384 : i32 to index
      %get3A_388 = arith.index_cast %squeeze3A_386 : i32 to index
      %get3A_389 = tpu.vector_load %arg11[%get3A_387, %get3A_388] {strides = array<i32>} : memref<256x128xf32, #tpu.memory_space<vmem>>, vector<1x16xf32>,
      %get3A_390 = vector.shape_cast %get3A_389 : vector<1x16xf32> to vector<16xf32>
      %swap3A_391 = arith.index_cast %add3A_384 : i32 to index
      %swap3A_392 = arith.constant 0 : index
      %swap3A_393 = tpu.vector_load %arg12[%swap3A_391, %swap3A_392] {strides = array<i32>} : memref<256x32xf32, #tpu.memory_space<vmem>>, vector<1x16xf32>,
      %swap3A_394 = vector.shape_cast %swap3A_393 : vector<1x16xf32> to vector<16xf32>
      %swap3A_395 = vector.shape_cast %get3A_390 : vector<16xf32> to vector<1x16xf32>
      tpu.vector_store %arg12[%swap3A_391, %swap3A_392], %swap3A_395 {strides = array<i32>} : memref<256x32xf32, #tpu.memory_space<vmem>>, vector<1x16xf32>,
      %add3A_396 = arith.constant 16 : i32
      %add3A_397 = arith.addi %squeeze3A_386, %add3A_396 : i32
      %get3A_398 = arith.index_cast %add3A_384 : i32 to index
      %get3A_399 = arith.index_cast %add3A_397 : i32 to index
      %get3A_400 = tpu.vector_load %arg11[%get3A_398, %get3A_399] {strides = array<i32>} : memref<256x128xf32, #tpu.memory_space<vmem>>, vector<1x16xf32>,
      %get3A_401 = vector.shape_cast %get3A_400 : vector<1x16xf32> to vector<16xf32>
      %swap3A_402 = arith.index_cast %add3A_384 : i32 to index
      %swap3A_403 = arith.constant 16 : index
      %swap3A_404 = tpu.vector_load %arg12[%swap3A_402, %swap3A_403] {strides = array<i32>} : memref<256x32xf32, #tpu.memory_space<vmem>>, vector<1x16xf32>,
      %swap3A_405 = vector.shape_cast %swap3A_404 : vector<1x16xf32> to vector<16xf32>
      %swap3A_406 = vector.shape_cast %get3A_401 : vector<16xf32> to vector<1x16xf32>
      tpu.vector_store %arg12[%swap3A_402, %swap3A_403], %swap3A_406 {strides = array<i32>} : memref<256x32xf32, #tpu.memory_space<vmem>>, vector<1x16xf32>,
      %mul3A_407 = arith.constant 16 : i32
      %mul3A_408 = arith.muli %scan3A_40, %mul3A_407 : i32
      %add3A_409 = arith.constant 14 : i32
      %add3A_410 = arith.addi %mul3A_408, %add3A_409 : i32
      %slice3A_411 = vector.extract_strided_slice %get3A_45 {offsets = [14], sizes = [1], strides = [1]} : vector<16xi32> to vector<1xi32>
      %squeeze3A_412 = vector.extract %slice3A_411[0] : i32 from vector<1xi32>
      %get3A_413 = arith.index_cast %add3A_410 : i32 to index
      %get3A_414 = arith.index_cast %squeeze3A_412 : i32 to index
      %get3A_415 = tpu.vector_load %arg11[%get3A_413, %get3A_414] {strides = array<i32>} : memref<256x128xf32, #tpu.memory_space<vmem>>, vector<1x16xf32>,
      %get3A_416 = vector.shape_cast %get3A_415 : vector<1x16xf32> to vector<16xf32>
      %swap3A_417 = arith.index_cast %add3A_410 : i32 to index
      %swap3A_418 = arith.constant 0 : index
      %swap3A_419 = tpu.vector_load %arg12[%swap3A_417, %swap3A_418] {strides = array<i32>} : memref<256x32xf32, #tpu.memory_space<vmem>>, vector<1x16xf32>,
      %swap3A_420 = vector.shape_cast %swap3A_419 : vector<1x16xf32> to vector<16xf32>
      %swap3A_421 = vector.shape_cast %get3A_416 : vector<16xf32> to vector<1x16xf32>
      tpu.vector_store %arg12[%swap3A_417, %swap3A_418], %swap3A_421 {strides = array<i32>} : memref<256x32xf32, #tpu.memory_space<vmem>>, vector<1x16xf32>,
      %add3A_422 = arith.constant 16 : i32
      %add3A_423 = arith.addi %squeeze3A_412, %add3A_422 : i32
      %get3A_424 = arith.index_cast %add3A_410 : i32 to index
      %get3A_425 = arith.index_cast %add3A_423 : i32 to index
      %get3A_426 = tpu.vector_load %arg11[%get3A_424, %get3A_425] {strides = array<i32>} : memref<256x128xf32, #tpu.memory_space<vmem>>, vector<1x16xf32>,
      %get3A_427 = vector.shape_cast %get3A_426 : vector<1x16xf32> to vector<16xf32>
      %swap3A_428 = arith.index_cast %add3A_410 : i32 to index
      %swap3A_429 = arith.constant 16 : index
      %swap3A_430 = tpu.vector_load %arg12[%swap3A_428, %swap3A_429] {strides = array<i32>} : memref<256x32xf32, #tpu.memory_space<vmem>>, vector<1x16xf32>,
      %swap3A_431 = vector.shape_cast %swap3A_430 : vector<1x16xf32> to vector<16xf32>
      %swap3A_432 = vector.shape_cast %get3A_427 : vector<16xf32> to vector<1x16xf32>
      tpu.vector_store %arg12[%swap3A_428, %swap3A_429], %swap3A_432 {strides = array<i32>} : memref<256x32xf32, #tpu.memory_space<vmem>>, vector<1x16xf32>,
      %mul3A_433 = arith.constant 16 : i32
      %mul3A_434 = arith.muli %scan3A_40, %mul3A_433 : i32
      %add3A_435 = arith.constant 15 : i32
      %add3A_436 = arith.addi %mul3A_434, %add3A_435 : i32
      %slice3A_437 = vector.extract_strided_slice %get3A_45 {offsets = [15], sizes = [1], strides = [1]} : vector<16xi32> to vector<1xi32>
      %squeeze3A_438 = vector.extract %slice3A_437[0] : i32 from vector<1xi32>
      %get3A_439 = arith.index_cast %add3A_436 : i32 to index
      %get3A_440 = arith.index_cast %squeeze3A_438 : i32 to index
      %get3A_441 = tpu.vector_load %arg11[%get3A_439, %get3A_440] {strides = array<i32>} : memref<256x128xf32, #tpu.memory_space<vmem>>, vector<1x16xf32>,
      %get3A_442 = vector.shape_cast %get3A_441 : vector<1x16xf32> to vector<16xf32>
      %swap3A_443 = arith.index_cast %add3A_436 : i32 to index
      %swap3A_444 = arith.constant 0 : index
      %swap3A_445 = tpu.vector_load %arg12[%swap3A_443, %swap3A_444] {strides = array<i32>} : memref<256x32xf32, #tpu.memory_space<vmem>>, vector<1x16xf32>,
      %swap3A_446 = vector.shape_cast %swap3A_445 : vector<1x16xf32> to vector<16xf32>
      %swap3A_447 = vector.shape_cast %get3A_442 : vector<16xf32> to vector<1x16xf32>
      tpu.vector_store %arg12[%swap3A_443, %swap3A_444], %swap3A_447 {strides = array<i32>} : memref<256x32xf32, #tpu.memory_space<vmem>>, vector<1x16xf32>,
      %add3A_448 = arith.constant 16 : i32
      %add3A_449 = arith.addi %squeeze3A_438, %add3A_448 : i32
      %get3A_450 = arith.index_cast %add3A_436 : i32 to index
      %get3A_451 = arith.index_cast %add3A_449 : i32 to index
      %get3A_452 = tpu.vector_load %arg11[%get3A_450, %get3A_451] {strides = array<i32>} : memref<256x128xf32, #tpu.memory_space<vmem>>, vector<1x16xf32>,
      %get3A_453 = vector.shape_cast %get3A_452 : vector<1x16xf32> to vector<16xf32>
      %swap3A_454 = arith.index_cast %add3A_436 : i32 to index
      %swap3A_455 = arith.constant 16 : index
      %swap3A_456 = tpu.vector_load %arg12[%swap3A_454, %swap3A_455] {strides = array<i32>} : memref<256x32xf32, #tpu.memory_space<vmem>>, vector<1x16xf32>,
      %swap3A_457 = vector.shape_cast %swap3A_456 : vector<1x16xf32> to vector<16xf32>
      %swap3A_458 = vector.shape_cast %get3A_453 : vector<16xf32> to vector<1x16xf32>
      tpu.vector_store %arg12[%swap3A_454, %swap3A_455], %swap3A_458 {strides = array<i32>} : memref<256x32xf32, #tpu.memory_space<vmem>>, vector<1x16xf32>,
      %scan3A_459 = arith.constant 0 : i32
      scf.yield %scan3A_459 : i32
    }
    %scan3A_19 = arith.constant 16 : i32
    "tpu.region"() ({
      %run_scoped3A = tpu.sem_alloc : memref<!tpu.dma_semaphore, #tpu.memory_space<semaphore_mem>>
      %dma_start3A_40 = arith.constant 0 : i32
      %dma_start3A_41 = tpu.memref_slice %arg6[%mul3A_2, %dma_start3A_40] : memref<8192x32xf32, #tpu.memory_space<hbm>> -> memref<256x32xf32, #tpu.memory_space<hbm>>
      %dma_start3A_42 = arith.constant 0 : i32
      %dma_start3A_43 = tpu.memref_slice %arg6[%mul3A_2, %dma_start3A_42] : memref<8192x32xf32, #tpu.memory_space<hbm>> -> memref<256x32xf32, #tpu.memory_space<hbm>>
      tpu.enqueue_dma source(%arg12 : memref<256x32xf32, #tpu.memory_space<vmem>>) target(%dma_start3A_43 : memref<256x32xf32, #tpu.memory_space<hbm>>) target_semaphore(%run_scoped3A : memref<!tpu.dma_semaphore, #tpu.memory_space<semaphore_mem>>)
      %dma_wait3A_44 = arith.constant 0 : i32
      %dma_wait3A_45 = tpu.memref_slice %arg6[%mul3A_2, %dma_wait3A_44] : memref<8192x32xf32, #tpu.memory_space<hbm>> -> memref<256x32xf32, #tpu.memory_space<hbm>>
      %dma_wait3A_46 = arith.constant 0 : i32
      %dma_wait3A_47 = tpu.memref_slice %arg6[%mul3A_2, %dma_wait3A_46] : memref<8192x32xf32, #tpu.memory_space<hbm>> -> memref<256x32xf32, #tpu.memory_space<hbm>>
      tpu.wait_dma2 semaphore(%run_scoped3A : memref<!tpu.dma_semaphore, #tpu.memory_space<semaphore_mem>>) src(%arg12 : memref<256x32xf32, #tpu.memory_space<vmem>>) dst(%dma_wait3A_47 : memref<256x32xf32, #tpu.memory_space<hbm>>)
      tpu.yield
    }) : () -> ()
    "tpu.region"() ({
      %run_scoped3A = tpu.sem_alloc : memref<!tpu.dma_semaphore, #tpu.memory_space<semaphore_mem>>
      %dma_start3A_40 = tpu.memref_slice %arg3[%mul3A_2] : memref<8192xi32, #tpu.memory_space<hbm>> -> memref<256xi32, #tpu.memory_space<hbm>>
      %dma_start3A_41 = tpu.memref_slice %arg3[%mul3A_2] : memref<8192xi32, #tpu.memory_space<hbm>> -> memref<256xi32, #tpu.memory_space<hbm>>
      tpu.enqueue_dma source(%dma_start3A_41 : memref<256xi32, #tpu.memory_space<hbm>>) target(%arg8 : memref<256xi32, #tpu.memory_space<vmem>>) target_semaphore(%run_scoped3A : memref<!tpu.dma_semaphore, #tpu.memory_space<semaphore_mem>>)
      %dma_wait3A_42 = tpu.memref_slice %arg3[%mul3A_2] : memref<8192xi32, #tpu.memory_space<hbm>> -> memref<256xi32, #tpu.memory_space<hbm>>
      %dma_wait3A_43 = tpu.memref_slice %arg3[%mul3A_2] : memref<8192xi32, #tpu.memory_space<hbm>> -> memref<256xi32, #tpu.memory_space<hbm>>
      tpu.wait_dma2 semaphore(%run_scoped3A : memref<!tpu.dma_semaphore, #tpu.memory_space<semaphore_mem>>) src(%dma_wait3A_43 : memref<256xi32, #tpu.memory_space<hbm>>) dst(%arg8 : memref<256xi32, #tpu.memory_space<vmem>>)
      tpu.yield
    }) : () -> ()
    %scan3A_20 = arith.constant 0 : i32
    %scan3A_21 = arith.constant 0 : i32
    %scan3A_22 = arith.constant 16 : i32
    %scan3A_23 = arith.addi %scan3A_21, %scan3A_22 : i32
    %scan3A_24 = arith.constant 1 : i32
    %scan3A_25 = scf.for %scan3A_40 = %scan3A_21 to %scan3A_23 step %scan3A_24 iter_args(%scan3A_41 = %scan3A_20) -> (i32)  : i32 {
      %mul3A_42 = arith.constant 16 : i32
      %mul3A_43 = arith.muli %scan3A_40, %mul3A_42 : i32
      %get3A = arith.index_cast %mul3A_43 : i32 to index
      %get3A_44 = tpu.vector_load %arg8[%get3A] {strides = array<i32>} : memref<256xi32, #tpu.memory_space<vmem>>, vector<16xi32>,
      %get3A_45 = vector.shape_cast %get3A_44 : vector<16xi32> to vector<16xi32>
      %shift_right_logical3A = arith.constant 9 : i32
      %shift_right_logical3A_46 = vector.broadcast %shift_right_logical3A : i32 to vector<16xi32>
      %shift_right_logical3A_47 = arith.shrui %get3A_45, %shift_right_logical3A_46 : vector<16xi32>
      %shift_left3A = arith.constant 7 : i32
      %shift_left3A_48 = vector.broadcast %shift_left3A : i32 to vector<16xi32>
      %shift_left3A_49 = arith.shli %shift_right_logical3A_47, %shift_left3A_48 : vector<16xi32>
      %and3A = arith.constant 127 : i32
      %and3A_50 = vector.broadcast %and3A : i32 to vector<16xi32>
      %and3A_51 = arith.andi %get3A_45, %and3A_50 : vector<16xi32>
      %or3A = arith.ori %shift_left3A_49, %and3A_51 : vector<16xi32>
      %mul3A_52 = arith.constant 16 : i32
      %mul3A_53 = arith.muli %scan3A_40, %mul3A_52 : i32
      %swap3A = arith.index_cast %mul3A_53 : i32 to index
      %swap3A_54 = tpu.vector_load %arg9[%swap3A] {strides = array<i32>} : memref<256xi32, #tpu.memory_space<vmem>>, vector<16xi32>,
      %swap3A_55 = vector.shape_cast %swap3A_54 : vector<16xi32> to vector<16xi32>
      %swap3A_56 = vector.shape_cast %or3A : vector<16xi32> to vector<16xi32>
      tpu.vector_store %arg9[%swap3A], %swap3A_56 {strides = array<i32>} : memref<256xi32, #tpu.memory_space<vmem>>, vector<16xi32>,
      %shift_right_logical3A_57 = arith.constant 7 : i32
      %shift_right_logical3A_58 = vector.broadcast %shift_right_logical3A_57 : i32 to vector<16xi32>
      %shift_right_logical3A_59 = arith.shrui %get3A_45, %shift_right_logical3A_58 : vector<16xi32>
      %and3A_60 = arith.constant 3 : i32
      %and3A_61 = vector.broadcast %and3A_60 : i32 to vector<16xi32>
      %and3A_62 = arith.andi %shift_right_logical3A_59, %and3A_61 : vector<16xi32>
      %shift_left3A_63 = arith.constant 5 : i32
      %shift_left3A_64 = vector.broadcast %shift_left3A_63 : i32 to vector<16xi32>
      %shift_left3A_65 = arith.shli %and3A_62, %shift_left3A_64 : vector<16xi32>
      %mul3A_66 = arith.constant 16 : i32
      %mul3A_67 = arith.muli %scan3A_40, %mul3A_66 : i32
      %swap3A_68 = arith.index_cast %mul3A_67 : i32 to index
      %swap3A_69 = tpu.vector_load %arg10[%swap3A_68] {strides = array<i32>} : memref<256xi32, #tpu.memory_space<vmem>>, vector<16xi32>,
      %swap3A_70 = vector.shape_cast %swap3A_69 : vector<16xi32> to vector<16xi32>
      %swap3A_71 = vector.shape_cast %shift_left3A_65 : vector<16xi32> to vector<16xi32>
      tpu.vector_store %arg10[%swap3A_68], %swap3A_71 {strides = array<i32>} : memref<256xi32, #tpu.memory_space<vmem>>, vector<16xi32>,
      %scan3A_72 = arith.constant 0 : i32
      scf.yield %scan3A_72 : i32
    }
    %scan3A_26 = arith.constant 16 : i32
    %dma_start3A_27 = arith.constant 0 : i32
    %dma_start3A_28 = arith.constant 0 : i32
    %dma_start3A_29 = tpu.memref_slice %arg5[%dma_start3A_27, %dma_start3A_28] : memref<26624x128xf32, #tpu.memory_space<hbm>> -> memref<26624x128xf32, #tpu.memory_space<hbm>>
    tpu.enqueue_indirect_dma source(%dma_start3A_29 : memref<26624x128xf32, #tpu.memory_space<hbm>>) target(%arg11 : memref<256x128xf32, #tpu.memory_space<vmem>>) offsets(%arg9 : memref<256xi32, #tpu.memory_space<vmem>>) semaphore(%arg13 : memref<!tpu.dma_semaphore, #tpu.memory_space<semaphore_mem>>)
    %dma_wait3A_30 = arith.constant 0 : i32
    %dma_wait3A_31 = arith.constant 0 : i32
    %dma_wait3A_32 = tpu.memref_slice %arg5[%dma_wait3A_30, %dma_wait3A_31] : memref<26624x128xf32, #tpu.memory_space<hbm>> -> memref<26624x128xf32, #tpu.memory_space<hbm>>
    tpu.wait_indirect_dma semaphore(%arg13 : memref<!tpu.dma_semaphore, #tpu.memory_space<semaphore_mem>>) src(%dma_wait3A_32 : memref<26624x128xf32, #tpu.memory_space<hbm>>) dst(%arg11 : memref<256x128xf32, #tpu.memory_space<vmem>>)
    %scan3A_33 = arith.constant 0 : i32
    %scan3A_34 = arith.constant 0 : i32
    %scan3A_35 = arith.constant 16 : i32
    %scan3A_36 = arith.addi %scan3A_34, %scan3A_35 : i32
    %scan3A_37 = arith.constant 1 : i32
    %scan3A_38 = scf.for %scan3A_40 = %scan3A_34 to %scan3A_36 step %scan3A_37 iter_args(%scan3A_41 = %scan3A_33) -> (i32)  : i32 {
      %mul3A_42 = arith.constant 16 : i32
      %mul3A_43 = arith.muli %scan3A_40, %mul3A_42 : i32
      %get3A = arith.index_cast %mul3A_43 : i32 to index
      %get3A_44 = tpu.vector_load %arg10[%get3A] {strides = array<i32>} : memref<256xi32, #tpu.memory_space<vmem>>, vector<16xi32>,
      %get3A_45 = vector.shape_cast %get3A_44 : vector<16xi32> to vector<16xi32>
      %mul3A_46 = arith.constant 16 : i32
      %mul3A_47 = arith.muli %scan3A_40, %mul3A_46 : i32
      %add3A_48 = arith.constant 0 : i32
      %add3A_49 = arith.addi %mul3A_47, %add3A_48 : i32
      %slice3A = vector.extract_strided_slice %get3A_45 {offsets = [0], sizes = [1], strides = [1]} : vector<16xi32> to vector<1xi32>
      %squeeze3A = vector.extract %slice3A[0] : i32 from vector<1xi32>
      %get3A_50 = arith.index_cast %add3A_49 : i32 to index
      %get3A_51 = arith.index_cast %squeeze3A : i32 to index
      %get3A_52 = tpu.vector_load %arg11[%get3A_50, %get3A_51] {strides = array<i32>} : memref<256x128xf32, #tpu.memory_space<vmem>>, vector<1x16xf32>,
      %get3A_53 = vector.shape_cast %get3A_52 : vector<1x16xf32> to vector<16xf32>
      %swap3A = arith.index_cast %add3A_49 : i32 to index
      %swap3A_54 = arith.constant 0 : index
      %swap3A_55 = tpu.vector_load %arg12[%swap3A, %swap3A_54] {strides = array<i32>} : memref<256x32xf32, #tpu.memory_space<vmem>>, vector<1x16xf32>,
      %swap3A_56 = vector.shape_cast %swap3A_55 : vector<1x16xf32> to vector<16xf32>
      %swap3A_57 = vector.shape_cast %get3A_53 : vector<16xf32> to vector<1x16xf32>
      tpu.vector_store %arg12[%swap3A, %swap3A_54], %swap3A_57 {strides = array<i32>} : memref<256x32xf32, #tpu.memory_space<vmem>>, vector<1x16xf32>,
      %add3A_58 = arith.constant 16 : i32
      %add3A_59 = arith.addi %squeeze3A, %add3A_58 : i32
      %get3A_60 = arith.index_cast %add3A_49 : i32 to index
      %get3A_61 = arith.index_cast %add3A_59 : i32 to index
      %get3A_62 = tpu.vector_load %arg11[%get3A_60, %get3A_61] {strides = array<i32>} : memref<256x128xf32, #tpu.memory_space<vmem>>, vector<1x16xf32>,
      %get3A_63 = vector.shape_cast %get3A_62 : vector<1x16xf32> to vector<16xf32>
      %swap3A_64 = arith.index_cast %add3A_49 : i32 to index
      %swap3A_65 = arith.constant 16 : index
      %swap3A_66 = tpu.vector_load %arg12[%swap3A_64, %swap3A_65] {strides = array<i32>} : memref<256x32xf32, #tpu.memory_space<vmem>>, vector<1x16xf32>,
      %swap3A_67 = vector.shape_cast %swap3A_66 : vector<1x16xf32> to vector<16xf32>
      %swap3A_68 = vector.shape_cast %get3A_63 : vector<16xf32> to vector<1x16xf32>
      tpu.vector_store %arg12[%swap3A_64, %swap3A_65], %swap3A_68 {strides = array<i32>} : memref<256x32xf32, #tpu.memory_space<vmem>>, vector<1x16xf32>,
      %mul3A_69 = arith.constant 16 : i32
      %mul3A_70 = arith.muli %scan3A_40, %mul3A_69 : i32
      %add3A_71 = arith.constant 1 : i32
      %add3A_72 = arith.addi %mul3A_70, %add3A_71 : i32
      %slice3A_73 = vector.extract_strided_slice %get3A_45 {offsets = [1], sizes = [1], strides = [1]} : vector<16xi32> to vector<1xi32>
      %squeeze3A_74 = vector.extract %slice3A_73[0] : i32 from vector<1xi32>
      %get3A_75 = arith.index_cast %add3A_72 : i32 to index
      %get3A_76 = arith.index_cast %squeeze3A_74 : i32 to index
      %get3A_77 = tpu.vector_load %arg11[%get3A_75, %get3A_76] {strides = array<i32>} : memref<256x128xf32, #tpu.memory_space<vmem>>, vector<1x16xf32>,
      %get3A_78 = vector.shape_cast %get3A_77 : vector<1x16xf32> to vector<16xf32>
      %swap3A_79 = arith.index_cast %add3A_72 : i32 to index
      %swap3A_80 = arith.constant 0 : index
      %swap3A_81 = tpu.vector_load %arg12[%swap3A_79, %swap3A_80] {strides = array<i32>} : memref<256x32xf32, #tpu.memory_space<vmem>>, vector<1x16xf32>,
      %swap3A_82 = vector.shape_cast %swap3A_81 : vector<1x16xf32> to vector<16xf32>
      %swap3A_83 = vector.shape_cast %get3A_78 : vector<16xf32> to vector<1x16xf32>
      tpu.vector_store %arg12[%swap3A_79, %swap3A_80], %swap3A_83 {strides = array<i32>} : memref<256x32xf32, #tpu.memory_space<vmem>>, vector<1x16xf32>,
      %add3A_84 = arith.constant 16 : i32
      %add3A_85 = arith.addi %squeeze3A_74, %add3A_84 : i32
      %get3A_86 = arith.index_cast %add3A_72 : i32 to index
      %get3A_87 = arith.index_cast %add3A_85 : i32 to index
      %get3A_88 = tpu.vector_load %arg11[%get3A_86, %get3A_87] {strides = array<i32>} : memref<256x128xf32, #tpu.memory_space<vmem>>, vector<1x16xf32>,
      %get3A_89 = vector.shape_cast %get3A_88 : vector<1x16xf32> to vector<16xf32>
      %swap3A_90 = arith.index_cast %add3A_72 : i32 to index
      %swap3A_91 = arith.constant 16 : index
      %swap3A_92 = tpu.vector_load %arg12[%swap3A_90, %swap3A_91] {strides = array<i32>} : memref<256x32xf32, #tpu.memory_space<vmem>>, vector<1x16xf32>,
      %swap3A_93 = vector.shape_cast %swap3A_92 : vector<1x16xf32> to vector<16xf32>
      %swap3A_94 = vector.shape_cast %get3A_89 : vector<16xf32> to vector<1x16xf32>
      tpu.vector_store %arg12[%swap3A_90, %swap3A_91], %swap3A_94 {strides = array<i32>} : memref<256x32xf32, #tpu.memory_space<vmem>>, vector<1x16xf32>,
      %mul3A_95 = arith.constant 16 : i32
      %mul3A_96 = arith.muli %scan3A_40, %mul3A_95 : i32
      %add3A_97 = arith.constant 2 : i32
      %add3A_98 = arith.addi %mul3A_96, %add3A_97 : i32
      %slice3A_99 = vector.extract_strided_slice %get3A_45 {offsets = [2], sizes = [1], strides = [1]} : vector<16xi32> to vector<1xi32>
      %squeeze3A_100 = vector.extract %slice3A_99[0] : i32 from vector<1xi32>
      %get3A_101 = arith.index_cast %add3A_98 : i32 to index
      %get3A_102 = arith.index_cast %squeeze3A_100 : i32 to index
      %get3A_103 = tpu.vector_load %arg11[%get3A_101, %get3A_102] {strides = array<i32>} : memref<256x128xf32, #tpu.memory_space<vmem>>, vector<1x16xf32>,
      %get3A_104 = vector.shape_cast %get3A_103 : vector<1x16xf32> to vector<16xf32>
      %swap3A_105 = arith.index_cast %add3A_98 : i32 to index
      %swap3A_106 = arith.constant 0 : index
      %swap3A_107 = tpu.vector_load %arg12[%swap3A_105, %swap3A_106] {strides = array<i32>} : memref<256x32xf32, #tpu.memory_space<vmem>>, vector<1x16xf32>,
      %swap3A_108 = vector.shape_cast %swap3A_107 : vector<1x16xf32> to vector<16xf32>
      %swap3A_109 = vector.shape_cast %get3A_104 : vector<16xf32> to vector<1x16xf32>
      tpu.vector_store %arg12[%swap3A_105, %swap3A_106], %swap3A_109 {strides = array<i32>} : memref<256x32xf32, #tpu.memory_space<vmem>>, vector<1x16xf32>,
      %add3A_110 = arith.constant 16 : i32
      %add3A_111 = arith.addi %squeeze3A_100, %add3A_110 : i32
      %get3A_112 = arith.index_cast %add3A_98 : i32 to index
      %get3A_113 = arith.index_cast %add3A_111 : i32 to index
      %get3A_114 = tpu.vector_load %arg11[%get3A_112, %get3A_113] {strides = array<i32>} : memref<256x128xf32, #tpu.memory_space<vmem>>, vector<1x16xf32>,
      %get3A_115 = vector.shape_cast %get3A_114 : vector<1x16xf32> to vector<16xf32>
      %swap3A_116 = arith.index_cast %add3A_98 : i32 to index
      %swap3A_117 = arith.constant 16 : index
      %swap3A_118 = tpu.vector_load %arg12[%swap3A_116, %swap3A_117] {strides = array<i32>} : memref<256x32xf32, #tpu.memory_space<vmem>>, vector<1x16xf32>,
      %swap3A_119 = vector.shape_cast %swap3A_118 : vector<1x16xf32> to vector<16xf32>
      %swap3A_120 = vector.shape_cast %get3A_115 : vector<16xf32> to vector<1x16xf32>
      tpu.vector_store %arg12[%swap3A_116, %swap3A_117], %swap3A_120 {strides = array<i32>} : memref<256x32xf32, #tpu.memory_space<vmem>>, vector<1x16xf32>,
      %mul3A_121 = arith.constant 16 : i32
      %mul3A_122 = arith.muli %scan3A_40, %mul3A_121 : i32
      %add3A_123 = arith.constant 3 : i32
      %add3A_124 = arith.addi %mul3A_122, %add3A_123 : i32
      %slice3A_125 = vector.extract_strided_slice %get3A_45 {offsets = [3], sizes = [1], strides = [1]} : vector<16xi32> to vector<1xi32>
      %squeeze3A_126 = vector.extract %slice3A_125[0] : i32 from vector<1xi32>
      %get3A_127 = arith.index_cast %add3A_124 : i32 to index
      %get3A_128 = arith.index_cast %squeeze3A_126 : i32 to index
      %get3A_129 = tpu.vector_load %arg11[%get3A_127, %get3A_128] {strides = array<i32>} : memref<256x128xf32, #tpu.memory_space<vmem>>, vector<1x16xf32>,
      %get3A_130 = vector.shape_cast %get3A_129 : vector<1x16xf32> to vector<16xf32>
      %swap3A_131 = arith.index_cast %add3A_124 : i32 to index
      %swap3A_132 = arith.constant 0 : index
      %swap3A_133 = tpu.vector_load %arg12[%swap3A_131, %swap3A_132] {strides = array<i32>} : memref<256x32xf32, #tpu.memory_space<vmem>>, vector<1x16xf32>,
      %swap3A_134 = vector.shape_cast %swap3A_133 : vector<1x16xf32> to vector<16xf32>
      %swap3A_135 = vector.shape_cast %get3A_130 : vector<16xf32> to vector<1x16xf32>
      tpu.vector_store %arg12[%swap3A_131, %swap3A_132], %swap3A_135 {strides = array<i32>} : memref<256x32xf32, #tpu.memory_space<vmem>>, vector<1x16xf32>,
      %add3A_136 = arith.constant 16 : i32
      %add3A_137 = arith.addi %squeeze3A_126, %add3A_136 : i32
      %get3A_138 = arith.index_cast %add3A_124 : i32 to index
      %get3A_139 = arith.index_cast %add3A_137 : i32 to index
      %get3A_140 = tpu.vector_load %arg11[%get3A_138, %get3A_139] {strides = array<i32>} : memref<256x128xf32, #tpu.memory_space<vmem>>, vector<1x16xf32>,
      %get3A_141 = vector.shape_cast %get3A_140 : vector<1x16xf32> to vector<16xf32>
      %swap3A_142 = arith.index_cast %add3A_124 : i32 to index
      %swap3A_143 = arith.constant 16 : index
      %swap3A_144 = tpu.vector_load %arg12[%swap3A_142, %swap3A_143] {strides = array<i32>} : memref<256x32xf32, #tpu.memory_space<vmem>>, vector<1x16xf32>,
      %swap3A_145 = vector.shape_cast %swap3A_144 : vector<1x16xf32> to vector<16xf32>
      %swap3A_146 = vector.shape_cast %get3A_141 : vector<16xf32> to vector<1x16xf32>
      tpu.vector_store %arg12[%swap3A_142, %swap3A_143], %swap3A_146 {strides = array<i32>} : memref<256x32xf32, #tpu.memory_space<vmem>>, vector<1x16xf32>,
      %mul3A_147 = arith.constant 16 : i32
      %mul3A_148 = arith.muli %scan3A_40, %mul3A_147 : i32
      %add3A_149 = arith.constant 4 : i32
      %add3A_150 = arith.addi %mul3A_148, %add3A_149 : i32
      %slice3A_151 = vector.extract_strided_slice %get3A_45 {offsets = [4], sizes = [1], strides = [1]} : vector<16xi32> to vector<1xi32>
      %squeeze3A_152 = vector.extract %slice3A_151[0] : i32 from vector<1xi32>
      %get3A_153 = arith.index_cast %add3A_150 : i32 to index
      %get3A_154 = arith.index_cast %squeeze3A_152 : i32 to index
      %get3A_155 = tpu.vector_load %arg11[%get3A_153, %get3A_154] {strides = array<i32>} : memref<256x128xf32, #tpu.memory_space<vmem>>, vector<1x16xf32>,
      %get3A_156 = vector.shape_cast %get3A_155 : vector<1x16xf32> to vector<16xf32>
      %swap3A_157 = arith.index_cast %add3A_150 : i32 to index
      %swap3A_158 = arith.constant 0 : index
      %swap3A_159 = tpu.vector_load %arg12[%swap3A_157, %swap3A_158] {strides = array<i32>} : memref<256x32xf32, #tpu.memory_space<vmem>>, vector<1x16xf32>,
      %swap3A_160 = vector.shape_cast %swap3A_159 : vector<1x16xf32> to vector<16xf32>
      %swap3A_161 = vector.shape_cast %get3A_156 : vector<16xf32> to vector<1x16xf32>
      tpu.vector_store %arg12[%swap3A_157, %swap3A_158], %swap3A_161 {strides = array<i32>} : memref<256x32xf32, #tpu.memory_space<vmem>>, vector<1x16xf32>,
      %add3A_162 = arith.constant 16 : i32
      %add3A_163 = arith.addi %squeeze3A_152, %add3A_162 : i32
      %get3A_164 = arith.index_cast %add3A_150 : i32 to index
      %get3A_165 = arith.index_cast %add3A_163 : i32 to index
      %get3A_166 = tpu.vector_load %arg11[%get3A_164, %get3A_165] {strides = array<i32>} : memref<256x128xf32, #tpu.memory_space<vmem>>, vector<1x16xf32>,
      %get3A_167 = vector.shape_cast %get3A_166 : vector<1x16xf32> to vector<16xf32>
      %swap3A_168 = arith.index_cast %add3A_150 : i32 to index
      %swap3A_169 = arith.constant 16 : index
      %swap3A_170 = tpu.vector_load %arg12[%swap3A_168, %swap3A_169] {strides = array<i32>} : memref<256x32xf32, #tpu.memory_space<vmem>>, vector<1x16xf32>,
      %swap3A_171 = vector.shape_cast %swap3A_170 : vector<1x16xf32> to vector<16xf32>
      %swap3A_172 = vector.shape_cast %get3A_167 : vector<16xf32> to vector<1x16xf32>
      tpu.vector_store %arg12[%swap3A_168, %swap3A_169], %swap3A_172 {strides = array<i32>} : memref<256x32xf32, #tpu.memory_space<vmem>>, vector<1x16xf32>,
      %mul3A_173 = arith.constant 16 : i32
      %mul3A_174 = arith.muli %scan3A_40, %mul3A_173 : i32
      %add3A_175 = arith.constant 5 : i32
      %add3A_176 = arith.addi %mul3A_174, %add3A_175 : i32
      %slice3A_177 = vector.extract_strided_slice %get3A_45 {offsets = [5], sizes = [1], strides = [1]} : vector<16xi32> to vector<1xi32>
      %squeeze3A_178 = vector.extract %slice3A_177[0] : i32 from vector<1xi32>
      %get3A_179 = arith.index_cast %add3A_176 : i32 to index
      %get3A_180 = arith.index_cast %squeeze3A_178 : i32 to index
      %get3A_181 = tpu.vector_load %arg11[%get3A_179, %get3A_180] {strides = array<i32>} : memref<256x128xf32, #tpu.memory_space<vmem>>, vector<1x16xf32>,
      %get3A_182 = vector.shape_cast %get3A_181 : vector<1x16xf32> to vector<16xf32>
      %swap3A_183 = arith.index_cast %add3A_176 : i32 to index
      %swap3A_184 = arith.constant 0 : index
      %swap3A_185 = tpu.vector_load %arg12[%swap3A_183, %swap3A_184] {strides = array<i32>} : memref<256x32xf32, #tpu.memory_space<vmem>>, vector<1x16xf32>,
      %swap3A_186 = vector.shape_cast %swap3A_185 : vector<1x16xf32> to vector<16xf32>
      %swap3A_187 = vector.shape_cast %get3A_182 : vector<16xf32> to vector<1x16xf32>
      tpu.vector_store %arg12[%swap3A_183, %swap3A_184], %swap3A_187 {strides = array<i32>} : memref<256x32xf32, #tpu.memory_space<vmem>>, vector<1x16xf32>,
      %add3A_188 = arith.constant 16 : i32
      %add3A_189 = arith.addi %squeeze3A_178, %add3A_188 : i32
      %get3A_190 = arith.index_cast %add3A_176 : i32 to index
      %get3A_191 = arith.index_cast %add3A_189 : i32 to index
      %get3A_192 = tpu.vector_load %arg11[%get3A_190, %get3A_191] {strides = array<i32>} : memref<256x128xf32, #tpu.memory_space<vmem>>, vector<1x16xf32>,
      %get3A_193 = vector.shape_cast %get3A_192 : vector<1x16xf32> to vector<16xf32>
      %swap3A_194 = arith.index_cast %add3A_176 : i32 to index
      %swap3A_195 = arith.constant 16 : index
      %swap3A_196 = tpu.vector_load %arg12[%swap3A_194, %swap3A_195] {strides = array<i32>} : memref<256x32xf32, #tpu.memory_space<vmem>>, vector<1x16xf32>,
      %swap3A_197 = vector.shape_cast %swap3A_196 : vector<1x16xf32> to vector<16xf32>
      %swap3A_198 = vector.shape_cast %get3A_193 : vector<16xf32> to vector<1x16xf32>
      tpu.vector_store %arg12[%swap3A_194, %swap3A_195], %swap3A_198 {strides = array<i32>} : memref<256x32xf32, #tpu.memory_space<vmem>>, vector<1x16xf32>,
      %mul3A_199 = arith.constant 16 : i32
      %mul3A_200 = arith.muli %scan3A_40, %mul3A_199 : i32
      %add3A_201 = arith.constant 6 : i32
      %add3A_202 = arith.addi %mul3A_200, %add3A_201 : i32
      %slice3A_203 = vector.extract_strided_slice %get3A_45 {offsets = [6], sizes = [1], strides = [1]} : vector<16xi32> to vector<1xi32>
      %squeeze3A_204 = vector.extract %slice3A_203[0] : i32 from vector<1xi32>
      %get3A_205 = arith.index_cast %add3A_202 : i32 to index
      %get3A_206 = arith.index_cast %squeeze3A_204 : i32 to index
      %get3A_207 = tpu.vector_load %arg11[%get3A_205, %get3A_206] {strides = array<i32>} : memref<256x128xf32, #tpu.memory_space<vmem>>, vector<1x16xf32>,
      %get3A_208 = vector.shape_cast %get3A_207 : vector<1x16xf32> to vector<16xf32>
      %swap3A_209 = arith.index_cast %add3A_202 : i32 to index
      %swap3A_210 = arith.constant 0 : index
      %swap3A_211 = tpu.vector_load %arg12[%swap3A_209, %swap3A_210] {strides = array<i32>} : memref<256x32xf32, #tpu.memory_space<vmem>>, vector<1x16xf32>,
      %swap3A_212 = vector.shape_cast %swap3A_211 : vector<1x16xf32> to vector<16xf32>
      %swap3A_213 = vector.shape_cast %get3A_208 : vector<16xf32> to vector<1x16xf32>
      tpu.vector_store %arg12[%swap3A_209, %swap3A_210], %swap3A_213 {strides = array<i32>} : memref<256x32xf32, #tpu.memory_space<vmem>>, vector<1x16xf32>,
      %add3A_214 = arith.constant 16 : i32
      %add3A_215 = arith.addi %squeeze3A_204, %add3A_214 : i32
      %get3A_216 = arith.index_cast %add3A_202 : i32 to index
      %get3A_217 = arith.index_cast %add3A_215 : i32 to index
      %get3A_218 = tpu.vector_load %arg11[%get3A_216, %get3A_217] {strides = array<i32>} : memref<256x128xf32, #tpu.memory_space<vmem>>, vector<1x16xf32>,
      %get3A_219 = vector.shape_cast %get3A_218 : vector<1x16xf32> to vector<16xf32>
      %swap3A_220 = arith.index_cast %add3A_202 : i32 to index
      %swap3A_221 = arith.constant 16 : index
      %swap3A_222 = tpu.vector_load %arg12[%swap3A_220, %swap3A_221] {strides = array<i32>} : memref<256x32xf32, #tpu.memory_space<vmem>>, vector<1x16xf32>,
      %swap3A_223 = vector.shape_cast %swap3A_222 : vector<1x16xf32> to vector<16xf32>
      %swap3A_224 = vector.shape_cast %get3A_219 : vector<16xf32> to vector<1x16xf32>
      tpu.vector_store %arg12[%swap3A_220, %swap3A_221], %swap3A_224 {strides = array<i32>} : memref<256x32xf32, #tpu.memory_space<vmem>>, vector<1x16xf32>,
      %mul3A_225 = arith.constant 16 : i32
      %mul3A_226 = arith.muli %scan3A_40, %mul3A_225 : i32
      %add3A_227 = arith.constant 7 : i32
      %add3A_228 = arith.addi %mul3A_226, %add3A_227 : i32
      %slice3A_229 = vector.extract_strided_slice %get3A_45 {offsets = [7], sizes = [1], strides = [1]} : vector<16xi32> to vector<1xi32>
      %squeeze3A_230 = vector.extract %slice3A_229[0] : i32 from vector<1xi32>
      %get3A_231 = arith.index_cast %add3A_228 : i32 to index
      %get3A_232 = arith.index_cast %squeeze3A_230 : i32 to index
      %get3A_233 = tpu.vector_load %arg11[%get3A_231, %get3A_232] {strides = array<i32>} : memref<256x128xf32, #tpu.memory_space<vmem>>, vector<1x16xf32>,
      %get3A_234 = vector.shape_cast %get3A_233 : vector<1x16xf32> to vector<16xf32>
      %swap3A_235 = arith.index_cast %add3A_228 : i32 to index
      %swap3A_236 = arith.constant 0 : index
      %swap3A_237 = tpu.vector_load %arg12[%swap3A_235, %swap3A_236] {strides = array<i32>} : memref<256x32xf32, #tpu.memory_space<vmem>>, vector<1x16xf32>,
      %swap3A_238 = vector.shape_cast %swap3A_237 : vector<1x16xf32> to vector<16xf32>
      %swap3A_239 = vector.shape_cast %get3A_234 : vector<16xf32> to vector<1x16xf32>
      tpu.vector_store %arg12[%swap3A_235, %swap3A_236], %swap3A_239 {strides = array<i32>} : memref<256x32xf32, #tpu.memory_space<vmem>>, vector<1x16xf32>,
      %add3A_240 = arith.constant 16 : i32
      %add3A_241 = arith.addi %squeeze3A_230, %add3A_240 : i32
      %get3A_242 = arith.index_cast %add3A_228 : i32 to index
      %get3A_243 = arith.index_cast %add3A_241 : i32 to index
      %get3A_244 = tpu.vector_load %arg11[%get3A_242, %get3A_243] {strides = array<i32>} : memref<256x128xf32, #tpu.memory_space<vmem>>, vector<1x16xf32>,
      %get3A_245 = vector.shape_cast %get3A_244 : vector<1x16xf32> to vector<16xf32>
      %swap3A_246 = arith.index_cast %add3A_228 : i32 to index
      %swap3A_247 = arith.constant 16 : index
      %swap3A_248 = tpu.vector_load %arg12[%swap3A_246, %swap3A_247] {strides = array<i32>} : memref<256x32xf32, #tpu.memory_space<vmem>>, vector<1x16xf32>,
      %swap3A_249 = vector.shape_cast %swap3A_248 : vector<1x16xf32> to vector<16xf32>
      %swap3A_250 = vector.shape_cast %get3A_245 : vector<16xf32> to vector<1x16xf32>
      tpu.vector_store %arg12[%swap3A_246, %swap3A_247], %swap3A_250 {strides = array<i32>} : memref<256x32xf32, #tpu.memory_space<vmem>>, vector<1x16xf32>,
      %mul3A_251 = arith.constant 16 : i32
      %mul3A_252 = arith.muli %scan3A_40, %mul3A_251 : i32
      %add3A_253 = arith.constant 8 : i32
      %add3A_254 = arith.addi %mul3A_252, %add3A_253 : i32
      %slice3A_255 = vector.extract_strided_slice %get3A_45 {offsets = [8], sizes = [1], strides = [1]} : vector<16xi32> to vector<1xi32>
      %squeeze3A_256 = vector.extract %slice3A_255[0] : i32 from vector<1xi32>
      %get3A_257 = arith.index_cast %add3A_254 : i32 to index
      %get3A_258 = arith.index_cast %squeeze3A_256 : i32 to index
      %get3A_259 = tpu.vector_load %arg11[%get3A_257, %get3A_258] {strides = array<i32>} : memref<256x128xf32, #tpu.memory_space<vmem>>, vector<1x16xf32>,
      %get3A_260 = vector.shape_cast %get3A_259 : vector<1x16xf32> to vector<16xf32>
      %swap3A_261 = arith.index_cast %add3A_254 : i32 to index
      %swap3A_262 = arith.constant 0 : index
      %swap3A_263 = tpu.vector_load %arg12[%swap3A_261, %swap3A_262] {strides = array<i32>} : memref<256x32xf32, #tpu.memory_space<vmem>>, vector<1x16xf32>,
      %swap3A_264 = vector.shape_cast %swap3A_263 : vector<1x16xf32> to vector<16xf32>
      %swap3A_265 = vector.shape_cast %get3A_260 : vector<16xf32> to vector<1x16xf32>
      tpu.vector_store %arg12[%swap3A_261, %swap3A_262], %swap3A_265 {strides = array<i32>} : memref<256x32xf32, #tpu.memory_space<vmem>>, vector<1x16xf32>,
      %add3A_266 = arith.constant 16 : i32
      %add3A_267 = arith.addi %squeeze3A_256, %add3A_266 : i32
      %get3A_268 = arith.index_cast %add3A_254 : i32 to index
      %get3A_269 = arith.index_cast %add3A_267 : i32 to index
      %get3A_270 = tpu.vector_load %arg11[%get3A_268, %get3A_269] {strides = array<i32>} : memref<256x128xf32, #tpu.memory_space<vmem>>, vector<1x16xf32>,
      %get3A_271 = vector.shape_cast %get3A_270 : vector<1x16xf32> to vector<16xf32>
      %swap3A_272 = arith.index_cast %add3A_254 : i32 to index
      %swap3A_273 = arith.constant 16 : index
      %swap3A_274 = tpu.vector_load %arg12[%swap3A_272, %swap3A_273] {strides = array<i32>} : memref<256x32xf32, #tpu.memory_space<vmem>>, vector<1x16xf32>,
      %swap3A_275 = vector.shape_cast %swap3A_274 : vector<1x16xf32> to vector<16xf32>
      %swap3A_276 = vector.shape_cast %get3A_271 : vector<16xf32> to vector<1x16xf32>
      tpu.vector_store %arg12[%swap3A_272, %swap3A_273], %swap3A_276 {strides = array<i32>} : memref<256x32xf32, #tpu.memory_space<vmem>>, vector<1x16xf32>,
      %mul3A_277 = arith.constant 16 : i32
      %mul3A_278 = arith.muli %scan3A_40, %mul3A_277 : i32
      %add3A_279 = arith.constant 9 : i32
      %add3A_280 = arith.addi %mul3A_278, %add3A_279 : i32
      %slice3A_281 = vector.extract_strided_slice %get3A_45 {offsets = [9], sizes = [1], strides = [1]} : vector<16xi32> to vector<1xi32>
      %squeeze3A_282 = vector.extract %slice3A_281[0] : i32 from vector<1xi32>
      %get3A_283 = arith.index_cast %add3A_280 : i32 to index
      %get3A_284 = arith.index_cast %squeeze3A_282 : i32 to index
      %get3A_285 = tpu.vector_load %arg11[%get3A_283, %get3A_284] {strides = array<i32>} : memref<256x128xf32, #tpu.memory_space<vmem>>, vector<1x16xf32>,
      %get3A_286 = vector.shape_cast %get3A_285 : vector<1x16xf32> to vector<16xf32>
      %swap3A_287 = arith.index_cast %add3A_280 : i32 to index
      %swap3A_288 = arith.constant 0 : index
      %swap3A_289 = tpu.vector_load %arg12[%swap3A_287, %swap3A_288] {strides = array<i32>} : memref<256x32xf32, #tpu.memory_space<vmem>>, vector<1x16xf32>,
      %swap3A_290 = vector.shape_cast %swap3A_289 : vector<1x16xf32> to vector<16xf32>
      %swap3A_291 = vector.shape_cast %get3A_286 : vector<16xf32> to vector<1x16xf32>
      tpu.vector_store %arg12[%swap3A_287, %swap3A_288], %swap3A_291 {strides = array<i32>} : memref<256x32xf32, #tpu.memory_space<vmem>>, vector<1x16xf32>,
      %add3A_292 = arith.constant 16 : i32
      %add3A_293 = arith.addi %squeeze3A_282, %add3A_292 : i32
      %get3A_294 = arith.index_cast %add3A_280 : i32 to index
      %get3A_295 = arith.index_cast %add3A_293 : i32 to index
      %get3A_296 = tpu.vector_load %arg11[%get3A_294, %get3A_295] {strides = array<i32>} : memref<256x128xf32, #tpu.memory_space<vmem>>, vector<1x16xf32>,
      %get3A_297 = vector.shape_cast %get3A_296 : vector<1x16xf32> to vector<16xf32>
      %swap3A_298 = arith.index_cast %add3A_280 : i32 to index
      %swap3A_299 = arith.constant 16 : index
      %swap3A_300 = tpu.vector_load %arg12[%swap3A_298, %swap3A_299] {strides = array<i32>} : memref<256x32xf32, #tpu.memory_space<vmem>>, vector<1x16xf32>,
      %swap3A_301 = vector.shape_cast %swap3A_300 : vector<1x16xf32> to vector<16xf32>
      %swap3A_302 = vector.shape_cast %get3A_297 : vector<16xf32> to vector<1x16xf32>
      tpu.vector_store %arg12[%swap3A_298, %swap3A_299], %swap3A_302 {strides = array<i32>} : memref<256x32xf32, #tpu.memory_space<vmem>>, vector<1x16xf32>,
      %mul3A_303 = arith.constant 16 : i32
      %mul3A_304 = arith.muli %scan3A_40, %mul3A_303 : i32
      %add3A_305 = arith.constant 10 : i32
      %add3A_306 = arith.addi %mul3A_304, %add3A_305 : i32
      %slice3A_307 = vector.extract_strided_slice %get3A_45 {offsets = [10], sizes = [1], strides = [1]} : vector<16xi32> to vector<1xi32>
      %squeeze3A_308 = vector.extract %slice3A_307[0] : i32 from vector<1xi32>
      %get3A_309 = arith.index_cast %add3A_306 : i32 to index
      %get3A_310 = arith.index_cast %squeeze3A_308 : i32 to index
      %get3A_311 = tpu.vector_load %arg11[%get3A_309, %get3A_310] {strides = array<i32>} : memref<256x128xf32, #tpu.memory_space<vmem>>, vector<1x16xf32>,
      %get3A_312 = vector.shape_cast %get3A_311 : vector<1x16xf32> to vector<16xf32>
      %swap3A_313 = arith.index_cast %add3A_306 : i32 to index
      %swap3A_314 = arith.constant 0 : index
      %swap3A_315 = tpu.vector_load %arg12[%swap3A_313, %swap3A_314] {strides = array<i32>} : memref<256x32xf32, #tpu.memory_space<vmem>>, vector<1x16xf32>,
      %swap3A_316 = vector.shape_cast %swap3A_315 : vector<1x16xf32> to vector<16xf32>
      %swap3A_317 = vector.shape_cast %get3A_312 : vector<16xf32> to vector<1x16xf32>
      tpu.vector_store %arg12[%swap3A_313, %swap3A_314], %swap3A_317 {strides = array<i32>} : memref<256x32xf32, #tpu.memory_space<vmem>>, vector<1x16xf32>,
      %add3A_318 = arith.constant 16 : i32
      %add3A_319 = arith.addi %squeeze3A_308, %add3A_318 : i32
      %get3A_320 = arith.index_cast %add3A_306 : i32 to index
      %get3A_321 = arith.index_cast %add3A_319 : i32 to index
      %get3A_322 = tpu.vector_load %arg11[%get3A_320, %get3A_321] {strides = array<i32>} : memref<256x128xf32, #tpu.memory_space<vmem>>, vector<1x16xf32>,
      %get3A_323 = vector.shape_cast %get3A_322 : vector<1x16xf32> to vector<16xf32>
      %swap3A_324 = arith.index_cast %add3A_306 : i32 to index
      %swap3A_325 = arith.constant 16 : index
      %swap3A_326 = tpu.vector_load %arg12[%swap3A_324, %swap3A_325] {strides = array<i32>} : memref<256x32xf32, #tpu.memory_space<vmem>>, vector<1x16xf32>,
      %swap3A_327 = vector.shape_cast %swap3A_326 : vector<1x16xf32> to vector<16xf32>
      %swap3A_328 = vector.shape_cast %get3A_323 : vector<16xf32> to vector<1x16xf32>
      tpu.vector_store %arg12[%swap3A_324, %swap3A_325], %swap3A_328 {strides = array<i32>} : memref<256x32xf32, #tpu.memory_space<vmem>>, vector<1x16xf32>,
      %mul3A_329 = arith.constant 16 : i32
      %mul3A_330 = arith.muli %scan3A_40, %mul3A_329 : i32
      %add3A_331 = arith.constant 11 : i32
      %add3A_332 = arith.addi %mul3A_330, %add3A_331 : i32
      %slice3A_333 = vector.extract_strided_slice %get3A_45 {offsets = [11], sizes = [1], strides = [1]} : vector<16xi32> to vector<1xi32>
      %squeeze3A_334 = vector.extract %slice3A_333[0] : i32 from vector<1xi32>
      %get3A_335 = arith.index_cast %add3A_332 : i32 to index
      %get3A_336 = arith.index_cast %squeeze3A_334 : i32 to index
      %get3A_337 = tpu.vector_load %arg11[%get3A_335, %get3A_336] {strides = array<i32>} : memref<256x128xf32, #tpu.memory_space<vmem>>, vector<1x16xf32>,
      %get3A_338 = vector.shape_cast %get3A_337 : vector<1x16xf32> to vector<16xf32>
      %swap3A_339 = arith.index_cast %add3A_332 : i32 to index
      %swap3A_340 = arith.constant 0 : index
      %swap3A_341 = tpu.vector_load %arg12[%swap3A_339, %swap3A_340] {strides = array<i32>} : memref<256x32xf32, #tpu.memory_space<vmem>>, vector<1x16xf32>,
      %swap3A_342 = vector.shape_cast %swap3A_341 : vector<1x16xf32> to vector<16xf32>
      %swap3A_343 = vector.shape_cast %get3A_338 : vector<16xf32> to vector<1x16xf32>
      tpu.vector_store %arg12[%swap3A_339, %swap3A_340], %swap3A_343 {strides = array<i32>} : memref<256x32xf32, #tpu.memory_space<vmem>>, vector<1x16xf32>,
      %add3A_344 = arith.constant 16 : i32
      %add3A_345 = arith.addi %squeeze3A_334, %add3A_344 : i32
      %get3A_346 = arith.index_cast %add3A_332 : i32 to index
      %get3A_347 = arith.index_cast %add3A_345 : i32 to index
      %get3A_348 = tpu.vector_load %arg11[%get3A_346, %get3A_347] {strides = array<i32>} : memref<256x128xf32, #tpu.memory_space<vmem>>, vector<1x16xf32>,
      %get3A_349 = vector.shape_cast %get3A_348 : vector<1x16xf32> to vector<16xf32>
      %swap3A_350 = arith.index_cast %add3A_332 : i32 to index
      %swap3A_351 = arith.constant 16 : index
      %swap3A_352 = tpu.vector_load %arg12[%swap3A_350, %swap3A_351] {strides = array<i32>} : memref<256x32xf32, #tpu.memory_space<vmem>>, vector<1x16xf32>,
      %swap3A_353 = vector.shape_cast %swap3A_352 : vector<1x16xf32> to vector<16xf32>
      %swap3A_354 = vector.shape_cast %get3A_349 : vector<16xf32> to vector<1x16xf32>
      tpu.vector_store %arg12[%swap3A_350, %swap3A_351], %swap3A_354 {strides = array<i32>} : memref<256x32xf32, #tpu.memory_space<vmem>>, vector<1x16xf32>,
      %mul3A_355 = arith.constant 16 : i32
      %mul3A_356 = arith.muli %scan3A_40, %mul3A_355 : i32
      %add3A_357 = arith.constant 12 : i32
      %add3A_358 = arith.addi %mul3A_356, %add3A_357 : i32
      %slice3A_359 = vector.extract_strided_slice %get3A_45 {offsets = [12], sizes = [1], strides = [1]} : vector<16xi32> to vector<1xi32>
      %squeeze3A_360 = vector.extract %slice3A_359[0] : i32 from vector<1xi32>
      %get3A_361 = arith.index_cast %add3A_358 : i32 to index
      %get3A_362 = arith.index_cast %squeeze3A_360 : i32 to index
      %get3A_363 = tpu.vector_load %arg11[%get3A_361, %get3A_362] {strides = array<i32>} : memref<256x128xf32, #tpu.memory_space<vmem>>, vector<1x16xf32>,
      %get3A_364 = vector.shape_cast %get3A_363 : vector<1x16xf32> to vector<16xf32>
      %swap3A_365 = arith.index_cast %add3A_358 : i32 to index
      %swap3A_366 = arith.constant 0 : index
      %swap3A_367 = tpu.vector_load %arg12[%swap3A_365, %swap3A_366] {strides = array<i32>} : memref<256x32xf32, #tpu.memory_space<vmem>>, vector<1x16xf32>,
      %swap3A_368 = vector.shape_cast %swap3A_367 : vector<1x16xf32> to vector<16xf32>
      %swap3A_369 = vector.shape_cast %get3A_364 : vector<16xf32> to vector<1x16xf32>
      tpu.vector_store %arg12[%swap3A_365, %swap3A_366], %swap3A_369 {strides = array<i32>} : memref<256x32xf32, #tpu.memory_space<vmem>>, vector<1x16xf32>,
      %add3A_370 = arith.constant 16 : i32
      %add3A_371 = arith.addi %squeeze3A_360, %add3A_370 : i32
      %get3A_372 = arith.index_cast %add3A_358 : i32 to index
      %get3A_373 = arith.index_cast %add3A_371 : i32 to index
      %get3A_374 = tpu.vector_load %arg11[%get3A_372, %get3A_373] {strides = array<i32>} : memref<256x128xf32, #tpu.memory_space<vmem>>, vector<1x16xf32>,
      %get3A_375 = vector.shape_cast %get3A_374 : vector<1x16xf32> to vector<16xf32>
      %swap3A_376 = arith.index_cast %add3A_358 : i32 to index
      %swap3A_377 = arith.constant 16 : index
      %swap3A_378 = tpu.vector_load %arg12[%swap3A_376, %swap3A_377] {strides = array<i32>} : memref<256x32xf32, #tpu.memory_space<vmem>>, vector<1x16xf32>,
      %swap3A_379 = vector.shape_cast %swap3A_378 : vector<1x16xf32> to vector<16xf32>
      %swap3A_380 = vector.shape_cast %get3A_375 : vector<16xf32> to vector<1x16xf32>
      tpu.vector_store %arg12[%swap3A_376, %swap3A_377], %swap3A_380 {strides = array<i32>} : memref<256x32xf32, #tpu.memory_space<vmem>>, vector<1x16xf32>,
      %mul3A_381 = arith.constant 16 : i32
      %mul3A_382 = arith.muli %scan3A_40, %mul3A_381 : i32
      %add3A_383 = arith.constant 13 : i32
      %add3A_384 = arith.addi %mul3A_382, %add3A_383 : i32
      %slice3A_385 = vector.extract_strided_slice %get3A_45 {offsets = [13], sizes = [1], strides = [1]} : vector<16xi32> to vector<1xi32>
      %squeeze3A_386 = vector.extract %slice3A_385[0] : i32 from vector<1xi32>
      %get3A_387 = arith.index_cast %add3A_384 : i32 to index
      %get3A_388 = arith.index_cast %squeeze3A_386 : i32 to index
      %get3A_389 = tpu.vector_load %arg11[%get3A_387, %get3A_388] {strides = array<i32>} : memref<256x128xf32, #tpu.memory_space<vmem>>, vector<1x16xf32>,
      %get3A_390 = vector.shape_cast %get3A_389 : vector<1x16xf32> to vector<16xf32>
      %swap3A_391 = arith.index_cast %add3A_384 : i32 to index
      %swap3A_392 = arith.constant 0 : index
      %swap3A_393 = tpu.vector_load %arg12[%swap3A_391, %swap3A_392] {strides = array<i32>} : memref<256x32xf32, #tpu.memory_space<vmem>>, vector<1x16xf32>,
      %swap3A_394 = vector.shape_cast %swap3A_393 : vector<1x16xf32> to vector<16xf32>
      %swap3A_395 = vector.shape_cast %get3A_390 : vector<16xf32> to vector<1x16xf32>
      tpu.vector_store %arg12[%swap3A_391, %swap3A_392], %swap3A_395 {strides = array<i32>} : memref<256x32xf32, #tpu.memory_space<vmem>>, vector<1x16xf32>,
      %add3A_396 = arith.constant 16 : i32
      %add3A_397 = arith.addi %squeeze3A_386, %add3A_396 : i32
      %get3A_398 = arith.index_cast %add3A_384 : i32 to index
      %get3A_399 = arith.index_cast %add3A_397 : i32 to index
      %get3A_400 = tpu.vector_load %arg11[%get3A_398, %get3A_399] {strides = array<i32>} : memref<256x128xf32, #tpu.memory_space<vmem>>, vector<1x16xf32>,
      %get3A_401 = vector.shape_cast %get3A_400 : vector<1x16xf32> to vector<16xf32>
      %swap3A_402 = arith.index_cast %add3A_384 : i32 to index
      %swap3A_403 = arith.constant 16 : index
      %swap3A_404 = tpu.vector_load %arg12[%swap3A_402, %swap3A_403] {strides = array<i32>} : memref<256x32xf32, #tpu.memory_space<vmem>>, vector<1x16xf32>,
      %swap3A_405 = vector.shape_cast %swap3A_404 : vector<1x16xf32> to vector<16xf32>
      %swap3A_406 = vector.shape_cast %get3A_401 : vector<16xf32> to vector<1x16xf32>
      tpu.vector_store %arg12[%swap3A_402, %swap3A_403], %swap3A_406 {strides = array<i32>} : memref<256x32xf32, #tpu.memory_space<vmem>>, vector<1x16xf32>,
      %mul3A_407 = arith.constant 16 : i32
      %mul3A_408 = arith.muli %scan3A_40, %mul3A_407 : i32
      %add3A_409 = arith.constant 14 : i32
      %add3A_410 = arith.addi %mul3A_408, %add3A_409 : i32
      %slice3A_411 = vector.extract_strided_slice %get3A_45 {offsets = [14], sizes = [1], strides = [1]} : vector<16xi32> to vector<1xi32>
      %squeeze3A_412 = vector.extract %slice3A_411[0] : i32 from vector<1xi32>
      %get3A_413 = arith.index_cast %add3A_410 : i32 to index
      %get3A_414 = arith.index_cast %squeeze3A_412 : i32 to index
      %get3A_415 = tpu.vector_load %arg11[%get3A_413, %get3A_414] {strides = array<i32>} : memref<256x128xf32, #tpu.memory_space<vmem>>, vector<1x16xf32>,
      %get3A_416 = vector.shape_cast %get3A_415 : vector<1x16xf32> to vector<16xf32>
      %swap3A_417 = arith.index_cast %add3A_410 : i32 to index
      %swap3A_418 = arith.constant 0 : index
      %swap3A_419 = tpu.vector_load %arg12[%swap3A_417, %swap3A_418] {strides = array<i32>} : memref<256x32xf32, #tpu.memory_space<vmem>>, vector<1x16xf32>,
      %swap3A_420 = vector.shape_cast %swap3A_419 : vector<1x16xf32> to vector<16xf32>
      %swap3A_421 = vector.shape_cast %get3A_416 : vector<16xf32> to vector<1x16xf32>
      tpu.vector_store %arg12[%swap3A_417, %swap3A_418], %swap3A_421 {strides = array<i32>} : memref<256x32xf32, #tpu.memory_space<vmem>>, vector<1x16xf32>,
      %add3A_422 = arith.constant 16 : i32
      %add3A_423 = arith.addi %squeeze3A_412, %add3A_422 : i32
      %get3A_424 = arith.index_cast %add3A_410 : i32 to index
      %get3A_425 = arith.index_cast %add3A_423 : i32 to index
      %get3A_426 = tpu.vector_load %arg11[%get3A_424, %get3A_425] {strides = array<i32>} : memref<256x128xf32, #tpu.memory_space<vmem>>, vector<1x16xf32>,
      %get3A_427 = vector.shape_cast %get3A_426 : vector<1x16xf32> to vector<16xf32>
      %swap3A_428 = arith.index_cast %add3A_410 : i32 to index
      %swap3A_429 = arith.constant 16 : index
      %swap3A_430 = tpu.vector_load %arg12[%swap3A_428, %swap3A_429] {strides = array<i32>} : memref<256x32xf32, #tpu.memory_space<vmem>>, vector<1x16xf32>,
      %swap3A_431 = vector.shape_cast %swap3A_430 : vector<1x16xf32> to vector<16xf32>
      %swap3A_432 = vector.shape_cast %get3A_427 : vector<16xf32> to vector<1x16xf32>
      tpu.vector_store %arg12[%swap3A_428, %swap3A_429], %swap3A_432 {strides = array<i32>} : memref<256x32xf32, #tpu.memory_space<vmem>>, vector<1x16xf32>,
      %mul3A_433 = arith.constant 16 : i32
      %mul3A_434 = arith.muli %scan3A_40, %mul3A_433 : i32
      %add3A_435 = arith.constant 15 : i32
      %add3A_436 = arith.addi %mul3A_434, %add3A_435 : i32
      %slice3A_437 = vector.extract_strided_slice %get3A_45 {offsets = [15], sizes = [1], strides = [1]} : vector<16xi32> to vector<1xi32>
      %squeeze3A_438 = vector.extract %slice3A_437[0] : i32 from vector<1xi32>
      %get3A_439 = arith.index_cast %add3A_436 : i32 to index
      %get3A_440 = arith.index_cast %squeeze3A_438 : i32 to index
      %get3A_441 = tpu.vector_load %arg11[%get3A_439, %get3A_440] {strides = array<i32>} : memref<256x128xf32, #tpu.memory_space<vmem>>, vector<1x16xf32>,
      %get3A_442 = vector.shape_cast %get3A_441 : vector<1x16xf32> to vector<16xf32>
      %swap3A_443 = arith.index_cast %add3A_436 : i32 to index
      %swap3A_444 = arith.constant 0 : index
      %swap3A_445 = tpu.vector_load %arg12[%swap3A_443, %swap3A_444] {strides = array<i32>} : memref<256x32xf32, #tpu.memory_space<vmem>>, vector<1x16xf32>,
      %swap3A_446 = vector.shape_cast %swap3A_445 : vector<1x16xf32> to vector<16xf32>
      %swap3A_447 = vector.shape_cast %get3A_442 : vector<16xf32> to vector<1x16xf32>
      tpu.vector_store %arg12[%swap3A_443, %swap3A_444], %swap3A_447 {strides = array<i32>} : memref<256x32xf32, #tpu.memory_space<vmem>>, vector<1x16xf32>,
      %add3A_448 = arith.constant 16 : i32
      %add3A_449 = arith.addi %squeeze3A_438, %add3A_448 : i32
      %get3A_450 = arith.index_cast %add3A_436 : i32 to index
      %get3A_451 = arith.index_cast %add3A_449 : i32 to index
      %get3A_452 = tpu.vector_load %arg11[%get3A_450, %get3A_451] {strides = array<i32>} : memref<256x128xf32, #tpu.memory_space<vmem>>, vector<1x16xf32>,
      %get3A_453 = vector.shape_cast %get3A_452 : vector<1x16xf32> to vector<16xf32>
      %swap3A_454 = arith.index_cast %add3A_436 : i32 to index
      %swap3A_455 = arith.constant 16 : index
      %swap3A_456 = tpu.vector_load %arg12[%swap3A_454, %swap3A_455] {strides = array<i32>} : memref<256x32xf32, #tpu.memory_space<vmem>>, vector<1x16xf32>,
      %swap3A_457 = vector.shape_cast %swap3A_456 : vector<1x16xf32> to vector<16xf32>
      %swap3A_458 = vector.shape_cast %get3A_453 : vector<16xf32> to vector<1x16xf32>
      tpu.vector_store %arg12[%swap3A_454, %swap3A_455], %swap3A_458 {strides = array<i32>} : memref<256x32xf32, #tpu.memory_space<vmem>>, vector<1x16xf32>,
      %scan3A_459 = arith.constant 0 : i32
      scf.yield %scan3A_459 : i32
    }
    %scan3A_39 = arith.constant 16 : i32
    "tpu.region"() ({
      %run_scoped3A = tpu.sem_alloc : memref<!tpu.dma_semaphore, #tpu.memory_space<semaphore_mem>>
      %dma_start3A_40 = arith.constant 0 : i32
      %dma_start3A_41 = tpu.memref_slice %arg7[%mul3A_2, %dma_start3A_40] : memref<8192x32xf32, #tpu.memory_space<hbm>> -> memref<256x32xf32, #tpu.memory_space<hbm>>
      %dma_start3A_42 = arith.constant 0 : i32
      %dma_start3A_43 = tpu.memref_slice %arg7[%mul3A_2, %dma_start3A_42] : memref<8192x32xf32, #tpu.memory_space<hbm>> -> memref<256x32xf32, #tpu.memory_space<hbm>>
      tpu.enqueue_dma source(%arg12 : memref<256x32xf32, #tpu.memory_space<vmem>>) target(%dma_start3A_43 : memref<256x32xf32, #tpu.memory_space<hbm>>) target_semaphore(%run_scoped3A : memref<!tpu.dma_semaphore, #tpu.memory_space<semaphore_mem>>)
      %dma_wait3A_44 = arith.constant 0 : i32
      %dma_wait3A_45 = tpu.memref_slice %arg7[%mul3A_2, %dma_wait3A_44] : memref<8192x32xf32, #tpu.memory_space<hbm>> -> memref<256x32xf32, #tpu.memory_space<hbm>>
      %dma_wait3A_46 = arith.constant 0 : i32
      %dma_wait3A_47 = tpu.memref_slice %arg7[%mul3A_2, %dma_wait3A_46] : memref<8192x32xf32, #tpu.memory_space<hbm>> -> memref<256x32xf32, #tpu.memory_space<hbm>>
      tpu.wait_dma2 semaphore(%run_scoped3A : memref<!tpu.dma_semaphore, #tpu.memory_space<semaphore_mem>>) src(%arg12 : memref<256x32xf32, #tpu.memory_space<vmem>>) dst(%dma_wait3A_47 : memref<256x32xf32, #tpu.memory_space<hbm>>)
      tpu.yield
    }) : () -> ()
    return
  }
}

module attributes {stable_mosaic.version = 14 : i64} {
  func.func @_tp_body(%arg0: i32, %arg1: memref<32x512xf32, #tpu.memory_space<vmem>>, %arg2: memref<32x8192xf32, #tpu.memory_space<vmem>>, %arg3: memref<32x8192xf32, #tpu.memory_space<vmem>>, %arg4: memref<2048x128xf32, #tpu.memory_space<vmem>>, %arg5: memref<2048x128xf32, #tpu.memory_space<vmem>>) attributes {dimension_semantics = [#tpu.dimension_semantics<arbitrary>], iteration_bounds = array<i64: 13>, scalar_prefetch = 0 : i64, scratch_operands = 0 : i64, tpu.core_type = #tpu.core_type<tc>, window_params = [{pipeline_mode = #tpu.pipeline_mode<synchronous>, transform_indices = @transform_0, window_bounds = array<i64: 32, 512>}, {transform_indices = @transform_1, window_bounds = array<i64: 32, 8192>}, {transform_indices = @transform_2, window_bounds = array<i64: 32, 8192>}, {transform_indices = @transform_3, window_bounds = array<i64: 2048, 128>}, {transform_indices = @transform_4, window_bounds = array<i64: 2048, 128>}]} {
    %get3A = arith.constant 0 : index
    %get3A_0 = arith.constant 0 : index
    %get3A_1 = vector.load %arg1[%get3A, %get3A_0] : memref<32x512xf32, #tpu.memory_space<vmem>>, vector<32x512xf32>
    %get3A_2 = arith.constant 0 : index
    %get3A_3 = arith.constant 0 : index
    %get3A_4 = vector.load %arg2[%get3A_2, %get3A_3] : memref<32x8192xf32, #tpu.memory_space<vmem>>, vector<32x8192xf32>
    %slice3A = vector.extract_strided_slice %get3A_4 {offsets = [0, 0], sizes = [32, 128], strides = [1, 1]} : vector<32x8192xf32> to vector<32x128xf32>
    %slice3A_5 = vector.extract_strided_slice %get3A_1 {offsets = [0, 0], sizes = [32, 128], strides = [1, 1]} : vector<32x512xf32> to vector<32x128xf32>
    %dot_general3A = arith.constant dense<0.000000e+00> : vector<128x128xf32>
    %dot_general3A_6 = tpu.matmul %slice3A, %slice3A_5, %dot_general3A {dimension_numbers = #tpu.dot_dimension_numbers<[0], [0], [1], [1], [0, 1, 1, 1], [], []>, transpose_lhs_hint = false} : vector<32x128xf32>, vector<32x128xf32>, vector<128x128xf32> -> vector<128x128xf32>
    %slice3A_7 = vector.extract_strided_slice %get3A_4 {offsets = [0, 128], sizes = [32, 128], strides = [1, 1]} : vector<32x8192xf32> to vector<32x128xf32>
    %slice3A_8 = vector.extract_strided_slice %get3A_1 {offsets = [0, 128], sizes = [32, 128], strides = [1, 1]} : vector<32x512xf32> to vector<32x128xf32>
    %dot_general3A_9 = arith.constant dense<0.000000e+00> : vector<128x128xf32>
    %dot_general3A_10 = tpu.matmul %slice3A_7, %slice3A_8, %dot_general3A_9 {dimension_numbers = #tpu.dot_dimension_numbers<[0], [0], [1], [1], [0, 1, 1, 1], [], []>, transpose_lhs_hint = false} : vector<32x128xf32>, vector<32x128xf32>, vector<128x128xf32> -> vector<128x128xf32>
    %add3A = arith.addf %dot_general3A_6, %dot_general3A_10 : vector<128x128xf32>
    %slice3A_11 = vector.extract_strided_slice %get3A_4 {offsets = [0, 256], sizes = [32, 128], strides = [1, 1]} : vector<32x8192xf32> to vector<32x128xf32>
    %slice3A_12 = vector.extract_strided_slice %get3A_1 {offsets = [0, 256], sizes = [32, 128], strides = [1, 1]} : vector<32x512xf32> to vector<32x128xf32>
    %dot_general3A_13 = arith.constant dense<0.000000e+00> : vector<128x128xf32>
    %dot_general3A_14 = tpu.matmul %slice3A_11, %slice3A_12, %dot_general3A_13 {dimension_numbers = #tpu.dot_dimension_numbers<[0], [0], [1], [1], [0, 1, 1, 1], [], []>, transpose_lhs_hint = false} : vector<32x128xf32>, vector<32x128xf32>, vector<128x128xf32> -> vector<128x128xf32>
    %add3A_15 = arith.addf %add3A, %dot_general3A_14 : vector<128x128xf32>
    %slice3A_16 = vector.extract_strided_slice %get3A_4 {offsets = [0, 384], sizes = [32, 128], strides = [1, 1]} : vector<32x8192xf32> to vector<32x128xf32>
    %slice3A_17 = vector.extract_strided_slice %get3A_1 {offsets = [0, 384], sizes = [32, 128], strides = [1, 1]} : vector<32x512xf32> to vector<32x128xf32>
    %dot_general3A_18 = arith.constant dense<0.000000e+00> : vector<128x128xf32>
    %dot_general3A_19 = tpu.matmul %slice3A_16, %slice3A_17, %dot_general3A_18 {dimension_numbers = #tpu.dot_dimension_numbers<[0], [0], [1], [1], [0, 1, 1, 1], [], []>, transpose_lhs_hint = false} : vector<32x128xf32>, vector<32x128xf32>, vector<128x128xf32> -> vector<128x128xf32>
    %add3A_20 = arith.addf %add3A_15, %dot_general3A_19 : vector<128x128xf32>
    %swap3A = arith.constant 0 : index
    %swap3A_21 = arith.constant 0 : index
    %swap3A_22 = vector.load %arg4[%swap3A, %swap3A_21] : memref<2048x128xf32, #tpu.memory_space<vmem>>, vector<128x128xf32>
    tpu.vector_store %arg4[%swap3A, %swap3A_21], %add3A_20 {strides = array<i32>} : memref<2048x128xf32, #tpu.memory_space<vmem>>, vector<128x128xf32>,
    %slice3A_23 = vector.extract_strided_slice %get3A_4 {offsets = [0, 512], sizes = [32, 128], strides = [1, 1]} : vector<32x8192xf32> to vector<32x128xf32>
    %slice3A_24 = vector.extract_strided_slice %get3A_1 {offsets = [0, 0], sizes = [32, 128], strides = [1, 1]} : vector<32x512xf32> to vector<32x128xf32>
    %dot_general3A_25 = arith.constant dense<0.000000e+00> : vector<128x128xf32>
    %dot_general3A_26 = tpu.matmul %slice3A_23, %slice3A_24, %dot_general3A_25 {dimension_numbers = #tpu.dot_dimension_numbers<[0], [0], [1], [1], [0, 1, 1, 1], [], []>, transpose_lhs_hint = false} : vector<32x128xf32>, vector<32x128xf32>, vector<128x128xf32> -> vector<128x128xf32>
    %slice3A_27 = vector.extract_strided_slice %get3A_4 {offsets = [0, 640], sizes = [32, 128], strides = [1, 1]} : vector<32x8192xf32> to vector<32x128xf32>
    %slice3A_28 = vector.extract_strided_slice %get3A_1 {offsets = [0, 128], sizes = [32, 128], strides = [1, 1]} : vector<32x512xf32> to vector<32x128xf32>
    %dot_general3A_29 = arith.constant dense<0.000000e+00> : vector<128x128xf32>
    %dot_general3A_30 = tpu.matmul %slice3A_27, %slice3A_28, %dot_general3A_29 {dimension_numbers = #tpu.dot_dimension_numbers<[0], [0], [1], [1], [0, 1, 1, 1], [], []>, transpose_lhs_hint = false} : vector<32x128xf32>, vector<32x128xf32>, vector<128x128xf32> -> vector<128x128xf32>
    %add3A_31 = arith.addf %dot_general3A_26, %dot_general3A_30 : vector<128x128xf32>
    %slice3A_32 = vector.extract_strided_slice %get3A_4 {offsets = [0, 768], sizes = [32, 128], strides = [1, 1]} : vector<32x8192xf32> to vector<32x128xf32>
    %slice3A_33 = vector.extract_strided_slice %get3A_1 {offsets = [0, 256], sizes = [32, 128], strides = [1, 1]} : vector<32x512xf32> to vector<32x128xf32>
    %dot_general3A_34 = arith.constant dense<0.000000e+00> : vector<128x128xf32>
    %dot_general3A_35 = tpu.matmul %slice3A_32, %slice3A_33, %dot_general3A_34 {dimension_numbers = #tpu.dot_dimension_numbers<[0], [0], [1], [1], [0, 1, 1, 1], [], []>, transpose_lhs_hint = false} : vector<32x128xf32>, vector<32x128xf32>, vector<128x128xf32> -> vector<128x128xf32>
    %add3A_36 = arith.addf %add3A_31, %dot_general3A_35 : vector<128x128xf32>
    %slice3A_37 = vector.extract_strided_slice %get3A_4 {offsets = [0, 896], sizes = [32, 128], strides = [1, 1]} : vector<32x8192xf32> to vector<32x128xf32>
    %slice3A_38 = vector.extract_strided_slice %get3A_1 {offsets = [0, 384], sizes = [32, 128], strides = [1, 1]} : vector<32x512xf32> to vector<32x128xf32>
    %dot_general3A_39 = arith.constant dense<0.000000e+00> : vector<128x128xf32>
    %dot_general3A_40 = tpu.matmul %slice3A_37, %slice3A_38, %dot_general3A_39 {dimension_numbers = #tpu.dot_dimension_numbers<[0], [0], [1], [1], [0, 1, 1, 1], [], []>, transpose_lhs_hint = false} : vector<32x128xf32>, vector<32x128xf32>, vector<128x128xf32> -> vector<128x128xf32>
    %add3A_41 = arith.addf %add3A_36, %dot_general3A_40 : vector<128x128xf32>
    %swap3A_42 = arith.constant 128 : index
    %swap3A_43 = arith.constant 0 : index
    %swap3A_44 = vector.load %arg4[%swap3A_42, %swap3A_43] : memref<2048x128xf32, #tpu.memory_space<vmem>>, vector<128x128xf32>
    tpu.vector_store %arg4[%swap3A_42, %swap3A_43], %add3A_41 {strides = array<i32>} : memref<2048x128xf32, #tpu.memory_space<vmem>>, vector<128x128xf32>,
    %slice3A_45 = vector.extract_strided_slice %get3A_4 {offsets = [0, 1024], sizes = [32, 128], strides = [1, 1]} : vector<32x8192xf32> to vector<32x128xf32>
    %slice3A_46 = vector.extract_strided_slice %get3A_1 {offsets = [0, 0], sizes = [32, 128], strides = [1, 1]} : vector<32x512xf32> to vector<32x128xf32>
    %dot_general3A_47 = arith.constant dense<0.000000e+00> : vector<128x128xf32>
    %dot_general3A_48 = tpu.matmul %slice3A_45, %slice3A_46, %dot_general3A_47 {dimension_numbers = #tpu.dot_dimension_numbers<[0], [0], [1], [1], [0, 1, 1, 1], [], []>, transpose_lhs_hint = false} : vector<32x128xf32>, vector<32x128xf32>, vector<128x128xf32> -> vector<128x128xf32>
    %slice3A_49 = vector.extract_strided_slice %get3A_4 {offsets = [0, 1152], sizes = [32, 128], strides = [1, 1]} : vector<32x8192xf32> to vector<32x128xf32>
    %slice3A_50 = vector.extract_strided_slice %get3A_1 {offsets = [0, 128], sizes = [32, 128], strides = [1, 1]} : vector<32x512xf32> to vector<32x128xf32>
    %dot_general3A_51 = arith.constant dense<0.000000e+00> : vector<128x128xf32>
    %dot_general3A_52 = tpu.matmul %slice3A_49, %slice3A_50, %dot_general3A_51 {dimension_numbers = #tpu.dot_dimension_numbers<[0], [0], [1], [1], [0, 1, 1, 1], [], []>, transpose_lhs_hint = false} : vector<32x128xf32>, vector<32x128xf32>, vector<128x128xf32> -> vector<128x128xf32>
    %add3A_53 = arith.addf %dot_general3A_48, %dot_general3A_52 : vector<128x128xf32>
    %slice3A_54 = vector.extract_strided_slice %get3A_4 {offsets = [0, 1280], sizes = [32, 128], strides = [1, 1]} : vector<32x8192xf32> to vector<32x128xf32>
    %slice3A_55 = vector.extract_strided_slice %get3A_1 {offsets = [0, 256], sizes = [32, 128], strides = [1, 1]} : vector<32x512xf32> to vector<32x128xf32>
    %dot_general3A_56 = arith.constant dense<0.000000e+00> : vector<128x128xf32>
    %dot_general3A_57 = tpu.matmul %slice3A_54, %slice3A_55, %dot_general3A_56 {dimension_numbers = #tpu.dot_dimension_numbers<[0], [0], [1], [1], [0, 1, 1, 1], [], []>, transpose_lhs_hint = false} : vector<32x128xf32>, vector<32x128xf32>, vector<128x128xf32> -> vector<128x128xf32>
    %add3A_58 = arith.addf %add3A_53, %dot_general3A_57 : vector<128x128xf32>
    %slice3A_59 = vector.extract_strided_slice %get3A_4 {offsets = [0, 1408], sizes = [32, 128], strides = [1, 1]} : vector<32x8192xf32> to vector<32x128xf32>
    %slice3A_60 = vector.extract_strided_slice %get3A_1 {offsets = [0, 384], sizes = [32, 128], strides = [1, 1]} : vector<32x512xf32> to vector<32x128xf32>
    %dot_general3A_61 = arith.constant dense<0.000000e+00> : vector<128x128xf32>
    %dot_general3A_62 = tpu.matmul %slice3A_59, %slice3A_60, %dot_general3A_61 {dimension_numbers = #tpu.dot_dimension_numbers<[0], [0], [1], [1], [0, 1, 1, 1], [], []>, transpose_lhs_hint = false} : vector<32x128xf32>, vector<32x128xf32>, vector<128x128xf32> -> vector<128x128xf32>
    %add3A_63 = arith.addf %add3A_58, %dot_general3A_62 : vector<128x128xf32>
    %swap3A_64 = arith.constant 256 : index
    %swap3A_65 = arith.constant 0 : index
    %swap3A_66 = vector.load %arg4[%swap3A_64, %swap3A_65] : memref<2048x128xf32, #tpu.memory_space<vmem>>, vector<128x128xf32>
    tpu.vector_store %arg4[%swap3A_64, %swap3A_65], %add3A_63 {strides = array<i32>} : memref<2048x128xf32, #tpu.memory_space<vmem>>, vector<128x128xf32>,
    %slice3A_67 = vector.extract_strided_slice %get3A_4 {offsets = [0, 1536], sizes = [32, 128], strides = [1, 1]} : vector<32x8192xf32> to vector<32x128xf32>
    %slice3A_68 = vector.extract_strided_slice %get3A_1 {offsets = [0, 0], sizes = [32, 128], strides = [1, 1]} : vector<32x512xf32> to vector<32x128xf32>
    %dot_general3A_69 = arith.constant dense<0.000000e+00> : vector<128x128xf32>
    %dot_general3A_70 = tpu.matmul %slice3A_67, %slice3A_68, %dot_general3A_69 {dimension_numbers = #tpu.dot_dimension_numbers<[0], [0], [1], [1], [0, 1, 1, 1], [], []>, transpose_lhs_hint = false} : vector<32x128xf32>, vector<32x128xf32>, vector<128x128xf32> -> vector<128x128xf32>
    %slice3A_71 = vector.extract_strided_slice %get3A_4 {offsets = [0, 1664], sizes = [32, 128], strides = [1, 1]} : vector<32x8192xf32> to vector<32x128xf32>
    %slice3A_72 = vector.extract_strided_slice %get3A_1 {offsets = [0, 128], sizes = [32, 128], strides = [1, 1]} : vector<32x512xf32> to vector<32x128xf32>
    %dot_general3A_73 = arith.constant dense<0.000000e+00> : vector<128x128xf32>
    %dot_general3A_74 = tpu.matmul %slice3A_71, %slice3A_72, %dot_general3A_73 {dimension_numbers = #tpu.dot_dimension_numbers<[0], [0], [1], [1], [0, 1, 1, 1], [], []>, transpose_lhs_hint = false} : vector<32x128xf32>, vector<32x128xf32>, vector<128x128xf32> -> vector<128x128xf32>
    %add3A_75 = arith.addf %dot_general3A_70, %dot_general3A_74 : vector<128x128xf32>
    %slice3A_76 = vector.extract_strided_slice %get3A_4 {offsets = [0, 1792], sizes = [32, 128], strides = [1, 1]} : vector<32x8192xf32> to vector<32x128xf32>
    %slice3A_77 = vector.extract_strided_slice %get3A_1 {offsets = [0, 256], sizes = [32, 128], strides = [1, 1]} : vector<32x512xf32> to vector<32x128xf32>
    %dot_general3A_78 = arith.constant dense<0.000000e+00> : vector<128x128xf32>
    %dot_general3A_79 = tpu.matmul %slice3A_76, %slice3A_77, %dot_general3A_78 {dimension_numbers = #tpu.dot_dimension_numbers<[0], [0], [1], [1], [0, 1, 1, 1], [], []>, transpose_lhs_hint = false} : vector<32x128xf32>, vector<32x128xf32>, vector<128x128xf32> -> vector<128x128xf32>
    %add3A_80 = arith.addf %add3A_75, %dot_general3A_79 : vector<128x128xf32>
    %slice3A_81 = vector.extract_strided_slice %get3A_4 {offsets = [0, 1920], sizes = [32, 128], strides = [1, 1]} : vector<32x8192xf32> to vector<32x128xf32>
    %slice3A_82 = vector.extract_strided_slice %get3A_1 {offsets = [0, 384], sizes = [32, 128], strides = [1, 1]} : vector<32x512xf32> to vector<32x128xf32>
    %dot_general3A_83 = arith.constant dense<0.000000e+00> : vector<128x128xf32>
    %dot_general3A_84 = tpu.matmul %slice3A_81, %slice3A_82, %dot_general3A_83 {dimension_numbers = #tpu.dot_dimension_numbers<[0], [0], [1], [1], [0, 1, 1, 1], [], []>, transpose_lhs_hint = false} : vector<32x128xf32>, vector<32x128xf32>, vector<128x128xf32> -> vector<128x128xf32>
    %add3A_85 = arith.addf %add3A_80, %dot_general3A_84 : vector<128x128xf32>
    %swap3A_86 = arith.constant 384 : index
    %swap3A_87 = arith.constant 0 : index
    %swap3A_88 = vector.load %arg4[%swap3A_86, %swap3A_87] : memref<2048x128xf32, #tpu.memory_space<vmem>>, vector<128x128xf32>
    tpu.vector_store %arg4[%swap3A_86, %swap3A_87], %add3A_85 {strides = array<i32>} : memref<2048x128xf32, #tpu.memory_space<vmem>>, vector<128x128xf32>,
    %slice3A_89 = vector.extract_strided_slice %get3A_4 {offsets = [0, 2048], sizes = [32, 128], strides = [1, 1]} : vector<32x8192xf32> to vector<32x128xf32>
    %slice3A_90 = vector.extract_strided_slice %get3A_1 {offsets = [0, 0], sizes = [32, 128], strides = [1, 1]} : vector<32x512xf32> to vector<32x128xf32>
    %dot_general3A_91 = arith.constant dense<0.000000e+00> : vector<128x128xf32>
    %dot_general3A_92 = tpu.matmul %slice3A_89, %slice3A_90, %dot_general3A_91 {dimension_numbers = #tpu.dot_dimension_numbers<[0], [0], [1], [1], [0, 1, 1, 1], [], []>, transpose_lhs_hint = false} : vector<32x128xf32>, vector<32x128xf32>, vector<128x128xf32> -> vector<128x128xf32>
    %slice3A_93 = vector.extract_strided_slice %get3A_4 {offsets = [0, 2176], sizes = [32, 128], strides = [1, 1]} : vector<32x8192xf32> to vector<32x128xf32>
    %slice3A_94 = vector.extract_strided_slice %get3A_1 {offsets = [0, 128], sizes = [32, 128], strides = [1, 1]} : vector<32x512xf32> to vector<32x128xf32>
    %dot_general3A_95 = arith.constant dense<0.000000e+00> : vector<128x128xf32>
    %dot_general3A_96 = tpu.matmul %slice3A_93, %slice3A_94, %dot_general3A_95 {dimension_numbers = #tpu.dot_dimension_numbers<[0], [0], [1], [1], [0, 1, 1, 1], [], []>, transpose_lhs_hint = false} : vector<32x128xf32>, vector<32x128xf32>, vector<128x128xf32> -> vector<128x128xf32>
    %add3A_97 = arith.addf %dot_general3A_92, %dot_general3A_96 : vector<128x128xf32>
    %slice3A_98 = vector.extract_strided_slice %get3A_4 {offsets = [0, 2304], sizes = [32, 128], strides = [1, 1]} : vector<32x8192xf32> to vector<32x128xf32>
    %slice3A_99 = vector.extract_strided_slice %get3A_1 {offsets = [0, 256], sizes = [32, 128], strides = [1, 1]} : vector<32x512xf32> to vector<32x128xf32>
    %dot_general3A_100 = arith.constant dense<0.000000e+00> : vector<128x128xf32>
    %dot_general3A_101 = tpu.matmul %slice3A_98, %slice3A_99, %dot_general3A_100 {dimension_numbers = #tpu.dot_dimension_numbers<[0], [0], [1], [1], [0, 1, 1, 1], [], []>, transpose_lhs_hint = false} : vector<32x128xf32>, vector<32x128xf32>, vector<128x128xf32> -> vector<128x128xf32>
    %add3A_102 = arith.addf %add3A_97, %dot_general3A_101 : vector<128x128xf32>
    %slice3A_103 = vector.extract_strided_slice %get3A_4 {offsets = [0, 2432], sizes = [32, 128], strides = [1, 1]} : vector<32x8192xf32> to vector<32x128xf32>
    %slice3A_104 = vector.extract_strided_slice %get3A_1 {offsets = [0, 384], sizes = [32, 128], strides = [1, 1]} : vector<32x512xf32> to vector<32x128xf32>
    %dot_general3A_105 = arith.constant dense<0.000000e+00> : vector<128x128xf32>
    %dot_general3A_106 = tpu.matmul %slice3A_103, %slice3A_104, %dot_general3A_105 {dimension_numbers = #tpu.dot_dimension_numbers<[0], [0], [1], [1], [0, 1, 1, 1], [], []>, transpose_lhs_hint = false} : vector<32x128xf32>, vector<32x128xf32>, vector<128x128xf32> -> vector<128x128xf32>
    %add3A_107 = arith.addf %add3A_102, %dot_general3A_106 : vector<128x128xf32>
    %swap3A_108 = arith.constant 512 : index
    %swap3A_109 = arith.constant 0 : index
    %swap3A_110 = vector.load %arg4[%swap3A_108, %swap3A_109] : memref<2048x128xf32, #tpu.memory_space<vmem>>, vector<128x128xf32>
    tpu.vector_store %arg4[%swap3A_108, %swap3A_109], %add3A_107 {strides = array<i32>} : memref<2048x128xf32, #tpu.memory_space<vmem>>, vector<128x128xf32>,
    %slice3A_111 = vector.extract_strided_slice %get3A_4 {offsets = [0, 2560], sizes = [32, 128], strides = [1, 1]} : vector<32x8192xf32> to vector<32x128xf32>
    %slice3A_112 = vector.extract_strided_slice %get3A_1 {offsets = [0, 0], sizes = [32, 128], strides = [1, 1]} : vector<32x512xf32> to vector<32x128xf32>
    %dot_general3A_113 = arith.constant dense<0.000000e+00> : vector<128x128xf32>
    %dot_general3A_114 = tpu.matmul %slice3A_111, %slice3A_112, %dot_general3A_113 {dimension_numbers = #tpu.dot_dimension_numbers<[0], [0], [1], [1], [0, 1, 1, 1], [], []>, transpose_lhs_hint = false} : vector<32x128xf32>, vector<32x128xf32>, vector<128x128xf32> -> vector<128x128xf32>
    %slice3A_115 = vector.extract_strided_slice %get3A_4 {offsets = [0, 2688], sizes = [32, 128], strides = [1, 1]} : vector<32x8192xf32> to vector<32x128xf32>
    %slice3A_116 = vector.extract_strided_slice %get3A_1 {offsets = [0, 128], sizes = [32, 128], strides = [1, 1]} : vector<32x512xf32> to vector<32x128xf32>
    %dot_general3A_117 = arith.constant dense<0.000000e+00> : vector<128x128xf32>
    %dot_general3A_118 = tpu.matmul %slice3A_115, %slice3A_116, %dot_general3A_117 {dimension_numbers = #tpu.dot_dimension_numbers<[0], [0], [1], [1], [0, 1, 1, 1], [], []>, transpose_lhs_hint = false} : vector<32x128xf32>, vector<32x128xf32>, vector<128x128xf32> -> vector<128x128xf32>
    %add3A_119 = arith.addf %dot_general3A_114, %dot_general3A_118 : vector<128x128xf32>
    %slice3A_120 = vector.extract_strided_slice %get3A_4 {offsets = [0, 2816], sizes = [32, 128], strides = [1, 1]} : vector<32x8192xf32> to vector<32x128xf32>
    %slice3A_121 = vector.extract_strided_slice %get3A_1 {offsets = [0, 256], sizes = [32, 128], strides = [1, 1]} : vector<32x512xf32> to vector<32x128xf32>
    %dot_general3A_122 = arith.constant dense<0.000000e+00> : vector<128x128xf32>
    %dot_general3A_123 = tpu.matmul %slice3A_120, %slice3A_121, %dot_general3A_122 {dimension_numbers = #tpu.dot_dimension_numbers<[0], [0], [1], [1], [0, 1, 1, 1], [], []>, transpose_lhs_hint = false} : vector<32x128xf32>, vector<32x128xf32>, vector<128x128xf32> -> vector<128x128xf32>
    %add3A_124 = arith.addf %add3A_119, %dot_general3A_123 : vector<128x128xf32>
    %slice3A_125 = vector.extract_strided_slice %get3A_4 {offsets = [0, 2944], sizes = [32, 128], strides = [1, 1]} : vector<32x8192xf32> to vector<32x128xf32>
    %slice3A_126 = vector.extract_strided_slice %get3A_1 {offsets = [0, 384], sizes = [32, 128], strides = [1, 1]} : vector<32x512xf32> to vector<32x128xf32>
    %dot_general3A_127 = arith.constant dense<0.000000e+00> : vector<128x128xf32>
    %dot_general3A_128 = tpu.matmul %slice3A_125, %slice3A_126, %dot_general3A_127 {dimension_numbers = #tpu.dot_dimension_numbers<[0], [0], [1], [1], [0, 1, 1, 1], [], []>, transpose_lhs_hint = false} : vector<32x128xf32>, vector<32x128xf32>, vector<128x128xf32> -> vector<128x128xf32>
    %add3A_129 = arith.addf %add3A_124, %dot_general3A_128 : vector<128x128xf32>
    %swap3A_130 = arith.constant 640 : index
    %swap3A_131 = arith.constant 0 : index
    %swap3A_132 = vector.load %arg4[%swap3A_130, %swap3A_131] : memref<2048x128xf32, #tpu.memory_space<vmem>>, vector<128x128xf32>
    tpu.vector_store %arg4[%swap3A_130, %swap3A_131], %add3A_129 {strides = array<i32>} : memref<2048x128xf32, #tpu.memory_space<vmem>>, vector<128x128xf32>,
    %slice3A_133 = vector.extract_strided_slice %get3A_4 {offsets = [0, 3072], sizes = [32, 128], strides = [1, 1]} : vector<32x8192xf32> to vector<32x128xf32>
    %slice3A_134 = vector.extract_strided_slice %get3A_1 {offsets = [0, 0], sizes = [32, 128], strides = [1, 1]} : vector<32x512xf32> to vector<32x128xf32>
    %dot_general3A_135 = arith.constant dense<0.000000e+00> : vector<128x128xf32>
    %dot_general3A_136 = tpu.matmul %slice3A_133, %slice3A_134, %dot_general3A_135 {dimension_numbers = #tpu.dot_dimension_numbers<[0], [0], [1], [1], [0, 1, 1, 1], [], []>, transpose_lhs_hint = false} : vector<32x128xf32>, vector<32x128xf32>, vector<128x128xf32> -> vector<128x128xf32>
    %slice3A_137 = vector.extract_strided_slice %get3A_4 {offsets = [0, 3200], sizes = [32, 128], strides = [1, 1]} : vector<32x8192xf32> to vector<32x128xf32>
    %slice3A_138 = vector.extract_strided_slice %get3A_1 {offsets = [0, 128], sizes = [32, 128], strides = [1, 1]} : vector<32x512xf32> to vector<32x128xf32>
    %dot_general3A_139 = arith.constant dense<0.000000e+00> : vector<128x128xf32>
    %dot_general3A_140 = tpu.matmul %slice3A_137, %slice3A_138, %dot_general3A_139 {dimension_numbers = #tpu.dot_dimension_numbers<[0], [0], [1], [1], [0, 1, 1, 1], [], []>, transpose_lhs_hint = false} : vector<32x128xf32>, vector<32x128xf32>, vector<128x128xf32> -> vector<128x128xf32>
    %add3A_141 = arith.addf %dot_general3A_136, %dot_general3A_140 : vector<128x128xf32>
    %slice3A_142 = vector.extract_strided_slice %get3A_4 {offsets = [0, 3328], sizes = [32, 128], strides = [1, 1]} : vector<32x8192xf32> to vector<32x128xf32>
    %slice3A_143 = vector.extract_strided_slice %get3A_1 {offsets = [0, 256], sizes = [32, 128], strides = [1, 1]} : vector<32x512xf32> to vector<32x128xf32>
    %dot_general3A_144 = arith.constant dense<0.000000e+00> : vector<128x128xf32>
    %dot_general3A_145 = tpu.matmul %slice3A_142, %slice3A_143, %dot_general3A_144 {dimension_numbers = #tpu.dot_dimension_numbers<[0], [0], [1], [1], [0, 1, 1, 1], [], []>, transpose_lhs_hint = false} : vector<32x128xf32>, vector<32x128xf32>, vector<128x128xf32> -> vector<128x128xf32>
    %add3A_146 = arith.addf %add3A_141, %dot_general3A_145 : vector<128x128xf32>
    %slice3A_147 = vector.extract_strided_slice %get3A_4 {offsets = [0, 3456], sizes = [32, 128], strides = [1, 1]} : vector<32x8192xf32> to vector<32x128xf32>
    %slice3A_148 = vector.extract_strided_slice %get3A_1 {offsets = [0, 384], sizes = [32, 128], strides = [1, 1]} : vector<32x512xf32> to vector<32x128xf32>
    %dot_general3A_149 = arith.constant dense<0.000000e+00> : vector<128x128xf32>
    %dot_general3A_150 = tpu.matmul %slice3A_147, %slice3A_148, %dot_general3A_149 {dimension_numbers = #tpu.dot_dimension_numbers<[0], [0], [1], [1], [0, 1, 1, 1], [], []>, transpose_lhs_hint = false} : vector<32x128xf32>, vector<32x128xf32>, vector<128x128xf32> -> vector<128x128xf32>
    %add3A_151 = arith.addf %add3A_146, %dot_general3A_150 : vector<128x128xf32>
    %swap3A_152 = arith.constant 768 : index
    %swap3A_153 = arith.constant 0 : index
    %swap3A_154 = vector.load %arg4[%swap3A_152, %swap3A_153] : memref<2048x128xf32, #tpu.memory_space<vmem>>, vector<128x128xf32>
    tpu.vector_store %arg4[%swap3A_152, %swap3A_153], %add3A_151 {strides = array<i32>} : memref<2048x128xf32, #tpu.memory_space<vmem>>, vector<128x128xf32>,
    %slice3A_155 = vector.extract_strided_slice %get3A_4 {offsets = [0, 3584], sizes = [32, 128], strides = [1, 1]} : vector<32x8192xf32> to vector<32x128xf32>
    %slice3A_156 = vector.extract_strided_slice %get3A_1 {offsets = [0, 0], sizes = [32, 128], strides = [1, 1]} : vector<32x512xf32> to vector<32x128xf32>
    %dot_general3A_157 = arith.constant dense<0.000000e+00> : vector<128x128xf32>
    %dot_general3A_158 = tpu.matmul %slice3A_155, %slice3A_156, %dot_general3A_157 {dimension_numbers = #tpu.dot_dimension_numbers<[0], [0], [1], [1], [0, 1, 1, 1], [], []>, transpose_lhs_hint = false} : vector<32x128xf32>, vector<32x128xf32>, vector<128x128xf32> -> vector<128x128xf32>
    %slice3A_159 = vector.extract_strided_slice %get3A_4 {offsets = [0, 3712], sizes = [32, 128], strides = [1, 1]} : vector<32x8192xf32> to vector<32x128xf32>
    %slice3A_160 = vector.extract_strided_slice %get3A_1 {offsets = [0, 128], sizes = [32, 128], strides = [1, 1]} : vector<32x512xf32> to vector<32x128xf32>
    %dot_general3A_161 = arith.constant dense<0.000000e+00> : vector<128x128xf32>
    %dot_general3A_162 = tpu.matmul %slice3A_159, %slice3A_160, %dot_general3A_161 {dimension_numbers = #tpu.dot_dimension_numbers<[0], [0], [1], [1], [0, 1, 1, 1], [], []>, transpose_lhs_hint = false} : vector<32x128xf32>, vector<32x128xf32>, vector<128x128xf32> -> vector<128x128xf32>
    %add3A_163 = arith.addf %dot_general3A_158, %dot_general3A_162 : vector<128x128xf32>
    %slice3A_164 = vector.extract_strided_slice %get3A_4 {offsets = [0, 3840], sizes = [32, 128], strides = [1, 1]} : vector<32x8192xf32> to vector<32x128xf32>
    %slice3A_165 = vector.extract_strided_slice %get3A_1 {offsets = [0, 256], sizes = [32, 128], strides = [1, 1]} : vector<32x512xf32> to vector<32x128xf32>
    %dot_general3A_166 = arith.constant dense<0.000000e+00> : vector<128x128xf32>
    %dot_general3A_167 = tpu.matmul %slice3A_164, %slice3A_165, %dot_general3A_166 {dimension_numbers = #tpu.dot_dimension_numbers<[0], [0], [1], [1], [0, 1, 1, 1], [], []>, transpose_lhs_hint = false} : vector<32x128xf32>, vector<32x128xf32>, vector<128x128xf32> -> vector<128x128xf32>
    %add3A_168 = arith.addf %add3A_163, %dot_general3A_167 : vector<128x128xf32>
    %slice3A_169 = vector.extract_strided_slice %get3A_4 {offsets = [0, 3968], sizes = [32, 128], strides = [1, 1]} : vector<32x8192xf32> to vector<32x128xf32>
    %slice3A_170 = vector.extract_strided_slice %get3A_1 {offsets = [0, 384], sizes = [32, 128], strides = [1, 1]} : vector<32x512xf32> to vector<32x128xf32>
    %dot_general3A_171 = arith.constant dense<0.000000e+00> : vector<128x128xf32>
    %dot_general3A_172 = tpu.matmul %slice3A_169, %slice3A_170, %dot_general3A_171 {dimension_numbers = #tpu.dot_dimension_numbers<[0], [0], [1], [1], [0, 1, 1, 1], [], []>, transpose_lhs_hint = false} : vector<32x128xf32>, vector<32x128xf32>, vector<128x128xf32> -> vector<128x128xf32>
    %add3A_173 = arith.addf %add3A_168, %dot_general3A_172 : vector<128x128xf32>
    %swap3A_174 = arith.constant 896 : index
    %swap3A_175 = arith.constant 0 : index
    %swap3A_176 = vector.load %arg4[%swap3A_174, %swap3A_175] : memref<2048x128xf32, #tpu.memory_space<vmem>>, vector<128x128xf32>
    tpu.vector_store %arg4[%swap3A_174, %swap3A_175], %add3A_173 {strides = array<i32>} : memref<2048x128xf32, #tpu.memory_space<vmem>>, vector<128x128xf32>,
    %slice3A_177 = vector.extract_strided_slice %get3A_4 {offsets = [0, 4096], sizes = [32, 128], strides = [1, 1]} : vector<32x8192xf32> to vector<32x128xf32>
    %slice3A_178 = vector.extract_strided_slice %get3A_1 {offsets = [0, 0], sizes = [32, 128], strides = [1, 1]} : vector<32x512xf32> to vector<32x128xf32>
    %dot_general3A_179 = arith.constant dense<0.000000e+00> : vector<128x128xf32>
    %dot_general3A_180 = tpu.matmul %slice3A_177, %slice3A_178, %dot_general3A_179 {dimension_numbers = #tpu.dot_dimension_numbers<[0], [0], [1], [1], [0, 1, 1, 1], [], []>, transpose_lhs_hint = false} : vector<32x128xf32>, vector<32x128xf32>, vector<128x128xf32> -> vector<128x128xf32>
    %slice3A_181 = vector.extract_strided_slice %get3A_4 {offsets = [0, 4224], sizes = [32, 128], strides = [1, 1]} : vector<32x8192xf32> to vector<32x128xf32>
    %slice3A_182 = vector.extract_strided_slice %get3A_1 {offsets = [0, 128], sizes = [32, 128], strides = [1, 1]} : vector<32x512xf32> to vector<32x128xf32>
    %dot_general3A_183 = arith.constant dense<0.000000e+00> : vector<128x128xf32>
    %dot_general3A_184 = tpu.matmul %slice3A_181, %slice3A_182, %dot_general3A_183 {dimension_numbers = #tpu.dot_dimension_numbers<[0], [0], [1], [1], [0, 1, 1, 1], [], []>, transpose_lhs_hint = false} : vector<32x128xf32>, vector<32x128xf32>, vector<128x128xf32> -> vector<128x128xf32>
    %add3A_185 = arith.addf %dot_general3A_180, %dot_general3A_184 : vector<128x128xf32>
    %slice3A_186 = vector.extract_strided_slice %get3A_4 {offsets = [0, 4352], sizes = [32, 128], strides = [1, 1]} : vector<32x8192xf32> to vector<32x128xf32>
    %slice3A_187 = vector.extract_strided_slice %get3A_1 {offsets = [0, 256], sizes = [32, 128], strides = [1, 1]} : vector<32x512xf32> to vector<32x128xf32>
    %dot_general3A_188 = arith.constant dense<0.000000e+00> : vector<128x128xf32>
    %dot_general3A_189 = tpu.matmul %slice3A_186, %slice3A_187, %dot_general3A_188 {dimension_numbers = #tpu.dot_dimension_numbers<[0], [0], [1], [1], [0, 1, 1, 1], [], []>, transpose_lhs_hint = false} : vector<32x128xf32>, vector<32x128xf32>, vector<128x128xf32> -> vector<128x128xf32>
    %add3A_190 = arith.addf %add3A_185, %dot_general3A_189 : vector<128x128xf32>
    %slice3A_191 = vector.extract_strided_slice %get3A_4 {offsets = [0, 4480], sizes = [32, 128], strides = [1, 1]} : vector<32x8192xf32> to vector<32x128xf32>
    %slice3A_192 = vector.extract_strided_slice %get3A_1 {offsets = [0, 384], sizes = [32, 128], strides = [1, 1]} : vector<32x512xf32> to vector<32x128xf32>
    %dot_general3A_193 = arith.constant dense<0.000000e+00> : vector<128x128xf32>
    %dot_general3A_194 = tpu.matmul %slice3A_191, %slice3A_192, %dot_general3A_193 {dimension_numbers = #tpu.dot_dimension_numbers<[0], [0], [1], [1], [0, 1, 1, 1], [], []>, transpose_lhs_hint = false} : vector<32x128xf32>, vector<32x128xf32>, vector<128x128xf32> -> vector<128x128xf32>
    %add3A_195 = arith.addf %add3A_190, %dot_general3A_194 : vector<128x128xf32>
    %swap3A_196 = arith.constant 1024 : index
    %swap3A_197 = arith.constant 0 : index
    %swap3A_198 = vector.load %arg4[%swap3A_196, %swap3A_197] : memref<2048x128xf32, #tpu.memory_space<vmem>>, vector<128x128xf32>
    tpu.vector_store %arg4[%swap3A_196, %swap3A_197], %add3A_195 {strides = array<i32>} : memref<2048x128xf32, #tpu.memory_space<vmem>>, vector<128x128xf32>,
    %slice3A_199 = vector.extract_strided_slice %get3A_4 {offsets = [0, 4608], sizes = [32, 128], strides = [1, 1]} : vector<32x8192xf32> to vector<32x128xf32>
    %slice3A_200 = vector.extract_strided_slice %get3A_1 {offsets = [0, 0], sizes = [32, 128], strides = [1, 1]} : vector<32x512xf32> to vector<32x128xf32>
    %dot_general3A_201 = arith.constant dense<0.000000e+00> : vector<128x128xf32>
    %dot_general3A_202 = tpu.matmul %slice3A_199, %slice3A_200, %dot_general3A_201 {dimension_numbers = #tpu.dot_dimension_numbers<[0], [0], [1], [1], [0, 1, 1, 1], [], []>, transpose_lhs_hint = false} : vector<32x128xf32>, vector<32x128xf32>, vector<128x128xf32> -> vector<128x128xf32>
    %slice3A_203 = vector.extract_strided_slice %get3A_4 {offsets = [0, 4736], sizes = [32, 128], strides = [1, 1]} : vector<32x8192xf32> to vector<32x128xf32>
    %slice3A_204 = vector.extract_strided_slice %get3A_1 {offsets = [0, 128], sizes = [32, 128], strides = [1, 1]} : vector<32x512xf32> to vector<32x128xf32>
    %dot_general3A_205 = arith.constant dense<0.000000e+00> : vector<128x128xf32>
    %dot_general3A_206 = tpu.matmul %slice3A_203, %slice3A_204, %dot_general3A_205 {dimension_numbers = #tpu.dot_dimension_numbers<[0], [0], [1], [1], [0, 1, 1, 1], [], []>, transpose_lhs_hint = false} : vector<32x128xf32>, vector<32x128xf32>, vector<128x128xf32> -> vector<128x128xf32>
    %add3A_207 = arith.addf %dot_general3A_202, %dot_general3A_206 : vector<128x128xf32>
    %slice3A_208 = vector.extract_strided_slice %get3A_4 {offsets = [0, 4864], sizes = [32, 128], strides = [1, 1]} : vector<32x8192xf32> to vector<32x128xf32>
    %slice3A_209 = vector.extract_strided_slice %get3A_1 {offsets = [0, 256], sizes = [32, 128], strides = [1, 1]} : vector<32x512xf32> to vector<32x128xf32>
    %dot_general3A_210 = arith.constant dense<0.000000e+00> : vector<128x128xf32>
    %dot_general3A_211 = tpu.matmul %slice3A_208, %slice3A_209, %dot_general3A_210 {dimension_numbers = #tpu.dot_dimension_numbers<[0], [0], [1], [1], [0, 1, 1, 1], [], []>, transpose_lhs_hint = false} : vector<32x128xf32>, vector<32x128xf32>, vector<128x128xf32> -> vector<128x128xf32>
    %add3A_212 = arith.addf %add3A_207, %dot_general3A_211 : vector<128x128xf32>
    %slice3A_213 = vector.extract_strided_slice %get3A_4 {offsets = [0, 4992], sizes = [32, 128], strides = [1, 1]} : vector<32x8192xf32> to vector<32x128xf32>
    %slice3A_214 = vector.extract_strided_slice %get3A_1 {offsets = [0, 384], sizes = [32, 128], strides = [1, 1]} : vector<32x512xf32> to vector<32x128xf32>
    %dot_general3A_215 = arith.constant dense<0.000000e+00> : vector<128x128xf32>
    %dot_general3A_216 = tpu.matmul %slice3A_213, %slice3A_214, %dot_general3A_215 {dimension_numbers = #tpu.dot_dimension_numbers<[0], [0], [1], [1], [0, 1, 1, 1], [], []>, transpose_lhs_hint = false} : vector<32x128xf32>, vector<32x128xf32>, vector<128x128xf32> -> vector<128x128xf32>
    %add3A_217 = arith.addf %add3A_212, %dot_general3A_216 : vector<128x128xf32>
    %swap3A_218 = arith.constant 1152 : index
    %swap3A_219 = arith.constant 0 : index
    %swap3A_220 = vector.load %arg4[%swap3A_218, %swap3A_219] : memref<2048x128xf32, #tpu.memory_space<vmem>>, vector<128x128xf32>
    tpu.vector_store %arg4[%swap3A_218, %swap3A_219], %add3A_217 {strides = array<i32>} : memref<2048x128xf32, #tpu.memory_space<vmem>>, vector<128x128xf32>,
    %slice3A_221 = vector.extract_strided_slice %get3A_4 {offsets = [0, 5120], sizes = [32, 128], strides = [1, 1]} : vector<32x8192xf32> to vector<32x128xf32>
    %slice3A_222 = vector.extract_strided_slice %get3A_1 {offsets = [0, 0], sizes = [32, 128], strides = [1, 1]} : vector<32x512xf32> to vector<32x128xf32>
    %dot_general3A_223 = arith.constant dense<0.000000e+00> : vector<128x128xf32>
    %dot_general3A_224 = tpu.matmul %slice3A_221, %slice3A_222, %dot_general3A_223 {dimension_numbers = #tpu.dot_dimension_numbers<[0], [0], [1], [1], [0, 1, 1, 1], [], []>, transpose_lhs_hint = false} : vector<32x128xf32>, vector<32x128xf32>, vector<128x128xf32> -> vector<128x128xf32>
    %slice3A_225 = vector.extract_strided_slice %get3A_4 {offsets = [0, 5248], sizes = [32, 128], strides = [1, 1]} : vector<32x8192xf32> to vector<32x128xf32>
    %slice3A_226 = vector.extract_strided_slice %get3A_1 {offsets = [0, 128], sizes = [32, 128], strides = [1, 1]} : vector<32x512xf32> to vector<32x128xf32>
    %dot_general3A_227 = arith.constant dense<0.000000e+00> : vector<128x128xf32>
    %dot_general3A_228 = tpu.matmul %slice3A_225, %slice3A_226, %dot_general3A_227 {dimension_numbers = #tpu.dot_dimension_numbers<[0], [0], [1], [1], [0, 1, 1, 1], [], []>, transpose_lhs_hint = false} : vector<32x128xf32>, vector<32x128xf32>, vector<128x128xf32> -> vector<128x128xf32>
    %add3A_229 = arith.addf %dot_general3A_224, %dot_general3A_228 : vector<128x128xf32>
    %slice3A_230 = vector.extract_strided_slice %get3A_4 {offsets = [0, 5376], sizes = [32, 128], strides = [1, 1]} : vector<32x8192xf32> to vector<32x128xf32>
    %slice3A_231 = vector.extract_strided_slice %get3A_1 {offsets = [0, 256], sizes = [32, 128], strides = [1, 1]} : vector<32x512xf32> to vector<32x128xf32>
    %dot_general3A_232 = arith.constant dense<0.000000e+00> : vector<128x128xf32>
    %dot_general3A_233 = tpu.matmul %slice3A_230, %slice3A_231, %dot_general3A_232 {dimension_numbers = #tpu.dot_dimension_numbers<[0], [0], [1], [1], [0, 1, 1, 1], [], []>, transpose_lhs_hint = false} : vector<32x128xf32>, vector<32x128xf32>, vector<128x128xf32> -> vector<128x128xf32>
    %add3A_234 = arith.addf %add3A_229, %dot_general3A_233 : vector<128x128xf32>
    %slice3A_235 = vector.extract_strided_slice %get3A_4 {offsets = [0, 5504], sizes = [32, 128], strides = [1, 1]} : vector<32x8192xf32> to vector<32x128xf32>
    %slice3A_236 = vector.extract_strided_slice %get3A_1 {offsets = [0, 384], sizes = [32, 128], strides = [1, 1]} : vector<32x512xf32> to vector<32x128xf32>
    %dot_general3A_237 = arith.constant dense<0.000000e+00> : vector<128x128xf32>
    %dot_general3A_238 = tpu.matmul %slice3A_235, %slice3A_236, %dot_general3A_237 {dimension_numbers = #tpu.dot_dimension_numbers<[0], [0], [1], [1], [0, 1, 1, 1], [], []>, transpose_lhs_hint = false} : vector<32x128xf32>, vector<32x128xf32>, vector<128x128xf32> -> vector<128x128xf32>
    %add3A_239 = arith.addf %add3A_234, %dot_general3A_238 : vector<128x128xf32>
    %swap3A_240 = arith.constant 1280 : index
    %swap3A_241 = arith.constant 0 : index
    %swap3A_242 = vector.load %arg4[%swap3A_240, %swap3A_241] : memref<2048x128xf32, #tpu.memory_space<vmem>>, vector<128x128xf32>
    tpu.vector_store %arg4[%swap3A_240, %swap3A_241], %add3A_239 {strides = array<i32>} : memref<2048x128xf32, #tpu.memory_space<vmem>>, vector<128x128xf32>,
    %slice3A_243 = vector.extract_strided_slice %get3A_4 {offsets = [0, 5632], sizes = [32, 128], strides = [1, 1]} : vector<32x8192xf32> to vector<32x128xf32>
    %slice3A_244 = vector.extract_strided_slice %get3A_1 {offsets = [0, 0], sizes = [32, 128], strides = [1, 1]} : vector<32x512xf32> to vector<32x128xf32>
    %dot_general3A_245 = arith.constant dense<0.000000e+00> : vector<128x128xf32>
    %dot_general3A_246 = tpu.matmul %slice3A_243, %slice3A_244, %dot_general3A_245 {dimension_numbers = #tpu.dot_dimension_numbers<[0], [0], [1], [1], [0, 1, 1, 1], [], []>, transpose_lhs_hint = false} : vector<32x128xf32>, vector<32x128xf32>, vector<128x128xf32> -> vector<128x128xf32>
    %slice3A_247 = vector.extract_strided_slice %get3A_4 {offsets = [0, 5760], sizes = [32, 128], strides = [1, 1]} : vector<32x8192xf32> to vector<32x128xf32>
    %slice3A_248 = vector.extract_strided_slice %get3A_1 {offsets = [0, 128], sizes = [32, 128], strides = [1, 1]} : vector<32x512xf32> to vector<32x128xf32>
    %dot_general3A_249 = arith.constant dense<0.000000e+00> : vector<128x128xf32>
    %dot_general3A_250 = tpu.matmul %slice3A_247, %slice3A_248, %dot_general3A_249 {dimension_numbers = #tpu.dot_dimension_numbers<[0], [0], [1], [1], [0, 1, 1, 1], [], []>, transpose_lhs_hint = false} : vector<32x128xf32>, vector<32x128xf32>, vector<128x128xf32> -> vector<128x128xf32>
    %add3A_251 = arith.addf %dot_general3A_246, %dot_general3A_250 : vector<128x128xf32>
    %slice3A_252 = vector.extract_strided_slice %get3A_4 {offsets = [0, 5888], sizes = [32, 128], strides = [1, 1]} : vector<32x8192xf32> to vector<32x128xf32>
    %slice3A_253 = vector.extract_strided_slice %get3A_1 {offsets = [0, 256], sizes = [32, 128], strides = [1, 1]} : vector<32x512xf32> to vector<32x128xf32>
    %dot_general3A_254 = arith.constant dense<0.000000e+00> : vector<128x128xf32>
    %dot_general3A_255 = tpu.matmul %slice3A_252, %slice3A_253, %dot_general3A_254 {dimension_numbers = #tpu.dot_dimension_numbers<[0], [0], [1], [1], [0, 1, 1, 1], [], []>, transpose_lhs_hint = false} : vector<32x128xf32>, vector<32x128xf32>, vector<128x128xf32> -> vector<128x128xf32>
    %add3A_256 = arith.addf %add3A_251, %dot_general3A_255 : vector<128x128xf32>
    %slice3A_257 = vector.extract_strided_slice %get3A_4 {offsets = [0, 6016], sizes = [32, 128], strides = [1, 1]} : vector<32x8192xf32> to vector<32x128xf32>
    %slice3A_258 = vector.extract_strided_slice %get3A_1 {offsets = [0, 384], sizes = [32, 128], strides = [1, 1]} : vector<32x512xf32> to vector<32x128xf32>
    %dot_general3A_259 = arith.constant dense<0.000000e+00> : vector<128x128xf32>
    %dot_general3A_260 = tpu.matmul %slice3A_257, %slice3A_258, %dot_general3A_259 {dimension_numbers = #tpu.dot_dimension_numbers<[0], [0], [1], [1], [0, 1, 1, 1], [], []>, transpose_lhs_hint = false} : vector<32x128xf32>, vector<32x128xf32>, vector<128x128xf32> -> vector<128x128xf32>
    %add3A_261 = arith.addf %add3A_256, %dot_general3A_260 : vector<128x128xf32>
    %swap3A_262 = arith.constant 1408 : index
    %swap3A_263 = arith.constant 0 : index
    %swap3A_264 = vector.load %arg4[%swap3A_262, %swap3A_263] : memref<2048x128xf32, #tpu.memory_space<vmem>>, vector<128x128xf32>
    tpu.vector_store %arg4[%swap3A_262, %swap3A_263], %add3A_261 {strides = array<i32>} : memref<2048x128xf32, #tpu.memory_space<vmem>>, vector<128x128xf32>,
    %slice3A_265 = vector.extract_strided_slice %get3A_4 {offsets = [0, 6144], sizes = [32, 128], strides = [1, 1]} : vector<32x8192xf32> to vector<32x128xf32>
    %slice3A_266 = vector.extract_strided_slice %get3A_1 {offsets = [0, 0], sizes = [32, 128], strides = [1, 1]} : vector<32x512xf32> to vector<32x128xf32>
    %dot_general3A_267 = arith.constant dense<0.000000e+00> : vector<128x128xf32>
    %dot_general3A_268 = tpu.matmul %slice3A_265, %slice3A_266, %dot_general3A_267 {dimension_numbers = #tpu.dot_dimension_numbers<[0], [0], [1], [1], [0, 1, 1, 1], [], []>, transpose_lhs_hint = false} : vector<32x128xf32>, vector<32x128xf32>, vector<128x128xf32> -> vector<128x128xf32>
    %slice3A_269 = vector.extract_strided_slice %get3A_4 {offsets = [0, 6272], sizes = [32, 128], strides = [1, 1]} : vector<32x8192xf32> to vector<32x128xf32>
    %slice3A_270 = vector.extract_strided_slice %get3A_1 {offsets = [0, 128], sizes = [32, 128], strides = [1, 1]} : vector<32x512xf32> to vector<32x128xf32>
    %dot_general3A_271 = arith.constant dense<0.000000e+00> : vector<128x128xf32>
    %dot_general3A_272 = tpu.matmul %slice3A_269, %slice3A_270, %dot_general3A_271 {dimension_numbers = #tpu.dot_dimension_numbers<[0], [0], [1], [1], [0, 1, 1, 1], [], []>, transpose_lhs_hint = false} : vector<32x128xf32>, vector<32x128xf32>, vector<128x128xf32> -> vector<128x128xf32>
    %add3A_273 = arith.addf %dot_general3A_268, %dot_general3A_272 : vector<128x128xf32>
    %slice3A_274 = vector.extract_strided_slice %get3A_4 {offsets = [0, 6400], sizes = [32, 128], strides = [1, 1]} : vector<32x8192xf32> to vector<32x128xf32>
    %slice3A_275 = vector.extract_strided_slice %get3A_1 {offsets = [0, 256], sizes = [32, 128], strides = [1, 1]} : vector<32x512xf32> to vector<32x128xf32>
    %dot_general3A_276 = arith.constant dense<0.000000e+00> : vector<128x128xf32>
    %dot_general3A_277 = tpu.matmul %slice3A_274, %slice3A_275, %dot_general3A_276 {dimension_numbers = #tpu.dot_dimension_numbers<[0], [0], [1], [1], [0, 1, 1, 1], [], []>, transpose_lhs_hint = false} : vector<32x128xf32>, vector<32x128xf32>, vector<128x128xf32> -> vector<128x128xf32>
    %add3A_278 = arith.addf %add3A_273, %dot_general3A_277 : vector<128x128xf32>
    %slice3A_279 = vector.extract_strided_slice %get3A_4 {offsets = [0, 6528], sizes = [32, 128], strides = [1, 1]} : vector<32x8192xf32> to vector<32x128xf32>
    %slice3A_280 = vector.extract_strided_slice %get3A_1 {offsets = [0, 384], sizes = [32, 128], strides = [1, 1]} : vector<32x512xf32> to vector<32x128xf32>
    %dot_general3A_281 = arith.constant dense<0.000000e+00> : vector<128x128xf32>
    %dot_general3A_282 = tpu.matmul %slice3A_279, %slice3A_280, %dot_general3A_281 {dimension_numbers = #tpu.dot_dimension_numbers<[0], [0], [1], [1], [0, 1, 1, 1], [], []>, transpose_lhs_hint = false} : vector<32x128xf32>, vector<32x128xf32>, vector<128x128xf32> -> vector<128x128xf32>
    %add3A_283 = arith.addf %add3A_278, %dot_general3A_282 : vector<128x128xf32>
    %swap3A_284 = arith.constant 1536 : index
    %swap3A_285 = arith.constant 0 : index
    %swap3A_286 = vector.load %arg4[%swap3A_284, %swap3A_285] : memref<2048x128xf32, #tpu.memory_space<vmem>>, vector<128x128xf32>
    tpu.vector_store %arg4[%swap3A_284, %swap3A_285], %add3A_283 {strides = array<i32>} : memref<2048x128xf32, #tpu.memory_space<vmem>>, vector<128x128xf32>,
    %slice3A_287 = vector.extract_strided_slice %get3A_4 {offsets = [0, 6656], sizes = [32, 128], strides = [1, 1]} : vector<32x8192xf32> to vector<32x128xf32>
    %slice3A_288 = vector.extract_strided_slice %get3A_1 {offsets = [0, 0], sizes = [32, 128], strides = [1, 1]} : vector<32x512xf32> to vector<32x128xf32>
    %dot_general3A_289 = arith.constant dense<0.000000e+00> : vector<128x128xf32>
    %dot_general3A_290 = tpu.matmul %slice3A_287, %slice3A_288, %dot_general3A_289 {dimension_numbers = #tpu.dot_dimension_numbers<[0], [0], [1], [1], [0, 1, 1, 1], [], []>, transpose_lhs_hint = false} : vector<32x128xf32>, vector<32x128xf32>, vector<128x128xf32> -> vector<128x128xf32>
    %slice3A_291 = vector.extract_strided_slice %get3A_4 {offsets = [0, 6784], sizes = [32, 128], strides = [1, 1]} : vector<32x8192xf32> to vector<32x128xf32>
    %slice3A_292 = vector.extract_strided_slice %get3A_1 {offsets = [0, 128], sizes = [32, 128], strides = [1, 1]} : vector<32x512xf32> to vector<32x128xf32>
    %dot_general3A_293 = arith.constant dense<0.000000e+00> : vector<128x128xf32>
    %dot_general3A_294 = tpu.matmul %slice3A_291, %slice3A_292, %dot_general3A_293 {dimension_numbers = #tpu.dot_dimension_numbers<[0], [0], [1], [1], [0, 1, 1, 1], [], []>, transpose_lhs_hint = false} : vector<32x128xf32>, vector<32x128xf32>, vector<128x128xf32> -> vector<128x128xf32>
    %add3A_295 = arith.addf %dot_general3A_290, %dot_general3A_294 : vector<128x128xf32>
    %slice3A_296 = vector.extract_strided_slice %get3A_4 {offsets = [0, 6912], sizes = [32, 128], strides = [1, 1]} : vector<32x8192xf32> to vector<32x128xf32>
    %slice3A_297 = vector.extract_strided_slice %get3A_1 {offsets = [0, 256], sizes = [32, 128], strides = [1, 1]} : vector<32x512xf32> to vector<32x128xf32>
    %dot_general3A_298 = arith.constant dense<0.000000e+00> : vector<128x128xf32>
    %dot_general3A_299 = tpu.matmul %slice3A_296, %slice3A_297, %dot_general3A_298 {dimension_numbers = #tpu.dot_dimension_numbers<[0], [0], [1], [1], [0, 1, 1, 1], [], []>, transpose_lhs_hint = false} : vector<32x128xf32>, vector<32x128xf32>, vector<128x128xf32> -> vector<128x128xf32>
    %add3A_300 = arith.addf %add3A_295, %dot_general3A_299 : vector<128x128xf32>
    %slice3A_301 = vector.extract_strided_slice %get3A_4 {offsets = [0, 7040], sizes = [32, 128], strides = [1, 1]} : vector<32x8192xf32> to vector<32x128xf32>
    %slice3A_302 = vector.extract_strided_slice %get3A_1 {offsets = [0, 384], sizes = [32, 128], strides = [1, 1]} : vector<32x512xf32> to vector<32x128xf32>
    %dot_general3A_303 = arith.constant dense<0.000000e+00> : vector<128x128xf32>
    %dot_general3A_304 = tpu.matmul %slice3A_301, %slice3A_302, %dot_general3A_303 {dimension_numbers = #tpu.dot_dimension_numbers<[0], [0], [1], [1], [0, 1, 1, 1], [], []>, transpose_lhs_hint = false} : vector<32x128xf32>, vector<32x128xf32>, vector<128x128xf32> -> vector<128x128xf32>
    %add3A_305 = arith.addf %add3A_300, %dot_general3A_304 : vector<128x128xf32>
    %swap3A_306 = arith.constant 1664 : index
    %swap3A_307 = arith.constant 0 : index
    %swap3A_308 = vector.load %arg4[%swap3A_306, %swap3A_307] : memref<2048x128xf32, #tpu.memory_space<vmem>>, vector<128x128xf32>
    tpu.vector_store %arg4[%swap3A_306, %swap3A_307], %add3A_305 {strides = array<i32>} : memref<2048x128xf32, #tpu.memory_space<vmem>>, vector<128x128xf32>,
    %slice3A_309 = vector.extract_strided_slice %get3A_4 {offsets = [0, 7168], sizes = [32, 128], strides = [1, 1]} : vector<32x8192xf32> to vector<32x128xf32>
    %slice3A_310 = vector.extract_strided_slice %get3A_1 {offsets = [0, 0], sizes = [32, 128], strides = [1, 1]} : vector<32x512xf32> to vector<32x128xf32>
    %dot_general3A_311 = arith.constant dense<0.000000e+00> : vector<128x128xf32>
    %dot_general3A_312 = tpu.matmul %slice3A_309, %slice3A_310, %dot_general3A_311 {dimension_numbers = #tpu.dot_dimension_numbers<[0], [0], [1], [1], [0, 1, 1, 1], [], []>, transpose_lhs_hint = false} : vector<32x128xf32>, vector<32x128xf32>, vector<128x128xf32> -> vector<128x128xf32>
    %slice3A_313 = vector.extract_strided_slice %get3A_4 {offsets = [0, 7296], sizes = [32, 128], strides = [1, 1]} : vector<32x8192xf32> to vector<32x128xf32>
    %slice3A_314 = vector.extract_strided_slice %get3A_1 {offsets = [0, 128], sizes = [32, 128], strides = [1, 1]} : vector<32x512xf32> to vector<32x128xf32>
    %dot_general3A_315 = arith.constant dense<0.000000e+00> : vector<128x128xf32>
    %dot_general3A_316 = tpu.matmul %slice3A_313, %slice3A_314, %dot_general3A_315 {dimension_numbers = #tpu.dot_dimension_numbers<[0], [0], [1], [1], [0, 1, 1, 1], [], []>, transpose_lhs_hint = false} : vector<32x128xf32>, vector<32x128xf32>, vector<128x128xf32> -> vector<128x128xf32>
    %add3A_317 = arith.addf %dot_general3A_312, %dot_general3A_316 : vector<128x128xf32>
    %slice3A_318 = vector.extract_strided_slice %get3A_4 {offsets = [0, 7424], sizes = [32, 128], strides = [1, 1]} : vector<32x8192xf32> to vector<32x128xf32>
    %slice3A_319 = vector.extract_strided_slice %get3A_1 {offsets = [0, 256], sizes = [32, 128], strides = [1, 1]} : vector<32x512xf32> to vector<32x128xf32>
    %dot_general3A_320 = arith.constant dense<0.000000e+00> : vector<128x128xf32>
    %dot_general3A_321 = tpu.matmul %slice3A_318, %slice3A_319, %dot_general3A_320 {dimension_numbers = #tpu.dot_dimension_numbers<[0], [0], [1], [1], [0, 1, 1, 1], [], []>, transpose_lhs_hint = false} : vector<32x128xf32>, vector<32x128xf32>, vector<128x128xf32> -> vector<128x128xf32>
    %add3A_322 = arith.addf %add3A_317, %dot_general3A_321 : vector<128x128xf32>
    %slice3A_323 = vector.extract_strided_slice %get3A_4 {offsets = [0, 7552], sizes = [32, 128], strides = [1, 1]} : vector<32x8192xf32> to vector<32x128xf32>
    %slice3A_324 = vector.extract_strided_slice %get3A_1 {offsets = [0, 384], sizes = [32, 128], strides = [1, 1]} : vector<32x512xf32> to vector<32x128xf32>
    %dot_general3A_325 = arith.constant dense<0.000000e+00> : vector<128x128xf32>
    %dot_general3A_326 = tpu.matmul %slice3A_323, %slice3A_324, %dot_general3A_325 {dimension_numbers = #tpu.dot_dimension_numbers<[0], [0], [1], [1], [0, 1, 1, 1], [], []>, transpose_lhs_hint = false} : vector<32x128xf32>, vector<32x128xf32>, vector<128x128xf32> -> vector<128x128xf32>
    %add3A_327 = arith.addf %add3A_322, %dot_general3A_326 : vector<128x128xf32>
    %swap3A_328 = arith.constant 1792 : index
    %swap3A_329 = arith.constant 0 : index
    %swap3A_330 = vector.load %arg4[%swap3A_328, %swap3A_329] : memref<2048x128xf32, #tpu.memory_space<vmem>>, vector<128x128xf32>
    tpu.vector_store %arg4[%swap3A_328, %swap3A_329], %add3A_327 {strides = array<i32>} : memref<2048x128xf32, #tpu.memory_space<vmem>>, vector<128x128xf32>,
    %slice3A_331 = vector.extract_strided_slice %get3A_4 {offsets = [0, 7680], sizes = [32, 128], strides = [1, 1]} : vector<32x8192xf32> to vector<32x128xf32>
    %slice3A_332 = vector.extract_strided_slice %get3A_1 {offsets = [0, 0], sizes = [32, 128], strides = [1, 1]} : vector<32x512xf32> to vector<32x128xf32>
    %dot_general3A_333 = arith.constant dense<0.000000e+00> : vector<128x128xf32>
    %dot_general3A_334 = tpu.matmul %slice3A_331, %slice3A_332, %dot_general3A_333 {dimension_numbers = #tpu.dot_dimension_numbers<[0], [0], [1], [1], [0, 1, 1, 1], [], []>, transpose_lhs_hint = false} : vector<32x128xf32>, vector<32x128xf32>, vector<128x128xf32> -> vector<128x128xf32>
    %slice3A_335 = vector.extract_strided_slice %get3A_4 {offsets = [0, 7808], sizes = [32, 128], strides = [1, 1]} : vector<32x8192xf32> to vector<32x128xf32>
    %slice3A_336 = vector.extract_strided_slice %get3A_1 {offsets = [0, 128], sizes = [32, 128], strides = [1, 1]} : vector<32x512xf32> to vector<32x128xf32>
    %dot_general3A_337 = arith.constant dense<0.000000e+00> : vector<128x128xf32>
    %dot_general3A_338 = tpu.matmul %slice3A_335, %slice3A_336, %dot_general3A_337 {dimension_numbers = #tpu.dot_dimension_numbers<[0], [0], [1], [1], [0, 1, 1, 1], [], []>, transpose_lhs_hint = false} : vector<32x128xf32>, vector<32x128xf32>, vector<128x128xf32> -> vector<128x128xf32>
    %add3A_339 = arith.addf %dot_general3A_334, %dot_general3A_338 : vector<128x128xf32>
    %slice3A_340 = vector.extract_strided_slice %get3A_4 {offsets = [0, 7936], sizes = [32, 128], strides = [1, 1]} : vector<32x8192xf32> to vector<32x128xf32>
    %slice3A_341 = vector.extract_strided_slice %get3A_1 {offsets = [0, 256], sizes = [32, 128], strides = [1, 1]} : vector<32x512xf32> to vector<32x128xf32>
    %dot_general3A_342 = arith.constant dense<0.000000e+00> : vector<128x128xf32>
    %dot_general3A_343 = tpu.matmul %slice3A_340, %slice3A_341, %dot_general3A_342 {dimension_numbers = #tpu.dot_dimension_numbers<[0], [0], [1], [1], [0, 1, 1, 1], [], []>, transpose_lhs_hint = false} : vector<32x128xf32>, vector<32x128xf32>, vector<128x128xf32> -> vector<128x128xf32>
    %add3A_344 = arith.addf %add3A_339, %dot_general3A_343 : vector<128x128xf32>
    %slice3A_345 = vector.extract_strided_slice %get3A_4 {offsets = [0, 8064], sizes = [32, 128], strides = [1, 1]} : vector<32x8192xf32> to vector<32x128xf32>
    %slice3A_346 = vector.extract_strided_slice %get3A_1 {offsets = [0, 384], sizes = [32, 128], strides = [1, 1]} : vector<32x512xf32> to vector<32x128xf32>
    %dot_general3A_347 = arith.constant dense<0.000000e+00> : vector<128x128xf32>
    %dot_general3A_348 = tpu.matmul %slice3A_345, %slice3A_346, %dot_general3A_347 {dimension_numbers = #tpu.dot_dimension_numbers<[0], [0], [1], [1], [0, 1, 1, 1], [], []>, transpose_lhs_hint = false} : vector<32x128xf32>, vector<32x128xf32>, vector<128x128xf32> -> vector<128x128xf32>
    %add3A_349 = arith.addf %add3A_344, %dot_general3A_348 : vector<128x128xf32>
    %swap3A_350 = arith.constant 1920 : index
    %swap3A_351 = arith.constant 0 : index
    %swap3A_352 = vector.load %arg4[%swap3A_350, %swap3A_351] : memref<2048x128xf32, #tpu.memory_space<vmem>>, vector<128x128xf32>
    tpu.vector_store %arg4[%swap3A_350, %swap3A_351], %add3A_349 {strides = array<i32>} : memref<2048x128xf32, #tpu.memory_space<vmem>>, vector<128x128xf32>,
    %get3A_353 = arith.constant 0 : index
    %get3A_354 = arith.constant 0 : index
    %get3A_355 = vector.load %arg3[%get3A_353, %get3A_354] : memref<32x8192xf32, #tpu.memory_space<vmem>>, vector<32x8192xf32>
    %slice3A_356 = vector.extract_strided_slice %get3A_355 {offsets = [0, 0], sizes = [32, 128], strides = [1, 1]} : vector<32x8192xf32> to vector<32x128xf32>
    %slice3A_357 = vector.extract_strided_slice %get3A_1 {offsets = [0, 0], sizes = [32, 128], strides = [1, 1]} : vector<32x512xf32> to vector<32x128xf32>
    %dot_general3A_358 = arith.constant dense<0.000000e+00> : vector<128x128xf32>
    %dot_general3A_359 = tpu.matmul %slice3A_356, %slice3A_357, %dot_general3A_358 {dimension_numbers = #tpu.dot_dimension_numbers<[0], [0], [1], [1], [0, 1, 1, 1], [], []>, transpose_lhs_hint = false} : vector<32x128xf32>, vector<32x128xf32>, vector<128x128xf32> -> vector<128x128xf32>
    %slice3A_360 = vector.extract_strided_slice %get3A_355 {offsets = [0, 128], sizes = [32, 128], strides = [1, 1]} : vector<32x8192xf32> to vector<32x128xf32>
    %slice3A_361 = vector.extract_strided_slice %get3A_1 {offsets = [0, 128], sizes = [32, 128], strides = [1, 1]} : vector<32x512xf32> to vector<32x128xf32>
    %dot_general3A_362 = arith.constant dense<0.000000e+00> : vector<128x128xf32>
    %dot_general3A_363 = tpu.matmul %slice3A_360, %slice3A_361, %dot_general3A_362 {dimension_numbers = #tpu.dot_dimension_numbers<[0], [0], [1], [1], [0, 1, 1, 1], [], []>, transpose_lhs_hint = false} : vector<32x128xf32>, vector<32x128xf32>, vector<128x128xf32> -> vector<128x128xf32>
    %add3A_364 = arith.addf %dot_general3A_359, %dot_general3A_363 : vector<128x128xf32>
    %slice3A_365 = vector.extract_strided_slice %get3A_355 {offsets = [0, 256], sizes = [32, 128], strides = [1, 1]} : vector<32x8192xf32> to vector<32x128xf32>
    %slice3A_366 = vector.extract_strided_slice %get3A_1 {offsets = [0, 256], sizes = [32, 128], strides = [1, 1]} : vector<32x512xf32> to vector<32x128xf32>
    %dot_general3A_367 = arith.constant dense<0.000000e+00> : vector<128x128xf32>
    %dot_general3A_368 = tpu.matmul %slice3A_365, %slice3A_366, %dot_general3A_367 {dimension_numbers = #tpu.dot_dimension_numbers<[0], [0], [1], [1], [0, 1, 1, 1], [], []>, transpose_lhs_hint = false} : vector<32x128xf32>, vector<32x128xf32>, vector<128x128xf32> -> vector<128x128xf32>
    %add3A_369 = arith.addf %add3A_364, %dot_general3A_368 : vector<128x128xf32>
    %slice3A_370 = vector.extract_strided_slice %get3A_355 {offsets = [0, 384], sizes = [32, 128], strides = [1, 1]} : vector<32x8192xf32> to vector<32x128xf32>
    %slice3A_371 = vector.extract_strided_slice %get3A_1 {offsets = [0, 384], sizes = [32, 128], strides = [1, 1]} : vector<32x512xf32> to vector<32x128xf32>
    %dot_general3A_372 = arith.constant dense<0.000000e+00> : vector<128x128xf32>
    %dot_general3A_373 = tpu.matmul %slice3A_370, %slice3A_371, %dot_general3A_372 {dimension_numbers = #tpu.dot_dimension_numbers<[0], [0], [1], [1], [0, 1, 1, 1], [], []>, transpose_lhs_hint = false} : vector<32x128xf32>, vector<32x128xf32>, vector<128x128xf32> -> vector<128x128xf32>
    %add3A_374 = arith.addf %add3A_369, %dot_general3A_373 : vector<128x128xf32>
    %swap3A_375 = arith.constant 0 : index
    %swap3A_376 = arith.constant 0 : index
    %swap3A_377 = vector.load %arg5[%swap3A_375, %swap3A_376] : memref<2048x128xf32, #tpu.memory_space<vmem>>, vector<128x128xf32>
    tpu.vector_store %arg5[%swap3A_375, %swap3A_376], %add3A_374 {strides = array<i32>} : memref<2048x128xf32, #tpu.memory_space<vmem>>, vector<128x128xf32>,
    %slice3A_378 = vector.extract_strided_slice %get3A_355 {offsets = [0, 512], sizes = [32, 128], strides = [1, 1]} : vector<32x8192xf32> to vector<32x128xf32>
    %slice3A_379 = vector.extract_strided_slice %get3A_1 {offsets = [0, 0], sizes = [32, 128], strides = [1, 1]} : vector<32x512xf32> to vector<32x128xf32>
    %dot_general3A_380 = arith.constant dense<0.000000e+00> : vector<128x128xf32>
    %dot_general3A_381 = tpu.matmul %slice3A_378, %slice3A_379, %dot_general3A_380 {dimension_numbers = #tpu.dot_dimension_numbers<[0], [0], [1], [1], [0, 1, 1, 1], [], []>, transpose_lhs_hint = false} : vector<32x128xf32>, vector<32x128xf32>, vector<128x128xf32> -> vector<128x128xf32>
    %slice3A_382 = vector.extract_strided_slice %get3A_355 {offsets = [0, 640], sizes = [32, 128], strides = [1, 1]} : vector<32x8192xf32> to vector<32x128xf32>
    %slice3A_383 = vector.extract_strided_slice %get3A_1 {offsets = [0, 128], sizes = [32, 128], strides = [1, 1]} : vector<32x512xf32> to vector<32x128xf32>
    %dot_general3A_384 = arith.constant dense<0.000000e+00> : vector<128x128xf32>
    %dot_general3A_385 = tpu.matmul %slice3A_382, %slice3A_383, %dot_general3A_384 {dimension_numbers = #tpu.dot_dimension_numbers<[0], [0], [1], [1], [0, 1, 1, 1], [], []>, transpose_lhs_hint = false} : vector<32x128xf32>, vector<32x128xf32>, vector<128x128xf32> -> vector<128x128xf32>
    %add3A_386 = arith.addf %dot_general3A_381, %dot_general3A_385 : vector<128x128xf32>
    %slice3A_387 = vector.extract_strided_slice %get3A_355 {offsets = [0, 768], sizes = [32, 128], strides = [1, 1]} : vector<32x8192xf32> to vector<32x128xf32>
    %slice3A_388 = vector.extract_strided_slice %get3A_1 {offsets = [0, 256], sizes = [32, 128], strides = [1, 1]} : vector<32x512xf32> to vector<32x128xf32>
    %dot_general3A_389 = arith.constant dense<0.000000e+00> : vector<128x128xf32>
    %dot_general3A_390 = tpu.matmul %slice3A_387, %slice3A_388, %dot_general3A_389 {dimension_numbers = #tpu.dot_dimension_numbers<[0], [0], [1], [1], [0, 1, 1, 1], [], []>, transpose_lhs_hint = false} : vector<32x128xf32>, vector<32x128xf32>, vector<128x128xf32> -> vector<128x128xf32>
    %add3A_391 = arith.addf %add3A_386, %dot_general3A_390 : vector<128x128xf32>
    %slice3A_392 = vector.extract_strided_slice %get3A_355 {offsets = [0, 896], sizes = [32, 128], strides = [1, 1]} : vector<32x8192xf32> to vector<32x128xf32>
    %slice3A_393 = vector.extract_strided_slice %get3A_1 {offsets = [0, 384], sizes = [32, 128], strides = [1, 1]} : vector<32x512xf32> to vector<32x128xf32>
    %dot_general3A_394 = arith.constant dense<0.000000e+00> : vector<128x128xf32>
    %dot_general3A_395 = tpu.matmul %slice3A_392, %slice3A_393, %dot_general3A_394 {dimension_numbers = #tpu.dot_dimension_numbers<[0], [0], [1], [1], [0, 1, 1, 1], [], []>, transpose_lhs_hint = false} : vector<32x128xf32>, vector<32x128xf32>, vector<128x128xf32> -> vector<128x128xf32>
    %add3A_396 = arith.addf %add3A_391, %dot_general3A_395 : vector<128x128xf32>
    %swap3A_397 = arith.constant 128 : index
    %swap3A_398 = arith.constant 0 : index
    %swap3A_399 = vector.load %arg5[%swap3A_397, %swap3A_398] : memref<2048x128xf32, #tpu.memory_space<vmem>>, vector<128x128xf32>
    tpu.vector_store %arg5[%swap3A_397, %swap3A_398], %add3A_396 {strides = array<i32>} : memref<2048x128xf32, #tpu.memory_space<vmem>>, vector<128x128xf32>,
    %slice3A_400 = vector.extract_strided_slice %get3A_355 {offsets = [0, 1024], sizes = [32, 128], strides = [1, 1]} : vector<32x8192xf32> to vector<32x128xf32>
    %slice3A_401 = vector.extract_strided_slice %get3A_1 {offsets = [0, 0], sizes = [32, 128], strides = [1, 1]} : vector<32x512xf32> to vector<32x128xf32>
    %dot_general3A_402 = arith.constant dense<0.000000e+00> : vector<128x128xf32>
    %dot_general3A_403 = tpu.matmul %slice3A_400, %slice3A_401, %dot_general3A_402 {dimension_numbers = #tpu.dot_dimension_numbers<[0], [0], [1], [1], [0, 1, 1, 1], [], []>, transpose_lhs_hint = false} : vector<32x128xf32>, vector<32x128xf32>, vector<128x128xf32> -> vector<128x128xf32>
    %slice3A_404 = vector.extract_strided_slice %get3A_355 {offsets = [0, 1152], sizes = [32, 128], strides = [1, 1]} : vector<32x8192xf32> to vector<32x128xf32>
    %slice3A_405 = vector.extract_strided_slice %get3A_1 {offsets = [0, 128], sizes = [32, 128], strides = [1, 1]} : vector<32x512xf32> to vector<32x128xf32>
    %dot_general3A_406 = arith.constant dense<0.000000e+00> : vector<128x128xf32>
    %dot_general3A_407 = tpu.matmul %slice3A_404, %slice3A_405, %dot_general3A_406 {dimension_numbers = #tpu.dot_dimension_numbers<[0], [0], [1], [1], [0, 1, 1, 1], [], []>, transpose_lhs_hint = false} : vector<32x128xf32>, vector<32x128xf32>, vector<128x128xf32> -> vector<128x128xf32>
    %add3A_408 = arith.addf %dot_general3A_403, %dot_general3A_407 : vector<128x128xf32>
    %slice3A_409 = vector.extract_strided_slice %get3A_355 {offsets = [0, 1280], sizes = [32, 128], strides = [1, 1]} : vector<32x8192xf32> to vector<32x128xf32>
    %slice3A_410 = vector.extract_strided_slice %get3A_1 {offsets = [0, 256], sizes = [32, 128], strides = [1, 1]} : vector<32x512xf32> to vector<32x128xf32>
    %dot_general3A_411 = arith.constant dense<0.000000e+00> : vector<128x128xf32>
    %dot_general3A_412 = tpu.matmul %slice3A_409, %slice3A_410, %dot_general3A_411 {dimension_numbers = #tpu.dot_dimension_numbers<[0], [0], [1], [1], [0, 1, 1, 1], [], []>, transpose_lhs_hint = false} : vector<32x128xf32>, vector<32x128xf32>, vector<128x128xf32> -> vector<128x128xf32>
    %add3A_413 = arith.addf %add3A_408, %dot_general3A_412 : vector<128x128xf32>
    %slice3A_414 = vector.extract_strided_slice %get3A_355 {offsets = [0, 1408], sizes = [32, 128], strides = [1, 1]} : vector<32x8192xf32> to vector<32x128xf32>
    %slice3A_415 = vector.extract_strided_slice %get3A_1 {offsets = [0, 384], sizes = [32, 128], strides = [1, 1]} : vector<32x512xf32> to vector<32x128xf32>
    %dot_general3A_416 = arith.constant dense<0.000000e+00> : vector<128x128xf32>
    %dot_general3A_417 = tpu.matmul %slice3A_414, %slice3A_415, %dot_general3A_416 {dimension_numbers = #tpu.dot_dimension_numbers<[0], [0], [1], [1], [0, 1, 1, 1], [], []>, transpose_lhs_hint = false} : vector<32x128xf32>, vector<32x128xf32>, vector<128x128xf32> -> vector<128x128xf32>
    %add3A_418 = arith.addf %add3A_413, %dot_general3A_417 : vector<128x128xf32>
    %swap3A_419 = arith.constant 256 : index
    %swap3A_420 = arith.constant 0 : index
    %swap3A_421 = vector.load %arg5[%swap3A_419, %swap3A_420] : memref<2048x128xf32, #tpu.memory_space<vmem>>, vector<128x128xf32>
    tpu.vector_store %arg5[%swap3A_419, %swap3A_420], %add3A_418 {strides = array<i32>} : memref<2048x128xf32, #tpu.memory_space<vmem>>, vector<128x128xf32>,
    %slice3A_422 = vector.extract_strided_slice %get3A_355 {offsets = [0, 1536], sizes = [32, 128], strides = [1, 1]} : vector<32x8192xf32> to vector<32x128xf32>
    %slice3A_423 = vector.extract_strided_slice %get3A_1 {offsets = [0, 0], sizes = [32, 128], strides = [1, 1]} : vector<32x512xf32> to vector<32x128xf32>
    %dot_general3A_424 = arith.constant dense<0.000000e+00> : vector<128x128xf32>
    %dot_general3A_425 = tpu.matmul %slice3A_422, %slice3A_423, %dot_general3A_424 {dimension_numbers = #tpu.dot_dimension_numbers<[0], [0], [1], [1], [0, 1, 1, 1], [], []>, transpose_lhs_hint = false} : vector<32x128xf32>, vector<32x128xf32>, vector<128x128xf32> -> vector<128x128xf32>
    %slice3A_426 = vector.extract_strided_slice %get3A_355 {offsets = [0, 1664], sizes = [32, 128], strides = [1, 1]} : vector<32x8192xf32> to vector<32x128xf32>
    %slice3A_427 = vector.extract_strided_slice %get3A_1 {offsets = [0, 128], sizes = [32, 128], strides = [1, 1]} : vector<32x512xf32> to vector<32x128xf32>
    %dot_general3A_428 = arith.constant dense<0.000000e+00> : vector<128x128xf32>
    %dot_general3A_429 = tpu.matmul %slice3A_426, %slice3A_427, %dot_general3A_428 {dimension_numbers = #tpu.dot_dimension_numbers<[0], [0], [1], [1], [0, 1, 1, 1], [], []>, transpose_lhs_hint = false} : vector<32x128xf32>, vector<32x128xf32>, vector<128x128xf32> -> vector<128x128xf32>
    %add3A_430 = arith.addf %dot_general3A_425, %dot_general3A_429 : vector<128x128xf32>
    %slice3A_431 = vector.extract_strided_slice %get3A_355 {offsets = [0, 1792], sizes = [32, 128], strides = [1, 1]} : vector<32x8192xf32> to vector<32x128xf32>
    %slice3A_432 = vector.extract_strided_slice %get3A_1 {offsets = [0, 256], sizes = [32, 128], strides = [1, 1]} : vector<32x512xf32> to vector<32x128xf32>
    %dot_general3A_433 = arith.constant dense<0.000000e+00> : vector<128x128xf32>
    %dot_general3A_434 = tpu.matmul %slice3A_431, %slice3A_432, %dot_general3A_433 {dimension_numbers = #tpu.dot_dimension_numbers<[0], [0], [1], [1], [0, 1, 1, 1], [], []>, transpose_lhs_hint = false} : vector<32x128xf32>, vector<32x128xf32>, vector<128x128xf32> -> vector<128x128xf32>
    %add3A_435 = arith.addf %add3A_430, %dot_general3A_434 : vector<128x128xf32>
    %slice3A_436 = vector.extract_strided_slice %get3A_355 {offsets = [0, 1920], sizes = [32, 128], strides = [1, 1]} : vector<32x8192xf32> to vector<32x128xf32>
    %slice3A_437 = vector.extract_strided_slice %get3A_1 {offsets = [0, 384], sizes = [32, 128], strides = [1, 1]} : vector<32x512xf32> to vector<32x128xf32>
    %dot_general3A_438 = arith.constant dense<0.000000e+00> : vector<128x128xf32>
    %dot_general3A_439 = tpu.matmul %slice3A_436, %slice3A_437, %dot_general3A_438 {dimension_numbers = #tpu.dot_dimension_numbers<[0], [0], [1], [1], [0, 1, 1, 1], [], []>, transpose_lhs_hint = false} : vector<32x128xf32>, vector<32x128xf32>, vector<128x128xf32> -> vector<128x128xf32>
    %add3A_440 = arith.addf %add3A_435, %dot_general3A_439 : vector<128x128xf32>
    %swap3A_441 = arith.constant 384 : index
    %swap3A_442 = arith.constant 0 : index
    %swap3A_443 = vector.load %arg5[%swap3A_441, %swap3A_442] : memref<2048x128xf32, #tpu.memory_space<vmem>>, vector<128x128xf32>
    tpu.vector_store %arg5[%swap3A_441, %swap3A_442], %add3A_440 {strides = array<i32>} : memref<2048x128xf32, #tpu.memory_space<vmem>>, vector<128x128xf32>,
    %slice3A_444 = vector.extract_strided_slice %get3A_355 {offsets = [0, 2048], sizes = [32, 128], strides = [1, 1]} : vector<32x8192xf32> to vector<32x128xf32>
    %slice3A_445 = vector.extract_strided_slice %get3A_1 {offsets = [0, 0], sizes = [32, 128], strides = [1, 1]} : vector<32x512xf32> to vector<32x128xf32>
    %dot_general3A_446 = arith.constant dense<0.000000e+00> : vector<128x128xf32>
    %dot_general3A_447 = tpu.matmul %slice3A_444, %slice3A_445, %dot_general3A_446 {dimension_numbers = #tpu.dot_dimension_numbers<[0], [0], [1], [1], [0, 1, 1, 1], [], []>, transpose_lhs_hint = false} : vector<32x128xf32>, vector<32x128xf32>, vector<128x128xf32> -> vector<128x128xf32>
    %slice3A_448 = vector.extract_strided_slice %get3A_355 {offsets = [0, 2176], sizes = [32, 128], strides = [1, 1]} : vector<32x8192xf32> to vector<32x128xf32>
    %slice3A_449 = vector.extract_strided_slice %get3A_1 {offsets = [0, 128], sizes = [32, 128], strides = [1, 1]} : vector<32x512xf32> to vector<32x128xf32>
    %dot_general3A_450 = arith.constant dense<0.000000e+00> : vector<128x128xf32>
    %dot_general3A_451 = tpu.matmul %slice3A_448, %slice3A_449, %dot_general3A_450 {dimension_numbers = #tpu.dot_dimension_numbers<[0], [0], [1], [1], [0, 1, 1, 1], [], []>, transpose_lhs_hint = false} : vector<32x128xf32>, vector<32x128xf32>, vector<128x128xf32> -> vector<128x128xf32>
    %add3A_452 = arith.addf %dot_general3A_447, %dot_general3A_451 : vector<128x128xf32>
    %slice3A_453 = vector.extract_strided_slice %get3A_355 {offsets = [0, 2304], sizes = [32, 128], strides = [1, 1]} : vector<32x8192xf32> to vector<32x128xf32>
    %slice3A_454 = vector.extract_strided_slice %get3A_1 {offsets = [0, 256], sizes = [32, 128], strides = [1, 1]} : vector<32x512xf32> to vector<32x128xf32>
    %dot_general3A_455 = arith.constant dense<0.000000e+00> : vector<128x128xf32>
    %dot_general3A_456 = tpu.matmul %slice3A_453, %slice3A_454, %dot_general3A_455 {dimension_numbers = #tpu.dot_dimension_numbers<[0], [0], [1], [1], [0, 1, 1, 1], [], []>, transpose_lhs_hint = false} : vector<32x128xf32>, vector<32x128xf32>, vector<128x128xf32> -> vector<128x128xf32>
    %add3A_457 = arith.addf %add3A_452, %dot_general3A_456 : vector<128x128xf32>
    %slice3A_458 = vector.extract_strided_slice %get3A_355 {offsets = [0, 2432], sizes = [32, 128], strides = [1, 1]} : vector<32x8192xf32> to vector<32x128xf32>
    %slice3A_459 = vector.extract_strided_slice %get3A_1 {offsets = [0, 384], sizes = [32, 128], strides = [1, 1]} : vector<32x512xf32> to vector<32x128xf32>
    %dot_general3A_460 = arith.constant dense<0.000000e+00> : vector<128x128xf32>
    %dot_general3A_461 = tpu.matmul %slice3A_458, %slice3A_459, %dot_general3A_460 {dimension_numbers = #tpu.dot_dimension_numbers<[0], [0], [1], [1], [0, 1, 1, 1], [], []>, transpose_lhs_hint = false} : vector<32x128xf32>, vector<32x128xf32>, vector<128x128xf32> -> vector<128x128xf32>
    %add3A_462 = arith.addf %add3A_457, %dot_general3A_461 : vector<128x128xf32>
    %swap3A_463 = arith.constant 512 : index
    %swap3A_464 = arith.constant 0 : index
    %swap3A_465 = vector.load %arg5[%swap3A_463, %swap3A_464] : memref<2048x128xf32, #tpu.memory_space<vmem>>, vector<128x128xf32>
    tpu.vector_store %arg5[%swap3A_463, %swap3A_464], %add3A_462 {strides = array<i32>} : memref<2048x128xf32, #tpu.memory_space<vmem>>, vector<128x128xf32>,
    %slice3A_466 = vector.extract_strided_slice %get3A_355 {offsets = [0, 2560], sizes = [32, 128], strides = [1, 1]} : vector<32x8192xf32> to vector<32x128xf32>
    %slice3A_467 = vector.extract_strided_slice %get3A_1 {offsets = [0, 0], sizes = [32, 128], strides = [1, 1]} : vector<32x512xf32> to vector<32x128xf32>
    %dot_general3A_468 = arith.constant dense<0.000000e+00> : vector<128x128xf32>
    %dot_general3A_469 = tpu.matmul %slice3A_466, %slice3A_467, %dot_general3A_468 {dimension_numbers = #tpu.dot_dimension_numbers<[0], [0], [1], [1], [0, 1, 1, 1], [], []>, transpose_lhs_hint = false} : vector<32x128xf32>, vector<32x128xf32>, vector<128x128xf32> -> vector<128x128xf32>
    %slice3A_470 = vector.extract_strided_slice %get3A_355 {offsets = [0, 2688], sizes = [32, 128], strides = [1, 1]} : vector<32x8192xf32> to vector<32x128xf32>
    %slice3A_471 = vector.extract_strided_slice %get3A_1 {offsets = [0, 128], sizes = [32, 128], strides = [1, 1]} : vector<32x512xf32> to vector<32x128xf32>
    %dot_general3A_472 = arith.constant dense<0.000000e+00> : vector<128x128xf32>
    %dot_general3A_473 = tpu.matmul %slice3A_470, %slice3A_471, %dot_general3A_472 {dimension_numbers = #tpu.dot_dimension_numbers<[0], [0], [1], [1], [0, 1, 1, 1], [], []>, transpose_lhs_hint = false} : vector<32x128xf32>, vector<32x128xf32>, vector<128x128xf32> -> vector<128x128xf32>
    %add3A_474 = arith.addf %dot_general3A_469, %dot_general3A_473 : vector<128x128xf32>
    %slice3A_475 = vector.extract_strided_slice %get3A_355 {offsets = [0, 2816], sizes = [32, 128], strides = [1, 1]} : vector<32x8192xf32> to vector<32x128xf32>
    %slice3A_476 = vector.extract_strided_slice %get3A_1 {offsets = [0, 256], sizes = [32, 128], strides = [1, 1]} : vector<32x512xf32> to vector<32x128xf32>
    %dot_general3A_477 = arith.constant dense<0.000000e+00> : vector<128x128xf32>
    %dot_general3A_478 = tpu.matmul %slice3A_475, %slice3A_476, %dot_general3A_477 {dimension_numbers = #tpu.dot_dimension_numbers<[0], [0], [1], [1], [0, 1, 1, 1], [], []>, transpose_lhs_hint = false} : vector<32x128xf32>, vector<32x128xf32>, vector<128x128xf32> -> vector<128x128xf32>
    %add3A_479 = arith.addf %add3A_474, %dot_general3A_478 : vector<128x128xf32>
    %slice3A_480 = vector.extract_strided_slice %get3A_355 {offsets = [0, 2944], sizes = [32, 128], strides = [1, 1]} : vector<32x8192xf32> to vector<32x128xf32>
    %slice3A_481 = vector.extract_strided_slice %get3A_1 {offsets = [0, 384], sizes = [32, 128], strides = [1, 1]} : vector<32x512xf32> to vector<32x128xf32>
    %dot_general3A_482 = arith.constant dense<0.000000e+00> : vector<128x128xf32>
    %dot_general3A_483 = tpu.matmul %slice3A_480, %slice3A_481, %dot_general3A_482 {dimension_numbers = #tpu.dot_dimension_numbers<[0], [0], [1], [1], [0, 1, 1, 1], [], []>, transpose_lhs_hint = false} : vector<32x128xf32>, vector<32x128xf32>, vector<128x128xf32> -> vector<128x128xf32>
    %add3A_484 = arith.addf %add3A_479, %dot_general3A_483 : vector<128x128xf32>
    %swap3A_485 = arith.constant 640 : index
    %swap3A_486 = arith.constant 0 : index
    %swap3A_487 = vector.load %arg5[%swap3A_485, %swap3A_486] : memref<2048x128xf32, #tpu.memory_space<vmem>>, vector<128x128xf32>
    tpu.vector_store %arg5[%swap3A_485, %swap3A_486], %add3A_484 {strides = array<i32>} : memref<2048x128xf32, #tpu.memory_space<vmem>>, vector<128x128xf32>,
    %slice3A_488 = vector.extract_strided_slice %get3A_355 {offsets = [0, 3072], sizes = [32, 128], strides = [1, 1]} : vector<32x8192xf32> to vector<32x128xf32>
    %slice3A_489 = vector.extract_strided_slice %get3A_1 {offsets = [0, 0], sizes = [32, 128], strides = [1, 1]} : vector<32x512xf32> to vector<32x128xf32>
    %dot_general3A_490 = arith.constant dense<0.000000e+00> : vector<128x128xf32>
    %dot_general3A_491 = tpu.matmul %slice3A_488, %slice3A_489, %dot_general3A_490 {dimension_numbers = #tpu.dot_dimension_numbers<[0], [0], [1], [1], [0, 1, 1, 1], [], []>, transpose_lhs_hint = false} : vector<32x128xf32>, vector<32x128xf32>, vector<128x128xf32> -> vector<128x128xf32>
    %slice3A_492 = vector.extract_strided_slice %get3A_355 {offsets = [0, 3200], sizes = [32, 128], strides = [1, 1]} : vector<32x8192xf32> to vector<32x128xf32>
    %slice3A_493 = vector.extract_strided_slice %get3A_1 {offsets = [0, 128], sizes = [32, 128], strides = [1, 1]} : vector<32x512xf32> to vector<32x128xf32>
    %dot_general3A_494 = arith.constant dense<0.000000e+00> : vector<128x128xf32>
    %dot_general3A_495 = tpu.matmul %slice3A_492, %slice3A_493, %dot_general3A_494 {dimension_numbers = #tpu.dot_dimension_numbers<[0], [0], [1], [1], [0, 1, 1, 1], [], []>, transpose_lhs_hint = false} : vector<32x128xf32>, vector<32x128xf32>, vector<128x128xf32> -> vector<128x128xf32>
    %add3A_496 = arith.addf %dot_general3A_491, %dot_general3A_495 : vector<128x128xf32>
    %slice3A_497 = vector.extract_strided_slice %get3A_355 {offsets = [0, 3328], sizes = [32, 128], strides = [1, 1]} : vector<32x8192xf32> to vector<32x128xf32>
    %slice3A_498 = vector.extract_strided_slice %get3A_1 {offsets = [0, 256], sizes = [32, 128], strides = [1, 1]} : vector<32x512xf32> to vector<32x128xf32>
    %dot_general3A_499 = arith.constant dense<0.000000e+00> : vector<128x128xf32>
    %dot_general3A_500 = tpu.matmul %slice3A_497, %slice3A_498, %dot_general3A_499 {dimension_numbers = #tpu.dot_dimension_numbers<[0], [0], [1], [1], [0, 1, 1, 1], [], []>, transpose_lhs_hint = false} : vector<32x128xf32>, vector<32x128xf32>, vector<128x128xf32> -> vector<128x128xf32>
    %add3A_501 = arith.addf %add3A_496, %dot_general3A_500 : vector<128x128xf32>
    %slice3A_502 = vector.extract_strided_slice %get3A_355 {offsets = [0, 3456], sizes = [32, 128], strides = [1, 1]} : vector<32x8192xf32> to vector<32x128xf32>
    %slice3A_503 = vector.extract_strided_slice %get3A_1 {offsets = [0, 384], sizes = [32, 128], strides = [1, 1]} : vector<32x512xf32> to vector<32x128xf32>
    %dot_general3A_504 = arith.constant dense<0.000000e+00> : vector<128x128xf32>
    %dot_general3A_505 = tpu.matmul %slice3A_502, %slice3A_503, %dot_general3A_504 {dimension_numbers = #tpu.dot_dimension_numbers<[0], [0], [1], [1], [0, 1, 1, 1], [], []>, transpose_lhs_hint = false} : vector<32x128xf32>, vector<32x128xf32>, vector<128x128xf32> -> vector<128x128xf32>
    %add3A_506 = arith.addf %add3A_501, %dot_general3A_505 : vector<128x128xf32>
    %swap3A_507 = arith.constant 768 : index
    %swap3A_508 = arith.constant 0 : index
    %swap3A_509 = vector.load %arg5[%swap3A_507, %swap3A_508] : memref<2048x128xf32, #tpu.memory_space<vmem>>, vector<128x128xf32>
    tpu.vector_store %arg5[%swap3A_507, %swap3A_508], %add3A_506 {strides = array<i32>} : memref<2048x128xf32, #tpu.memory_space<vmem>>, vector<128x128xf32>,
    %slice3A_510 = vector.extract_strided_slice %get3A_355 {offsets = [0, 3584], sizes = [32, 128], strides = [1, 1]} : vector<32x8192xf32> to vector<32x128xf32>
    %slice3A_511 = vector.extract_strided_slice %get3A_1 {offsets = [0, 0], sizes = [32, 128], strides = [1, 1]} : vector<32x512xf32> to vector<32x128xf32>
    %dot_general3A_512 = arith.constant dense<0.000000e+00> : vector<128x128xf32>
    %dot_general3A_513 = tpu.matmul %slice3A_510, %slice3A_511, %dot_general3A_512 {dimension_numbers = #tpu.dot_dimension_numbers<[0], [0], [1], [1], [0, 1, 1, 1], [], []>, transpose_lhs_hint = false} : vector<32x128xf32>, vector<32x128xf32>, vector<128x128xf32> -> vector<128x128xf32>
    %slice3A_514 = vector.extract_strided_slice %get3A_355 {offsets = [0, 3712], sizes = [32, 128], strides = [1, 1]} : vector<32x8192xf32> to vector<32x128xf32>
    %slice3A_515 = vector.extract_strided_slice %get3A_1 {offsets = [0, 128], sizes = [32, 128], strides = [1, 1]} : vector<32x512xf32> to vector<32x128xf32>
    %dot_general3A_516 = arith.constant dense<0.000000e+00> : vector<128x128xf32>
    %dot_general3A_517 = tpu.matmul %slice3A_514, %slice3A_515, %dot_general3A_516 {dimension_numbers = #tpu.dot_dimension_numbers<[0], [0], [1], [1], [0, 1, 1, 1], [], []>, transpose_lhs_hint = false} : vector<32x128xf32>, vector<32x128xf32>, vector<128x128xf32> -> vector<128x128xf32>
    %add3A_518 = arith.addf %dot_general3A_513, %dot_general3A_517 : vector<128x128xf32>
    %slice3A_519 = vector.extract_strided_slice %get3A_355 {offsets = [0, 3840], sizes = [32, 128], strides = [1, 1]} : vector<32x8192xf32> to vector<32x128xf32>
    %slice3A_520 = vector.extract_strided_slice %get3A_1 {offsets = [0, 256], sizes = [32, 128], strides = [1, 1]} : vector<32x512xf32> to vector<32x128xf32>
    %dot_general3A_521 = arith.constant dense<0.000000e+00> : vector<128x128xf32>
    %dot_general3A_522 = tpu.matmul %slice3A_519, %slice3A_520, %dot_general3A_521 {dimension_numbers = #tpu.dot_dimension_numbers<[0], [0], [1], [1], [0, 1, 1, 1], [], []>, transpose_lhs_hint = false} : vector<32x128xf32>, vector<32x128xf32>, vector<128x128xf32> -> vector<128x128xf32>
    %add3A_523 = arith.addf %add3A_518, %dot_general3A_522 : vector<128x128xf32>
    %slice3A_524 = vector.extract_strided_slice %get3A_355 {offsets = [0, 3968], sizes = [32, 128], strides = [1, 1]} : vector<32x8192xf32> to vector<32x128xf32>
    %slice3A_525 = vector.extract_strided_slice %get3A_1 {offsets = [0, 384], sizes = [32, 128], strides = [1, 1]} : vector<32x512xf32> to vector<32x128xf32>
    %dot_general3A_526 = arith.constant dense<0.000000e+00> : vector<128x128xf32>
    %dot_general3A_527 = tpu.matmul %slice3A_524, %slice3A_525, %dot_general3A_526 {dimension_numbers = #tpu.dot_dimension_numbers<[0], [0], [1], [1], [0, 1, 1, 1], [], []>, transpose_lhs_hint = false} : vector<32x128xf32>, vector<32x128xf32>, vector<128x128xf32> -> vector<128x128xf32>
    %add3A_528 = arith.addf %add3A_523, %dot_general3A_527 : vector<128x128xf32>
    %swap3A_529 = arith.constant 896 : index
    %swap3A_530 = arith.constant 0 : index
    %swap3A_531 = vector.load %arg5[%swap3A_529, %swap3A_530] : memref<2048x128xf32, #tpu.memory_space<vmem>>, vector<128x128xf32>
    tpu.vector_store %arg5[%swap3A_529, %swap3A_530], %add3A_528 {strides = array<i32>} : memref<2048x128xf32, #tpu.memory_space<vmem>>, vector<128x128xf32>,
    %slice3A_532 = vector.extract_strided_slice %get3A_355 {offsets = [0, 4096], sizes = [32, 128], strides = [1, 1]} : vector<32x8192xf32> to vector<32x128xf32>
    %slice3A_533 = vector.extract_strided_slice %get3A_1 {offsets = [0, 0], sizes = [32, 128], strides = [1, 1]} : vector<32x512xf32> to vector<32x128xf32>
    %dot_general3A_534 = arith.constant dense<0.000000e+00> : vector<128x128xf32>
    %dot_general3A_535 = tpu.matmul %slice3A_532, %slice3A_533, %dot_general3A_534 {dimension_numbers = #tpu.dot_dimension_numbers<[0], [0], [1], [1], [0, 1, 1, 1], [], []>, transpose_lhs_hint = false} : vector<32x128xf32>, vector<32x128xf32>, vector<128x128xf32> -> vector<128x128xf32>
    %slice3A_536 = vector.extract_strided_slice %get3A_355 {offsets = [0, 4224], sizes = [32, 128], strides = [1, 1]} : vector<32x8192xf32> to vector<32x128xf32>
    %slice3A_537 = vector.extract_strided_slice %get3A_1 {offsets = [0, 128], sizes = [32, 128], strides = [1, 1]} : vector<32x512xf32> to vector<32x128xf32>
    %dot_general3A_538 = arith.constant dense<0.000000e+00> : vector<128x128xf32>
    %dot_general3A_539 = tpu.matmul %slice3A_536, %slice3A_537, %dot_general3A_538 {dimension_numbers = #tpu.dot_dimension_numbers<[0], [0], [1], [1], [0, 1, 1, 1], [], []>, transpose_lhs_hint = false} : vector<32x128xf32>, vector<32x128xf32>, vector<128x128xf32> -> vector<128x128xf32>
    %add3A_540 = arith.addf %dot_general3A_535, %dot_general3A_539 : vector<128x128xf32>
    %slice3A_541 = vector.extract_strided_slice %get3A_355 {offsets = [0, 4352], sizes = [32, 128], strides = [1, 1]} : vector<32x8192xf32> to vector<32x128xf32>
    %slice3A_542 = vector.extract_strided_slice %get3A_1 {offsets = [0, 256], sizes = [32, 128], strides = [1, 1]} : vector<32x512xf32> to vector<32x128xf32>
    %dot_general3A_543 = arith.constant dense<0.000000e+00> : vector<128x128xf32>
    %dot_general3A_544 = tpu.matmul %slice3A_541, %slice3A_542, %dot_general3A_543 {dimension_numbers = #tpu.dot_dimension_numbers<[0], [0], [1], [1], [0, 1, 1, 1], [], []>, transpose_lhs_hint = false} : vector<32x128xf32>, vector<32x128xf32>, vector<128x128xf32> -> vector<128x128xf32>
    %add3A_545 = arith.addf %add3A_540, %dot_general3A_544 : vector<128x128xf32>
    %slice3A_546 = vector.extract_strided_slice %get3A_355 {offsets = [0, 4480], sizes = [32, 128], strides = [1, 1]} : vector<32x8192xf32> to vector<32x128xf32>
    %slice3A_547 = vector.extract_strided_slice %get3A_1 {offsets = [0, 384], sizes = [32, 128], strides = [1, 1]} : vector<32x512xf32> to vector<32x128xf32>
    %dot_general3A_548 = arith.constant dense<0.000000e+00> : vector<128x128xf32>
    %dot_general3A_549 = tpu.matmul %slice3A_546, %slice3A_547, %dot_general3A_548 {dimension_numbers = #tpu.dot_dimension_numbers<[0], [0], [1], [1], [0, 1, 1, 1], [], []>, transpose_lhs_hint = false} : vector<32x128xf32>, vector<32x128xf32>, vector<128x128xf32> -> vector<128x128xf32>
    %add3A_550 = arith.addf %add3A_545, %dot_general3A_549 : vector<128x128xf32>
    %swap3A_551 = arith.constant 1024 : index
    %swap3A_552 = arith.constant 0 : index
    %swap3A_553 = vector.load %arg5[%swap3A_551, %swap3A_552] : memref<2048x128xf32, #tpu.memory_space<vmem>>, vector<128x128xf32>
    tpu.vector_store %arg5[%swap3A_551, %swap3A_552], %add3A_550 {strides = array<i32>} : memref<2048x128xf32, #tpu.memory_space<vmem>>, vector<128x128xf32>,
    %slice3A_554 = vector.extract_strided_slice %get3A_355 {offsets = [0, 4608], sizes = [32, 128], strides = [1, 1]} : vector<32x8192xf32> to vector<32x128xf32>
    %slice3A_555 = vector.extract_strided_slice %get3A_1 {offsets = [0, 0], sizes = [32, 128], strides = [1, 1]} : vector<32x512xf32> to vector<32x128xf32>
    %dot_general3A_556 = arith.constant dense<0.000000e+00> : vector<128x128xf32>
    %dot_general3A_557 = tpu.matmul %slice3A_554, %slice3A_555, %dot_general3A_556 {dimension_numbers = #tpu.dot_dimension_numbers<[0], [0], [1], [1], [0, 1, 1, 1], [], []>, transpose_lhs_hint = false} : vector<32x128xf32>, vector<32x128xf32>, vector<128x128xf32> -> vector<128x128xf32>
    %slice3A_558 = vector.extract_strided_slice %get3A_355 {offsets = [0, 4736], sizes = [32, 128], strides = [1, 1]} : vector<32x8192xf32> to vector<32x128xf32>
    %slice3A_559 = vector.extract_strided_slice %get3A_1 {offsets = [0, 128], sizes = [32, 128], strides = [1, 1]} : vector<32x512xf32> to vector<32x128xf32>
    %dot_general3A_560 = arith.constant dense<0.000000e+00> : vector<128x128xf32>
    %dot_general3A_561 = tpu.matmul %slice3A_558, %slice3A_559, %dot_general3A_560 {dimension_numbers = #tpu.dot_dimension_numbers<[0], [0], [1], [1], [0, 1, 1, 1], [], []>, transpose_lhs_hint = false} : vector<32x128xf32>, vector<32x128xf32>, vector<128x128xf32> -> vector<128x128xf32>
    %add3A_562 = arith.addf %dot_general3A_557, %dot_general3A_561 : vector<128x128xf32>
    %slice3A_563 = vector.extract_strided_slice %get3A_355 {offsets = [0, 4864], sizes = [32, 128], strides = [1, 1]} : vector<32x8192xf32> to vector<32x128xf32>
    %slice3A_564 = vector.extract_strided_slice %get3A_1 {offsets = [0, 256], sizes = [32, 128], strides = [1, 1]} : vector<32x512xf32> to vector<32x128xf32>
    %dot_general3A_565 = arith.constant dense<0.000000e+00> : vector<128x128xf32>
    %dot_general3A_566 = tpu.matmul %slice3A_563, %slice3A_564, %dot_general3A_565 {dimension_numbers = #tpu.dot_dimension_numbers<[0], [0], [1], [1], [0, 1, 1, 1], [], []>, transpose_lhs_hint = false} : vector<32x128xf32>, vector<32x128xf32>, vector<128x128xf32> -> vector<128x128xf32>
    %add3A_567 = arith.addf %add3A_562, %dot_general3A_566 : vector<128x128xf32>
    %slice3A_568 = vector.extract_strided_slice %get3A_355 {offsets = [0, 4992], sizes = [32, 128], strides = [1, 1]} : vector<32x8192xf32> to vector<32x128xf32>
    %slice3A_569 = vector.extract_strided_slice %get3A_1 {offsets = [0, 384], sizes = [32, 128], strides = [1, 1]} : vector<32x512xf32> to vector<32x128xf32>
    %dot_general3A_570 = arith.constant dense<0.000000e+00> : vector<128x128xf32>
    %dot_general3A_571 = tpu.matmul %slice3A_568, %slice3A_569, %dot_general3A_570 {dimension_numbers = #tpu.dot_dimension_numbers<[0], [0], [1], [1], [0, 1, 1, 1], [], []>, transpose_lhs_hint = false} : vector<32x128xf32>, vector<32x128xf32>, vector<128x128xf32> -> vector<128x128xf32>
    %add3A_572 = arith.addf %add3A_567, %dot_general3A_571 : vector<128x128xf32>
    %swap3A_573 = arith.constant 1152 : index
    %swap3A_574 = arith.constant 0 : index
    %swap3A_575 = vector.load %arg5[%swap3A_573, %swap3A_574] : memref<2048x128xf32, #tpu.memory_space<vmem>>, vector<128x128xf32>
    tpu.vector_store %arg5[%swap3A_573, %swap3A_574], %add3A_572 {strides = array<i32>} : memref<2048x128xf32, #tpu.memory_space<vmem>>, vector<128x128xf32>,
    %slice3A_576 = vector.extract_strided_slice %get3A_355 {offsets = [0, 5120], sizes = [32, 128], strides = [1, 1]} : vector<32x8192xf32> to vector<32x128xf32>
    %slice3A_577 = vector.extract_strided_slice %get3A_1 {offsets = [0, 0], sizes = [32, 128], strides = [1, 1]} : vector<32x512xf32> to vector<32x128xf32>
    %dot_general3A_578 = arith.constant dense<0.000000e+00> : vector<128x128xf32>
    %dot_general3A_579 = tpu.matmul %slice3A_576, %slice3A_577, %dot_general3A_578 {dimension_numbers = #tpu.dot_dimension_numbers<[0], [0], [1], [1], [0, 1, 1, 1], [], []>, transpose_lhs_hint = false} : vector<32x128xf32>, vector<32x128xf32>, vector<128x128xf32> -> vector<128x128xf32>
    %slice3A_580 = vector.extract_strided_slice %get3A_355 {offsets = [0, 5248], sizes = [32, 128], strides = [1, 1]} : vector<32x8192xf32> to vector<32x128xf32>
    %slice3A_581 = vector.extract_strided_slice %get3A_1 {offsets = [0, 128], sizes = [32, 128], strides = [1, 1]} : vector<32x512xf32> to vector<32x128xf32>
    %dot_general3A_582 = arith.constant dense<0.000000e+00> : vector<128x128xf32>
    %dot_general3A_583 = tpu.matmul %slice3A_580, %slice3A_581, %dot_general3A_582 {dimension_numbers = #tpu.dot_dimension_numbers<[0], [0], [1], [1], [0, 1, 1, 1], [], []>, transpose_lhs_hint = false} : vector<32x128xf32>, vector<32x128xf32>, vector<128x128xf32> -> vector<128x128xf32>
    %add3A_584 = arith.addf %dot_general3A_579, %dot_general3A_583 : vector<128x128xf32>
    %slice3A_585 = vector.extract_strided_slice %get3A_355 {offsets = [0, 5376], sizes = [32, 128], strides = [1, 1]} : vector<32x8192xf32> to vector<32x128xf32>
    %slice3A_586 = vector.extract_strided_slice %get3A_1 {offsets = [0, 256], sizes = [32, 128], strides = [1, 1]} : vector<32x512xf32> to vector<32x128xf32>
    %dot_general3A_587 = arith.constant dense<0.000000e+00> : vector<128x128xf32>
    %dot_general3A_588 = tpu.matmul %slice3A_585, %slice3A_586, %dot_general3A_587 {dimension_numbers = #tpu.dot_dimension_numbers<[0], [0], [1], [1], [0, 1, 1, 1], [], []>, transpose_lhs_hint = false} : vector<32x128xf32>, vector<32x128xf32>, vector<128x128xf32> -> vector<128x128xf32>
    %add3A_589 = arith.addf %add3A_584, %dot_general3A_588 : vector<128x128xf32>
    %slice3A_590 = vector.extract_strided_slice %get3A_355 {offsets = [0, 5504], sizes = [32, 128], strides = [1, 1]} : vector<32x8192xf32> to vector<32x128xf32>
    %slice3A_591 = vector.extract_strided_slice %get3A_1 {offsets = [0, 384], sizes = [32, 128], strides = [1, 1]} : vector<32x512xf32> to vector<32x128xf32>
    %dot_general3A_592 = arith.constant dense<0.000000e+00> : vector<128x128xf32>
    %dot_general3A_593 = tpu.matmul %slice3A_590, %slice3A_591, %dot_general3A_592 {dimension_numbers = #tpu.dot_dimension_numbers<[0], [0], [1], [1], [0, 1, 1, 1], [], []>, transpose_lhs_hint = false} : vector<32x128xf32>, vector<32x128xf32>, vector<128x128xf32> -> vector<128x128xf32>
    %add3A_594 = arith.addf %add3A_589, %dot_general3A_593 : vector<128x128xf32>
    %swap3A_595 = arith.constant 1280 : index
    %swap3A_596 = arith.constant 0 : index
    %swap3A_597 = vector.load %arg5[%swap3A_595, %swap3A_596] : memref<2048x128xf32, #tpu.memory_space<vmem>>, vector<128x128xf32>
    tpu.vector_store %arg5[%swap3A_595, %swap3A_596], %add3A_594 {strides = array<i32>} : memref<2048x128xf32, #tpu.memory_space<vmem>>, vector<128x128xf32>,
    %slice3A_598 = vector.extract_strided_slice %get3A_355 {offsets = [0, 5632], sizes = [32, 128], strides = [1, 1]} : vector<32x8192xf32> to vector<32x128xf32>
    %slice3A_599 = vector.extract_strided_slice %get3A_1 {offsets = [0, 0], sizes = [32, 128], strides = [1, 1]} : vector<32x512xf32> to vector<32x128xf32>
    %dot_general3A_600 = arith.constant dense<0.000000e+00> : vector<128x128xf32>
    %dot_general3A_601 = tpu.matmul %slice3A_598, %slice3A_599, %dot_general3A_600 {dimension_numbers = #tpu.dot_dimension_numbers<[0], [0], [1], [1], [0, 1, 1, 1], [], []>, transpose_lhs_hint = false} : vector<32x128xf32>, vector<32x128xf32>, vector<128x128xf32> -> vector<128x128xf32>
    %slice3A_602 = vector.extract_strided_slice %get3A_355 {offsets = [0, 5760], sizes = [32, 128], strides = [1, 1]} : vector<32x8192xf32> to vector<32x128xf32>
    %slice3A_603 = vector.extract_strided_slice %get3A_1 {offsets = [0, 128], sizes = [32, 128], strides = [1, 1]} : vector<32x512xf32> to vector<32x128xf32>
    %dot_general3A_604 = arith.constant dense<0.000000e+00> : vector<128x128xf32>
    %dot_general3A_605 = tpu.matmul %slice3A_602, %slice3A_603, %dot_general3A_604 {dimension_numbers = #tpu.dot_dimension_numbers<[0], [0], [1], [1], [0, 1, 1, 1], [], []>, transpose_lhs_hint = false} : vector<32x128xf32>, vector<32x128xf32>, vector<128x128xf32> -> vector<128x128xf32>
    %add3A_606 = arith.addf %dot_general3A_601, %dot_general3A_605 : vector<128x128xf32>
    %slice3A_607 = vector.extract_strided_slice %get3A_355 {offsets = [0, 5888], sizes = [32, 128], strides = [1, 1]} : vector<32x8192xf32> to vector<32x128xf32>
    %slice3A_608 = vector.extract_strided_slice %get3A_1 {offsets = [0, 256], sizes = [32, 128], strides = [1, 1]} : vector<32x512xf32> to vector<32x128xf32>
    %dot_general3A_609 = arith.constant dense<0.000000e+00> : vector<128x128xf32>
    %dot_general3A_610 = tpu.matmul %slice3A_607, %slice3A_608, %dot_general3A_609 {dimension_numbers = #tpu.dot_dimension_numbers<[0], [0], [1], [1], [0, 1, 1, 1], [], []>, transpose_lhs_hint = false} : vector<32x128xf32>, vector<32x128xf32>, vector<128x128xf32> -> vector<128x128xf32>
    %add3A_611 = arith.addf %add3A_606, %dot_general3A_610 : vector<128x128xf32>
    %slice3A_612 = vector.extract_strided_slice %get3A_355 {offsets = [0, 6016], sizes = [32, 128], strides = [1, 1]} : vector<32x8192xf32> to vector<32x128xf32>
    %slice3A_613 = vector.extract_strided_slice %get3A_1 {offsets = [0, 384], sizes = [32, 128], strides = [1, 1]} : vector<32x512xf32> to vector<32x128xf32>
    %dot_general3A_614 = arith.constant dense<0.000000e+00> : vector<128x128xf32>
    %dot_general3A_615 = tpu.matmul %slice3A_612, %slice3A_613, %dot_general3A_614 {dimension_numbers = #tpu.dot_dimension_numbers<[0], [0], [1], [1], [0, 1, 1, 1], [], []>, transpose_lhs_hint = false} : vector<32x128xf32>, vector<32x128xf32>, vector<128x128xf32> -> vector<128x128xf32>
    %add3A_616 = arith.addf %add3A_611, %dot_general3A_615 : vector<128x128xf32>
    %swap3A_617 = arith.constant 1408 : index
    %swap3A_618 = arith.constant 0 : index
    %swap3A_619 = vector.load %arg5[%swap3A_617, %swap3A_618] : memref<2048x128xf32, #tpu.memory_space<vmem>>, vector<128x128xf32>
    tpu.vector_store %arg5[%swap3A_617, %swap3A_618], %add3A_616 {strides = array<i32>} : memref<2048x128xf32, #tpu.memory_space<vmem>>, vector<128x128xf32>,
    %slice3A_620 = vector.extract_strided_slice %get3A_355 {offsets = [0, 6144], sizes = [32, 128], strides = [1, 1]} : vector<32x8192xf32> to vector<32x128xf32>
    %slice3A_621 = vector.extract_strided_slice %get3A_1 {offsets = [0, 0], sizes = [32, 128], strides = [1, 1]} : vector<32x512xf32> to vector<32x128xf32>
    %dot_general3A_622 = arith.constant dense<0.000000e+00> : vector<128x128xf32>
    %dot_general3A_623 = tpu.matmul %slice3A_620, %slice3A_621, %dot_general3A_622 {dimension_numbers = #tpu.dot_dimension_numbers<[0], [0], [1], [1], [0, 1, 1, 1], [], []>, transpose_lhs_hint = false} : vector<32x128xf32>, vector<32x128xf32>, vector<128x128xf32> -> vector<128x128xf32>
    %slice3A_624 = vector.extract_strided_slice %get3A_355 {offsets = [0, 6272], sizes = [32, 128], strides = [1, 1]} : vector<32x8192xf32> to vector<32x128xf32>
    %slice3A_625 = vector.extract_strided_slice %get3A_1 {offsets = [0, 128], sizes = [32, 128], strides = [1, 1]} : vector<32x512xf32> to vector<32x128xf32>
    %dot_general3A_626 = arith.constant dense<0.000000e+00> : vector<128x128xf32>
    %dot_general3A_627 = tpu.matmul %slice3A_624, %slice3A_625, %dot_general3A_626 {dimension_numbers = #tpu.dot_dimension_numbers<[0], [0], [1], [1], [0, 1, 1, 1], [], []>, transpose_lhs_hint = false} : vector<32x128xf32>, vector<32x128xf32>, vector<128x128xf32> -> vector<128x128xf32>
    %add3A_628 = arith.addf %dot_general3A_623, %dot_general3A_627 : vector<128x128xf32>
    %slice3A_629 = vector.extract_strided_slice %get3A_355 {offsets = [0, 6400], sizes = [32, 128], strides = [1, 1]} : vector<32x8192xf32> to vector<32x128xf32>
    %slice3A_630 = vector.extract_strided_slice %get3A_1 {offsets = [0, 256], sizes = [32, 128], strides = [1, 1]} : vector<32x512xf32> to vector<32x128xf32>
    %dot_general3A_631 = arith.constant dense<0.000000e+00> : vector<128x128xf32>
    %dot_general3A_632 = tpu.matmul %slice3A_629, %slice3A_630, %dot_general3A_631 {dimension_numbers = #tpu.dot_dimension_numbers<[0], [0], [1], [1], [0, 1, 1, 1], [], []>, transpose_lhs_hint = false} : vector<32x128xf32>, vector<32x128xf32>, vector<128x128xf32> -> vector<128x128xf32>
    %add3A_633 = arith.addf %add3A_628, %dot_general3A_632 : vector<128x128xf32>
    %slice3A_634 = vector.extract_strided_slice %get3A_355 {offsets = [0, 6528], sizes = [32, 128], strides = [1, 1]} : vector<32x8192xf32> to vector<32x128xf32>
    %slice3A_635 = vector.extract_strided_slice %get3A_1 {offsets = [0, 384], sizes = [32, 128], strides = [1, 1]} : vector<32x512xf32> to vector<32x128xf32>
    %dot_general3A_636 = arith.constant dense<0.000000e+00> : vector<128x128xf32>
    %dot_general3A_637 = tpu.matmul %slice3A_634, %slice3A_635, %dot_general3A_636 {dimension_numbers = #tpu.dot_dimension_numbers<[0], [0], [1], [1], [0, 1, 1, 1], [], []>, transpose_lhs_hint = false} : vector<32x128xf32>, vector<32x128xf32>, vector<128x128xf32> -> vector<128x128xf32>
    %add3A_638 = arith.addf %add3A_633, %dot_general3A_637 : vector<128x128xf32>
    %swap3A_639 = arith.constant 1536 : index
    %swap3A_640 = arith.constant 0 : index
    %swap3A_641 = vector.load %arg5[%swap3A_639, %swap3A_640] : memref<2048x128xf32, #tpu.memory_space<vmem>>, vector<128x128xf32>
    tpu.vector_store %arg5[%swap3A_639, %swap3A_640], %add3A_638 {strides = array<i32>} : memref<2048x128xf32, #tpu.memory_space<vmem>>, vector<128x128xf32>,
    %slice3A_642 = vector.extract_strided_slice %get3A_355 {offsets = [0, 6656], sizes = [32, 128], strides = [1, 1]} : vector<32x8192xf32> to vector<32x128xf32>
    %slice3A_643 = vector.extract_strided_slice %get3A_1 {offsets = [0, 0], sizes = [32, 128], strides = [1, 1]} : vector<32x512xf32> to vector<32x128xf32>
    %dot_general3A_644 = arith.constant dense<0.000000e+00> : vector<128x128xf32>
    %dot_general3A_645 = tpu.matmul %slice3A_642, %slice3A_643, %dot_general3A_644 {dimension_numbers = #tpu.dot_dimension_numbers<[0], [0], [1], [1], [0, 1, 1, 1], [], []>, transpose_lhs_hint = false} : vector<32x128xf32>, vector<32x128xf32>, vector<128x128xf32> -> vector<128x128xf32>
    %slice3A_646 = vector.extract_strided_slice %get3A_355 {offsets = [0, 6784], sizes = [32, 128], strides = [1, 1]} : vector<32x8192xf32> to vector<32x128xf32>
    %slice3A_647 = vector.extract_strided_slice %get3A_1 {offsets = [0, 128], sizes = [32, 128], strides = [1, 1]} : vector<32x512xf32> to vector<32x128xf32>
    %dot_general3A_648 = arith.constant dense<0.000000e+00> : vector<128x128xf32>
    %dot_general3A_649 = tpu.matmul %slice3A_646, %slice3A_647, %dot_general3A_648 {dimension_numbers = #tpu.dot_dimension_numbers<[0], [0], [1], [1], [0, 1, 1, 1], [], []>, transpose_lhs_hint = false} : vector<32x128xf32>, vector<32x128xf32>, vector<128x128xf32> -> vector<128x128xf32>
    %add3A_650 = arith.addf %dot_general3A_645, %dot_general3A_649 : vector<128x128xf32>
    %slice3A_651 = vector.extract_strided_slice %get3A_355 {offsets = [0, 6912], sizes = [32, 128], strides = [1, 1]} : vector<32x8192xf32> to vector<32x128xf32>
    %slice3A_652 = vector.extract_strided_slice %get3A_1 {offsets = [0, 256], sizes = [32, 128], strides = [1, 1]} : vector<32x512xf32> to vector<32x128xf32>
    %dot_general3A_653 = arith.constant dense<0.000000e+00> : vector<128x128xf32>
    %dot_general3A_654 = tpu.matmul %slice3A_651, %slice3A_652, %dot_general3A_653 {dimension_numbers = #tpu.dot_dimension_numbers<[0], [0], [1], [1], [0, 1, 1, 1], [], []>, transpose_lhs_hint = false} : vector<32x128xf32>, vector<32x128xf32>, vector<128x128xf32> -> vector<128x128xf32>
    %add3A_655 = arith.addf %add3A_650, %dot_general3A_654 : vector<128x128xf32>
    %slice3A_656 = vector.extract_strided_slice %get3A_355 {offsets = [0, 7040], sizes = [32, 128], strides = [1, 1]} : vector<32x8192xf32> to vector<32x128xf32>
    %slice3A_657 = vector.extract_strided_slice %get3A_1 {offsets = [0, 384], sizes = [32, 128], strides = [1, 1]} : vector<32x512xf32> to vector<32x128xf32>
    %dot_general3A_658 = arith.constant dense<0.000000e+00> : vector<128x128xf32>
    %dot_general3A_659 = tpu.matmul %slice3A_656, %slice3A_657, %dot_general3A_658 {dimension_numbers = #tpu.dot_dimension_numbers<[0], [0], [1], [1], [0, 1, 1, 1], [], []>, transpose_lhs_hint = false} : vector<32x128xf32>, vector<32x128xf32>, vector<128x128xf32> -> vector<128x128xf32>
    %add3A_660 = arith.addf %add3A_655, %dot_general3A_659 : vector<128x128xf32>
    %swap3A_661 = arith.constant 1664 : index
    %swap3A_662 = arith.constant 0 : index
    %swap3A_663 = vector.load %arg5[%swap3A_661, %swap3A_662] : memref<2048x128xf32, #tpu.memory_space<vmem>>, vector<128x128xf32>
    tpu.vector_store %arg5[%swap3A_661, %swap3A_662], %add3A_660 {strides = array<i32>} : memref<2048x128xf32, #tpu.memory_space<vmem>>, vector<128x128xf32>,
    %slice3A_664 = vector.extract_strided_slice %get3A_355 {offsets = [0, 7168], sizes = [32, 128], strides = [1, 1]} : vector<32x8192xf32> to vector<32x128xf32>
    %slice3A_665 = vector.extract_strided_slice %get3A_1 {offsets = [0, 0], sizes = [32, 128], strides = [1, 1]} : vector<32x512xf32> to vector<32x128xf32>
    %dot_general3A_666 = arith.constant dense<0.000000e+00> : vector<128x128xf32>
    %dot_general3A_667 = tpu.matmul %slice3A_664, %slice3A_665, %dot_general3A_666 {dimension_numbers = #tpu.dot_dimension_numbers<[0], [0], [1], [1], [0, 1, 1, 1], [], []>, transpose_lhs_hint = false} : vector<32x128xf32>, vector<32x128xf32>, vector<128x128xf32> -> vector<128x128xf32>
    %slice3A_668 = vector.extract_strided_slice %get3A_355 {offsets = [0, 7296], sizes = [32, 128], strides = [1, 1]} : vector<32x8192xf32> to vector<32x128xf32>
    %slice3A_669 = vector.extract_strided_slice %get3A_1 {offsets = [0, 128], sizes = [32, 128], strides = [1, 1]} : vector<32x512xf32> to vector<32x128xf32>
    %dot_general3A_670 = arith.constant dense<0.000000e+00> : vector<128x128xf32>
    %dot_general3A_671 = tpu.matmul %slice3A_668, %slice3A_669, %dot_general3A_670 {dimension_numbers = #tpu.dot_dimension_numbers<[0], [0], [1], [1], [0, 1, 1, 1], [], []>, transpose_lhs_hint = false} : vector<32x128xf32>, vector<32x128xf32>, vector<128x128xf32> -> vector<128x128xf32>
    %add3A_672 = arith.addf %dot_general3A_667, %dot_general3A_671 : vector<128x128xf32>
    %slice3A_673 = vector.extract_strided_slice %get3A_355 {offsets = [0, 7424], sizes = [32, 128], strides = [1, 1]} : vector<32x8192xf32> to vector<32x128xf32>
    %slice3A_674 = vector.extract_strided_slice %get3A_1 {offsets = [0, 256], sizes = [32, 128], strides = [1, 1]} : vector<32x512xf32> to vector<32x128xf32>
    %dot_general3A_675 = arith.constant dense<0.000000e+00> : vector<128x128xf32>
    %dot_general3A_676 = tpu.matmul %slice3A_673, %slice3A_674, %dot_general3A_675 {dimension_numbers = #tpu.dot_dimension_numbers<[0], [0], [1], [1], [0, 1, 1, 1], [], []>, transpose_lhs_hint = false} : vector<32x128xf32>, vector<32x128xf32>, vector<128x128xf32> -> vector<128x128xf32>
    %add3A_677 = arith.addf %add3A_672, %dot_general3A_676 : vector<128x128xf32>
    %slice3A_678 = vector.extract_strided_slice %get3A_355 {offsets = [0, 7552], sizes = [32, 128], strides = [1, 1]} : vector<32x8192xf32> to vector<32x128xf32>
    %slice3A_679 = vector.extract_strided_slice %get3A_1 {offsets = [0, 384], sizes = [32, 128], strides = [1, 1]} : vector<32x512xf32> to vector<32x128xf32>
    %dot_general3A_680 = arith.constant dense<0.000000e+00> : vector<128x128xf32>
    %dot_general3A_681 = tpu.matmul %slice3A_678, %slice3A_679, %dot_general3A_680 {dimension_numbers = #tpu.dot_dimension_numbers<[0], [0], [1], [1], [0, 1, 1, 1], [], []>, transpose_lhs_hint = false} : vector<32x128xf32>, vector<32x128xf32>, vector<128x128xf32> -> vector<128x128xf32>
    %add3A_682 = arith.addf %add3A_677, %dot_general3A_681 : vector<128x128xf32>
    %swap3A_683 = arith.constant 1792 : index
    %swap3A_684 = arith.constant 0 : index
    %swap3A_685 = vector.load %arg5[%swap3A_683, %swap3A_684] : memref<2048x128xf32, #tpu.memory_space<vmem>>, vector<128x128xf32>
    tpu.vector_store %arg5[%swap3A_683, %swap3A_684], %add3A_682 {strides = array<i32>} : memref<2048x128xf32, #tpu.memory_space<vmem>>, vector<128x128xf32>,
    %slice3A_686 = vector.extract_strided_slice %get3A_355 {offsets = [0, 7680], sizes = [32, 128], strides = [1, 1]} : vector<32x8192xf32> to vector<32x128xf32>
    %slice3A_687 = vector.extract_strided_slice %get3A_1 {offsets = [0, 0], sizes = [32, 128], strides = [1, 1]} : vector<32x512xf32> to vector<32x128xf32>
    %dot_general3A_688 = arith.constant dense<0.000000e+00> : vector<128x128xf32>
    %dot_general3A_689 = tpu.matmul %slice3A_686, %slice3A_687, %dot_general3A_688 {dimension_numbers = #tpu.dot_dimension_numbers<[0], [0], [1], [1], [0, 1, 1, 1], [], []>, transpose_lhs_hint = false} : vector<32x128xf32>, vector<32x128xf32>, vector<128x128xf32> -> vector<128x128xf32>
    %slice3A_690 = vector.extract_strided_slice %get3A_355 {offsets = [0, 7808], sizes = [32, 128], strides = [1, 1]} : vector<32x8192xf32> to vector<32x128xf32>
    %slice3A_691 = vector.extract_strided_slice %get3A_1 {offsets = [0, 128], sizes = [32, 128], strides = [1, 1]} : vector<32x512xf32> to vector<32x128xf32>
    %dot_general3A_692 = arith.constant dense<0.000000e+00> : vector<128x128xf32>
    %dot_general3A_693 = tpu.matmul %slice3A_690, %slice3A_691, %dot_general3A_692 {dimension_numbers = #tpu.dot_dimension_numbers<[0], [0], [1], [1], [0, 1, 1, 1], [], []>, transpose_lhs_hint = false} : vector<32x128xf32>, vector<32x128xf32>, vector<128x128xf32> -> vector<128x128xf32>
    %add3A_694 = arith.addf %dot_general3A_689, %dot_general3A_693 : vector<128x128xf32>
    %slice3A_695 = vector.extract_strided_slice %get3A_355 {offsets = [0, 7936], sizes = [32, 128], strides = [1, 1]} : vector<32x8192xf32> to vector<32x128xf32>
    %slice3A_696 = vector.extract_strided_slice %get3A_1 {offsets = [0, 256], sizes = [32, 128], strides = [1, 1]} : vector<32x512xf32> to vector<32x128xf32>
    %dot_general3A_697 = arith.constant dense<0.000000e+00> : vector<128x128xf32>
    %dot_general3A_698 = tpu.matmul %slice3A_695, %slice3A_696, %dot_general3A_697 {dimension_numbers = #tpu.dot_dimension_numbers<[0], [0], [1], [1], [0, 1, 1, 1], [], []>, transpose_lhs_hint = false} : vector<32x128xf32>, vector<32x128xf32>, vector<128x128xf32> -> vector<128x128xf32>
    %add3A_699 = arith.addf %add3A_694, %dot_general3A_698 : vector<128x128xf32>
    %slice3A_700 = vector.extract_strided_slice %get3A_355 {offsets = [0, 8064], sizes = [32, 128], strides = [1, 1]} : vector<32x8192xf32> to vector<32x128xf32>
    %slice3A_701 = vector.extract_strided_slice %get3A_1 {offsets = [0, 384], sizes = [32, 128], strides = [1, 1]} : vector<32x512xf32> to vector<32x128xf32>
    %dot_general3A_702 = arith.constant dense<0.000000e+00> : vector<128x128xf32>
    %dot_general3A_703 = tpu.matmul %slice3A_700, %slice3A_701, %dot_general3A_702 {dimension_numbers = #tpu.dot_dimension_numbers<[0], [0], [1], [1], [0, 1, 1, 1], [], []>, transpose_lhs_hint = false} : vector<32x128xf32>, vector<32x128xf32>, vector<128x128xf32> -> vector<128x128xf32>
    %add3A_704 = arith.addf %add3A_699, %dot_general3A_703 : vector<128x128xf32>
    %swap3A_705 = arith.constant 1920 : index
    %swap3A_706 = arith.constant 0 : index
    %swap3A_707 = vector.load %arg5[%swap3A_705, %swap3A_706] : memref<2048x128xf32, #tpu.memory_space<vmem>>, vector<128x128xf32>
    tpu.vector_store %arg5[%swap3A_705, %swap3A_706], %add3A_704 {strides = array<i32>} : memref<2048x128xf32, #tpu.memory_space<vmem>>, vector<128x128xf32>,
    return
  }
  func.func @transform_0(%arg0: i32) -> (i32, i32) {
    %c0_i32 = arith.constant 0 : i32
    %c0_i32_0 = arith.constant 0 : i32
    %c0_i32_1 = arith.constant 0 : i32
    return %c0_i32, %c0_i32_0 : i32, i32
  }
  func.func @transform_1(%arg0: i32) -> (i32, i32) {
    %c0_i32 = arith.constant 0 : i32
    %c0_i32_0 = arith.constant 0 : i32
    return %c0_i32, %arg0 : i32, i32
  }
  func.func @transform_2(%arg0: i32) -> (i32, i32) {
    %c0_i32 = arith.constant 0 : i32
    %c0_i32_0 = arith.constant 0 : i32
    return %c0_i32, %arg0 : i32, i32
  }
  func.func @transform_3(%arg0: i32) -> (i32, i32) {
    %c0_i32 = arith.constant 0 : i32
    %c0_i32_0 = arith.constant 0 : i32
    return %arg0, %c0_i32 : i32, i32
  }
  func.func @transform_4(%arg0: i32) -> (i32, i32) {
    %c0_i32 = arith.constant 0 : i32
    %c0_i32_0 = arith.constant 0 : i32
    return %arg0, %c0_i32 : i32, i32
  }
}

module attributes {stable_mosaic.version = 14 : i64} {
  func.func @_mlp_body_alias(%arg0: i32, %arg1: memref<1024x32xf32, #tpu.memory_space<vmem>>, %arg2: memref<1024x32xf32, #tpu.memory_space<vmem>>, %arg3: memref<32x128xf32, #tpu.memory_space<vmem>>, %arg4: memref<32x128xf32, #tpu.memory_space<vmem>>, %arg5: memref<1x128xf32, #tpu.memory_space<vmem>>, %arg6: memref<128x64xf32, #tpu.memory_space<vmem>>, %arg7: memref<1x64xf32, #tpu.memory_space<vmem>>, %arg8: memref<64x1000xf32, #tpu.memory_space<vmem>>, %arg9: memref<1x1000xf32, #tpu.memory_space<vmem>>, %arg10: memref<64x1000xf32, #tpu.memory_space<vmem>>, %arg11: memref<1x1000xf32, #tpu.memory_space<vmem>>, %arg12: memref<1000x16384xf32, #tpu.memory_space<any>>, %arg13: memref<1000x16384xf32, #tpu.memory_space<any>>, %arg14: memref<1000x1024xf32, #tpu.memory_space<vmem>>, %arg15: memref<1000x1024xf32, #tpu.memory_space<vmem>>) attributes {dimension_semantics = [#tpu.dimension_semantics<arbitrary>], iteration_bounds = array<i64: 8>, scalar_prefetch = 0 : i64, scratch_operands = 0 : i64, tpu.core_type = #tpu.core_type<tc>, window_params = [{transform_indices = @transform_0, window_bounds = array<i64: 1024, 32>}, {transform_indices = @transform_1, window_bounds = array<i64: 1024, 32>}, {pipeline_mode = #tpu.pipeline_mode<synchronous>, transform_indices = @transform_2, window_bounds = array<i64: 32, 128>}, {pipeline_mode = #tpu.pipeline_mode<synchronous>, transform_indices = @transform_3, window_bounds = array<i64: 32, 128>}, {pipeline_mode = #tpu.pipeline_mode<synchronous>, transform_indices = @transform_4, window_bounds = array<i64: 1, 128>}, {pipeline_mode = #tpu.pipeline_mode<synchronous>, transform_indices = @transform_5, window_bounds = array<i64: 128, 64>}, {pipeline_mode = #tpu.pipeline_mode<synchronous>, transform_indices = @transform_6, window_bounds = array<i64: 1, 64>}, {pipeline_mode = #tpu.pipeline_mode<synchronous>, transform_indices = @transform_7, window_bounds = array<i64: 64, 1000>}, {pipeline_mode = #tpu.pipeline_mode<synchronous>, transform_indices = @transform_8, window_bounds = array<i64: 1, 1000>}, {pipeline_mode = #tpu.pipeline_mode<synchronous>, transform_indices = @transform_9, window_bounds = array<i64: 64, 1000>}, {pipeline_mode = #tpu.pipeline_mode<synchronous>, transform_indices = @transform_10, window_bounds = array<i64: 1, 1000>}, {}, {}, {transform_indices = @transform_13, window_bounds = array<i64: 1000, 1024>}, {transform_indices = @transform_14, window_bounds = array<i64: 1000, 1024>}]} {
    %get3A = arith.constant 0 : index
    %get3A_0 = arith.constant 0 : index
    %get3A_1 = vector.load %arg1[%get3A, %get3A_0] : memref<1024x32xf32, #tpu.memory_space<vmem>>, vector<1024x32xf32>
    %get3A_2 = arith.constant 0 : index
    %get3A_3 = arith.constant 0 : index
    %get3A_4 = vector.load %arg3[%get3A_2, %get3A_3] : memref<32x128xf32, #tpu.memory_space<vmem>>, vector<32x128xf32>
    %dot_general3A = arith.constant dense<0.000000e+00> : vector<1024x128xf32>
    %dot_general3A_5 = tpu.matmul %get3A_1, %get3A_4, %dot_general3A {dimension_numbers = #tpu.dot_dimension_numbers<[1], [0], [0], [1], [0, 0, 1, 1], [], []>, transpose_lhs_hint = false} : vector<1024x32xf32>, vector<32x128xf32>, vector<1024x128xf32> -> vector<1024x128xf32>
    %get3A_6 = arith.constant 0 : index
    %get3A_7 = arith.constant 0 : index
    %get3A_8 = vector.load %arg2[%get3A_6, %get3A_7] : memref<1024x32xf32, #tpu.memory_space<vmem>>, vector<1024x32xf32>
    %get3A_9 = arith.constant 0 : index
    %get3A_10 = arith.constant 0 : index
    %get3A_11 = vector.load %arg4[%get3A_9, %get3A_10] : memref<32x128xf32, #tpu.memory_space<vmem>>, vector<32x128xf32>
    %dot_general3A_12 = arith.constant dense<0.000000e+00> : vector<1024x128xf32>
    %dot_general3A_13 = tpu.matmul %get3A_8, %get3A_11, %dot_general3A_12 {dimension_numbers = #tpu.dot_dimension_numbers<[1], [0], [0], [1], [0, 0, 1, 1], [], []>, transpose_lhs_hint = false} : vector<1024x32xf32>, vector<32x128xf32>, vector<1024x128xf32> -> vector<1024x128xf32>
    %add3A = arith.addf %dot_general3A_5, %dot_general3A_13 : vector<1024x128xf32>
    %get3A_14 = arith.constant 0 : index
    %get3A_15 = arith.constant 0 : index
    %get3A_16 = vector.load %arg5[%get3A_14, %get3A_15] : memref<1x128xf32, #tpu.memory_space<vmem>>, vector<1x128xf32>
    %add3A_17 = vector.broadcast %get3A_16 : vector<1x128xf32> to vector<1024x128xf32>
    %add3A_18 = arith.addf %add3A, %add3A_17 : vector<1024x128xf32>
    %max3A = arith.constant 0.000000e+00 : f32
    %max3A_19 = vector.broadcast %max3A : f32 to vector<1024x128xf32>
    %max3A_20 = arith.maximumf %add3A_18, %max3A_19 : vector<1024x128xf32>
    %get3A_21 = arith.constant 0 : index
    %get3A_22 = arith.constant 0 : index
    %get3A_23 = vector.load %arg6[%get3A_21, %get3A_22] : memref<128x64xf32, #tpu.memory_space<vmem>>, vector<128x64xf32>
    %dot_general3A_24 = arith.constant dense<0.000000e+00> : vector<1024x64xf32>
    %dot_general3A_25 = tpu.matmul %max3A_20, %get3A_23, %dot_general3A_24 {dimension_numbers = #tpu.dot_dimension_numbers<[1], [0], [0], [1], [0, 0, 1, 1], [], []>, transpose_lhs_hint = false} : vector<1024x128xf32>, vector<128x64xf32>, vector<1024x64xf32> -> vector<1024x64xf32>
    %get3A_26 = arith.constant 0 : index
    %get3A_27 = arith.constant 0 : index
    %get3A_28 = vector.load %arg7[%get3A_26, %get3A_27] : memref<1x64xf32, #tpu.memory_space<vmem>>, vector<1x64xf32>
    %add3A_29 = vector.broadcast %get3A_28 : vector<1x64xf32> to vector<1024x64xf32>
    %add3A_30 = arith.addf %dot_general3A_25, %add3A_29 : vector<1024x64xf32>
    %max3A_31 = arith.constant 0.000000e+00 : f32
    %max3A_32 = vector.broadcast %max3A_31 : f32 to vector<1024x64xf32>
    %max3A_33 = arith.maximumf %add3A_30, %max3A_32 : vector<1024x64xf32>
    %get3A_34 = arith.constant 0 : index
    %get3A_35 = arith.constant 0 : index
    %get3A_36 = vector.load %arg8[%get3A_34, %get3A_35] : memref<64x1000xf32, #tpu.memory_space<vmem>>, vector<64x1000xf32>
    %dot_general3A_37 = arith.constant dense<0.000000e+00> : vector<1000x1024xf32>
    %dot_general3A_38 = tpu.matmul %get3A_36, %max3A_33, %dot_general3A_37 {dimension_numbers = #tpu.dot_dimension_numbers<[0], [1], [1], [0], [0, 1, 1, 0], [], []>, transpose_lhs_hint = false} : vector<64x1000xf32>, vector<1024x64xf32>, vector<1000x1024xf32> -> vector<1000x1024xf32>
    %get3A_39 = arith.constant 0 : index
    %get3A_40 = arith.constant 0 : index
    %get3A_41 = vector.load %arg10[%get3A_39, %get3A_40] : memref<64x1000xf32, #tpu.memory_space<vmem>>, vector<64x1000xf32>
    %dot_general3A_42 = arith.constant dense<0.000000e+00> : vector<1000x1024xf32>
    %dot_general3A_43 = tpu.matmul %get3A_41, %max3A_33, %dot_general3A_42 {dimension_numbers = #tpu.dot_dimension_numbers<[0], [1], [1], [0], [0, 1, 1, 0], [], []>, transpose_lhs_hint = false} : vector<64x1000xf32>, vector<1024x64xf32>, vector<1000x1024xf32> -> vector<1000x1024xf32>
    %get3A_44 = arith.constant 0 : index
    %get3A_45 = arith.constant 0 : index
    %get3A_46 = vector.load %arg9[%get3A_44, %get3A_45] : memref<1x1000xf32, #tpu.memory_space<vmem>>, vector<1x1000xf32>
    %transpose3A = tpu.transpose %get3A_46, [1, 0] : vector<1x1000xf32> -> vector<1000x1xf32>
    %add3A_47 = vector.broadcast %transpose3A : vector<1000x1xf32> to vector<1000x1024xf32>
    %add3A_48 = arith.addf %dot_general3A_38, %add3A_47 : vector<1000x1024xf32>
    %swap3A = arith.constant 0 : index
    %swap3A_49 = arith.constant 0 : index
    %swap3A_50 = vector.load %arg14[%swap3A, %swap3A_49] : memref<1000x1024xf32, #tpu.memory_space<vmem>>, vector<1000x1024xf32>
    tpu.vector_store %arg14[%swap3A, %swap3A_49], %add3A_48 {strides = array<i32>} : memref<1000x1024xf32, #tpu.memory_space<vmem>>, vector<1000x1024xf32>,
    %get3A_51 = arith.constant 0 : index
    %get3A_52 = arith.constant 0 : index
    %get3A_53 = vector.load %arg11[%get3A_51, %get3A_52] : memref<1x1000xf32, #tpu.memory_space<vmem>>, vector<1x1000xf32>
    %transpose3A_54 = tpu.transpose %get3A_53, [1, 0] : vector<1x1000xf32> -> vector<1000x1xf32>
    %add3A_55 = vector.broadcast %transpose3A_54 : vector<1000x1xf32> to vector<1000x1024xf32>
    %add3A_56 = arith.addf %dot_general3A_43, %add3A_55 : vector<1000x1024xf32>
    %swap3A_57 = arith.constant 0 : index
    %swap3A_58 = arith.constant 0 : index
    %swap3A_59 = vector.load %arg15[%swap3A_57, %swap3A_58] : memref<1000x1024xf32, #tpu.memory_space<vmem>>, vector<1000x1024xf32>
    tpu.vector_store %arg15[%swap3A_57, %swap3A_58], %add3A_56 {strides = array<i32>} : memref<1000x1024xf32, #tpu.memory_space<vmem>>, vector<1000x1024xf32>,
    return
  }
  func.func @transform_0(%arg0: i32) -> (i32, i32) {
    %c0_i32 = arith.constant 0 : i32
    %c0_i32_0 = arith.constant 0 : i32
    return %arg0, %c0_i32 : i32, i32
  }
  func.func @transform_1(%arg0: i32) -> (i32, i32) {
    %c0_i32 = arith.constant 0 : i32
    %c0_i32_0 = arith.constant 0 : i32
    return %arg0, %c0_i32 : i32, i32
  }
  func.func @transform_2(%arg0: i32) -> (i32, i32) {
    %c0_i32 = arith.constant 0 : i32
    %c0_i32_0 = arith.constant 0 : i32
    %c0_i32_1 = arith.constant 0 : i32
    return %c0_i32, %c0_i32_0 : i32, i32
  }
  func.func @transform_3(%arg0: i32) -> (i32, i32) {
    %c0_i32 = arith.constant 0 : i32
    %c0_i32_0 = arith.constant 0 : i32
    %c0_i32_1 = arith.constant 0 : i32
    return %c0_i32, %c0_i32_0 : i32, i32
  }
  func.func @transform_4(%arg0: i32) -> (i32, i32) {
    %c0_i32 = arith.constant 0 : i32
    %c0_i32_0 = arith.constant 0 : i32
    %c0_i32_1 = arith.constant 0 : i32
    return %c0_i32, %c0_i32_0 : i32, i32
  }
  func.func @transform_5(%arg0: i32) -> (i32, i32) {
    %c0_i32 = arith.constant 0 : i32
    %c0_i32_0 = arith.constant 0 : i32
    %c0_i32_1 = arith.constant 0 : i32
    return %c0_i32, %c0_i32_0 : i32, i32
  }
  func.func @transform_6(%arg0: i32) -> (i32, i32) {
    %c0_i32 = arith.constant 0 : i32
    %c0_i32_0 = arith.constant 0 : i32
    %c0_i32_1 = arith.constant 0 : i32
    return %c0_i32, %c0_i32_0 : i32, i32
  }
  func.func @transform_7(%arg0: i32) -> (i32, i32) {
    %c0_i32 = arith.constant 0 : i32
    %c0_i32_0 = arith.constant 0 : i32
    %c0_i32_1 = arith.constant 0 : i32
    return %c0_i32, %c0_i32_0 : i32, i32
  }
  func.func @transform_8(%arg0: i32) -> (i32, i32) {
    %c0_i32 = arith.constant 0 : i32
    %c0_i32_0 = arith.constant 0 : i32
    %c0_i32_1 = arith.constant 0 : i32
    return %c0_i32, %c0_i32_0 : i32, i32
  }
  func.func @transform_9(%arg0: i32) -> (i32, i32) {
    %c0_i32 = arith.constant 0 : i32
    %c0_i32_0 = arith.constant 0 : i32
    %c0_i32_1 = arith.constant 0 : i32
    return %c0_i32, %c0_i32_0 : i32, i32
  }
  func.func @transform_10(%arg0: i32) -> (i32, i32) {
    %c0_i32 = arith.constant 0 : i32
    %c0_i32_0 = arith.constant 0 : i32
    %c0_i32_1 = arith.constant 0 : i32
    return %c0_i32, %c0_i32_0 : i32, i32
  }
  func.func @transform_13(%arg0: i32) -> (i32, i32) {
    %add3A = arith.constant 8 : i32
    %add3A_0 = arith.addi %arg0, %add3A : i32
    %c0_i32 = arith.constant 0 : i32
    %c0_i32_1 = arith.constant 0 : i32
    return %c0_i32, %add3A_0 : i32, i32
  }
  func.func @transform_14(%arg0: i32) -> (i32, i32) {
    %add3A = arith.constant 8 : i32
    %add3A_0 = arith.addi %arg0, %add3A : i32
    %c0_i32 = arith.constant 0 : i32
    %c0_i32_1 = arith.constant 0 : i32
    return %c0_i32, %add3A_0 : i32, i32
  }
}

module attributes {stable_mosaic.version = 14 : i64} {
  func.func @_mlp_body(%arg0: i32, %arg1: memref<1024x32xf32, #tpu.memory_space<vmem>>, %arg2: memref<1024x32xf32, #tpu.memory_space<vmem>>, %arg3: memref<32x128xf32, #tpu.memory_space<vmem>>, %arg4: memref<32x128xf32, #tpu.memory_space<vmem>>, %arg5: memref<1x128xf32, #tpu.memory_space<vmem>>, %arg6: memref<128x64xf32, #tpu.memory_space<vmem>>, %arg7: memref<1x64xf32, #tpu.memory_space<vmem>>, %arg8: memref<64x1000xf32, #tpu.memory_space<vmem>>, %arg9: memref<1x1000xf32, #tpu.memory_space<vmem>>, %arg10: memref<64x1000xf32, #tpu.memory_space<vmem>>, %arg11: memref<1x1000xf32, #tpu.memory_space<vmem>>, %arg12: memref<1000x1024xf32, #tpu.memory_space<vmem>>, %arg13: memref<1000x1024xf32, #tpu.memory_space<vmem>>) attributes {dimension_semantics = [#tpu.dimension_semantics<arbitrary>], iteration_bounds = array<i64: 8>, scalar_prefetch = 0 : i64, scratch_operands = 0 : i64, tpu.core_type = #tpu.core_type<tc>, window_params = [{transform_indices = @transform_0, window_bounds = array<i64: 1024, 32>}, {transform_indices = @transform_1, window_bounds = array<i64: 1024, 32>}, {pipeline_mode = #tpu.pipeline_mode<synchronous>, transform_indices = @transform_2, window_bounds = array<i64: 32, 128>}, {pipeline_mode = #tpu.pipeline_mode<synchronous>, transform_indices = @transform_3, window_bounds = array<i64: 32, 128>}, {pipeline_mode = #tpu.pipeline_mode<synchronous>, transform_indices = @transform_4, window_bounds = array<i64: 1, 128>}, {pipeline_mode = #tpu.pipeline_mode<synchronous>, transform_indices = @transform_5, window_bounds = array<i64: 128, 64>}, {pipeline_mode = #tpu.pipeline_mode<synchronous>, transform_indices = @transform_6, window_bounds = array<i64: 1, 64>}, {pipeline_mode = #tpu.pipeline_mode<synchronous>, transform_indices = @transform_7, window_bounds = array<i64: 64, 1000>}, {pipeline_mode = #tpu.pipeline_mode<synchronous>, transform_indices = @transform_8, window_bounds = array<i64: 1, 1000>}, {pipeline_mode = #tpu.pipeline_mode<synchronous>, transform_indices = @transform_9, window_bounds = array<i64: 64, 1000>}, {pipeline_mode = #tpu.pipeline_mode<synchronous>, transform_indices = @transform_10, window_bounds = array<i64: 1, 1000>}, {transform_indices = @transform_11, window_bounds = array<i64: 1000, 1024>}, {transform_indices = @transform_12, window_bounds = array<i64: 1000, 1024>}]} {
    %get3A = arith.constant 0 : index
    %get3A_0 = arith.constant 0 : index
    %get3A_1 = vector.load %arg1[%get3A, %get3A_0] : memref<1024x32xf32, #tpu.memory_space<vmem>>, vector<1024x32xf32>
    %get3A_2 = arith.constant 0 : index
    %get3A_3 = arith.constant 0 : index
    %get3A_4 = vector.load %arg3[%get3A_2, %get3A_3] : memref<32x128xf32, #tpu.memory_space<vmem>>, vector<32x128xf32>
    %dot_general3A = arith.constant dense<0.000000e+00> : vector<1024x128xf32>
    %dot_general3A_5 = tpu.matmul %get3A_1, %get3A_4, %dot_general3A {dimension_numbers = #tpu.dot_dimension_numbers<[1], [0], [0], [1], [0, 0, 1, 1], [], []>, transpose_lhs_hint = false} : vector<1024x32xf32>, vector<32x128xf32>, vector<1024x128xf32> -> vector<1024x128xf32>
    %get3A_6 = arith.constant 0 : index
    %get3A_7 = arith.constant 0 : index
    %get3A_8 = vector.load %arg2[%get3A_6, %get3A_7] : memref<1024x32xf32, #tpu.memory_space<vmem>>, vector<1024x32xf32>
    %get3A_9 = arith.constant 0 : index
    %get3A_10 = arith.constant 0 : index
    %get3A_11 = vector.load %arg4[%get3A_9, %get3A_10] : memref<32x128xf32, #tpu.memory_space<vmem>>, vector<32x128xf32>
    %dot_general3A_12 = arith.constant dense<0.000000e+00> : vector<1024x128xf32>
    %dot_general3A_13 = tpu.matmul %get3A_8, %get3A_11, %dot_general3A_12 {dimension_numbers = #tpu.dot_dimension_numbers<[1], [0], [0], [1], [0, 0, 1, 1], [], []>, transpose_lhs_hint = false} : vector<1024x32xf32>, vector<32x128xf32>, vector<1024x128xf32> -> vector<1024x128xf32>
    %add3A = arith.addf %dot_general3A_5, %dot_general3A_13 : vector<1024x128xf32>
    %get3A_14 = arith.constant 0 : index
    %get3A_15 = arith.constant 0 : index
    %get3A_16 = vector.load %arg5[%get3A_14, %get3A_15] : memref<1x128xf32, #tpu.memory_space<vmem>>, vector<1x128xf32>
    %add3A_17 = vector.broadcast %get3A_16 : vector<1x128xf32> to vector<1024x128xf32>
    %add3A_18 = arith.addf %add3A, %add3A_17 : vector<1024x128xf32>
    %max3A = arith.constant 0.000000e+00 : f32
    %max3A_19 = vector.broadcast %max3A : f32 to vector<1024x128xf32>
    %max3A_20 = arith.maximumf %add3A_18, %max3A_19 : vector<1024x128xf32>
    %get3A_21 = arith.constant 0 : index
    %get3A_22 = arith.constant 0 : index
    %get3A_23 = vector.load %arg6[%get3A_21, %get3A_22] : memref<128x64xf32, #tpu.memory_space<vmem>>, vector<128x64xf32>
    %dot_general3A_24 = arith.constant dense<0.000000e+00> : vector<1024x64xf32>
    %dot_general3A_25 = tpu.matmul %max3A_20, %get3A_23, %dot_general3A_24 {dimension_numbers = #tpu.dot_dimension_numbers<[1], [0], [0], [1], [0, 0, 1, 1], [], []>, transpose_lhs_hint = false} : vector<1024x128xf32>, vector<128x64xf32>, vector<1024x64xf32> -> vector<1024x64xf32>
    %get3A_26 = arith.constant 0 : index
    %get3A_27 = arith.constant 0 : index
    %get3A_28 = vector.load %arg7[%get3A_26, %get3A_27] : memref<1x64xf32, #tpu.memory_space<vmem>>, vector<1x64xf32>
    %add3A_29 = vector.broadcast %get3A_28 : vector<1x64xf32> to vector<1024x64xf32>
    %add3A_30 = arith.addf %dot_general3A_25, %add3A_29 : vector<1024x64xf32>
    %max3A_31 = arith.constant 0.000000e+00 : f32
    %max3A_32 = vector.broadcast %max3A_31 : f32 to vector<1024x64xf32>
    %max3A_33 = arith.maximumf %add3A_30, %max3A_32 : vector<1024x64xf32>
    %get3A_34 = arith.constant 0 : index
    %get3A_35 = arith.constant 0 : index
    %get3A_36 = vector.load %arg8[%get3A_34, %get3A_35] : memref<64x1000xf32, #tpu.memory_space<vmem>>, vector<64x1000xf32>
    %dot_general3A_37 = arith.constant dense<0.000000e+00> : vector<1000x1024xf32>
    %dot_general3A_38 = tpu.matmul %get3A_36, %max3A_33, %dot_general3A_37 {dimension_numbers = #tpu.dot_dimension_numbers<[0], [1], [1], [0], [0, 1, 1, 0], [], []>, transpose_lhs_hint = false} : vector<64x1000xf32>, vector<1024x64xf32>, vector<1000x1024xf32> -> vector<1000x1024xf32>
    %get3A_39 = arith.constant 0 : index
    %get3A_40 = arith.constant 0 : index
    %get3A_41 = vector.load %arg10[%get3A_39, %get3A_40] : memref<64x1000xf32, #tpu.memory_space<vmem>>, vector<64x1000xf32>
    %dot_general3A_42 = arith.constant dense<0.000000e+00> : vector<1000x1024xf32>
    %dot_general3A_43 = tpu.matmul %get3A_41, %max3A_33, %dot_general3A_42 {dimension_numbers = #tpu.dot_dimension_numbers<[0], [1], [1], [0], [0, 1, 1, 0], [], []>, transpose_lhs_hint = false} : vector<64x1000xf32>, vector<1024x64xf32>, vector<1000x1024xf32> -> vector<1000x1024xf32>
    %get3A_44 = arith.constant 0 : index
    %get3A_45 = arith.constant 0 : index
    %get3A_46 = vector.load %arg9[%get3A_44, %get3A_45] : memref<1x1000xf32, #tpu.memory_space<vmem>>, vector<1x1000xf32>
    %transpose3A = tpu.transpose %get3A_46, [1, 0] : vector<1x1000xf32> -> vector<1000x1xf32>
    %add3A_47 = vector.broadcast %transpose3A : vector<1000x1xf32> to vector<1000x1024xf32>
    %add3A_48 = arith.addf %dot_general3A_38, %add3A_47 : vector<1000x1024xf32>
    %swap3A = arith.constant 0 : index
    %swap3A_49 = arith.constant 0 : index
    %swap3A_50 = vector.load %arg12[%swap3A, %swap3A_49] : memref<1000x1024xf32, #tpu.memory_space<vmem>>, vector<1000x1024xf32>
    tpu.vector_store %arg12[%swap3A, %swap3A_49], %add3A_48 {strides = array<i32>} : memref<1000x1024xf32, #tpu.memory_space<vmem>>, vector<1000x1024xf32>,
    %get3A_51 = arith.constant 0 : index
    %get3A_52 = arith.constant 0 : index
    %get3A_53 = vector.load %arg11[%get3A_51, %get3A_52] : memref<1x1000xf32, #tpu.memory_space<vmem>>, vector<1x1000xf32>
    %transpose3A_54 = tpu.transpose %get3A_53, [1, 0] : vector<1x1000xf32> -> vector<1000x1xf32>
    %add3A_55 = vector.broadcast %transpose3A_54 : vector<1000x1xf32> to vector<1000x1024xf32>
    %add3A_56 = arith.addf %dot_general3A_43, %add3A_55 : vector<1000x1024xf32>
    %swap3A_57 = arith.constant 0 : index
    %swap3A_58 = arith.constant 0 : index
    %swap3A_59 = vector.load %arg13[%swap3A_57, %swap3A_58] : memref<1000x1024xf32, #tpu.memory_space<vmem>>, vector<1000x1024xf32>
    tpu.vector_store %arg13[%swap3A_57, %swap3A_58], %add3A_56 {strides = array<i32>} : memref<1000x1024xf32, #tpu.memory_space<vmem>>, vector<1000x1024xf32>,
    return
  }
  func.func @transform_0(%arg0: i32) -> (i32, i32) {
    %c0_i32 = arith.constant 0 : i32
    %c0_i32_0 = arith.constant 0 : i32
    return %arg0, %c0_i32 : i32, i32
  }
  func.func @transform_1(%arg0: i32) -> (i32, i32) {
    %c0_i32 = arith.constant 0 : i32
    %c0_i32_0 = arith.constant 0 : i32
    return %arg0, %c0_i32 : i32, i32
  }
  func.func @transform_2(%arg0: i32) -> (i32, i32) {
    %c0_i32 = arith.constant 0 : i32
    %c0_i32_0 = arith.constant 0 : i32
    %c0_i32_1 = arith.constant 0 : i32
    return %c0_i32, %c0_i32_0 : i32, i32
  }
  func.func @transform_3(%arg0: i32) -> (i32, i32) {
    %c0_i32 = arith.constant 0 : i32
    %c0_i32_0 = arith.constant 0 : i32
    %c0_i32_1 = arith.constant 0 : i32
    return %c0_i32, %c0_i32_0 : i32, i32
  }
  func.func @transform_4(%arg0: i32) -> (i32, i32) {
    %c0_i32 = arith.constant 0 : i32
    %c0_i32_0 = arith.constant 0 : i32
    %c0_i32_1 = arith.constant 0 : i32
    return %c0_i32, %c0_i32_0 : i32, i32
  }
  func.func @transform_5(%arg0: i32) -> (i32, i32) {
    %c0_i32 = arith.constant 0 : i32
    %c0_i32_0 = arith.constant 0 : i32
    %c0_i32_1 = arith.constant 0 : i32
    return %c0_i32, %c0_i32_0 : i32, i32
  }
  func.func @transform_6(%arg0: i32) -> (i32, i32) {
    %c0_i32 = arith.constant 0 : i32
    %c0_i32_0 = arith.constant 0 : i32
    %c0_i32_1 = arith.constant 0 : i32
    return %c0_i32, %c0_i32_0 : i32, i32
  }
  func.func @transform_7(%arg0: i32) -> (i32, i32) {
    %c0_i32 = arith.constant 0 : i32
    %c0_i32_0 = arith.constant 0 : i32
    %c0_i32_1 = arith.constant 0 : i32
    return %c0_i32, %c0_i32_0 : i32, i32
  }
  func.func @transform_8(%arg0: i32) -> (i32, i32) {
    %c0_i32 = arith.constant 0 : i32
    %c0_i32_0 = arith.constant 0 : i32
    %c0_i32_1 = arith.constant 0 : i32
    return %c0_i32, %c0_i32_0 : i32, i32
  }
  func.func @transform_9(%arg0: i32) -> (i32, i32) {
    %c0_i32 = arith.constant 0 : i32
    %c0_i32_0 = arith.constant 0 : i32
    %c0_i32_1 = arith.constant 0 : i32
    return %c0_i32, %c0_i32_0 : i32, i32
  }
  func.func @transform_10(%arg0: i32) -> (i32, i32) {
    %c0_i32 = arith.constant 0 : i32
    %c0_i32_0 = arith.constant 0 : i32
    %c0_i32_1 = arith.constant 0 : i32
    return %c0_i32, %c0_i32_0 : i32, i32
  }
  func.func @transform_11(%arg0: i32) -> (i32, i32) {
    %add3A = arith.constant 0 : i32
    %add3A_0 = arith.addi %arg0, %add3A : i32
    %c0_i32 = arith.constant 0 : i32
    %c0_i32_1 = arith.constant 0 : i32
    return %c0_i32, %add3A_0 : i32, i32
  }
  func.func @transform_12(%arg0: i32) -> (i32, i32) {
    %add3A = arith.constant 0 : i32
    %add3A_0 = arith.addi %arg0, %add3A : i32
    %c0_i32 = arith.constant 0 : i32
    %c0_i32_1 = arith.constant 0 : i32
    return %c0_i32, %add3A_0 : i32, i32
  }
}

</mosaic_0001>

<sc_bundles>
// kernel: kernel.10.cloned.1.call-start
scs
__scs_entry_jumppad:
0x0: {  	(pc) =	sbr.rel $0x88, $3  }
0x1: {  	(tag) =	ssettag $0x0;
	lr =	simm.s32 $0x1  }
0x2: {  	[smem:$0x3F95] =	sst lr;
	_ =	strace $0xD0000000  }
0x3: {  	_ = 	snop  }
0x4: {  	_ = 	snop  }
0x5: {  	_ = 	snop  }
0x6: {  	_ = 	snop  }
0x7: {  	_ = 	snop  }
__scs_overlays_trampoline_lowered:
0x8: {  	[smem:$0x3FA4] =	sst s0  }
0x9: {  	[smem:$0x3FA5] =	sst s1  }
0xa: {  	[smem:$0x3FA6] =	sst s2  }
0xb: {  	[smem:$0x3FA7] =	sst s3  }
0xc: {  	[smem:$0x3FA8] =	sst s4  }
0xd: {  	[smem:$0x3FA9] =	sst s5  }
0xe: {  	[smem:$0x3FAA] =	sst s6  }
0xf: {  	[smem:$0x3FAB] =	sst s7  }
0x10: {  	[smem:$0x3FAC] =	sst s8  }
0x11: {  	[smem:$0x3FAD] =	sst s9;
	s0 =	simm.s32 @!p0 $0x0  }
0x12: {  	s1 =	sld [smem:$0x3F93];
	s0 =	simm.s32 @p0 $0x1  }
0x13: {  	[smem:$0x3FAE] =	sst s0;
	s0 =	simm.s32 @!p1 $0x0  }
0x14: {  	s2 =	sld [smem:$0x3F92];
	s0 =	simm.s32 @p1 $0x1  }
0x15: {  	[smem:$0x3FAF] =	sst s0;
	s0 =	simm.s32 @!p2 $0x0  }
0x16: {  	s3 =	sld [smem:$0x3FDB];
	s0 =	simm.s32 @p2 $0x1  }
0x17: {  	s4 =	simm.s32 $0x1BF5;
	[smem:$0x3FB1] =	sst s0  }
0x18: {  	s0 =	sld [smem:$0x3F94];
	_ =	swait.ge [sflag:s4], $0x0  }
0x19: {  	s7 =	sld [smem:$0x3F95]  }
0x1a: {  	s8 =	sadd.s32 $0xFFFFE003, lr  }
0x1b: {  	s9 =	sadd.s32 $0xFFFFFEF7, lr;
	s5 =	simm.s32 $0xFFFFFFFF;
	p2 =	slt.u32 s8, $0xFFFFF086  }
0x1c: {  	p1 =	slt.u32 s9, $0xF7A;
	s5 =	simm.s32 @!p2 $0x0  }
0x1d: {  	s5 =	simm.s32 @p1 $0x1;
	p0 =	seq.s32 s7, s2  }
0x1e: {  	s7 =	smul.u32 @!p0 $0xF7A, s2;
	p2 =	seq.s32 @!p0 s5, $0x0  }
0x1f: {  	s9 =	smul.u32 $0xF7A, s1;
	s8 =	simm.s32 @!p0 $0x1BF5;
	p2 =	por !p2, p0  }
0x20: {  	[sflag:s8] =	ssyncset.s32 @!p0 $0xFFFFF086;
	s6 =	sadd.s32 @!p0 s3, s7;
	s7 =	simm.s32 @!p0 $0x108  }
0x21: {  	s3 =	sadd.s32 s3, s9;
	s6 =	sadd.s32 @!p0 $0x88, s6;
	s7 =	simm.s32 @p2 $0x1082  }
0x22: {  	[simem:s7], [sflag:s8] =	dma.local @!p0 [hbm:s6], $0xF7A  }
0x23: {  	s9 =	sor.u32 $0xD0000000, s2;
	s6 =	simm.s32 $0x108;
	_ =	swait.ge @!p0 [sflag:s8], $0x0  }
0x24: {  	s3 =	sadd.s32 $0x88, s3;
	s6 =	simm.s32 @!p1 $0x1082;
	[sflag:s4] =	ssyncset.s32 $0xFFFFF086  }
0x25: {  	[simem:s6], [sflag:s4] =	dma.local [hbm:s3], $0xF7A  }
0x26: {  	[smem:$0x3F95] =	sst s1;
	(tag) =	ssettag s2;
	_ =	strace s9  }
0x27: {  	s1 =	sld [smem:$0x3FA5]  }
0x28: {  	s2 =	sld [smem:$0x3FA6]  }
0x29: {  	s4 =	sld [smem:$0x3FA8]  }
0x2a: {  	p0 =	seq.s32 s5, $0x0;
	s5 =	sld [smem:$0x3FA9]  }
0x2b: {  	s6 =	sld [smem:$0x3FAA]  }
0x2c: {  	s7 =	sld [smem:$0x3FAB]  }
0x2d: {  	s3 =	simm.s32 $0x108;
	s8 =	sld [smem:$0x3FAC]  }
0x2e: {  	s3 =	simm.s32 @!p0 $0x1082;
	s9 =	sld [smem:$0x3FAD]  }
0x2f: {  	lr =	sadd.s32 s0, s3;
	s0 =	sld [smem:$0x3FA4]  }
0x30: {  	s3 =	sld [smem:$0x3FA7]  }
0x31: {  	[smem:$0x3FB0] =	sst s10  }
0x32: {  	s10 =	sld [smem:$0x3FAE];
	_ =	sdelay $0x3  }
0x33: {  	p0 =	seq.s32 s10, $0x1;
	s10 =	sld [smem:$0x3FB0];
	_ =	sdelay $0x3  }
0x34: {  	[smem:$0x3FB0] =	sst s10  }
0x35: {  	s10 =	sld [smem:$0x3FAF];
	_ =	sdelay $0x3  }
0x36: {  	p1 =	seq.s32 s10, $0x1;
	s10 =	sld [smem:$0x3FB0];
	_ =	sdelay $0x3  }
0x37: {  	[smem:$0x3FB0] =	sst s10  }
0x38: {  	s10 =	sld [smem:$0x3FB1]  }
0x39: {  	_ = 	snop;
	(pc) =	sbr.ind lr, $3  }
0x3a: {  	_ = 	snop  }
0x3b: {  	_ = 	snop  }
0x3c: {  	p2 =	seq.s32 s10, $0x1;
	s10 =	sld [smem:$0x3FB0]  }
0x3d: {  	_ =	shalt  }
0x3e: {  	_ =	shalt  }
0x3f: {  	_ =	shalt  }
0x40: {  	_ =	shalt  }
0x41: {  	_ =	shalt  }
0x42: {  	_ =	shalt  }
0x43: {  	_ =	shalt  }
0x44: {  	_ =	shalt  }
0x45: {  	_ =	shalt  }
0x46: {  	_ =	shalt  }
0x47: {  	_ =	shalt  }
0x48: {  	_ =	shalt  }
0x49: {  	_ =	shalt  }
0x4a: {  	_ =	shalt  }
0x4b: {  	_ =	shalt  }
0x4c: {  	_ =	shalt  }
0x4d: {  	_ =	shalt  }
0x4e: {  	_ =	shalt  }
0x4f: {  	_ =	shalt  }
0x50: {  	_ =	shalt  }
0x51: {  	_ =	shalt  }
0x52: {  	_ =	shalt  }
0x53: {  	_ =	shalt  }
0x54: {  	_ =	shalt  }
0x55: {  	_ =	shalt  }
0x56: {  	_ =	shalt  }
0x57: {  	_ =	shalt  }
0x58: {  	_ =	shalt  }
0x59: {  	_ =	shalt  }
0x5a: {  	_ =	shalt  }
0x5b: {  	_ =	shalt  }
0x5c: {  	_ =	shalt  }
0x5d: {  	_ =	shalt  }
0x5e: {  	_ =	shalt  }
0x5f: {  	_ =	shalt  }
0x60: {  	_ =	shalt  }
0x61: {  	_ =	shalt  }
0x62: {  	_ =	shalt  }
0x63: {  	_ =	shalt  }
0x64: {  	_ =	shalt  }
0x65: {  	_ =	shalt  }
0x66: {  	_ =	shalt  }
0x67: {  	_ =	shalt  }
0x68: {  	_ =	shalt  }
0x69: {  	_ =	shalt  }
0x6a: {  	_ =	shalt  }
0x6b: {  	_ =	shalt  }
0x6c: {  	_ =	shalt  }
0x6d: {  	_ =	shalt  }
0x6e: {  	_ =	shalt  }
0x6f: {  	_ =	shalt  }
0x70: {  	_ =	shalt  }
0x71: {  	_ =	shalt  }
0x72: {  	_ =	shalt  }
0x73: {  	_ =	shalt  }
0x74: {  	_ =	shalt  }
0x75: {  	_ =	shalt  }
0x76: {  	_ =	shalt  }
0x77: {  	_ =	shalt  }
0x78: {  	_ =	shalt  }
0x79: {  	_ =	shalt  }
0x7a: {  	_ =	shalt  }
0x7b: {  	_ =	shalt  }
0x7c: {  	_ =	shalt  }
0x7d: {  	_ =	shalt  }
0x7e: {  	_ =	shalt  }
0x7f: {  	_ =	shalt  }
0x80: {  	_ =	shalt  }
0x81: {  	_ =	shalt  }
0x82: {  	_ =	shalt  }
0x83: {  	_ =	shalt  }
0x84: {  	_ =	shalt  }
0x85: {  	_ =	shalt  }
0x86: {  	_ =	shalt  }
0x87: {  	_ =	shalt  }
.Lfunc_end0:
.L_simem_size_0:
called_computation.1_lowered:
.L_overlay_start_0:
0x88: {  	s2 =	sld [smem:$0x3FD9]  }
0x89: {  	s3 =	sld [smem:$0x3FFE];
	_ =	sdelay $0x1  }
0x8a: {  	s1 =	srdreg.scid  }
0x8b: {  	s0 =	sand.u32 $0x1, s1  }
0x8c: {  	s17 =	sshll.u32 s0, $0xA;
	s2 =	sadd.s32 s3, s2  }
0x8d: {  	s2 =	sadd.s32 s2, s17  }
0x8e: {  	[smem:$0x3FBC] =	sst s2  }
0x8f: {  	_ = 	snop  }
0x90: {  	(tm) =	ssettm $0x1  }
0x91: {  	s18 =	sld [smem:$0x3FFB];
	_ =	sdelay $0x3  }
0x92: {  	_ =	strace s18  }
0x93: {  	s2 =	sld [smem:$0x3FFC];
	_ =	sdelay $0x3  }
0x94: {  	_ =	strace s2  }
0x95: {  	s2 =	sld [smem:$0x3FFD];
	_ =	sdelay $0x3  }
0x96: {  	_ =	strace s2  }
0x97: {  	_ =	strace $0x8FFFFFFF  }
0x98: {  	s19 =	sld [smem:$0x3FDB];
	_ =	sdelay $0x1  }
0x99: {  	s20 =	simm.s32 $_scs_section_size  }
0x9a: {  	s4 =	simm.s32 $_size__tile_overlayer_lowered;
	s5 =	simm.s32 $_tile_overlayer_lowered  }
0x9b: {  	s6 =	simm.s32 $0x1BFF;
	s21 =	sshll.u32 s5, $0x1;
	s3 =	sadd.s32 s20, s19  }
0x9c: {  	s22 =	simm.s32 $0x0;
	s4 =	sshll.u32 s4, $0x1;
	s5 =	sadd.s32 s21, s3  }
0x9d: {  	[timem:s22], [sflag:s6] =	dma.local [hbm:s5], s4  }
0x9e: {  	_ =	swait.ge [sflag:s6], s4  }
0x9f: {  	s4 =	ssub.s32 $0x0, s4;
	[sflag:s6] =	ssyncset.done $0x0  }
0xa0: {  	[sflag:s6] =	ssyncadd.s32 s4;
	_ =	sdelay $0x1  }
0xa1: {  	s23 =	simm.s32 $0x1B8B  }
0xa2: {  	_ =	swait.ge [sflag:s23], $0x1  }
0xa3: {  	[sflag:s23] =	ssyncset.done $0x0  }
0xa4: {  	[sflag:s23] =	ssyncadd.s32 $0xFFFFFFFF  }
0xa5: {  	s4 =	sld [smem:$0x0]  }
0xa6: {  	s5 =	sand.u32 $0xFFFFFFFE, s1  }
0xa7: {  	p0 =	sne.s32 s1, s5  }
0xa8: {  	s5 =	sshll.u32 @p0 s5, $0xE  }
0xa9: {  	s5 =	sadd.s32 @p0 $0x11B8D, s5;
	s6 =	sshll.u32 @p0 s4, $0x11  }
0xaa: {  	s5 =	sor.u32 @p0 s6, s5  }
0xab: {  	[sflag:s5] =	ssyncadd.remote.s32 @p0 $0x1;
	_ =	sdelay $0x1  }
0xac: {  	s5 =	simm.s32 @p0 $0x1B8D  }
0xad: {  	_ =	swait.eq @p0 [sflag:s5], $0x1  }
0xae: {  	[sflag:s5] =	ssyncadd.s32 @p0 $0xFFFFFFFF  }
0xaf: {  	s6 =	sshll.u32 @!p0 s1, $0xE  }
0xb0: {  	s6 =	sor.u32 @!p0 $0x4000, s6;
	s5 =	simm.s32 @!p0 $0x1B8D  }
0xb1: {  	s4 =	sshll.u32 @!p0 s4, $0x11;
	s6 =	sadd.s32 @!p0 $0x11B8D, s6;
	_ =	swait.eq @!p0 [sflag:s5], $0x1  }
0xb2: {  	s4 =	sor.u32 @!p0 s4, s6;
	[sflag:s5] =	ssyncadd.s32 @!p0 $0xFFFFFFFF  }
0xb3: {  	s25 =	simm.s32 $0x1B8E;
	s24 =	sld [smem:$0x3FFE];
	[sflag:s4] =	ssyncadd.remote.s32 @!p0 $0x1  }
0xb4: {  	s26 =	simm.s32 $execute0_lowered;
	[smem:$0x3FD2] =	sst s25  }
0xb5: {  	s5 =	sshll.u32 s26, $0x1;
	_ =	strace $0x80000049;
	[dreg:$0x1] =	wrdreg $0xFFFFFFFF  }
0xb6: {  	s28 =	simm.s32 $_size_execute0_lowered;
	s3 =	sadd.s32 s3, s5;
	[dreg:$0x0] =	wrdreg $0x0  }
0xb7: {  	s5 =	sshll.u32 s28, $0x1;
	[dreg:$0x2] =	wrdreg s3  }
0xb8: {  	[dreg:$0x3] =	wrdreg s5  }
0xb9: {  	[dreg:$0x4] =	wrdreg $0xC0  }
0xba: {  	_ =	task [dreg:s22], $0x5FFFF  }
0xbb: {  	[dreg:$0x1] =	wrdreg $0xFFFFFFFF  }
0xbc: {  	[dreg:$0x0] =	wrdreg $0x60  }
0xbd: {  	[dreg:$0x2] =	wrdreg s24  }
0xbe: {  	[dreg:$0x3] =	wrdreg $0xA  }
0xbf: {  	_ =	task.clear_ibuf [dreg:s22], $0x4FFFF;
	_ =	strace $0x90000049  }
0xc0: {  	s29 =	simm.s32 $0xA;
	_ =	strace $0x8000004B  }
0xc1: {  	_ =	swait.ge [sflag:s29], $0x1  }
0xc2: {  	[sflag:s29] =	ssyncadd.s32 $0xFFFFFFFF  }
0xc3: {  	_ =	strace $0x9000004B  }
0xc4: {  	_ =	sfence  }
0xc5: {  	s30 =	sld [smem:$0x0];
	_ =	sdelay $0x2  }
0xc6: {  	s31 =	sshll.u32 s1, $0xD;
	s1 =	sshrl.u32 s1, $0x2  }
0xc7: {  	s4 =	sand.u32 $0x4000, s31;
	s1 =	sadd.s32 s1, s30  }
0xc8: {  	s0 =	sor.u32 s4, s0;
	s1 =	sshll.u32 s1, $0x11  }
0xc9: {  	s0 =	sor.u32 s1, s0  }
0xca: {  	s0 =	sadd.s32 $0x8F2B, s0  }
0xcb: {  	[sflag:s0] =	ssyncadd.remote.s32 $0x1  }
0xcc: {  	_ =	sfence.sel $0xFFFF  }
0xcd: {  	[dreg:$0x0] =	wrdreg $0xFFFFFFFF;
	(pc) =	sbr.abs _section_cstart, $3  }
0xce: {  	[dreg:$0x1] =	wrdreg $0xFFFFFFFF  }
0xcf: {  	_ =	task.clear_ibuf [dreg:s22], $0x2FFFF;
	_ =	strace $0x9FFFFFFF  }
0xd0: {  	(tm) =	ssettm $0x7FFFFFFF  }
0xd1: {  	_ =	shalt  }
tec
execute0_lowered:
.L_overlay_start_1:
0x0: {  	(tag) =	ssettag $0x1  }
0x1: {  	s0 =	srdreg.scid;
	s2 =	stileid.u32  }
0x2: {  	s1 =	rddreg [dreg:$0x0];
	s10 =	simm.s32 $0x2;
	s13 =	simm.s32 $0x1  }
0x3: {  	s15 =	simm.s32 $0x0;
	s0 =	sand.u32 $0x1, s0;
	s3 =	sshll.u32 s2, $0x9  }
0x4: {  	s2 =	simm.s32 $0x0;
	s29 =	sadd.s32 $0x4400, s1;
	s30 =	sadd.s32 $0x6C400, s1  }
0x5: {  	s4 =	sshll.u32 s0, $0x8;
	[smem:$0x7FF] =	sst s2;
	s0 =	ssub.s32 $0x2, s0  }
0x6: {  	s4 =	sor.u32 s4, s3;
	_ =	strace $0x8000004A;
	[dreg:$0x2] =	wrdreg s29  }
0x7: {  	[dreg:$0x3] =	wrdreg s30;
	s31 =	sshrl.u32 s0, $0x1;
	s3 =	sshrl.u32 s4, $0x3  }
0x8: {  	s5 =	sshll.u32 s4, $0x4;
	s0 =	ssub.s32 s0, s31;
	s7 =	sadd.s32 s3, s1  }
0x9: {  	s1 =	sadd.s32 s5, s1;
	s9 =	smax.u32 s0, $0x1;
	s5 =	sadd.s32 $0x4000, s7  }
0xa: {  	s6 =	sadd.s32 $0xD4400, s1;
	s7 =	sadd.s32 $0x3C00, s7;
	s8 =	sadd.s32 $0xF4400, s1  }
.LBB2_1:
0xb: {  	[tilespmem:s2], [sflag:$0x2] =	stream.linear.gather [hbm4b:s5+s2], $0x100, $0x38;
	[tilespmem:$0x10300] =	vst v63  }
0xc: {  	_ =	swait.ge [sflag:s10], $0x100  }
0xd: {  	[sflag:s10] =	ssyncset.done $0x0  }
0xe: {  	s0 =	simm.s32 $0x0;
	[sflag:s10] =	ssyncadd.s32 $0xFFFFFF00  }
0xf: {  	v0 =	vld [tilespmem:s0+$0x0]  }
0x10: {  	s1 =	simm.s32 $0x40  }
.LBB2_2:
0x11: {  	_ = 	snop  }
0x12: {  	p0 =	sne.s32 s1, $0x3C0  }
.Ltmp0:
0x13: {  	_ = 	snop;
	(pc) =	sbr.rel @p0 .LBB2_2-.Ltmp0, $4  }
0x14: {  	v1 =	vshrl.u32 v0, $0x2  }
0x15: {  	s11 =	sshra.s32 s1, $0x2;
	v3 =	vand.u32 $0x7F, v0;
	v2 =	vand.u32 $0x3FFFFF80, v1;
	v1 =	vand.u32 $0x60, v1  }
0x16: {  	v0 =	vld [tilespmem:s11+$0x0];
	v2 =	vor.u32 v3, v2;
	[tilespmem:s0+$0x200] =	vst v1  }
0x17: {  	s1 =	sadd.s32 $0x40, s1;
	[tilespmem:s0+$0x100] =	vst v2;
	s0 =	smov.u32 s11  }
0x18: {  	_ =	sdelay $0x2  }
0x19: {  	v1 =	vshrl.u32 v0, $0x2  }
0x1a: {  	v0 =	vand.u32 $0x7F, v0;
	v2 =	vand.u32 $0x3FFFFF80, v1;
	v1 =	vand.u32 $0x60, v1  }
0x1b: {  	v0 =	vor.u32 v0, v2;
	[tilespmem:s0+$0x200] =	vst v1  }
0x1c: {  	s21 =	rddreg [dreg:$0x2];
	s1 =	simm.s32 $0x100;
	s2 =	simm.s32 $0x300;
	[tilespmem:s0+$0x100] =	vst v0  }
0x1d: {  	[tilespmem:s2], [sflag:$0x1] =	stream.indirect.gather [hbm4b:s21+s1], $0x80, s1, s1, $0xb8;
	[tilespmem:$0x10300] =	vst v63  }
0x1e: {  	_ =	swait.ge [sflag:s13], $0x8000  }
0x1f: {  	[sflag:s13] =	ssyncset.done $0x0  }
0x20: {  	s16 =	simm.s32 $0x200;
	[sflag:s13] =	ssyncadd.s32 $0xFFFF8000  }
0x21: {  	v0 =	vld [tilespmem:s16+$0x0];
	_ =	sdelay $0x4  }
0x22: {  	(v2sf) =	vpush v0, $0x0;
	_ =	sdelay $0xb  }
0x23: {  	(v2sf) =	vpush v0, $0x1;
	_ =	sdelay $0x2  }
0x24: {  	s22 =	spop (v2sf)  }
0x25: {  	s23 =	sand.u32 $0x7F, s22;
	s11 =	sshll.u32 s22, $0x2  }
0x26: {  	s11 =	sand.u32 $0xFFFFFE00, s11;
	s1 =	sshll.u32 s23, $0x2  }
0x27: {  	s1 =	sor.u32 s1, s11  }
0x28: {  	s1 =	sshra.s32 s1, $0x2  }
0x29: {  	s1 =	sadd.s32 $0x0, s1  }
0x2a: {  	s0 =	sadd.s32 $0x10, s22;
	v1 =	vld [tilespmem:s1+$0x300]  }
0x2b: {  	s24 =	sand.u32 $0x7F, s0;
	s0 =	sshll.u32 s0, $0x2  }
0x2c: {  	s0 =	sand.u32 $0xFFFFFE00, s0;
	s1 =	sshll.u32 s24, $0x2  }
0x2d: {  	(v2sf) =	vpush v0, $0x2;
	s0 =	sor.u32 s1, s0  }
0x2e: {  	s17 =	simm.s32 $0x0;
	s0 =	sshra.s32 s0, $0x2  }
0x2f: {  	s0 =	sadd.s32 $0x0, s0;
	[tilespmem:s17+$0x8300] =	vst v1  }
0x30: {  	s25 =	spop (v2sf);
	v1 =	vld [tilespmem:s0+$0x300]  }
0x31: {  	s26 =	sand.u32 $0x7F, s25;
	s28 =	sshll.u32 s25, $0x2  }
0x32: {  	s11 =	sand.u32 $0xFFFFFE00, s28;
	s0 =	sshll.u32 s26, $0x2  }
0x33: {  	s0 =	sor.u32 s0, s11  }
0x34: {  	s0 =	sshra.s32 s0, $0x2  }
0x35: {  	s0 =	sadd.s32 $0x0, s0;
	[tilespmem:s17+$0x8310] =	vst v1  }
0x36: {  	s1 =	sadd.s32 $0x10, s25;
	v1 =	vld [tilespmem:s0+$0x380]  }
0x37: {  	s29 =	sand.u32 $0x7F, s1;
	s1 =	sshll.u32 s1, $0x2  }
0x38: {  	s1 =	sand.u32 $0xFFFFFE00, s1;
	s0 =	sshll.u32 s29, $0x2  }
0x39: {  	(v2sf) =	vpush v0, $0x3;
	s0 =	sor.u32 s0, s1  }
0x3a: {  	s0 =	sshra.s32 s0, $0x2  }
0x3b: {  	s0 =	sadd.s32 $0x0, s0;
	[tilespmem:s17+$0x8380] =	vst v1  }
0x3c: {  	s30 =	spop (v2sf);
	v1 =	vld [tilespmem:s0+$0x380]  }
0x3d: {  	s31 =	sand.u32 $0x7F, s30;
	s2 =	sshll.u32 s30, $0x2  }
0x3e: {  	s11 =	sand.u32 $0xFFFFFE00, s2;
	s0 =	sshll.u32 s31, $0x2  }
0x3f: {  	s0 =	sor.u32 s0, s11  }
0x40: {  	s0 =	sshra.s32 s0, $0x2  }
0x41: {  	s0 =	sadd.s32 $0x0, s0;
	[tilespmem:s17+$0x8390] =	vst v1  }
0x42: {  	s1 =	sadd.s32 $0x10, s30;
	v1 =	vld [tilespmem:s0+$0x400]  }
0x43: {  	s3 =	sand.u32 $0x7F, s1;
	s1 =	sshll.u32 s1, $0x2  }
0x44: {  	s1 =	sand.u32 $0xFFFFFE00, s1;
	s0 =	sshll.u32 s3, $0x2  }
0x45: {  	(v2sf) =	vpush v0, $0x4;
	s0 =	sor.u32 s0, s1  }
0x46: {  	s0 =	sshra.s32 s0, $0x2  }
0x47: {  	s0 =	sadd.s32 $0x0, s0;
	[tilespmem:s17+$0x8400] =	vst v1  }
0x48: {  	s4 =	spop (v2sf);
	v1 =	vld [tilespmem:s0+$0x400]  }
0x49: {  	s12 =	sand.u32 $0x7F, s4;
	s14 =	sshll.u32 s4, $0x2  }
0x4a: {  	s11 =	sand.u32 $0xFFFFFE00, s14;
	s0 =	sshll.u32 s12, $0x2  }
0x4b: {  	s0 =	sor.u32 s0, s11  }
0x4c: {  	s0 =	sshra.s32 s0, $0x2  }
0x4d: {  	s0 =	sadd.s32 $0x0, s0;
	[tilespmem:s17+$0x8410] =	vst v1  }
0x4e: {  	s1 =	sadd.s32 $0x10, s4;
	v1 =	vld [tilespmem:s0+$0x480]  }
0x4f: {  	s18 =	sand.u32 $0x7F, s1;
	s1 =	sshll.u32 s1, $0x2  }
0x50: {  	s1 =	sand.u32 $0xFFFFFE00, s1;
	s0 =	sshll.u32 s18, $0x2  }
0x51: {  	(v2sf) =	vpush v0, $0x5;
	s0 =	sor.u32 s0, s1  }
0x52: {  	s0 =	sshra.s32 s0, $0x2  }
0x53: {  	s0 =	sadd.s32 $0x0, s0;
	[tilespmem:s17+$0x8480] =	vst v1  }
0x54: {  	s19 =	spop (v2sf);
	v1 =	vld [tilespmem:s0+$0x480]  }
0x55: {  	s20 =	sand.u32 $0x7F, s19;
	s21 =	sshll.u32 s19, $0x2  }
0x56: {  	s11 =	sand.u32 $0xFFFFFE00, s21;
	s0 =	sshll.u32 s20, $0x2  }
0x57: {  	s0 =	sor.u32 s0, s11  }
0x58: {  	s0 =	sshra.s32 s0, $0x2  }
0x59: {  	s0 =	sadd.s32 $0x0, s0;
	[tilespmem:s17+$0x8490] =	vst v1  }
0x5a: {  	s1 =	sadd.s32 $0x10, s19;
	v1 =	vld [tilespmem:s0+$0x500]  }
0x5b: {  	s22 =	sand.u32 $0x7F, s1;
	s1 =	sshll.u32 s1, $0x2  }
0x5c: {  	s1 =	sand.u32 $0xFFFFFE00, s1;
	s0 =	sshll.u32 s22, $0x2  }
0x5d: {  	(v2sf) =	vpush v0, $0x6;
	s0 =	sor.u32 s0, s1  }
0x5e: {  	s0 =	sshra.s32 s0, $0x2  }
0x5f: {  	s0 =	sadd.s32 $0x0, s0;
	[tilespmem:s17+$0x8500] =	vst v1  }
0x60: {  	s23 =	spop (v2sf);
	v1 =	vld [tilespmem:s0+$0x500]  }
0x61: {  	s24 =	sand.u32 $0x7F, s23;
	s25 =	sshll.u32 s23, $0x2  }
0x62: {  	s11 =	sand.u32 $0xFFFFFE00, s25;
	s0 =	sshll.u32 s24, $0x2  }
0x63: {  	s0 =	sor.u32 s0, s11  }
0x64: {  	s0 =	sshra.s32 s0, $0x2  }
0x65: {  	s0 =	sadd.s32 $0x0, s0;
	[tilespmem:s17+$0x8510] =	vst v1  }
0x66: {  	s1 =	sadd.s32 $0x10, s23;
	v1 =	vld [tilespmem:s0+$0x580]  }
0x67: {  	s26 =	sand.u32 $0x7F, s1;
	s1 =	sshll.u32 s1, $0x2  }
0x68: {  	s1 =	sand.u32 $0xFFFFFE00, s1;
	s0 =	sshll.u32 s26, $0x2  }
0x69: {  	(v2sf) =	vpush v0, $0x7;
	s0 =	sor.u32 s0, s1  }
0x6a: {  	s0 =	sshra.s32 s0, $0x2  }
0x6b: {  	s0 =	sadd.s32 $0x0, s0;
	[tilespmem:s17+$0x8580] =	vst v1  }
0x6c: {  	s28 =	spop (v2sf);
	v1 =	vld [tilespmem:s0+$0x580]  }
0x6d: {  	s29 =	sand.u32 $0x7F, s28;
	s30 =	sshll.u32 s28, $0x2  }
0x6e: {  	s11 =	sand.u32 $0xFFFFFE00, s30;
	s0 =	sshll.u32 s29, $0x2  }
0x6f: {  	s0 =	sor.u32 s0, s11  }
0x70: {  	s0 =	sshra.s32 s0, $0x2  }
0x71: {  	s0 =	sadd.s32 $0x0, s0;
	[tilespmem:s17+$0x8590] =	vst v1  }
0x72: {  	s1 =	sadd.s32 $0x10, s28;
	v1 =	vld [tilespmem:s0+$0x600]  }
0x73: {  	s31 =	sand.u32 $0x7F, s1;
	s1 =	sshll.u32 s1, $0x2  }
0x74: {  	s1 =	sand.u32 $0xFFFFFE00, s1;
	s0 =	sshll.u32 s31, $0x2  }
0x75: {  	(v2sf) =	vpush v0, $0x8;
	s0 =	sor.u32 s0, s1  }
0x76: {  	s0 =	sshra.s32 s0, $0x2  }
0x77: {  	s0 =	sadd.s32 $0x0, s0;
	[tilespmem:s17+$0x8600] =	vst v1  }
0x78: {  	s2 =	spop (v2sf);
	v1 =	vld [tilespmem:s0+$0x600]  }
0x79: {  	s3 =	sand.u32 $0x7F, s2;
	s4 =	sshll.u32 s2, $0x2  }
0x7a: {  	s11 =	sand.u32 $0xFFFFFE00, s4;
	s0 =	sshll.u32 s3, $0x2  }
0x7b: {  	s0 =	sor.u32 s0, s11  }
0x7c: {  	s0 =	sshra.s32 s0, $0x2  }
0x7d: {  	s0 =	sadd.s32 $0x0, s0;
	[tilespmem:s17+$0x8610] =	vst v1  }
0x7e: {  	s1 =	sadd.s32 $0x10, s2;
	v1 =	vld [tilespmem:s0+$0x680]  }
0x7f: {  	s12 =	sand.u32 $0x7F, s1;
	s1 =	sshll.u32 s1, $0x2  }
0x80: {  	s1 =	sand.u32 $0xFFFFFE00, s1;
	s0 =	sshll.u32 s12, $0x2  }
0x81: {  	(v2sf) =	vpush v0, $0x9;
	s0 =	sor.u32 s0, s1  }
0x82: {  	s0 =	sshra.s32 s0, $0x2  }
0x83: {  	s0 =	sadd.s32 $0x0, s0;
	[tilespmem:s17+$0x8680] =	vst v1  }
0x84: {  	s14 =	spop (v2sf);
	v1 =	vld [tilespmem:s0+$0x680]  }
0x85: {  	s18 =	sand.u32 $0x7F, s14;
	s19 =	sshll.u32 s14, $0x2  }
0x86: {  	s11 =	sand.u32 $0xFFFFFE00, s19;
	s0 =	sshll.u32 s18, $0x2  }
0x87: {  	s0 =	sor.u32 s0, s11  }
0x88: {  	s0 =	sshra.s32 s0, $0x2  }
0x89: {  	s0 =	sadd.s32 $0x0, s0;
	[tilespmem:s17+$0x8690] =	vst v1  }
0x8a: {  	s1 =	sadd.s32 $0x10, s14;
	v1 =	vld [tilespmem:s0+$0x700]  }
0x8b: {  	s20 =	sand.u32 $0x7F, s1;
	s1 =	sshll.u32 s1, $0x2  }
0x8c: {  	s1 =	sand.u32 $0xFFFFFE00, s1;
	s0 =	sshll.u32 s20, $0x2  }
0x8d: {  	(v2sf) =	vpush v0, $0xA;
	s0 =	sor.u32 s0, s1  }
0x8e: {  	s0 =	sshra.s32 s0, $0x2  }
0x8f: {  	s0 =	sadd.s32 $0x0, s0;
	[tilespmem:s17+$0x8700] =	vst v1  }
0x90: {  	s21 =	spop (v2sf);
	v1 =	vld [tilespmem:s0+$0x700]  }
0x91: {  	s22 =	sand.u32 $0x7F, s21;
	s23 =	sshll.u32 s21, $0x2  }
0x92: {  	s11 =	sand.u32 $0xFFFFFE00, s23;
	s0 =	sshll.u32 s22, $0x2  }
0x93: {  	s0 =	sor.u32 s0, s11  }
0x94: {  	s0 =	sshra.s32 s0, $0x2  }
0x95: {  	s0 =	sadd.s32 $0x0, s0;
	[tilespmem:s17+$0x8710] =	vst v1  }
0x96: {  	s1 =	sadd.s32 $0x10, s21;
	v1 =	vld [tilespmem:s0+$0x780]  }
0x97: {  	s24 =	sand.u32 $0x7F, s1;
	s1 =	sshll.u32 s1, $0x2  }
0x98: {  	s1 =	sand.u32 $0xFFFFFE00, s1;
	s0 =	sshll.u32 s24, $0x2  }
0x99: {  	(v2sf) =	vpush v0, $0xB;
	s0 =	sor.u32 s0, s1  }
0x9a: {  	s0 =	sshra.s32 s0, $0x2  }
0x9b: {  	s0 =	sadd.s32 $0x0, s0;
	[tilespmem:s17+$0x8780] =	vst v1  }
0x9c: {  	s25 =	spop (v2sf);
	v1 =	vld [tilespmem:s0+$0x780]  }
0x9d: {  	s26 =	sand.u32 $0x7F, s25;
	s28 =	sshll.u32 s25, $0x2  }
0x9e: {  	s11 =	sand.u32 $0xFFFFFE00, s28;
	s0 =	sshll.u32 s26, $0x2  }
0x9f: {  	s0 =	sor.u32 s0, s11  }
0xa0: {  	s0 =	sshra.s32 s0, $0x2  }
0xa1: {  	s0 =	sadd.s32 $0x0, s0;
	[tilespmem:s17+$0x8790] =	vst v1  }
0xa2: {  	s1 =	sadd.s32 $0x10, s25;
	v1 =	vld [tilespmem:s0+$0x800]  }
0xa3: {  	s29 =	sand.u32 $0x7F, s1;
	s1 =	sshll.u32 s1, $0x2  }
0xa4: {  	s1 =	sand.u32 $0xFFFFFE00, s1;
	s0 =	sshll.u32 s29, $0x2  }
0xa5: {  	(v2sf) =	vpush v0, $0xC;
	s0 =	sor.u32 s0, s1  }
0xa6: {  	s0 =	sshra.s32 s0, $0x2  }
0xa7: {  	s0 =	sadd.s32 $0x0, s0;
	[tilespmem:s17+$0x8800] =	vst v1  }
0xa8: {  	s30 =	spop (v2sf);
	v1 =	vld [tilespmem:s0+$0x800]  }
0xa9: {  	s31 =	sand.u32 $0x7F, s30;
	s2 =	sshll.u32 s30, $0x2  }
0xaa: {  	s11 =	sand.u32 $0xFFFFFE00, s2;
	s0 =	sshll.u32 s31, $0x2  }
0xab: {  	s0 =	sor.u32 s0, s11  }
0xac: {  	s0 =	sshra.s32 s0, $0x2  }
0xad: {  	s0 =	sadd.s32 $0x0, s0;
	[tilespmem:s17+$0x8810] =	vst v1  }
0xae: {  	s1 =	sadd.s32 $0x10, s30;
	v1 =	vld [tilespmem:s0+$0x880]  }
0xaf: {  	s3 =	sand.u32 $0x7F, s1;
	s1 =	sshll.u32 s1, $0x2  }
0xb0: {  	s1 =	sand.u32 $0xFFFFFE00, s1;
	s0 =	sshll.u32 s3, $0x2  }
0xb1: {  	(v2sf) =	vpush v0, $0xD;
	s0 =	sor.u32 s0, s1  }
0xb2: {  	s0 =	sshra.s32 s0, $0x2  }
0xb3: {  	s0 =	sadd.s32 $0x0, s0;
	[tilespmem:s17+$0x8880] =	vst v1  }
0xb4: {  	s4 =	spop (v2sf);
	v1 =	vld [tilespmem:s0+$0x880]  }
0xb5: {  	s12 =	sand.u32 $0x7F, s4;
	s14 =	sshll.u32 s4, $0x2  }
0xb6: {  	s11 =	sand.u32 $0xFFFFFE00, s14;
	s0 =	sshll.u32 s12, $0x2  }
0xb7: {  	s0 =	sor.u32 s0, s11  }
0xb8: {  	s0 =	sshra.s32 s0, $0x2  }
0xb9: {  	s0 =	sadd.s32 $0x0, s0;
	[tilespmem:s17+$0x8890] =	vst v1  }
0xba: {  	s1 =	sadd.s32 $0x10, s4;
	v1 =	vld [tilespmem:s0+$0x900]  }
0xbb: {  	s18 =	sand.u32 $0x7F, s1;
	s1 =	sshll.u32 s1, $0x2  }
0xbc: {  	s1 =	sand.u32 $0xFFFFFE00, s1;
	s0 =	sshll.u32 s18, $0x2  }
0xbd: {  	(v2sf) =	vpush v0, $0xE;
	s0 =	sor.u32 s0, s1  }
0xbe: {  	s0 =	sshra.s32 s0, $0x2  }
0xbf: {  	s0 =	sadd.s32 $0x0, s0;
	[tilespmem:s17+$0x8900] =	vst v1  }
0xc0: {  	s19 =	spop (v2sf);
	v1 =	vld [tilespmem:s0+$0x900]  }
0xc1: {  	s20 =	sand.u32 $0x7F, s19;
	s21 =	sshll.u32 s19, $0x2  }
0xc2: {  	s11 =	sand.u32 $0xFFFFFE00, s21;
	s0 =	sshll.u32 s20, $0x2  }
0xc3: {  	s0 =	sor.u32 s0, s11  }
0xc4: {  	s0 =	sshra.s32 s0, $0x2  }
0xc5: {  	s0 =	sadd.s32 $0x0, s0;
	[tilespmem:s17+$0x8910] =	vst v1  }
0xc6: {  	s1 =	sadd.s32 $0x10, s19;
	v1 =	vld [tilespmem:s0+$0x980]  }
0xc7: {  	s22 =	sand.u32 $0x7F, s1;
	s1 =	sshll.u32 s1, $0x2  }
0xc8: {  	s1 =	sand.u32 $0xFFFFFE00, s1;
	s0 =	sshll.u32 s22, $0x2  }
0xc9: {  	(v2sf) =	vpush v0, $0xF;
	s0 =	sor.u32 s0, s1  }
0xca: {  	s0 =	sshra.s32 s0, $0x2  }
0xcb: {  	s0 =	sadd.s32 $0x0, s0;
	[tilespmem:s17+$0x8980] =	vst v1  }
0xcc: {  	s23 =	spop (v2sf);
	v0 =	vld [tilespmem:s0+$0x980]  }
0xcd: {  	s24 =	sand.u32 $0x7F, s23;
	s25 =	sshll.u32 s23, $0x2  }
0xce: {  	s11 =	sand.u32 $0xFFFFFE00, s25;
	s0 =	sshll.u32 s24, $0x2  }
0xcf: {  	s0 =	sor.u32 s0, s11  }
0xd0: {  	s0 =	sshra.s32 s0, $0x2  }
0xd1: {  	s0 =	sadd.s32 $0x0, s0;
	[tilespmem:s17+$0x8990] =	vst v0  }
0xd2: {  	s1 =	sadd.s32 $0x10, s23;
	v0 =	vld [tilespmem:s0+$0xA00]  }
0xd3: {  	s26 =	sand.u32 $0x7F, s1;
	s1 =	sshll.u32 s1, $0x2  }
0xd4: {  	s1 =	sand.u32 $0xFFFFFE00, s1;
	s0 =	sshll.u32 s26, $0x2  }
0xd5: {  	s0 =	sor.u32 s0, s1  }
0xd6: {  	s0 =	sshra.s32 s0, $0x2  }
0xd7: {  	s0 =	sadd.s32 $0x0, s0;
	[tilespmem:s17+$0x8A00] =	vst v0  }
0xd8: {  	s28 =	spop (v2sf);
	v0 =	vld [tilespmem:s0+$0xA00]  }
0xd9: {  	s29 =	sand.u32 $0x7F, s28;
	s30 =	sshll.u32 s28, $0x2  }
0xda: {  	s11 =	sand.u32 $0xFFFFFE00, s30;
	s0 =	sshll.u32 s29, $0x2  }
0xdb: {  	s0 =	sor.u32 s0, s11  }
0xdc: {  	s0 =	sshra.s32 s0, $0x2  }
0xdd: {  	s0 =	sadd.s32 $0x0, s0;
	[tilespmem:s17+$0x8A10] =	vst v0  }
0xde: {  	s1 =	sadd.s32 $0x10, s28;
	v0 =	vld [tilespmem:s0+$0xA80]  }
0xdf: {  	s31 =	sand.u32 $0x7F, s1;
	s1 =	sshll.u32 s1, $0x2  }
0xe0: {  	s1 =	sand.u32 $0xFFFFFE00, s1;
	s0 =	sshll.u32 s31, $0x2  }
0xe1: {  	s0 =	sor.u32 s0, s1  }
0xe2: {  	s0 =	sshra.s32 s0, $0x2  }
0xe3: {  	s0 =	sadd.s32 $0x0, s0;
	[tilespmem:s17+$0x8A80] =	vst v0  }
0xe4: {  	s18 =	simm.s32 $0x2000;
	v0 =	vld [tilespmem:s0+$0xA80]  }
.LBB2_4:
0xe5: {  	_ =	sdelay $0x2  }
0xe6: {  	p0 =	sne.s32 s18, $0x1E000  }
0xe7: {  	s16 =	sadd.s32 $0x10, s16;
	s0 =	smov.u32 s18;
	s18 =	sadd.s32 $0x2000, s18;
	[tilespmem:s17+$0x8A90] =	vst v0  }
0xe8: {  	v0 =	vld [tilespmem:s16+$0x0];
	_ =	sdelay $0x4  }
0xe9: {  	(v2sf) =	vpush v0, $0x0;
	_ =	sdelay $0x3  }
0xea: {  	(v2sf) =	vpush v0, $0x1;
	_ =	sdelay $0x1  }
0xeb: {  	(v2sf) =	vpush v0, $0x2;
	_ =	sdelay $0x7  }
0xec: {  	(v2sf) =	vpush v0, $0x3  }
0xed: {  	s17 =	sshra.s32 s0, $0x2;
	s0 =	spop (v2sf)  }
0xee: {  	s1 =	sand.u32 $0x7F, s0;
	s11 =	sshll.u32 s0, $0x2;
	s0 =	sadd.s32 $0x10, s0  }
0xef: {  	s11 =	sand.u32 $0xFFFFFE00, s11;
	s1 =	sshll.u32 s1, $0x2;
	s12 =	sand.u32 $0x7F, s0  }
0xf0: {  	s0 =	sshll.u32 s0, $0x2;
	s1 =	sor.u32 s1, s11;
	s11 =	sshll.u32 s12, $0x2  }
0xf1: {  	s0 =	sand.u32 $0xFFFFFE00, s0;
	s1 =	sshra.s32 s1, $0x2;
	s12 =	spop (v2sf)  }
0xf2: {  	s0 =	sor.u32 s11, s0;
	s1 =	sadd.s32 s17, s1;
	s11 =	sand.u32 $0x7F, s12;
	(v2sf) =	vpush v0, $0x4  }
0xf3: {  	v1 =	vld [tilespmem:s1+$0x300];
	s1 =	sshll.u32 s12, $0x2;
	s12 =	sadd.s32 $0x10, s12;
	s14 =	spop (v2sf)  }
0xf4: {  	s11 =	sshll.u32 s11, $0x2;
	s1 =	sand.u32 $0xFFFFFE00, s1;
	s19 =	sand.u32 $0x7F, s14  }
0xf5: {  	s1 =	sor.u32 s11, s1;
	s11 =	sand.u32 $0x7F, s12;
	s12 =	sshll.u32 s12, $0x2  }
0xf6: {  	s20 =	sshll.u32 s14, $0x2;
	s1 =	sshra.s32 s1, $0x2;
	s12 =	sand.u32 $0xFFFFFE00, s12  }
0xf7: {  	s0 =	sshra.s32 s0, $0x2;
	s20 =	sand.u32 $0xFFFFFE00, s20;
	s19 =	sshll.u32 s19, $0x2  }
0xf8: {  	s0 =	sadd.s32 s17, s0;
	s11 =	sshll.u32 s11, $0x2;
	s19 =	sor.u32 s19, s20;
	[tilespmem:s17+$0x8300] =	vst v1;
	(v2sf) =	vpush v0, $0x5  }
0xf9: {  	s11 =	sor.u32 s11, s12;
	s12 =	sadd.s32 $0x10, s14;
	v1 =	vld [tilespmem:s0+$0x300];
	s0 =	sshra.s32 s19, $0x2  }
0xfa: {  	s11 =	sshra.s32 s11, $0x2;
	s14 =	sand.u32 $0x7F, s12;
	s12 =	sshll.u32 s12, $0x2  }
0xfb: {  	s12 =	sand.u32 $0xFFFFFE00, s12;
	s14 =	sshll.u32 s14, $0x2;
	s20 =	spop (v2sf)  }
0xfc: {  	s12 =	sor.u32 s14, s12;
	s14 =	sand.u32 $0x7F, s20;
	s21 =	sshll.u32 s20, $0x2  }
0xfd: {  	s19 =	sshra.s32 s12, $0x2;
	s12 =	sand.u32 $0xFFFFFE00, s21;
	s14 =	sshll.u32 s14, $0x2  }
0xfe: {  	s1 =	sadd.s32 s17, s1;
	[tilespmem:s17+$0x8310] =	vst v1;
	s12 =	sor.u32 s14, s12;
	s14 =	sadd.s32 $0x10, s20;
	(v2sf) =	vpush v0, $0x6  }
0xff: {  	v1 =	vld [tilespmem:s1+$0x380];
	s1 =	sshra.s32 s12, $0x2;
	s12 =	sand.u32 $0x7F, s14;
	s20 =	sshll.u32 s14, $0x2  }
0x100: {  	s14 =	sadd.s32 s17, s1;
	s1 =	sand.u32 $0xFFFFFE00, s20;
	s12 =	sshll.u32 s12, $0x2  }
0x101: {  	s1 =	sor.u32 s12, s1;
	s20 =	spop (v2sf)  }
0x102: {  	s1 =	sshra.s32 s1, $0x2;
	s21 =	sand.u32 $0x7F, s20;
	s22 =	sshll.u32 s20, $0x2  }
0x103: {  	s12 =	sadd.s32 s17, s1;
	s1 =	sand.u32 $0xFFFFFE00, s22;
	s21 =	sshll.u32 s21, $0x2  }
0x104: {  	s11 =	sadd.s32 s17, s11;
	s20 =	sadd.s32 $0x10, s20;
	[tilespmem:s17+$0x8380] =	vst v1;
	s1 =	sor.u32 s21, s1;
	(v2sf) =	vpush v0, $0x7  }
0x105: {  	s21 =	sand.u32 $0x7F, s20;
	s20 =	sshll.u32 s20, $0x2;
	v1 =	vld [tilespmem:s11+$0x380];
	s1 =	sshra.s32 s1, $0x2  }
0x106: {  	s11 =	sadd.s32 s17, s1;
	s1 =	sand.u32 $0xFFFFFE00, s20;
	s20 =	sshll.u32 s21, $0x2  }
0x107: {  	s1 =	sor.u32 s20, s1;
	s20 =	spop (v2sf);
	(v2sf) =	vpush v0, $0x8  }
0x108: {  	s1 =	sshra.s32 s1, $0x2;
	s21 =	sand.u32 $0x7F, s20;
	s22 =	sshll.u32 s20, $0x2  }
0x109: {  	s1 =	sadd.s32 s17, s1;
	s22 =	sand.u32 $0xFFFFFE00, s22;
	s21 =	sshll.u32 s21, $0x2  }
0x10a: {  	s0 =	sadd.s32 s17, s0;
	s20 =	sadd.s32 $0x10, s20;
	[tilespmem:s17+$0x8390] =	vst v1;
	s21 =	sor.u32 s21, s22  }
0x10b: {  	v1 =	vld [tilespmem:s0+$0x400];
	s0 =	sshra.s32 s21, $0x2;
	s21 =	sand.u32 $0x7F, s20;
	s20 =	sshll.u32 s20, $0x2  }
0x10c: {  	s0 =	sadd.s32 s17, s0;
	s20 =	sand.u32 $0xFFFFFE00, s20;
	s21 =	sshll.u32 s21, $0x2  }
0x10d: {  	s20 =	sor.u32 s21, s20;
	s21 =	spop (v2sf)  }
0x10e: {  	s20 =	sshra.s32 s20, $0x2;
	s22 =	sand.u32 $0x7F, s21;
	s23 =	sshll.u32 s21, $0x2  }
0x10f: {  	s30 =	sadd.s32 s17, s20;
	s20 =	sand.u32 $0xFFFFFE00, s23;
	s22 =	sshll.u32 s22, $0x2;
	(v2sf) =	vpush v0, $0x9  }
0x110: {  	s19 =	sadd.s32 s17, s19;
	s21 =	sadd.s32 $0x10, s21;
	[tilespmem:s17+$0x8400] =	vst v1;
	s20 =	sor.u32 s22, s20  }
0x111: {  	v1 =	vld [tilespmem:s19+$0x400];
	s19 =	sshra.s32 s20, $0x2;
	s20 =	sand.u32 $0x7F, s21;
	s21 =	sshll.u32 s21, $0x2  }
0x112: {  	s25 =	sadd.s32 s17, s19;
	s19 =	sand.u32 $0xFFFFFE00, s21;
	s20 =	sshll.u32 s20, $0x2;
	(v2sf) =	vpush v0, $0xA  }
0x113: {  	s19 =	sor.u32 s20, s19;
	s20 =	spop (v2sf)  }
0x114: {  	s19 =	sshra.s32 s19, $0x2;
	s21 =	sand.u32 $0x7F, s20;
	s23 =	sshll.u32 s20, $0x2  }
0x115: {  	s22 =	sadd.s32 s17, s19;
	s19 =	sand.u32 $0xFFFFFE00, s23;
	s21 =	sshll.u32 s21, $0x2  }
0x116: {  	s20 =	sadd.s32 $0x10, s20;
	[tilespmem:s17+$0x8410] =	vst v1;
	s19 =	sor.u32 s21, s19;
	s21 =	spop (v2sf)  }
0x117: {  	s23 =	sand.u32 $0x7F, s20;
	s20 =	sshll.u32 s20, $0x2;
	v1 =	vld [tilespmem:s14+$0x480];
	s14 =	sshra.s32 s19, $0x2  }
0x118: {  	s19 =	sadd.s32 s17, s14;
	s14 =	sand.u32 $0xFFFFFE00, s20;
	s20 =	sshll.u32 s23, $0x2  }
0x119: {  	s23 =	sshll.u32 s21, $0x2;
	s14 =	sor.u32 s20, s14;
	s20 =	sand.u32 $0x7F, s21  }
0x11a: {  	s23 =	sand.u32 $0xFFFFFE00, s23;
	s14 =	sshra.s32 s14, $0x2;
	s24 =	sshll.u32 s20, $0x2;
	(v2sf) =	vpush v0, $0xB  }
0x11b: {  	s21 =	sadd.s32 $0x10, s21;
	s20 =	sadd.s32 s17, s14;
	s14 =	sor.u32 s24, s23  }
0x11c: {  	s23 =	sand.u32 $0x7F, s21;
	s24 =	sshll.u32 s21, $0x2;
	[tilespmem:s17+$0x8480] =	vst v1;
	s14 =	sshra.s32 s14, $0x2  }
0x11d: {  	v1 =	vld [tilespmem:s12+$0x480];
	s21 =	sadd.s32 s17, s14;
	s12 =	sand.u32 $0xFFFFFE00, s24;
	s14 =	sshll.u32 s23, $0x2;
	(v2sf) =	vpush v0, $0xC  }
0x11e: {  	s12 =	sor.u32 s14, s12;
	s14 =	spop (v2sf)  }
0x11f: {  	s12 =	sshra.s32 s12, $0x2;
	s24 =	sand.u32 $0x7F, s14;
	s26 =	sshll.u32 s14, $0x2  }
0x120: {  	s23 =	sadd.s32 s17, s12;
	s12 =	sand.u32 $0xFFFFFE00, s26;
	s24 =	sshll.u32 s24, $0x2  }
0x121: {  	s14 =	sadd.s32 $0x10, s14;
	s12 =	sor.u32 s24, s12;
	s28 =	spop (v2sf)  }
0x122: {  	s26 =	sand.u32 $0x7F, s14;
	s14 =	sshll.u32 s14, $0x2;
	[tilespmem:s17+$0x8490] =	vst v1;
	s12 =	sshra.s32 s12, $0x2  }
0x123: {  	v1 =	vld [tilespmem:s11+$0x500];
	s24 =	sadd.s32 s17, s12;
	s11 =	sand.u32 $0xFFFFFE00, s14;
	s12 =	sshll.u32 s26, $0x2  }
0x124: {  	s14 =	sshll.u32 s28, $0x2;
	s11 =	sor.u32 s12, s11;
	s12 =	sand.u32 $0x7F, s28  }
0x125: {  	s14 =	sand.u32 $0xFFFFFE00, s14;
	s11 =	sshra.s32 s11, $0x2;
	s12 =	sshll.u32 s12, $0x2;
	(v2sf) =	vpush v0, $0xD  }
0x126: {  	s26 =	sadd.s32 s17, s11;
	s11 =	sor.u32 s12, s14;
	s12 =	sadd.s32 $0x10, s28  }
0x127: {  	s11 =	sshra.s32 s11, $0x2;
	s14 =	sand.u32 $0x7F, s12;
	s12 =	sshll.u32 s12, $0x2  }
0x128: {  	[tilespmem:s17+$0x8500] =	vst v1;
	s28 =	sadd.s32 s17, s11;
	s11 =	sand.u32 $0xFFFFFE00, s12;
	s12 =	sshll.u32 s14, $0x2;
	(v2sf) =	vpush v0, $0xE  }
0x129: {  	v1 =	vld [tilespmem:s1+$0x500];
	s1 =	sor.u32 s12, s11;
	s11 =	spop (v2sf)  }
0x12a: {  	s1 =	sshra.s32 s1, $0x2;
	s12 =	sand.u32 $0x7F, s11;
	s14 =	sshll.u32 s11, $0x2  }
0x12b: {  	s29 =	sadd.s32 s17, s1;
	s1 =	sand.u32 $0xFFFFFE00, s14;
	s12 =	sshll.u32 s12, $0x2  }
0x12c: {  	s11 =	sadd.s32 $0x10, s11;
	s1 =	sor.u32 s12, s1;
	s12 =	spop (v2sf)  }
0x12d: {  	s14 =	sand.u32 $0x7F, s11;
	s11 =	sshll.u32 s11, $0x2;
	s1 =	sshra.s32 s1, $0x2  }
0x12e: {  	[tilespmem:s17+$0x8510] =	vst v1;
	s31 =	sadd.s32 s17, s1;
	s1 =	sand.u32 $0xFFFFFE00, s11;
	s11 =	sshll.u32 s14, $0x2  }
0x12f: {  	v1 =	vld [tilespmem:s0+$0x580];
	s0 =	sor.u32 s11, s1;
	s1 =	sand.u32 $0x7F, s12;
	s11 =	sshll.u32 s12, $0x2  }
0x130: {  	s0 =	sshra.s32 s0, $0x2;
	s11 =	sand.u32 $0xFFFFFE00, s11;
	s14 =	sshll.u32 s1, $0x2;
	(v2sf) =	vpush v0, $0xF  }
0x131: {  	s1 =	sadd.s32 s17, s0;
	s0 =	sor.u32 s14, s11;
	s11 =	sadd.s32 $0x10, s12  }
0x132: {  	s0 =	sshra.s32 s0, $0x2;
	s12 =	sand.u32 $0x7F, s11;
	s11 =	sshll.u32 s11, $0x2  }
0x133: {  	s0 =	sadd.s32 s17, s0;
	s11 =	sand.u32 $0xFFFFFE00, s11;
	s12 =	sshll.u32 s12, $0x2  }
0x134: {  	[tilespmem:s17+$0x8580] =	vst v1;
	s11 =	sor.u32 s12, s11;
	s12 =	spop (v2sf)  }
0x135: {  	v0 =	vld [tilespmem:s30+$0x580];
	s11 =	sshra.s32 s11, $0x2;
	s14 =	sand.u32 $0x7F, s12;
	s2 =	sshll.u32 s12, $0x2  }
0x136: {  	s30 =	sadd.s32 s17, s11;
	s2 =	sand.u32 $0xFFFFFE00, s2;
	s11 =	sshll.u32 s14, $0x2  }
0x137: {  	s2 =	sor.u32 s11, s2;
	s11 =	sadd.s32 $0x10, s12;
	s12 =	spop (v2sf)  }
0x138: {  	s2 =	sshra.s32 s2, $0x2;
	s14 =	sand.u32 $0x7F, s11;
	s3 =	sshll.u32 s11, $0x2  }
0x139: {  	s11 =	sadd.s32 s17, s2;
	s2 =	sand.u32 $0xFFFFFE00, s3;
	s3 =	sshll.u32 s14, $0x2  }
0x13a: {  	s14 =	sshll.u32 s12, $0x2;
	[tilespmem:s17+$0x8590] =	vst v0;
	s2 =	sor.u32 s3, s2;
	s3 =	sand.u32 $0x7F, s12  }
0x13b: {  	s14 =	sand.u32 $0xFFFFFE00, s14;
	v0 =	vld [tilespmem:s25+$0x600];
	s2 =	sshra.s32 s2, $0x2;
	s3 =	sshll.u32 s3, $0x2  }
0x13c: {  	s25 =	sadd.s32 s17, s2;
	s2 =	sor.u32 s3, s14;
	s3 =	sadd.s32 $0x10, s12  }
0x13d: {  	s2 =	sshra.s32 s2, $0x2;
	s14 =	sand.u32 $0x7F, s3;
	s3 =	sshll.u32 s3, $0x2  }
0x13e: {  	s12 =	sadd.s32 s17, s2;
	s2 =	sand.u32 $0xFFFFFE00, s3;
	s3 =	sshll.u32 s14, $0x2  }
0x13f: {  	s2 =	sor.u32 s3, s2;
	s3 =	spop (v2sf)  }
0x140: {  	[tilespmem:s17+$0x8600] =	vst v0;
	s2 =	sshra.s32 s2, $0x2;
	s14 =	sand.u32 $0x7F, s3;
	s4 =	sshll.u32 s3, $0x2  }
0x141: {  	v0 =	vld [tilespmem:s22+$0x600];
	s22 =	sadd.s32 s17, s2;
	s2 =	sand.u32 $0xFFFFFE00, s4;
	s4 =	sshll.u32 s14, $0x2  }
0x142: {  	s3 =	sadd.s32 $0x10, s3;
	s2 =	sor.u32 s4, s2  }
0x143: {  	s4 =	sand.u32 $0x7F, s3;
	s3 =	sshll.u32 s3, $0x2;
	s2 =	sshra.s32 s2, $0x2  }
0x144: {  	s14 =	sadd.s32 s17, s2;
	s2 =	sand.u32 $0xFFFFFE00, s3;
	s3 =	sshll.u32 s4, $0x2  }
0x145: {  	s2 =	sor.u32 s3, s2  }
0x146: {  	[tilespmem:s17+$0x8610] =	vst v0;
	s2 =	sshra.s32 s2, $0x2  }
0x147: {  	v0 =	vld [tilespmem:s19+$0x680];
	s19 =	sadd.s32 s17, s2;
	_ =	sdelay $0x4  }
0x148: {  	[tilespmem:s17+$0x8680] =	vst v0  }
0x149: {  	v0 =	vld [tilespmem:s20+$0x680];
	_ =	sdelay $0x4  }
0x14a: {  	[tilespmem:s17+$0x8690] =	vst v0  }
0x14b: {  	v0 =	vld [tilespmem:s21+$0x700];
	_ =	sdelay $0x4  }
0x14c: {  	[tilespmem:s17+$0x8700] =	vst v0  }
0x14d: {  	v0 =	vld [tilespmem:s23+$0x700];
	_ =	sdelay $0x4  }
0x14e: {  	[tilespmem:s17+$0x8710] =	vst v0  }
0x14f: {  	v0 =	vld [tilespmem:s24+$0x780];
	_ =	sdelay $0x4  }
0x150: {  	[tilespmem:s17+$0x8780] =	vst v0  }
0x151: {  	v0 =	vld [tilespmem:s26+$0x780];
	_ =	sdelay $0x4  }
0x152: {  	[tilespmem:s17+$0x8790] =	vst v0  }
0x153: {  	v0 =	vld [tilespmem:s28+$0x800];
	_ =	sdelay $0x4  }
0x154: {  	[tilespmem:s17+$0x8800] =	vst v0  }
0x155: {  	v0 =	vld [tilespmem:s29+$0x800];
	_ =	sdelay $0x4  }
0x156: {  	[tilespmem:s17+$0x8810] =	vst v0  }
0x157: {  	v0 =	vld [tilespmem:s31+$0x880];
	_ =	sdelay $0x4  }
0x158: {  	[tilespmem:s17+$0x8880] =	vst v0  }
0x159: {  	v0 =	vld [tilespmem:s1+$0x880];
	_ =	sdelay $0x4  }
0x15a: {  	[tilespmem:s17+$0x8890] =	vst v0  }
0x15b: {  	v0 =	vld [tilespmem:s0+$0x900];
	_ =	sdelay $0x4  }
0x15c: {  	[tilespmem:s17+$0x8900] =	vst v0  }
0x15d: {  	v0 =	vld [tilespmem:s30+$0x900];
	_ =	sdelay $0x4  }
0x15e: {  	[tilespmem:s17+$0x8910] =	vst v0  }
0x15f: {  	v0 =	vld [tilespmem:s11+$0x980];
	_ =	sdelay $0x4  }
0x160: {  	[tilespmem:s17+$0x8980] =	vst v0  }
0x161: {  	v0 =	vld [tilespmem:s25+$0x980];
	_ =	sdelay $0x4  }
0x162: {  	[tilespmem:s17+$0x8990] =	vst v0  }
0x163: {  	v0 =	vld [tilespmem:s12+$0xA00];
	_ =	sdelay $0x4  }
0x164: {  	[tilespmem:s17+$0x8A00] =	vst v0  }
0x165: {  	v0 =	vld [tilespmem:s22+$0xA00];
	_ =	sdelay $0x4  }
0x166: {  	[tilespmem:s17+$0x8A10] =	vst v0  }
0x167: {  	v0 =	vld [tilespmem:s14+$0xA80];
	_ =	sdelay $0x1  }
.Ltmp1:
0x168: {  	(pc) =	sbr.rel @p0 .LBB2_4-.Ltmp1, $3  }
0x169: {  	_ =	sdelay $0x1  }
0x16a: {  	[tilespmem:s17+$0x8A80] =	vst v0  }
0x16b: {  	v0 =	vld [tilespmem:s19+$0xA80]  }
0x16c: {  	_ =	sdelay $0x3  }
0x16d: {  	s0 =	simm.s32 $0x0;
	s1 =	simm.s32 $0x8300;
	[tilespmem:s17+$0x8A90] =	vst v0  }
0x16e: {  	[hbm4b:s6+s0] =	stream.linear.scatter [tilespmem:s1], [sflag:$0x2], $0x8000, $0x38;
	[tilespmem:$0x10300] =	vst v63  }
0x16f: {  	_ =	swait.ge [sflag:s10], $0x8000  }
0x170: {  	[sflag:s10] =	ssyncset.done $0x0  }
0x171: {  	[sflag:s10] =	ssyncadd.s32 $0xFFFF8000  }
0x172: {  	[tilespmem:s0], [sflag:$0x2] =	stream.linear.gather [hbm4b:s7+s0], $0x100, $0x38;
	[tilespmem:$0x10300] =	vst v63  }
0x173: {  	_ =	swait.ge [sflag:s10], $0x100  }
0x174: {  	[sflag:s10] =	ssyncset.done $0x0  }
0x175: {  	s0 =	simm.s32 $0x0;
	[sflag:s10] =	ssyncadd.s32 $0xFFFFFF00  }
0x176: {  	v0 =	vld [tilespmem:s0+$0x0]  }
0x177: {  	s1 =	simm.s32 $0x40  }
.LBB2_6:
0x178: {  	_ = 	snop  }
0x179: {  	p0 =	sne.s32 s1, $0x3C0  }
.Ltmp2:
0x17a: {  	_ = 	snop;
	(pc) =	sbr.rel @p0 .LBB2_6-.Ltmp2, $4  }
0x17b: {  	v1 =	vshrl.u32 v0, $0x2  }
0x17c: {  	s2 =	sshra.s32 s1, $0x2;
	v3 =	vand.u32 $0x7F, v0;
	v2 =	vand.u32 $0x3FFFFF80, v1;
	v1 =	vand.u32 $0x60, v1  }
0x17d: {  	v0 =	vld [tilespmem:s2+$0x0];
	v2 =	vor.u32 v3, v2;
	[tilespmem:s0+$0x200] =	vst v1  }
0x17e: {  	s1 =	sadd.s32 $0x40, s1;
	[tilespmem:s0+$0x100] =	vst v2;
	s0 =	smov.u32 s2  }
0x17f: {  	_ =	sdelay $0x2  }
0x180: {  	v1 =	vshrl.u32 v0, $0x2  }
0x181: {  	v0 =	vand.u32 $0x7F, v0;
	v2 =	vand.u32 $0x3FFFFF80, v1;
	v1 =	vand.u32 $0x60, v1  }
0x182: {  	v0 =	vor.u32 v0, v2;
	[tilespmem:s0+$0x200] =	vst v1  }
0x183: {  	s21 =	rddreg [dreg:$0x3];
	s1 =	simm.s32 $0x100;
	s2 =	simm.s32 $0x300;
	[tilespmem:s0+$0x100] =	vst v0  }
0x184: {  	[tilespmem:s2], [sflag:$0x1] =	stream.indirect.gather [hbm4b:s21+s1], $0x80, s1, s1, $0xb8;
	[tilespmem:$0x10300] =	vst v63  }
0x185: {  	_ =	swait.ge [sflag:s13], $0x8000  }
0x186: {  	[sflag:s13] =	ssyncset.done $0x0  }
0x187: {  	s16 =	simm.s32 $0x200;
	[sflag:s13] =	ssyncadd.s32 $0xFFFF8000  }
0x188: {  	v0 =	vld [tilespmem:s16+$0x0];
	_ =	sdelay $0x4  }
0x189: {  	(v2sf) =	vpush v0, $0x0;
	_ =	sdelay $0xb  }
0x18a: {  	(v2sf) =	vpush v0, $0x1;
	_ =	sdelay $0x2  }
0x18b: {  	s22 =	spop (v2sf)  }
0x18c: {  	s23 =	sand.u32 $0x7F, s22;
	s24 =	sshll.u32 s22, $0x2  }
0x18d: {  	s2 =	sand.u32 $0xFFFFFE00, s24;
	s1 =	sshll.u32 s23, $0x2  }
0x18e: {  	s1 =	sor.u32 s1, s2  }
0x18f: {  	s1 =	sshra.s32 s1, $0x2  }
0x190: {  	s1 =	sadd.s32 $0x0, s1  }
0x191: {  	s0 =	sadd.s32 $0x10, s22;
	v1 =	vld [tilespmem:s1+$0x300]  }
0x192: {  	s25 =	sand.u32 $0x7F, s0;
	s0 =	sshll.u32 s0, $0x2  }
0x193: {  	s0 =	sand.u32 $0xFFFFFE00, s0;
	s1 =	sshll.u32 s25, $0x2  }
0x194: {  	(v2sf) =	vpush v0, $0x2;
	s0 =	sor.u32 s1, s0  }
0x195: {  	s17 =	simm.s32 $0x0;
	s0 =	sshra.s32 s0, $0x2  }
0x196: {  	s0 =	sadd.s32 $0x0, s0;
	[tilespmem:s17+$0x8300] =	vst v1  }
0x197: {  	s26 =	spop (v2sf);
	v1 =	vld [tilespmem:s0+$0x300]  }
0x198: {  	s28 =	sand.u32 $0x7F, s26;
	s29 =	sshll.u32 s26, $0x2  }
0x199: {  	s2 =	sand.u32 $0xFFFFFE00, s29;
	s0 =	sshll.u32 s28, $0x2  }
0x19a: {  	s0 =	sor.u32 s0, s2  }
0x19b: {  	s0 =	sshra.s32 s0, $0x2  }
0x19c: {  	s0 =	sadd.s32 $0x0, s0;
	[tilespmem:s17+$0x8310] =	vst v1  }
0x19d: {  	s1 =	sadd.s32 $0x10, s26;
	v1 =	vld [tilespmem:s0+$0x380]  }
0x19e: {  	s30 =	sand.u32 $0x7F, s1;
	s1 =	sshll.u32 s1, $0x2  }
0x19f: {  	s1 =	sand.u32 $0xFFFFFE00, s1;
	s0 =	sshll.u32 s30, $0x2  }
0x1a0: {  	(v2sf) =	vpush v0, $0x3;
	s0 =	sor.u32 s0, s1  }
0x1a1: {  	s0 =	sshra.s32 s0, $0x2  }
0x1a2: {  	s0 =	sadd.s32 $0x0, s0;
	[tilespmem:s17+$0x8380] =	vst v1  }
0x1a3: {  	s31 =	spop (v2sf);
	v1 =	vld [tilespmem:s0+$0x380]  }
0x1a4: {  	s3 =	sand.u32 $0x7F, s31;
	s4 =	sshll.u32 s31, $0x2  }
0x1a5: {  	s2 =	sand.u32 $0xFFFFFE00, s4;
	s0 =	sshll.u32 s3, $0x2  }
0x1a6: {  	s0 =	sor.u32 s0, s2  }
0x1a7: {  	s0 =	sshra.s32 s0, $0x2  }
0x1a8: {  	s0 =	sadd.s32 $0x0, s0;
	[tilespmem:s17+$0x8390] =	vst v1  }
0x1a9: {  	s1 =	sadd.s32 $0x10, s31;
	v1 =	vld [tilespmem:s0+$0x400]  }
0x1aa: {  	s11 =	sand.u32 $0x7F, s1;
	s1 =	sshll.u32 s1, $0x2  }
0x1ab: {  	s1 =	sand.u32 $0xFFFFFE00, s1;
	s0 =	sshll.u32 s11, $0x2  }
0x1ac: {  	(v2sf) =	vpush v0, $0x4;
	s0 =	sor.u32 s0, s1  }
0x1ad: {  	s0 =	sshra.s32 s0, $0x2  }
0x1ae: {  	s0 =	sadd.s32 $0x0, s0;
	[tilespmem:s17+$0x8400] =	vst v1  }
0x1af: {  	s12 =	spop (v2sf);
	v1 =	vld [tilespmem:s0+$0x400]  }
0x1b0: {  	s14 =	sand.u32 $0x7F, s12;
	s18 =	sshll.u32 s12, $0x2  }
0x1b1: {  	s2 =	sand.u32 $0xFFFFFE00, s18;
	s0 =	sshll.u32 s14, $0x2  }
0x1b2: {  	s0 =	sor.u32 s0, s2  }
0x1b3: {  	s0 =	sshra.s32 s0, $0x2  }
0x1b4: {  	s0 =	sadd.s32 $0x0, s0;
	[tilespmem:s17+$0x8410] =	vst v1  }
0x1b5: {  	s1 =	sadd.s32 $0x10, s12;
	v1 =	vld [tilespmem:s0+$0x480]  }
0x1b6: {  	s19 =	sand.u32 $0x7F, s1;
	s1 =	sshll.u32 s1, $0x2  }
0x1b7: {  	s1 =	sand.u32 $0xFFFFFE00, s1;
	s0 =	sshll.u32 s19, $0x2  }
0x1b8: {  	(v2sf) =	vpush v0, $0x5;
	s0 =	sor.u32 s0, s1  }
0x1b9: {  	s0 =	sshra.s32 s0, $0x2  }
0x1ba: {  	s0 =	sadd.s32 $0x0, s0;
	[tilespmem:s17+$0x8480] =	vst v1  }
0x1bb: {  	s20 =	spop (v2sf);
	v1 =	vld [tilespmem:s0+$0x480]  }
0x1bc: {  	s21 =	sand.u32 $0x7F, s20;
	s22 =	sshll.u32 s20, $0x2  }
0x1bd: {  	s2 =	sand.u32 $0xFFFFFE00, s22;
	s0 =	sshll.u32 s21, $0x2  }
0x1be: {  	s0 =	sor.u32 s0, s2  }
0x1bf: {  	s0 =	sshra.s32 s0, $0x2  }
0x1c0: {  	s0 =	sadd.s32 $0x0, s0;
	[tilespmem:s17+$0x8490] =	vst v1  }
0x1c1: {  	s1 =	sadd.s32 $0x10, s20;
	v1 =	vld [tilespmem:s0+$0x500]  }
0x1c2: {  	s23 =	sand.u32 $0x7F, s1;
	s1 =	sshll.u32 s1, $0x2  }
0x1c3: {  	s1 =	sand.u32 $0xFFFFFE00, s1;
	s0 =	sshll.u32 s23, $0x2  }
0x1c4: {  	(v2sf) =	vpush v0, $0x6;
	s0 =	sor.u32 s0, s1  }
0x1c5: {  	s0 =	sshra.s32 s0, $0x2  }
0x1c6: {  	s0 =	sadd.s32 $0x0, s0;
	[tilespmem:s17+$0x8500] =	vst v1  }
0x1c7: {  	s24 =	spop (v2sf);
	v1 =	vld [tilespmem:s0+$0x500]  }
0x1c8: {  	s25 =	sand.u32 $0x7F, s24;
	s26 =	sshll.u32 s24, $0x2  }
0x1c9: {  	s2 =	sand.u32 $0xFFFFFE00, s26;
	s0 =	sshll.u32 s25, $0x2  }
0x1ca: {  	s0 =	sor.u32 s0, s2  }
0x1cb: {  	s0 =	sshra.s32 s0, $0x2  }
0x1cc: {  	s0 =	sadd.s32 $0x0, s0;
	[tilespmem:s17+$0x8510] =	vst v1  }
0x1cd: {  	s1 =	sadd.s32 $0x10, s24;
	v1 =	vld [tilespmem:s0+$0x580]  }
0x1ce: {  	s28 =	sand.u32 $0x7F, s1;
	s1 =	sshll.u32 s1, $0x2  }
0x1cf: {  	s1 =	sand.u32 $0xFFFFFE00, s1;
	s0 =	sshll.u32 s28, $0x2  }
0x1d0: {  	(v2sf) =	vpush v0, $0x7;
	s0 =	sor.u32 s0, s1  }
0x1d1: {  	s0 =	sshra.s32 s0, $0x2  }
0x1d2: {  	s0 =	sadd.s32 $0x0, s0;
	[tilespmem:s17+$0x8580] =	vst v1  }
0x1d3: {  	s29 =	spop (v2sf);
	v1 =	vld [tilespmem:s0+$0x580]  }
0x1d4: {  	s30 =	sand.u32 $0x7F, s29;
	s31 =	sshll.u32 s29, $0x2  }
0x1d5: {  	s2 =	sand.u32 $0xFFFFFE00, s31;
	s0 =	sshll.u32 s30, $0x2  }
0x1d6: {  	s0 =	sor.u32 s0, s2  }
0x1d7: {  	s0 =	sshra.s32 s0, $0x2  }
0x1d8: {  	s0 =	sadd.s32 $0x0, s0;
	[tilespmem:s17+$0x8590] =	vst v1  }
0x1d9: {  	s1 =	sadd.s32 $0x10, s29;
	v1 =	vld [tilespmem:s0+$0x600]  }
0x1da: {  	s2 =	sand.u32 $0x7F, s1;
	s1 =	sshll.u32 s1, $0x2  }
0x1db: {  	s1 =	sand.u32 $0xFFFFFE00, s1;
	s0 =	sshll.u32 s2, $0x2  }
0x1dc: {  	(v2sf) =	vpush v0, $0x8;
	s0 =	sor.u32 s0, s1  }
0x1dd: {  	s0 =	sshra.s32 s0, $0x2  }
0x1de: {  	s0 =	sadd.s32 $0x0, s0;
	[tilespmem:s17+$0x8600] =	vst v1  }
0x1df: {  	s3 =	spop (v2sf);
	v1 =	vld [tilespmem:s0+$0x600]  }
0x1e0: {  	s4 =	sand.u32 $0x7F, s3;
	s11 =	sshll.u32 s3, $0x2  }
0x1e1: {  	s2 =	sand.u32 $0xFFFFFE00, s11;
	s0 =	sshll.u32 s4, $0x2  }
0x1e2: {  	s0 =	sor.u32 s0, s2  }
0x1e3: {  	s0 =	sshra.s32 s0, $0x2  }
0x1e4: {  	s0 =	sadd.s32 $0x0, s0;
	[tilespmem:s17+$0x8610] =	vst v1  }
0x1e5: {  	s1 =	sadd.s32 $0x10, s3;
	v1 =	vld [tilespmem:s0+$0x680]  }
0x1e6: {  	s12 =	sand.u32 $0x7F, s1;
	s1 =	sshll.u32 s1, $0x2  }
0x1e7: {  	s1 =	sand.u32 $0xFFFFFE00, s1;
	s0 =	sshll.u32 s12, $0x2  }
0x1e8: {  	(v2sf) =	vpush v0, $0x9;
	s0 =	sor.u32 s0, s1  }
0x1e9: {  	s0 =	sshra.s32 s0, $0x2  }
0x1ea: {  	s0 =	sadd.s32 $0x0, s0;
	[tilespmem:s17+$0x8680] =	vst v1  }
0x1eb: {  	s14 =	spop (v2sf);
	v1 =	vld [tilespmem:s0+$0x680]  }
0x1ec: {  	s18 =	sand.u32 $0x7F, s14;
	s19 =	sshll.u32 s14, $0x2  }
0x1ed: {  	s2 =	sand.u32 $0xFFFFFE00, s19;
	s0 =	sshll.u32 s18, $0x2  }
0x1ee: {  	s0 =	sor.u32 s0, s2  }
0x1ef: {  	s0 =	sshra.s32 s0, $0x2  }
0x1f0: {  	s0 =	sadd.s32 $0x0, s0;
	[tilespmem:s17+$0x8690] =	vst v1  }
0x1f1: {  	s1 =	sadd.s32 $0x10, s14;
	v1 =	vld [tilespmem:s0+$0x700]  }
0x1f2: {  	s20 =	sand.u32 $0x7F, s1;
	s1 =	sshll.u32 s1, $0x2  }
0x1f3: {  	s1 =	sand.u32 $0xFFFFFE00, s1;
	s0 =	sshll.u32 s20, $0x2  }
0x1f4: {  	(v2sf) =	vpush v0, $0xA;
	s0 =	sor.u32 s0, s1  }
0x1f5: {  	s0 =	sshra.s32 s0, $0x2  }
0x1f6: {  	s0 =	sadd.s32 $0x0, s0;
	[tilespmem:s17+$0x8700] =	vst v1  }
0x1f7: {  	s21 =	spop (v2sf);
	v1 =	vld [tilespmem:s0+$0x700]  }
0x1f8: {  	s22 =	sand.u32 $0x7F, s21;
	s23 =	sshll.u32 s21, $0x2  }
0x1f9: {  	s2 =	sand.u32 $0xFFFFFE00, s23;
	s0 =	sshll.u32 s22, $0x2  }
0x1fa: {  	s0 =	sor.u32 s0, s2  }
0x1fb: {  	s0 =	sshra.s32 s0, $0x2  }
0x1fc: {  	s0 =	sadd.s32 $0x0, s0;
	[tilespmem:s17+$0x8710] =	vst v1  }
0x1fd: {  	s1 =	sadd.s32 $0x10, s21;
	v1 =	vld [tilespmem:s0+$0x780]  }
0x1fe: {  	s24 =	sand.u32 $0x7F, s1;
	s1 =	sshll.u32 s1, $0x2  }
0x1ff: {  	s1 =	sand.u32 $0xFFFFFE00, s1;
	s0 =	sshll.u32 s24, $0x2  }
0x200: {  	(v2sf) =	vpush v0, $0xB;
	s0 =	sor.u32 s0, s1  }
0x201: {  	s0 =	sshra.s32 s0, $0x2  }
0x202: {  	s0 =	sadd.s32 $0x0, s0;
	[tilespmem:s17+$0x8780] =	vst v1  }
0x203: {  	s25 =	spop (v2sf);
	v1 =	vld [tilespmem:s0+$0x780]  }
0x204: {  	s26 =	sand.u32 $0x7F, s25;
	s28 =	sshll.u32 s25, $0x2  }
0x205: {  	s2 =	sand.u32 $0xFFFFFE00, s28;
	s0 =	sshll.u32 s26, $0x2  }
0x206: {  	s0 =	sor.u32 s0, s2  }
0x207: {  	s0 =	sshra.s32 s0, $0x2  }
0x208: {  	s0 =	sadd.s32 $0x0, s0;
	[tilespmem:s17+$0x8790] =	vst v1  }
0x209: {  	s1 =	sadd.s32 $0x10, s25;
	v1 =	vld [tilespmem:s0+$0x800]  }
0x20a: {  	s29 =	sand.u32 $0x7F, s1;
	s1 =	sshll.u32 s1, $0x2  }
0x20b: {  	s1 =	sand.u32 $0xFFFFFE00, s1;
	s0 =	sshll.u32 s29, $0x2  }
0x20c: {  	(v2sf) =	vpush v0, $0xC;
	s0 =	sor.u32 s0, s1  }
0x20d: {  	s0 =	sshra.s32 s0, $0x2  }
0x20e: {  	s0 =	sadd.s32 $0x0, s0;
	[tilespmem:s17+$0x8800] =	vst v1  }
0x20f: {  	s30 =	spop (v2sf);
	v1 =	vld [tilespmem:s0+$0x800]  }
0x210: {  	s31 =	sand.u32 $0x7F, s30;
	s3 =	sshll.u32 s30, $0x2  }
0x211: {  	s2 =	sand.u32 $0xFFFFFE00, s3;
	s0 =	sshll.u32 s31, $0x2  }
0x212: {  	s0 =	sor.u32 s0, s2  }
0x213: {  	s0 =	sshra.s32 s0, $0x2  }
0x214: {  	s0 =	sadd.s32 $0x0, s0;
	[tilespmem:s17+$0x8810] =	vst v1  }
0x215: {  	s1 =	sadd.s32 $0x10, s30;
	v1 =	vld [tilespmem:s0+$0x880]  }
0x216: {  	s4 =	sand.u32 $0x7F, s1;
	s1 =	sshll.u32 s1, $0x2  }
0x217: {  	s1 =	sand.u32 $0xFFFFFE00, s1;
	s0 =	sshll.u32 s4, $0x2  }
0x218: {  	(v2sf) =	vpush v0, $0xD;
	s0 =	sor.u32 s0, s1  }
0x219: {  	s0 =	sshra.s32 s0, $0x2  }
0x21a: {  	s0 =	sadd.s32 $0x0, s0;
	[tilespmem:s17+$0x8880] =	vst v1  }
0x21b: {  	s11 =	spop (v2sf);
	v1 =	vld [tilespmem:s0+$0x880]  }
0x21c: {  	s12 =	sand.u32 $0x7F, s11;
	s14 =	sshll.u32 s11, $0x2  }
0x21d: {  	s2 =	sand.u32 $0xFFFFFE00, s14;
	s0 =	sshll.u32 s12, $0x2  }
0x21e: {  	s0 =	sor.u32 s0, s2  }
0x21f: {  	s0 =	sshra.s32 s0, $0x2  }
0x220: {  	s0 =	sadd.s32 $0x0, s0;
	[tilespmem:s17+$0x8890] =	vst v1  }
0x221: {  	s1 =	sadd.s32 $0x10, s11;
	v1 =	vld [tilespmem:s0+$0x900]  }
0x222: {  	s18 =	sand.u32 $0x7F, s1;
	s1 =	sshll.u32 s1, $0x2  }
0x223: {  	s1 =	sand.u32 $0xFFFFFE00, s1;
	s0 =	sshll.u32 s18, $0x2  }
0x224: {  	(v2sf) =	vpush v0, $0xE;
	s0 =	sor.u32 s0, s1  }
0x225: {  	s0 =	sshra.s32 s0, $0x2  }
0x226: {  	s0 =	sadd.s32 $0x0, s0;
	[tilespmem:s17+$0x8900] =	vst v1  }
0x227: {  	s19 =	spop (v2sf);
	v1 =	vld [tilespmem:s0+$0x900]  }
0x228: {  	s20 =	sand.u32 $0x7F, s19;
	s21 =	sshll.u32 s19, $0x2  }
0x229: {  	s2 =	sand.u32 $0xFFFFFE00, s21;
	s0 =	sshll.u32 s20, $0x2  }
0x22a: {  	s0 =	sor.u32 s0, s2  }
0x22b: {  	s0 =	sshra.s32 s0, $0x2  }
0x22c: {  	s0 =	sadd.s32 $0x0, s0;
	[tilespmem:s17+$0x8910] =	vst v1  }
0x22d: {  	s1 =	sadd.s32 $0x10, s19;
	v1 =	vld [tilespmem:s0+$0x980]  }
0x22e: {  	s22 =	sand.u32 $0x7F, s1;
	s1 =	sshll.u32 s1, $0x2  }
0x22f: {  	s1 =	sand.u32 $0xFFFFFE00, s1;
	s0 =	sshll.u32 s22, $0x2  }
0x230: {  	(v2sf) =	vpush v0, $0xF;
	s0 =	sor.u32 s0, s1  }
0x231: {  	s0 =	sshra.s32 s0, $0x2  }
0x232: {  	s0 =	sadd.s32 $0x0, s0;
	[tilespmem:s17+$0x8980] =	vst v1  }
0x233: {  	s23 =	spop (v2sf);
	v0 =	vld [tilespmem:s0+$0x980]  }
0x234: {  	s24 =	sand.u32 $0x7F, s23;
	s25 =	sshll.u32 s23, $0x2  }
0x235: {  	s2 =	sand.u32 $0xFFFFFE00, s25;
	s0 =	sshll.u32 s24, $0x2  }
0x236: {  	s0 =	sor.u32 s0, s2  }
0x237: {  	s0 =	sshra.s32 s0, $0x2  }
0x238: {  	s0 =	sadd.s32 $0x0, s0;
	[tilespmem:s17+$0x8990] =	vst v0  }
0x239: {  	s1 =	sadd.s32 $0x10, s23;
	v0 =	vld [tilespmem:s0+$0xA00]  }
0x23a: {  	s26 =	sand.u32 $0x7F, s1;
	s1 =	sshll.u32 s1, $0x2  }
0x23b: {  	s1 =	sand.u32 $0xFFFFFE00, s1;
	s0 =	sshll.u32 s26, $0x2  }
0x23c: {  	s0 =	sor.u32 s0, s1  }
0x23d: {  	s0 =	sshra.s32 s0, $0x2  }
0x23e: {  	s0 =	sadd.s32 $0x0, s0;
	[tilespmem:s17+$0x8A00] =	vst v0  }
0x23f: {  	s28 =	spop (v2sf);
	v0 =	vld [tilespmem:s0+$0xA00]  }
0x240: {  	s29 =	sand.u32 $0x7F, s28;
	s30 =	sshll.u32 s28, $0x2  }
0x241: {  	s2 =	sand.u32 $0xFFFFFE00, s30;
	s0 =	sshll.u32 s29, $0x2  }
0x242: {  	s0 =	sor.u32 s0, s2  }
0x243: {  	s0 =	sshra.s32 s0, $0x2  }
0x244: {  	s0 =	sadd.s32 $0x0, s0;
	[tilespmem:s17+$0x8A10] =	vst v0  }
0x245: {  	s1 =	sadd.s32 $0x10, s28;
	v0 =	vld [tilespmem:s0+$0xA80]  }
0x246: {  	s31 =	sand.u32 $0x7F, s1;
	s1 =	sshll.u32 s1, $0x2  }
0x247: {  	s1 =	sand.u32 $0xFFFFFE00, s1;
	s0 =	sshll.u32 s31, $0x2  }
0x248: {  	s0 =	sor.u32 s0, s1  }
0x249: {  	s0 =	sshra.s32 s0, $0x2  }
0x24a: {  	s0 =	sadd.s32 $0x0, s0;
	[tilespmem:s17+$0x8A80] =	vst v0  }
0x24b: {  	s18 =	simm.s32 $0x2000;
	v0 =	vld [tilespmem:s0+$0xA80]  }
.LBB2_8:
0x24c: {  	_ =	sdelay $0x2  }
0x24d: {  	p0 =	sne.s32 s18, $0x1E000  }
0x24e: {  	s16 =	sadd.s32 $0x10, s16;
	s0 =	smov.u32 s18;
	s18 =	sadd.s32 $0x2000, s18;
	[tilespmem:s17+$0x8A90] =	vst v0  }
0x24f: {  	v0 =	vld [tilespmem:s16+$0x0];
	_ =	sdelay $0x4  }
0x250: {  	(v2sf) =	vpush v0, $0x0;
	_ =	sdelay $0x3  }
0x251: {  	(v2sf) =	vpush v0, $0x1;
	_ =	sdelay $0x1  }
0x252: {  	(v2sf) =	vpush v0, $0x2;
	_ =	sdelay $0x7  }
0x253: {  	(v2sf) =	vpush v0, $0x3  }
0x254: {  	s17 =	sshra.s32 s0, $0x2;
	s0 =	spop (v2sf)  }
0x255: {  	s1 =	sand.u32 $0x7F, s0;
	s2 =	sshll.u32 s0, $0x2;
	s0 =	sadd.s32 $0x10, s0  }
0x256: {  	s2 =	sand.u32 $0xFFFFFE00, s2;
	s1 =	sshll.u32 s1, $0x2;
	s3 =	sand.u32 $0x7F, s0  }
0x257: {  	s0 =	sshll.u32 s0, $0x2;
	s1 =	sor.u32 s1, s2;
	s2 =	sshll.u32 s3, $0x2  }
0x258: {  	s0 =	sand.u32 $0xFFFFFE00, s0;
	s1 =	sshra.s32 s1, $0x2;
	s3 =	spop (v2sf)  }
0x259: {  	s0 =	sor.u32 s2, s0;
	s1 =	sadd.s32 s17, s1;
	s2 =	sand.u32 $0x7F, s3;
	(v2sf) =	vpush v0, $0x4  }
0x25a: {  	v1 =	vld [tilespmem:s1+$0x300];
	s1 =	sshll.u32 s3, $0x2;
	s3 =	sadd.s32 $0x10, s3;
	s4 =	spop (v2sf)  }
0x25b: {  	s2 =	sshll.u32 s2, $0x2;
	s1 =	sand.u32 $0xFFFFFE00, s1;
	s11 =	sand.u32 $0x7F, s4  }
0x25c: {  	s1 =	sor.u32 s2, s1;
	s2 =	sand.u32 $0x7F, s3;
	s3 =	sshll.u32 s3, $0x2  }
0x25d: {  	s12 =	sshll.u32 s4, $0x2;
	s1 =	sshra.s32 s1, $0x2;
	s3 =	sand.u32 $0xFFFFFE00, s3  }
0x25e: {  	s0 =	sshra.s32 s0, $0x2;
	s12 =	sand.u32 $0xFFFFFE00, s12;
	s11 =	sshll.u32 s11, $0x2  }
0x25f: {  	s0 =	sadd.s32 s17, s0;
	s2 =	sshll.u32 s2, $0x2;
	s11 =	sor.u32 s11, s12;
	[tilespmem:s17+$0x8300] =	vst v1;
	(v2sf) =	vpush v0, $0x5  }
0x260: {  	s2 =	sor.u32 s2, s3;
	s3 =	sadd.s32 $0x10, s4;
	v1 =	vld [tilespmem:s0+$0x300];
	s0 =	sshra.s32 s11, $0x2  }
0x261: {  	s2 =	sshra.s32 s2, $0x2;
	s4 =	sand.u32 $0x7F, s3;
	s3 =	sshll.u32 s3, $0x2  }
0x262: {  	s3 =	sand.u32 $0xFFFFFE00, s3;
	s4 =	sshll.u32 s4, $0x2;
	s11 =	spop (v2sf)  }
0x263: {  	s3 =	sor.u32 s4, s3;
	s4 =	sand.u32 $0x7F, s11;
	s12 =	sshll.u32 s11, $0x2  }
0x264: {  	s19 =	sshra.s32 s3, $0x2;
	s3 =	sand.u32 $0xFFFFFE00, s12;
	s4 =	sshll.u32 s4, $0x2  }
0x265: {  	s1 =	sadd.s32 s17, s1;
	[tilespmem:s17+$0x8310] =	vst v1;
	s3 =	sor.u32 s4, s3;
	s4 =	sadd.s32 $0x10, s11;
	(v2sf) =	vpush v0, $0x6  }
0x266: {  	v1 =	vld [tilespmem:s1+$0x380];
	s1 =	sshra.s32 s3, $0x2;
	s3 =	sand.u32 $0x7F, s4;
	s4 =	sshll.u32 s4, $0x2  }
0x267: {  	s14 =	sadd.s32 s17, s1;
	s1 =	sand.u32 $0xFFFFFE00, s4;
	s3 =	sshll.u32 s3, $0x2  }
0x268: {  	s1 =	sor.u32 s3, s1;
	s3 =	spop (v2sf)  }
0x269: {  	s1 =	sshra.s32 s1, $0x2;
	s4 =	sand.u32 $0x7F, s3;
	s11 =	sshll.u32 s3, $0x2  }
0x26a: {  	s12 =	sadd.s32 s17, s1;
	s1 =	sand.u32 $0xFFFFFE00, s11;
	s4 =	sshll.u32 s4, $0x2  }
0x26b: {  	s2 =	sadd.s32 s17, s2;
	s3 =	sadd.s32 $0x10, s3;
	[tilespmem:s17+$0x8380] =	vst v1;
	s1 =	sor.u32 s4, s1;
	(v2sf) =	vpush v0, $0x7  }
0x26c: {  	v1 =	vld [tilespmem:s2+$0x380];
	s1 =	sshra.s32 s1, $0x2;
	s2 =	sand.u32 $0x7F, s3;
	s3 =	sshll.u32 s3, $0x2  }
0x26d: {  	s11 =	sadd.s32 s17, s1;
	s1 =	sand.u32 $0xFFFFFE00, s3;
	s2 =	sshll.u32 s2, $0x2  }
0x26e: {  	s1 =	sor.u32 s2, s1;
	s2 =	spop (v2sf);
	(v2sf) =	vpush v0, $0x8  }
0x26f: {  	s1 =	sshra.s32 s1, $0x2;
	s3 =	sand.u32 $0x7F, s2;
	s4 =	sshll.u32 s2, $0x2  }
0x270: {  	s1 =	sadd.s32 s17, s1;
	s4 =	sand.u32 $0xFFFFFE00, s4;
	s3 =	sshll.u32 s3, $0x2  }
0x271: {  	s0 =	sadd.s32 s17, s0;
	s2 =	sadd.s32 $0x10, s2;
	[tilespmem:s17+$0x8390] =	vst v1;
	s3 =	sor.u32 s3, s4  }
0x272: {  	v1 =	vld [tilespmem:s0+$0x400];
	s0 =	sshra.s32 s3, $0x2;
	s3 =	sand.u32 $0x7F, s2;
	s2 =	sshll.u32 s2, $0x2  }
0x273: {  	s0 =	sadd.s32 s17, s0;
	s2 =	sand.u32 $0xFFFFFE00, s2;
	s3 =	sshll.u32 s3, $0x2  }
0x274: {  	s2 =	sor.u32 s3, s2;
	s3 =	spop (v2sf)  }
0x275: {  	s2 =	sshra.s32 s2, $0x2;
	s4 =	sand.u32 $0x7F, s3;
	s20 =	sshll.u32 s3, $0x2  }
0x276: {  	s30 =	sadd.s32 s17, s2;
	s2 =	sand.u32 $0xFFFFFE00, s20;
	s4 =	sshll.u32 s4, $0x2;
	(v2sf) =	vpush v0, $0x9  }
0x277: {  	s19 =	sadd.s32 s17, s19;
	s3 =	sadd.s32 $0x10, s3;
	[tilespmem:s17+$0x8400] =	vst v1;
	s2 =	sor.u32 s4, s2  }
0x278: {  	s4 =	sand.u32 $0x7F, s3;
	s3 =	sshll.u32 s3, $0x2;
	v1 =	vld [tilespmem:s19+$0x400];
	s2 =	sshra.s32 s2, $0x2  }
0x279: {  	s25 =	sadd.s32 s17, s2;
	s2 =	sand.u32 $0xFFFFFE00, s3;
	s3 =	sshll.u32 s4, $0x2;
	(v2sf) =	vpush v0, $0xA  }
0x27a: {  	s2 =	sor.u32 s3, s2;
	s3 =	spop (v2sf)  }
0x27b: {  	s2 =	sshra.s32 s2, $0x2;
	s4 =	sand.u32 $0x7F, s3;
	s19 =	sshll.u32 s3, $0x2  }
0x27c: {  	s22 =	sadd.s32 s17, s2;
	s2 =	sand.u32 $0xFFFFFE00, s19;
	s4 =	sshll.u32 s4, $0x2  }
0x27d: {  	s3 =	sadd.s32 $0x10, s3;
	[tilespmem:s17+$0x8410] =	vst v1;
	s2 =	sor.u32 s4, s2;
	s4 =	spop (v2sf)  }
0x27e: {  	v1 =	vld [tilespmem:s14+$0x480];
	s2 =	sshra.s32 s2, $0x2;
	s14 =	sand.u32 $0x7F, s3;
	s3 =	sshll.u32 s3, $0x2  }
0x27f: {  	s19 =	sadd.s32 s17, s2;
	s2 =	sand.u32 $0xFFFFFE00, s3;
	s3 =	sshll.u32 s14, $0x2  }
0x280: {  	s14 =	sshll.u32 s4, $0x2;
	s2 =	sor.u32 s3, s2;
	s3 =	sand.u32 $0x7F, s4  }
0x281: {  	s14 =	sand.u32 $0xFFFFFE00, s14;
	s2 =	sshra.s32 s2, $0x2;
	s3 =	sshll.u32 s3, $0x2;
	(v2sf) =	vpush v0, $0xB  }
0x282: {  	s20 =	sadd.s32 s17, s2;
	s2 =	sor.u32 s3, s14;
	s3 =	sadd.s32 $0x10, s4  }
0x283: {  	[tilespmem:s17+$0x8480] =	vst v1;
	s2 =	sshra.s32 s2, $0x2;
	s4 =	sand.u32 $0x7F, s3;
	s3 =	sshll.u32 s3, $0x2  }
0x284: {  	v1 =	vld [tilespmem:s12+$0x480];
	s21 =	sadd.s32 s17, s2;
	s2 =	sand.u32 $0xFFFFFE00, s3;
	s3 =	sshll.u32 s4, $0x2;
	(v2sf) =	vpush v0, $0xC  }
0x285: {  	s2 =	sor.u32 s3, s2;
	s3 =	spop (v2sf)  }
0x286: {  	s2 =	sshra.s32 s2, $0x2;
	s4 =	sand.u32 $0x7F, s3;
	s12 =	sshll.u32 s3, $0x2  }
0x287: {  	s23 =	sadd.s32 s17, s2;
	s2 =	sand.u32 $0xFFFFFE00, s12;
	s4 =	sshll.u32 s4, $0x2  }
0x288: {  	s3 =	sadd.s32 $0x10, s3;
	s2 =	sor.u32 s4, s2;
	s4 =	spop (v2sf)  }
0x289: {  	s12 =	sand.u32 $0x7F, s3;
	s3 =	sshll.u32 s3, $0x2;
	[tilespmem:s17+$0x8490] =	vst v1;
	s2 =	sshra.s32 s2, $0x2  }
0x28a: {  	v1 =	vld [tilespmem:s11+$0x500];
	s24 =	sadd.s32 s17, s2;
	s2 =	sand.u32 $0xFFFFFE00, s3;
	s3 =	sshll.u32 s12, $0x2  }
0x28b: {  	s11 =	sshll.u32 s4, $0x2;
	s2 =	sor.u32 s3, s2;
	s3 =	sand.u32 $0x7F, s4  }
0x28c: {  	s11 =	sand.u32 $0xFFFFFE00, s11;
	s2 =	sshra.s32 s2, $0x2;
	s3 =	sshll.u32 s3, $0x2;
	(v2sf) =	vpush v0, $0xD  }
0x28d: {  	s26 =	sadd.s32 s17, s2;
	s2 =	sor.u32 s3, s11;
	s3 =	sadd.s32 $0x10, s4  }
0x28e: {  	s2 =	sshra.s32 s2, $0x2;
	s4 =	sand.u32 $0x7F, s3;
	s3 =	sshll.u32 s3, $0x2  }
0x28f: {  	[tilespmem:s17+$0x8500] =	vst v1;
	s28 =	sadd.s32 s17, s2;
	s2 =	sand.u32 $0xFFFFFE00, s3;
	s3 =	sshll.u32 s4, $0x2;
	(v2sf) =	vpush v0, $0xE  }
0x290: {  	v1 =	vld [tilespmem:s1+$0x500];
	s1 =	sor.u32 s3, s2;
	s2 =	spop (v2sf)  }
0x291: {  	s1 =	sshra.s32 s1, $0x2;
	s3 =	sand.u32 $0x7F, s2;
	s4 =	sshll.u32 s2, $0x2  }
0x292: {  	s29 =	sadd.s32 s17, s1;
	s1 =	sand.u32 $0xFFFFFE00, s4;
	s3 =	sshll.u32 s3, $0x2  }
0x293: {  	s2 =	sadd.s32 $0x10, s2;
	s1 =	sor.u32 s3, s1;
	s3 =	spop (v2sf)  }
0x294: {  	s4 =	sand.u32 $0x7F, s2;
	s2 =	sshll.u32 s2, $0x2;
	s1 =	sshra.s32 s1, $0x2  }
0x295: {  	[tilespmem:s17+$0x8510] =	vst v1;
	s31 =	sadd.s32 s17, s1;
	s1 =	sand.u32 $0xFFFFFE00, s2;
	s2 =	sshll.u32 s4, $0x2  }
0x296: {  	v1 =	vld [tilespmem:s0+$0x580];
	s0 =	sor.u32 s2, s1;
	s1 =	sand.u32 $0x7F, s3;
	s2 =	sshll.u32 s3, $0x2  }
0x297: {  	s0 =	sshra.s32 s0, $0x2;
	s2 =	sand.u32 $0xFFFFFE00, s2;
	s1 =	sshll.u32 s1, $0x2;
	(v2sf) =	vpush v0, $0xF  }
0x298: {  	s0 =	sadd.s32 s17, s0;
	s1 =	sor.u32 s1, s2;
	s2 =	sadd.s32 $0x10, s3  }
0x299: {  	s1 =	sshra.s32 s1, $0x2;
	s3 =	sand.u32 $0x7F, s2;
	s2 =	sshll.u32 s2, $0x2  }
0x29a: {  	s1 =	sadd.s32 s17, s1;
	s2 =	sand.u32 $0xFFFFFE00, s2;
	s3 =	sshll.u32 s3, $0x2  }
0x29b: {  	[tilespmem:s17+$0x8580] =	vst v1;
	s2 =	sor.u32 s3, s2;
	s3 =	spop (v2sf)  }
0x29c: {  	v0 =	vld [tilespmem:s30+$0x580];
	s2 =	sshra.s32 s2, $0x2;
	s4 =	sand.u32 $0x7F, s3;
	s11 =	sshll.u32 s3, $0x2  }
0x29d: {  	s30 =	sadd.s32 s17, s2;
	s2 =	sand.u32 $0xFFFFFE00, s11;
	s4 =	sshll.u32 s4, $0x2  }
0x29e: {  	s3 =	sadd.s32 $0x10, s3;
	s2 =	sor.u32 s4, s2;
	s4 =	spop (v2sf)  }
0x29f: {  	s12 =	sand.u32 $0x7F, s3;
	s3 =	sshll.u32 s3, $0x2;
	s2 =	sshra.s32 s2, $0x2  }
0x2a0: {  	s11 =	sadd.s32 s17, s2;
	s2 =	sand.u32 $0xFFFFFE00, s3;
	s3 =	sshll.u32 s12, $0x2  }
0x2a1: {  	s12 =	sshll.u32 s4, $0x2;
	[tilespmem:s17+$0x8590] =	vst v0;
	s2 =	sor.u32 s3, s2;
	s3 =	sand.u32 $0x7F, s4  }
0x2a2: {  	s14 =	sand.u32 $0xFFFFFE00, s12;
	v0 =	vld [tilespmem:s25+$0x600];
	s2 =	sshra.s32 s2, $0x2;
	s3 =	sshll.u32 s3, $0x2  }
0x2a3: {  	s12 =	sadd.s32 s17, s2;
	s2 =	sor.u32 s3, s14;
	s3 =	sadd.s32 $0x10, s4  }
0x2a4: {  	s2 =	sshra.s32 s2, $0x2;
	s4 =	sand.u32 $0x7F, s3;
	s3 =	sshll.u32 s3, $0x2  }
0x2a5: {  	s25 =	sadd.s32 s17, s2;
	s2 =	sand.u32 $0xFFFFFE00, s3;
	s3 =	sshll.u32 s4, $0x2  }
0x2a6: {  	s2 =	sor.u32 s3, s2;
	s3 =	spop (v2sf)  }
0x2a7: {  	[tilespmem:s17+$0x8600] =	vst v0;
	s2 =	sshra.s32 s2, $0x2;
	s4 =	sand.u32 $0x7F, s3;
	s14 =	sshll.u32 s3, $0x2  }
0x2a8: {  	v0 =	vld [tilespmem:s22+$0x600];
	s22 =	sadd.s32 s17, s2;
	s2 =	sand.u32 $0xFFFFFE00, s14;
	s4 =	sshll.u32 s4, $0x2  }
0x2a9: {  	s3 =	sadd.s32 $0x10, s3;
	s2 =	sor.u32 s4, s2  }
0x2aa: {  	s4 =	sand.u32 $0x7F, s3;
	s3 =	sshll.u32 s3, $0x2;
	s2 =	sshra.s32 s2, $0x2  }
0x2ab: {  	s14 =	sadd.s32 s17, s2;
	s2 =	sand.u32 $0xFFFFFE00, s3;
	s3 =	sshll.u32 s4, $0x2  }
0x2ac: {  	s2 =	sor.u32 s3, s2  }
0x2ad: {  	[tilespmem:s17+$0x8610] =	vst v0;
	s2 =	sshra.s32 s2, $0x2  }
0x2ae: {  	v0 =	vld [tilespmem:s19+$0x680];
	s19 =	sadd.s32 s17, s2;
	_ =	sdelay $0x4  }
0x2af: {  	[tilespmem:s17+$0x8680] =	vst v0  }
0x2b0: {  	v0 =	vld [tilespmem:s20+$0x680];
	_ =	sdelay $0x4  }
0x2b1: {  	[tilespmem:s17+$0x8690] =	vst v0  }
0x2b2: {  	v0 =	vld [tilespmem:s21+$0x700];
	_ =	sdelay $0x4  }
0x2b3: {  	[tilespmem:s17+$0x8700] =	vst v0  }
0x2b4: {  	v0 =	vld [tilespmem:s23+$0x700];
	_ =	sdelay $0x4  }
0x2b5: {  	[tilespmem:s17+$0x8710] =	vst v0  }
0x2b6: {  	v0 =	vld [tilespmem:s24+$0x780];
	_ =	sdelay $0x4  }
0x2b7: {  	[tilespmem:s17+$0x8780] =	vst v0  }
0x2b8: {  	v0 =	vld [tilespmem:s26+$0x780];
	_ =	sdelay $0x4  }
0x2b9: {  	[tilespmem:s17+$0x8790] =	vst v0  }
0x2ba: {  	v0 =	vld [tilespmem:s28+$0x800];
	_ =	sdelay $0x4  }
0x2bb: {  	[tilespmem:s17+$0x8800] =	vst v0  }
0x2bc: {  	v0 =	vld [tilespmem:s29+$0x800];
	_ =	sdelay $0x4  }
0x2bd: {  	[tilespmem:s17+$0x8810] =	vst v0  }
0x2be: {  	v0 =	vld [tilespmem:s31+$0x880];
	_ =	sdelay $0x4  }
0x2bf: {  	[tilespmem:s17+$0x8880] =	vst v0  }
0x2c0: {  	v0 =	vld [tilespmem:s0+$0x880];
	_ =	sdelay $0x4  }
0x2c1: {  	[tilespmem:s17+$0x8890] =	vst v0  }
0x2c2: {  	v0 =	vld [tilespmem:s1+$0x900];
	_ =	sdelay $0x4  }
0x2c3: {  	[tilespmem:s17+$0x8900] =	vst v0  }
0x2c4: {  	v0 =	vld [tilespmem:s30+$0x900];
	_ =	sdelay $0x4  }
0x2c5: {  	[tilespmem:s17+$0x8910] =	vst v0  }
0x2c6: {  	v0 =	vld [tilespmem:s11+$0x980];
	_ =	sdelay $0x4  }
0x2c7: {  	[tilespmem:s17+$0x8980] =	vst v0  }
0x2c8: {  	v0 =	vld [tilespmem:s12+$0x980];
	_ =	sdelay $0x4  }
0x2c9: {  	[tilespmem:s17+$0x8990] =	vst v0  }
0x2ca: {  	v0 =	vld [tilespmem:s25+$0xA00];
	_ =	sdelay $0x4  }
0x2cb: {  	[tilespmem:s17+$0x8A00] =	vst v0  }
0x2cc: {  	v0 =	vld [tilespmem:s22+$0xA00];
	_ =	sdelay $0x4  }
0x2cd: {  	[tilespmem:s17+$0x8A10] =	vst v0  }
0x2ce: {  	v0 =	vld [tilespmem:s14+$0xA80];
	_ =	sdelay $0x1  }
.Ltmp3:
0x2cf: {  	(pc) =	sbr.rel @p0 .LBB2_8-.Ltmp3, $3  }
0x2d0: {  	_ =	sdelay $0x1  }
0x2d1: {  	[tilespmem:s17+$0x8A80] =	vst v0  }
0x2d2: {  	v0 =	vld [tilespmem:s19+$0xA80]  }
0x2d3: {  	_ =	sdelay $0x1  }
0x2d4: {  	s15 =	sadd.s32 $0x1, s15  }
0x2d5: {  	p0 =	sne.s32 s15, s9  }
.Ltmp4:
0x2d6: {  	s2 =	simm.s32 $0x0;
	s0 =	simm.s32 $0x8300;
	[tilespmem:s17+$0x8A90] =	vst v0;
	(pc) =	sbr.rel @p0 .LBB2_1-.Ltmp4, $4  }
0x2d7: {  	[hbm4b:s8+s2] =	stream.linear.scatter [tilespmem:s0], [sflag:$0x2], $0x8000, $0x38;
	[tilespmem:$0x10300] =	vst v63  }
0x2d8: {  	_ =	swait.ge [sflag:s10], $0x8000  }
0x2d9: {  	[sflag:s10] =	ssyncset.done $0x0  }
0x2da: {  	[sflag:s10] =	ssyncadd.s32 $0xFFFF8000  }
0x2db: {  	_ =	sfence.sel $0x180000  }
0x2dc: {  	[bflag:$0x0] =	sbarrier.arrive $0xFFFF  }
0x2dd: {  	_ =	strace $0x9000004A  }
0x2de: {  	s0 =	stileid.u32;
	[bflag:$0x2] =	sbarrier.arrive $0xFFFF  }
0x2df: {  	p0 =	sne.s32 s0, $0x0;
	s0 =	rddreg [dreg:$0x1]  }
0x2e0: {  	s0 =	sadd.s32 @!p0 $0x100000, s0  }
0x2e1: {  	[sflag:s0] =	ssyncadd.tile.s32 @!p0 $0x1;
	_ =	shalt  }
.Lfunc_end2:
_tile_overlayer_lowered:
.L_overlay_start_2:
0x2e2: {  	(tag) =	ssettag $0x2  }
0x2e3: {  	s0 =	rddreg [dreg:$0x0];
	s2 =	stileid.u32  }
0x2e4: {  	s1 =	rddreg [dreg:$0x1];
	p0 =	sne.s32 s2, $0x0  }
0x2e5: {  	s3 =	rddreg [dreg:$0x2];
	[bflag:$0x3] =	sbarrier.arrive $0xFFFF;
	s2 =	simm.s32 @!p0 $0x1C02  }
0x2e6: {  	[timem:s3], [sflag:s2] =	dma.local @!p0 [hbm:s0], s1  }
0x2e7: {  	s0 =	simm.s32 @!p0 $0x2  }
0x2e8: {  	_ =	swait.ge @!p0 [sflag:s0], s1  }
0x2e9: {  	s1 =	ssub.s32 @!p0 $0x0, s1;
	[sflag:s0] =	ssyncset.done @!p0 $0x0  }
0x2ea: {  	[sflag:s0] =	ssyncadd.s32 @!p0 s1  }
0x2eb: {  	[bflag:$0x3] =	sbarrier.arrive $0xFFFF  }
0x2ec: {  	_ =	shalt  }

// kernel: kernel.7.cloned.1.call-start
scs
__scs_entry_jumppad:
0x0: {  	(pc) =	sbr.rel $0x88, $3  }
0x1: {  	(tag) =	ssettag $0x0;
	lr =	simm.s32 $0x1  }
0x2: {  	[smem:$0x3F95] =	sst lr;
	_ =	strace $0xD0000000  }
0x3: {  	_ = 	snop  }
0x4: {  	_ = 	snop  }
0x5: {  	_ = 	snop  }
0x6: {  	_ = 	snop  }
0x7: {  	_ = 	snop  }
__scs_overlays_trampoline_lowered:
0x8: {  	[smem:$0x3FA4] =	sst s0  }
0x9: {  	[smem:$0x3FA5] =	sst s1  }
0xa: {  	[smem:$0x3FA6] =	sst s2  }
0xb: {  	[smem:$0x3FA7] =	sst s3  }
0xc: {  	[smem:$0x3FA8] =	sst s4  }
0xd: {  	[smem:$0x3FA9] =	sst s5  }
0xe: {  	[smem:$0x3FAA] =	sst s6  }
0xf: {  	[smem:$0x3FAB] =	sst s7  }
0x10: {  	[smem:$0x3FAC] =	sst s8  }
0x11: {  	[smem:$0x3FAD] =	sst s9;
	s0 =	simm.s32 @!p0 $0x0  }
0x12: {  	s1 =	sld [smem:$0x3F93];
	s0 =	simm.s32 @p0 $0x1  }
0x13: {  	[smem:$0x3FAE] =	sst s0;
	s0 =	simm.s32 @!p1 $0x0  }
0x14: {  	s2 =	sld [smem:$0x3F92];
	s0 =	simm.s32 @p1 $0x1  }
0x15: {  	[smem:$0x3FAF] =	sst s0;
	s0 =	simm.s32 @!p2 $0x0  }
0x16: {  	s3 =	sld [smem:$0x3FDB];
	s0 =	simm.s32 @p2 $0x1  }
0x17: {  	s4 =	simm.s32 $0x1BF5;
	[smem:$0x3FB1] =	sst s0  }
0x18: {  	s0 =	sld [smem:$0x3F94];
	_ =	swait.ge [sflag:s4], $0x0  }
0x19: {  	s7 =	sld [smem:$0x3F95]  }
0x1a: {  	s8 =	sadd.s32 $0xFFFFE003, lr  }
0x1b: {  	s9 =	sadd.s32 $0xFFFFFEF7, lr;
	s5 =	simm.s32 $0xFFFFFFFF;
	p2 =	slt.u32 s8, $0xFFFFF086  }
0x1c: {  	p1 =	slt.u32 s9, $0xF7A;
	s5 =	simm.s32 @!p2 $0x0  }
0x1d: {  	s5 =	simm.s32 @p1 $0x1;
	p0 =	seq.s32 s7, s2  }
0x1e: {  	s7 =	smul.u32 @!p0 $0xF7A, s2;
	p2 =	seq.s32 @!p0 s5, $0x0  }
0x1f: {  	s9 =	smul.u32 $0xF7A, s1;
	s8 =	simm.s32 @!p0 $0x1BF5;
	p2 =	por !p2, p0  }
0x20: {  	[sflag:s8] =	ssyncset.s32 @!p0 $0xFFFFF086;
	s6 =	sadd.s32 @!p0 s3, s7;
	s7 =	simm.s32 @!p0 $0x108  }
0x21: {  	s3 =	sadd.s32 s3, s9;
	s6 =	sadd.s32 @!p0 $0x88, s6;
	s7 =	simm.s32 @p2 $0x1082  }
0x22: {  	[simem:s7], [sflag:s8] =	dma.local @!p0 [hbm:s6], $0xF7A  }
0x23: {  	s9 =	sor.u32 $0xD0000000, s2;
	s6 =	simm.s32 $0x108;
	_ =	swait.ge @!p0 [sflag:s8], $0x0  }
0x24: {  	s3 =	sadd.s32 $0x88, s3;
	s6 =	simm.s32 @!p1 $0x1082;
	[sflag:s4] =	ssyncset.s32 $0xFFFFF086  }
0x25: {  	[simem:s6], [sflag:s4] =	dma.local [hbm:s3], $0xF7A  }
0x26: {  	[smem:$0x3F95] =	sst s1;
	(tag) =	ssettag s2;
	_ =	strace s9  }
0x27: {  	s1 =	sld [smem:$0x3FA5]  }
0x28: {  	s2 =	sld [smem:$0x3FA6]  }
0x29: {  	s4 =	sld [smem:$0x3FA8]  }
0x2a: {  	p0 =	seq.s32 s5, $0x0;
	s5 =	sld [smem:$0x3FA9]  }
0x2b: {  	s6 =	sld [smem:$0x3FAA]  }
0x2c: {  	s7 =	sld [smem:$0x3FAB]  }
0x2d: {  	s3 =	simm.s32 $0x108;
	s8 =	sld [smem:$0x3FAC]  }
0x2e: {  	s3 =	simm.s32 @!p0 $0x1082;
	s9 =	sld [smem:$0x3FAD]  }
0x2f: {  	lr =	sadd.s32 s0, s3;
	s0 =	sld [smem:$0x3FA4]  }
0x30: {  	s3 =	sld [smem:$0x3FA7]  }
0x31: {  	[smem:$0x3FB0] =	sst s10  }
0x32: {  	s10 =	sld [smem:$0x3FAE];
	_ =	sdelay $0x3  }
0x33: {  	p0 =	seq.s32 s10, $0x1;
	s10 =	sld [smem:$0x3FB0];
	_ =	sdelay $0x3  }
0x34: {  	[smem:$0x3FB0] =	sst s10  }
0x35: {  	s10 =	sld [smem:$0x3FAF];
	_ =	sdelay $0x3  }
0x36: {  	p1 =	seq.s32 s10, $0x1;
	s10 =	sld [smem:$0x3FB0];
	_ =	sdelay $0x3  }
0x37: {  	[smem:$0x3FB0] =	sst s10  }
0x38: {  	s10 =	sld [smem:$0x3FB1]  }
0x39: {  	_ = 	snop;
	(pc) =	sbr.ind lr, $3  }
0x3a: {  	_ = 	snop  }
0x3b: {  	_ = 	snop  }
0x3c: {  	p2 =	seq.s32 s10, $0x1;
	s10 =	sld [smem:$0x3FB0]  }
0x3d: {  	_ =	shalt  }
0x3e: {  	_ =	shalt  }
0x3f: {  	_ =	shalt  }
0x40: {  	_ =	shalt  }
0x41: {  	_ =	shalt  }
0x42: {  	_ =	shalt  }
0x43: {  	_ =	shalt  }
0x44: {  	_ =	shalt  }
0x45: {  	_ =	shalt  }
0x46: {  	_ =	shalt  }
0x47: {  	_ =	shalt  }
0x48: {  	_ =	shalt  }
0x49: {  	_ =	shalt  }
0x4a: {  	_ =	shalt  }
0x4b: {  	_ =	shalt  }
0x4c: {  	_ =	shalt  }
0x4d: {  	_ =	shalt  }
0x4e: {  	_ =	shalt  }
0x4f: {  	_ =	shalt  }
0x50: {  	_ =	shalt  }
0x51: {  	_ =	shalt  }
0x52: {  	_ =	shalt  }
0x53: {  	_ =	shalt  }
0x54: {  	_ =	shalt  }
0x55: {  	_ =	shalt  }
0x56: {  	_ =	shalt  }
0x57: {  	_ =	shalt  }
0x58: {  	_ =	shalt  }
0x59: {  	_ =	shalt  }
0x5a: {  	_ =	shalt  }
0x5b: {  	_ =	shalt  }
0x5c: {  	_ =	shalt  }
0x5d: {  	_ =	shalt  }
0x5e: {  	_ =	shalt  }
0x5f: {  	_ =	shalt  }
0x60: {  	_ =	shalt  }
0x61: {  	_ =	shalt  }
0x62: {  	_ =	shalt  }
0x63: {  	_ =	shalt  }
0x64: {  	_ =	shalt  }
0x65: {  	_ =	shalt  }
0x66: {  	_ =	shalt  }
0x67: {  	_ =	shalt  }
0x68: {  	_ =	shalt  }
0x69: {  	_ =	shalt  }
0x6a: {  	_ =	shalt  }
0x6b: {  	_ =	shalt  }
0x6c: {  	_ =	shalt  }
0x6d: {  	_ =	shalt  }
0x6e: {  	_ =	shalt  }
0x6f: {  	_ =	shalt  }
0x70: {  	_ =	shalt  }
0x71: {  	_ =	shalt  }
0x72: {  	_ =	shalt  }
0x73: {  	_ =	shalt  }
0x74: {  	_ =	shalt  }
0x75: {  	_ =	shalt  }
0x76: {  	_ =	shalt  }
0x77: {  	_ =	shalt  }
0x78: {  	_ =	shalt  }
0x79: {  	_ =	shalt  }
0x7a: {  	_ =	shalt  }
0x7b: {  	_ =	shalt  }
0x7c: {  	_ =	shalt  }
0x7d: {  	_ =	shalt  }
0x7e: {  	_ =	shalt  }
0x7f: {  	_ =	shalt  }
0x80: {  	_ =	shalt  }
0x81: {  	_ =	shalt  }
0x82: {  	_ =	shalt  }
0x83: {  	_ =	shalt  }
0x84: {  	_ =	shalt  }
0x85: {  	_ =	shalt  }
0x86: {  	_ =	shalt  }
0x87: {  	_ =	shalt  }
.Lfunc_end0:
.L_simem_size_0:
called_computation_lowered:
.L_overlay_start_0:
0x88: {  	s2 =	sld [smem:$0x3FD9]  }
0x89: {  	s3 =	sld [smem:$0x3FFE];
	_ =	sdelay $0x1  }
0x8a: {  	s1 =	srdreg.scid  }
0x8b: {  	s0 =	sand.u32 $0x1, s1  }
0x8c: {  	s14 =	sshll.u32 s0, $0xA;
	s2 =	sadd.s32 s3, s2  }
0x8d: {  	s2 =	sadd.s32 s2, s14  }
0x8e: {  	[smem:$0x3FBC] =	sst s2  }
0x8f: {  	_ = 	snop  }
0x90: {  	s2 =	sld [smem:$0x3FD0];
	_ =	sdelay $0x2  }
0x91: {  	s15 =	simm.s32 $0xB;
	s4 =	simm.s32 $0x10  }
0x92: {  	[smem:s4], [sflag:s15] =	dma.local [hbm:s2], $0x1  }
0x93: {  	_ =	swait.eq [sflag:s15], $0x1  }
0x94: {  	[sflag:s15] =	ssyncset.done $0x0  }
0x95: {  	s16 =	sld [smem:$0x10];
	[sflag:s15] =	ssyncadd.s32 $0xFFFFFFFF  }
0x96: {  	s17 =	sld [smem:$0x11];
	(tm) =	ssettm $0x1  }
0x97: {  	s18 =	sld [smem:$0x3FFB];
	_ =	sdelay $0x3  }
0x98: {  	_ =	strace s18  }
0x99: {  	s4 =	sld [smem:$0x3FFC];
	_ =	sdelay $0x3  }
0x9a: {  	_ =	strace s4  }
0x9b: {  	s4 =	sld [smem:$0x3FFD];
	_ =	sdelay $0x3  }
0x9c: {  	_ =	strace s4  }
0x9d: {  	_ =	strace $0x8FFFFFFF  }
0x9e: {  	s19 =	sld [smem:$0x3FDB];
	_ =	sdelay $0x1  }
0x9f: {  	s5 =	simm.s32 $_scs_section_size  }
0xa0: {  	s6 =	simm.s32 $_size__tile_overlayer_lowered;
	s7 =	simm.s32 $_tile_overlayer_lowered  }
0xa1: {  	s22 =	simm.s32 $0x1BFF;
	s21 =	sshll.u32 s7, $0x1;
	s4 =	sadd.s32 s5, s19  }
0xa2: {  	s8 =	simm.s32 $0x0;
	s20 =	sshll.u32 s6, $0x1;
	s6 =	sadd.s32 s21, s4  }
0xa3: {  	[timem:s8], [sflag:s22] =	dma.local [hbm:s6], s20  }
0xa4: {  	_ =	swait.ge [sflag:s22], s20  }
0xa5: {  	s5 =	ssub.s32 $0x0, s20;
	[sflag:s22] =	ssyncset.done $0x0  }
0xa6: {  	[sflag:s22] =	ssyncadd.s32 s5;
	_ =	sdelay $0x1  }
0xa7: {  	s23 =	simm.s32 $0x1B8B  }
0xa8: {  	_ =	swait.ge [sflag:s23], $0x1  }
0xa9: {  	[sflag:s23] =	ssyncset.done $0x0  }
0xaa: {  	s25 =	simm.s32 $0x1B8E;
	s24 =	sld [smem:$0x3FFE];
	[sflag:s23] =	ssyncadd.s32 $0xFFFFFFFF  }
0xab: {  	s26 =	simm.s32 $execute0_lowered;
	[smem:$0x3FD2] =	sst s25  }
0xac: {  	s6 =	sshll.u32 s26, $0x1;
	_ =	strace $0x80000046;
	[dreg:$0x1] =	wrdreg $0xFFFFFFFF  }
0xad: {  	s28 =	simm.s32 $_size_execute0_lowered;
	s4 =	sadd.s32 s4, s6;
	[dreg:$0x0] =	wrdreg $0x0  }
0xae: {  	s6 =	sshll.u32 s28, $0x1;
	[dreg:$0x2] =	wrdreg s4  }
0xaf: {  	[dreg:$0x3] =	wrdreg s6  }
0xb0: {  	[dreg:$0x4] =	wrdreg $0xC0  }
0xb1: {  	_ =	task [dreg:s8], $0x5FFFF  }
0xb2: {  	[dreg:$0x1] =	wrdreg $0xFFFFFFFF  }
0xb3: {  	[dreg:$0x0] =	wrdreg $0x60  }
0xb4: {  	[dreg:$0x2] =	wrdreg s24  }
0xb5: {  	[dreg:$0x3] =	wrdreg s17  }
0xb6: {  	[dreg:$0x4] =	wrdreg s16  }
0xb7: {  	[dreg:$0x5] =	wrdreg $0x9  }
0xb8: {  	_ =	task.clear_ibuf [dreg:s8], $0x6FFFF;
	_ =	strace $0x90000046  }
0xb9: {  	s29 =	simm.s32 $0x9;
	_ =	strace $0x80000048  }
0xba: {  	_ =	swait.ge [sflag:s29], $0x1  }
0xbb: {  	[sflag:s29] =	ssyncadd.s32 $0xFFFFFFFF  }
0xbc: {  	_ =	strace $0x90000048  }
0xbd: {  	_ =	sfence  }
0xbe: {  	s30 =	sld [smem:$0x0];
	_ =	sdelay $0x2  }
0xbf: {  	s31 =	sshll.u32 s1, $0xD;
	s1 =	sshrl.u32 s1, $0x2  }
0xc0: {  	s3 =	sand.u32 $0x4000, s31;
	s1 =	sadd.s32 s1, s30  }
0xc1: {  	s0 =	sor.u32 s3, s0;
	s1 =	sshll.u32 s1, $0x11  }
0xc2: {  	s0 =	sor.u32 s1, s0  }
0xc3: {  	s0 =	sadd.s32 $0x8F2B, s0  }
0xc4: {  	[sflag:s0] =	ssyncadd.remote.s32 $0x1  }
0xc5: {  	_ =	sfence.sel $0xFFFF  }
0xc6: {  	[dreg:$0x0] =	wrdreg $0xFFFFFFFF;
	(pc) =	sbr.abs _section_cstart, $3  }
0xc7: {  	[dreg:$0x1] =	wrdreg $0xFFFFFFFF  }
0xc8: {  	_ =	task.clear_ibuf [dreg:s8], $0x2FFFF;
	_ =	strace $0x9FFFFFFF  }
0xc9: {  	(tm) =	ssettm $0x7FFFFFFF  }
tec
execute0_lowered:
.L_overlay_start_1:
0x0: {  	(tag) =	ssettag $0x1  }
0x1: {  	s0 =	rddreg [dreg:$0x0]  }
0x2: {  	s1 =	rddreg [dreg:$0x1]  }
0x3: {  	s8 =	rddreg [dreg:$0x2]  }
0x4: {  	s2 =	srdreg.scid;
	s3 =	stileid.u32;
	s10 =	simm.s32 $0x2  }
0x5: {  	s13 =	simm.s32 $0x1;
	s15 =	simm.s32 $0x0;
	s4 =	sand.u32 $0x1, s2  }
0x6: {  	s2 =	simm.s32 $0x0;
	s3 =	sshll.u32 s3, $0x9;
	s30 =	sadd.s32 $0x4400, s0  }
0x7: {  	s5 =	sshll.u32 s4, $0x8;
	[smem:$0x7FF] =	sst s2;
	s6 =	ssub.s32 $0x2, s4  }
0x8: {  	s5 =	sor.u32 s5, s3;
	_ =	strace $0x80000047;
	[dreg:$0x4] =	wrdreg s30  }
0x9: {  	s31 =	sshrl.u32 s6, $0x1;
	s3 =	sshrl.u32 s5, $0x3;
	s9 =	sshll.u32 s5, $0x4  }
0xa: {  	s7 =	sadd.s32 s3, s0;
	s0 =	sadd.s32 $0x6C400, s0;
	s8 =	sadd.s32 s8, s9  }
0xb: {  	[dreg:$0x5] =	wrdreg s0;
	s0 =	ssub.s32 s6, s31;
	s5 =	sadd.s32 $0x3800, s7  }
0xc: {  	s6 =	sadd.s32 s1, s9;
	s7 =	sadd.s32 $0x3400, s7;
	s9 =	smax.u32 s0, $0x1  }
.LBB2_1:
0xd: {  	[tilespmem:s2], [sflag:$0x2] =	stream.linear.gather [hbm4b:s5+s2], $0x100, $0x38;
	[tilespmem:$0x10300] =	vst v63  }
0xe: {  	_ =	swait.ge [sflag:s10], $0x100  }
0xf: {  	[sflag:s10] =	ssyncset.done $0x0  }
0x10: {  	s0 =	simm.s32 $0x0;
	[sflag:s10] =	ssyncadd.s32 $0xFFFFFF00  }
0x11: {  	v0 =	vld [tilespmem:s0+$0x0]  }
0x12: {  	s1 =	simm.s32 $0x40  }
.LBB2_2:
0x13: {  	_ = 	snop  }
0x14: {  	p0 =	sne.s32 s1, $0x3C0  }
.Ltmp0:
0x15: {  	_ = 	snop;
	(pc) =	sbr.rel @p0 .LBB2_2-.Ltmp0, $4  }
0x16: {  	v1 =	vshrl.u32 v0, $0x2  }
0x17: {  	s11 =	sshra.s32 s1, $0x2;
	v3 =	vand.u32 $0x7F, v0;
	v2 =	vand.u32 $0x3FFFFF80, v1;
	v1 =	vand.u32 $0x60, v1  }
0x18: {  	v0 =	vld [tilespmem:s11+$0x0];
	v2 =	vor.u32 v3, v2;
	[tilespmem:s0+$0x200] =	vst v1  }
0x19: {  	s1 =	sadd.s32 $0x40, s1;
	[tilespmem:s0+$0x100] =	vst v2;
	s0 =	smov.u32 s11  }
0x1a: {  	_ =	sdelay $0x2  }
0x1b: {  	v1 =	vshrl.u32 v0, $0x2  }
0x1c: {  	v0 =	vand.u32 $0x7F, v0;
	v2 =	vand.u32 $0x3FFFFF80, v1;
	v1 =	vand.u32 $0x60, v1  }
0x1d: {  	v0 =	vor.u32 v0, v2;
	[tilespmem:s0+$0x200] =	vst v1  }
0x1e: {  	s21 =	rddreg [dreg:$0x4];
	s1 =	simm.s32 $0x100;
	s2 =	simm.s32 $0x300;
	[tilespmem:s0+$0x100] =	vst v0  }
0x1f: {  	[tilespmem:s2], [sflag:$0x1] =	stream.indirect.gather [hbm4b:s21+s1], $0x80, s1, s1, $0xb8;
	[tilespmem:$0x10300] =	vst v63  }
0x20: {  	_ =	swait.ge [sflag:s13], $0x8000  }
0x21: {  	[sflag:s13] =	ssyncset.done $0x0  }
0x22: {  	s16 =	simm.s32 $0x200;
	[sflag:s13] =	ssyncadd.s32 $0xFFFF8000  }
0x23: {  	v0 =	vld [tilespmem:s16+$0x0];
	_ =	sdelay $0x4  }
0x24: {  	(v2sf) =	vpush v0, $0x0;
	_ =	sdelay $0xb  }
0x25: {  	(v2sf) =	vpush v0, $0x1;
	_ =	sdelay $0x2  }
0x26: {  	s22 =	spop (v2sf)  }
0x27: {  	s23 =	sand.u32 $0x7F, s22;
	s11 =	sshll.u32 s22, $0x2  }
0x28: {  	s11 =	sand.u32 $0xFFFFFE00, s11;
	s1 =	sshll.u32 s23, $0x2  }
0x29: {  	s1 =	sor.u32 s1, s11  }
0x2a: {  	s1 =	sshra.s32 s1, $0x2  }
0x2b: {  	s1 =	sadd.s32 $0x0, s1  }
0x2c: {  	s0 =	sadd.s32 $0x10, s22;
	v1 =	vld [tilespmem:s1+$0x300]  }
0x2d: {  	s24 =	sand.u32 $0x7F, s0;
	s0 =	sshll.u32 s0, $0x2  }
0x2e: {  	s0 =	sand.u32 $0xFFFFFE00, s0;
	s1 =	sshll.u32 s24, $0x2  }
0x2f: {  	(v2sf) =	vpush v0, $0x2;
	s0 =	sor.u32 s1, s0  }
0x30: {  	s17 =	simm.s32 $0x0;
	s0 =	sshra.s32 s0, $0x2  }
0x31: {  	s0 =	sadd.s32 $0x0, s0;
	[tilespmem:s17+$0x8300] =	vst v1  }
0x32: {  	s25 =	spop (v2sf);
	v1 =	vld [tilespmem:s0+$0x300]  }
0x33: {  	s26 =	sand.u32 $0x7F, s25;
	s28 =	sshll.u32 s25, $0x2  }
0x34: {  	s11 =	sand.u32 $0xFFFFFE00, s28;
	s0 =	sshll.u32 s26, $0x2  }
0x35: {  	s0 =	sor.u32 s0, s11  }
0x36: {  	s0 =	sshra.s32 s0, $0x2  }
0x37: {  	s0 =	sadd.s32 $0x0, s0;
	[tilespmem:s17+$0x8310] =	vst v1  }
0x38: {  	s1 =	sadd.s32 $0x10, s25;
	v1 =	vld [tilespmem:s0+$0x380]  }
0x39: {  	s29 =	sand.u32 $0x7F, s1;
	s1 =	sshll.u32 s1, $0x2  }
0x3a: {  	s1 =	sand.u32 $0xFFFFFE00, s1;
	s0 =	sshll.u32 s29, $0x2  }
0x3b: {  	(v2sf) =	vpush v0, $0x3;
	s0 =	sor.u32 s0, s1  }
0x3c: {  	s0 =	sshra.s32 s0, $0x2  }
0x3d: {  	s0 =	sadd.s32 $0x0, s0;
	[tilespmem:s17+$0x8380] =	vst v1  }
0x3e: {  	s30 =	spop (v2sf);
	v1 =	vld [tilespmem:s0+$0x380]  }
0x3f: {  	s31 =	sand.u32 $0x7F, s30;
	s2 =	sshll.u32 s30, $0x2  }
0x40: {  	s11 =	sand.u32 $0xFFFFFE00, s2;
	s0 =	sshll.u32 s31, $0x2  }
0x41: {  	s0 =	sor.u32 s0, s11  }
0x42: {  	s0 =	sshra.s32 s0, $0x2  }
0x43: {  	s0 =	sadd.s32 $0x0, s0;
	[tilespmem:s17+$0x8390] =	vst v1  }
0x44: {  	s1 =	sadd.s32 $0x10, s30;
	v1 =	vld [tilespmem:s0+$0x400]  }
0x45: {  	s3 =	sand.u32 $0x7F, s1;
	s1 =	sshll.u32 s1, $0x2  }
0x46: {  	s1 =	sand.u32 $0xFFFFFE00, s1;
	s0 =	sshll.u32 s3, $0x2  }
0x47: {  	(v2sf) =	vpush v0, $0x4;
	s0 =	sor.u32 s0, s1  }
0x48: {  	s0 =	sshra.s32 s0, $0x2  }
0x49: {  	s0 =	sadd.s32 $0x0, s0;
	[tilespmem:s17+$0x8400] =	vst v1  }
0x4a: {  	s4 =	spop (v2sf);
	v1 =	vld [tilespmem:s0+$0x400]  }
0x4b: {  	s12 =	sand.u32 $0x7F, s4;
	s14 =	sshll.u32 s4, $0x2  }
0x4c: {  	s11 =	sand.u32 $0xFFFFFE00, s14;
	s0 =	sshll.u32 s12, $0x2  }
0x4d: {  	s0 =	sor.u32 s0, s11  }
0x4e: {  	s0 =	sshra.s32 s0, $0x2  }
0x4f: {  	s0 =	sadd.s32 $0x0, s0;
	[tilespmem:s17+$0x8410] =	vst v1  }
0x50: {  	s1 =	sadd.s32 $0x10, s4;
	v1 =	vld [tilespmem:s0+$0x480]  }
0x51: {  	s18 =	sand.u32 $0x7F, s1;
	s1 =	sshll.u32 s1, $0x2  }
0x52: {  	s1 =	sand.u32 $0xFFFFFE00, s1;
	s0 =	sshll.u32 s18, $0x2  }
0x53: {  	(v2sf) =	vpush v0, $0x5;
	s0 =	sor.u32 s0, s1  }
0x54: {  	s0 =	sshra.s32 s0, $0x2  }
0x55: {  	s0 =	sadd.s32 $0x0, s0;
	[tilespmem:s17+$0x8480] =	vst v1  }
0x56: {  	s19 =	spop (v2sf);
	v1 =	vld [tilespmem:s0+$0x480]  }
0x57: {  	s20 =	sand.u32 $0x7F, s19;
	s21 =	sshll.u32 s19, $0x2  }
0x58: {  	s11 =	sand.u32 $0xFFFFFE00, s21;
	s0 =	sshll.u32 s20, $0x2  }
0x59: {  	s0 =	sor.u32 s0, s11  }
0x5a: {  	s0 =	sshra.s32 s0, $0x2  }
0x5b: {  	s0 =	sadd.s32 $0x0, s0;
	[tilespmem:s17+$0x8490] =	vst v1  }
0x5c: {  	s1 =	sadd.s32 $0x10, s19;
	v1 =	vld [tilespmem:s0+$0x500]  }
0x5d: {  	s22 =	sand.u32 $0x7F, s1;
	s1 =	sshll.u32 s1, $0x2  }
0x5e: {  	s1 =	sand.u32 $0xFFFFFE00, s1;
	s0 =	sshll.u32 s22, $0x2  }
0x5f: {  	(v2sf) =	vpush v0, $0x6;
	s0 =	sor.u32 s0, s1  }
0x60: {  	s0 =	sshra.s32 s0, $0x2  }
0x61: {  	s0 =	sadd.s32 $0x0, s0;
	[tilespmem:s17+$0x8500] =	vst v1  }
0x62: {  	s23 =	spop (v2sf);
	v1 =	vld [tilespmem:s0+$0x500]  }
0x63: {  	s24 =	sand.u32 $0x7F, s23;
	s25 =	sshll.u32 s23, $0x2  }
0x64: {  	s11 =	sand.u32 $0xFFFFFE00, s25;
	s0 =	sshll.u32 s24, $0x2  }
0x65: {  	s0 =	sor.u32 s0, s11  }
0x66: {  	s0 =	sshra.s32 s0, $0x2  }
0x67: {  	s0 =	sadd.s32 $0x0, s0;
	[tilespmem:s17+$0x8510] =	vst v1  }
0x68: {  	s1 =	sadd.s32 $0x10, s23;
	v1 =	vld [tilespmem:s0+$0x580]  }
0x69: {  	s26 =	sand.u32 $0x7F, s1;
	s1 =	sshll.u32 s1, $0x2  }
0x6a: {  	s1 =	sand.u32 $0xFFFFFE00, s1;
	s0 =	sshll.u32 s26, $0x2  }
0x6b: {  	(v2sf) =	vpush v0, $0x7;
	s0 =	sor.u32 s0, s1  }
0x6c: {  	s0 =	sshra.s32 s0, $0x2  }
0x6d: {  	s0 =	sadd.s32 $0x0, s0;
	[tilespmem:s17+$0x8580] =	vst v1  }
0x6e: {  	s28 =	spop (v2sf);
	v1 =	vld [tilespmem:s0+$0x580]  }
0x6f: {  	s29 =	sand.u32 $0x7F, s28;
	s30 =	sshll.u32 s28, $0x2  }
0x70: {  	s11 =	sand.u32 $0xFFFFFE00, s30;
	s0 =	sshll.u32 s29, $0x2  }
0x71: {  	s0 =	sor.u32 s0, s11  }
0x72: {  	s0 =	sshra.s32 s0, $0x2  }
0x73: {  	s0 =	sadd.s32 $0x0, s0;
	[tilespmem:s17+$0x8590] =	vst v1  }
0x74: {  	s1 =	sadd.s32 $0x10, s28;
	v1 =	vld [tilespmem:s0+$0x600]  }
0x75: {  	s31 =	sand.u32 $0x7F, s1;
	s1 =	sshll.u32 s1, $0x2  }
0x76: {  	s1 =	sand.u32 $0xFFFFFE00, s1;
	s0 =	sshll.u32 s31, $0x2  }
0x77: {  	(v2sf) =	vpush v0, $0x8;
	s0 =	sor.u32 s0, s1  }
0x78: {  	s0 =	sshra.s32 s0, $0x2  }
0x79: {  	s0 =	sadd.s32 $0x0, s0;
	[tilespmem:s17+$0x8600] =	vst v1  }
0x7a: {  	s2 =	spop (v2sf);
	v1 =	vld [tilespmem:s0+$0x600]  }
0x7b: {  	s3 =	sand.u32 $0x7F, s2;
	s4 =	sshll.u32 s2, $0x2  }
0x7c: {  	s11 =	sand.u32 $0xFFFFFE00, s4;
	s0 =	sshll.u32 s3, $0x2  }
0x7d: {  	s0 =	sor.u32 s0, s11  }
0x7e: {  	s0 =	sshra.s32 s0, $0x2  }
0x7f: {  	s0 =	sadd.s32 $0x0, s0;
	[tilespmem:s17+$0x8610] =	vst v1  }
0x80: {  	s1 =	sadd.s32 $0x10, s2;
	v1 =	vld [tilespmem:s0+$0x680]  }
0x81: {  	s12 =	sand.u32 $0x7F, s1;
	s1 =	sshll.u32 s1, $0x2  }
0x82: {  	s1 =	sand.u32 $0xFFFFFE00, s1;
	s0 =	sshll.u32 s12, $0x2  }
0x83: {  	(v2sf) =	vpush v0, $0x9;
	s0 =	sor.u32 s0, s1  }
0x84: {  	s0 =	sshra.s32 s0, $0x2  }
0x85: {  	s0 =	sadd.s32 $0x0, s0;
	[tilespmem:s17+$0x8680] =	vst v1  }
0x86: {  	s14 =	spop (v2sf);
	v1 =	vld [tilespmem:s0+$0x680]  }
0x87: {  	s18 =	sand.u32 $0x7F, s14;
	s19 =	sshll.u32 s14, $0x2  }
0x88: {  	s11 =	sand.u32 $0xFFFFFE00, s19;
	s0 =	sshll.u32 s18, $0x2  }
0x89: {  	s0 =	sor.u32 s0, s11  }
0x8a: {  	s0 =	sshra.s32 s0, $0x2  }
0x8b: {  	s0 =	sadd.s32 $0x0, s0;
	[tilespmem:s17+$0x8690] =	vst v1  }
0x8c: {  	s1 =	sadd.s32 $0x10, s14;
	v1 =	vld [tilespmem:s0+$0x700]  }
0x8d: {  	s20 =	sand.u32 $0x7F, s1;
	s1 =	sshll.u32 s1, $0x2  }
0x8e: {  	s1 =	sand.u32 $0xFFFFFE00, s1;
	s0 =	sshll.u32 s20, $0x2  }
0x8f: {  	(v2sf) =	vpush v0, $0xA;
	s0 =	sor.u32 s0, s1  }
0x90: {  	s0 =	sshra.s32 s0, $0x2  }
0x91: {  	s0 =	sadd.s32 $0x0, s0;
	[tilespmem:s17+$0x8700] =	vst v1  }
0x92: {  	s21 =	spop (v2sf);
	v1 =	vld [tilespmem:s0+$0x700]  }
0x93: {  	s22 =	sand.u32 $0x7F, s21;
	s23 =	sshll.u32 s21, $0x2  }
0x94: {  	s11 =	sand.u32 $0xFFFFFE00, s23;
	s0 =	sshll.u32 s22, $0x2  }
0x95: {  	s0 =	sor.u32 s0, s11  }
0x96: {  	s0 =	sshra.s32 s0, $0x2  }
0x97: {  	s0 =	sadd.s32 $0x0, s0;
	[tilespmem:s17+$0x8710] =	vst v1  }
0x98: {  	s1 =	sadd.s32 $0x10, s21;
	v1 =	vld [tilespmem:s0+$0x780]  }
0x99: {  	s24 =	sand.u32 $0x7F, s1;
	s1 =	sshll.u32 s1, $0x2  }
0x9a: {  	s1 =	sand.u32 $0xFFFFFE00, s1;
	s0 =	sshll.u32 s24, $0x2  }
0x9b: {  	(v2sf) =	vpush v0, $0xB;
	s0 =	sor.u32 s0, s1  }
0x9c: {  	s0 =	sshra.s32 s0, $0x2  }
0x9d: {  	s0 =	sadd.s32 $0x0, s0;
	[tilespmem:s17+$0x8780] =	vst v1  }
0x9e: {  	s25 =	spop (v2sf);
	v1 =	vld [tilespmem:s0+$0x780]  }
0x9f: {  	s26 =	sand.u32 $0x7F, s25;
	s28 =	sshll.u32 s25, $0x2  }
0xa0: {  	s11 =	sand.u32 $0xFFFFFE00, s28;
	s0 =	sshll.u32 s26, $0x2  }
0xa1: {  	s0 =	sor.u32 s0, s11  }
0xa2: {  	s0 =	sshra.s32 s0, $0x2  }
0xa3: {  	s0 =	sadd.s32 $0x0, s0;
	[tilespmem:s17+$0x8790] =	vst v1  }
0xa4: {  	s1 =	sadd.s32 $0x10, s25;
	v1 =	vld [tilespmem:s0+$0x800]  }
0xa5: {  	s29 =	sand.u32 $0x7F, s1;
	s1 =	sshll.u32 s1, $0x2  }
0xa6: {  	s1 =	sand.u32 $0xFFFFFE00, s1;
	s0 =	sshll.u32 s29, $0x2  }
0xa7: {  	(v2sf) =	vpush v0, $0xC;
	s0 =	sor.u32 s0, s1  }
0xa8: {  	s0 =	sshra.s32 s0, $0x2  }
0xa9: {  	s0 =	sadd.s32 $0x0, s0;
	[tilespmem:s17+$0x8800] =	vst v1  }
0xaa: {  	s30 =	spop (v2sf);
	v1 =	vld [tilespmem:s0+$0x800]  }
0xab: {  	s31 =	sand.u32 $0x7F, s30;
	s2 =	sshll.u32 s30, $0x2  }
0xac: {  	s11 =	sand.u32 $0xFFFFFE00, s2;
	s0 =	sshll.u32 s31, $0x2  }
0xad: {  	s0 =	sor.u32 s0, s11  }
0xae: {  	s0 =	sshra.s32 s0, $0x2  }
0xaf: {  	s0 =	sadd.s32 $0x0, s0;
	[tilespmem:s17+$0x8810] =	vst v1  }
0xb0: {  	s1 =	sadd.s32 $0x10, s30;
	v1 =	vld [tilespmem:s0+$0x880]  }
0xb1: {  	s3 =	sand.u32 $0x7F, s1;
	s1 =	sshll.u32 s1, $0x2  }
0xb2: {  	s1 =	sand.u32 $0xFFFFFE00, s1;
	s0 =	sshll.u32 s3, $0x2  }
0xb3: {  	(v2sf) =	vpush v0, $0xD;
	s0 =	sor.u32 s0, s1  }
0xb4: {  	s0 =	sshra.s32 s0, $0x2  }
0xb5: {  	s0 =	sadd.s32 $0x0, s0;
	[tilespmem:s17+$0x8880] =	vst v1  }
0xb6: {  	s4 =	spop (v2sf);
	v1 =	vld [tilespmem:s0+$0x880]  }
0xb7: {  	s12 =	sand.u32 $0x7F, s4;
	s14 =	sshll.u32 s4, $0x2  }
0xb8: {  	s11 =	sand.u32 $0xFFFFFE00, s14;
	s0 =	sshll.u32 s12, $0x2  }
0xb9: {  	s0 =	sor.u32 s0, s11  }
0xba: {  	s0 =	sshra.s32 s0, $0x2  }
0xbb: {  	s0 =	sadd.s32 $0x0, s0;
	[tilespmem:s17+$0x8890] =	vst v1  }
0xbc: {  	s1 =	sadd.s32 $0x10, s4;
	v1 =	vld [tilespmem:s0+$0x900]  }
0xbd: {  	s18 =	sand.u32 $0x7F, s1;
	s1 =	sshll.u32 s1, $0x2  }
0xbe: {  	s1 =	sand.u32 $0xFFFFFE00, s1;
	s0 =	sshll.u32 s18, $0x2  }
0xbf: {  	(v2sf) =	vpush v0, $0xE;
	s0 =	sor.u32 s0, s1  }
0xc0: {  	s0 =	sshra.s32 s0, $0x2  }
0xc1: {  	s0 =	sadd.s32 $0x0, s0;
	[tilespmem:s17+$0x8900] =	vst v1  }
0xc2: {  	s19 =	spop (v2sf);
	v1 =	vld [tilespmem:s0+$0x900]  }
0xc3: {  	s20 =	sand.u32 $0x7F, s19;
	s21 =	sshll.u32 s19, $0x2  }
0xc4: {  	s11 =	sand.u32 $0xFFFFFE00, s21;
	s0 =	sshll.u32 s20, $0x2  }
0xc5: {  	s0 =	sor.u32 s0, s11  }
0xc6: {  	s0 =	sshra.s32 s0, $0x2  }
0xc7: {  	s0 =	sadd.s32 $0x0, s0;
	[tilespmem:s17+$0x8910] =	vst v1  }
0xc8: {  	s1 =	sadd.s32 $0x10, s19;
	v1 =	vld [tilespmem:s0+$0x980]  }
0xc9: {  	s22 =	sand.u32 $0x7F, s1;
	s1 =	sshll.u32 s1, $0x2  }
0xca: {  	s1 =	sand.u32 $0xFFFFFE00, s1;
	s0 =	sshll.u32 s22, $0x2  }
0xcb: {  	(v2sf) =	vpush v0, $0xF;
	s0 =	sor.u32 s0, s1  }
0xcc: {  	s0 =	sshra.s32 s0, $0x2  }
0xcd: {  	s0 =	sadd.s32 $0x0, s0;
	[tilespmem:s17+$0x8980] =	vst v1  }
0xce: {  	s23 =	spop (v2sf);
	v0 =	vld [tilespmem:s0+$0x980]  }
0xcf: {  	s24 =	sand.u32 $0x7F, s23;
	s25 =	sshll.u32 s23, $0x2  }
0xd0: {  	s11 =	sand.u32 $0xFFFFFE00, s25;
	s0 =	sshll.u32 s24, $0x2  }
0xd1: {  	s0 =	sor.u32 s0, s11  }
0xd2: {  	s0 =	sshra.s32 s0, $0x2  }
0xd3: {  	s0 =	sadd.s32 $0x0, s0;
	[tilespmem:s17+$0x8990] =	vst v0  }
0xd4: {  	s1 =	sadd.s32 $0x10, s23;
	v0 =	vld [tilespmem:s0+$0xA00]  }
0xd5: {  	s26 =	sand.u32 $0x7F, s1;
	s1 =	sshll.u32 s1, $0x2  }
0xd6: {  	s1 =	sand.u32 $0xFFFFFE00, s1;
	s0 =	sshll.u32 s26, $0x2  }
0xd7: {  	s0 =	sor.u32 s0, s1  }
0xd8: {  	s0 =	sshra.s32 s0, $0x2  }
0xd9: {  	s0 =	sadd.s32 $0x0, s0;
	[tilespmem:s17+$0x8A00] =	vst v0  }
0xda: {  	s28 =	spop (v2sf);
	v0 =	vld [tilespmem:s0+$0xA00]  }
0xdb: {  	s29 =	sand.u32 $0x7F, s28;
	s30 =	sshll.u32 s28, $0x2  }
0xdc: {  	s11 =	sand.u32 $0xFFFFFE00, s30;
	s0 =	sshll.u32 s29, $0x2  }
0xdd: {  	s0 =	sor.u32 s0, s11  }
0xde: {  	s0 =	sshra.s32 s0, $0x2  }
0xdf: {  	s0 =	sadd.s32 $0x0, s0;
	[tilespmem:s17+$0x8A10] =	vst v0  }
0xe0: {  	s1 =	sadd.s32 $0x10, s28;
	v0 =	vld [tilespmem:s0+$0xA80]  }
0xe1: {  	s31 =	sand.u32 $0x7F, s1;
	s1 =	sshll.u32 s1, $0x2  }
0xe2: {  	s1 =	sand.u32 $0xFFFFFE00, s1;
	s0 =	sshll.u32 s31, $0x2  }
0xe3: {  	s0 =	sor.u32 s0, s1  }
0xe4: {  	s0 =	sshra.s32 s0, $0x2  }
0xe5: {  	s0 =	sadd.s32 $0x0, s0;
	[tilespmem:s17+$0x8A80] =	vst v0  }
0xe6: {  	s18 =	simm.s32 $0x2000;
	v0 =	vld [tilespmem:s0+$0xA80]  }
.LBB2_4:
0xe7: {  	_ =	sdelay $0x2  }
0xe8: {  	p0 =	sne.s32 s18, $0x1E000  }
0xe9: {  	s16 =	sadd.s32 $0x10, s16;
	s0 =	smov.u32 s18;
	s18 =	sadd.s32 $0x2000, s18;
	[tilespmem:s17+$0x8A90] =	vst v0  }
0xea: {  	v0 =	vld [tilespmem:s16+$0x0];
	_ =	sdelay $0x4  }
0xeb: {  	(v2sf) =	vpush v0, $0x0;
	_ =	sdelay $0x3  }
0xec: {  	(v2sf) =	vpush v0, $0x1;
	_ =	sdelay $0x1  }
0xed: {  	(v2sf) =	vpush v0, $0x2;
	_ =	sdelay $0x7  }
0xee: {  	(v2sf) =	vpush v0, $0x3  }
0xef: {  	s17 =	sshra.s32 s0, $0x2;
	s0 =	spop (v2sf)  }
0xf0: {  	s1 =	sand.u32 $0x7F, s0;
	s11 =	sshll.u32 s0, $0x2;
	s0 =	sadd.s32 $0x10, s0  }
0xf1: {  	s11 =	sand.u32 $0xFFFFFE00, s11;
	s1 =	sshll.u32 s1, $0x2;
	s12 =	sand.u32 $0x7F, s0  }
0xf2: {  	s0 =	sshll.u32 s0, $0x2;
	s1 =	sor.u32 s1, s11;
	s11 =	sshll.u32 s12, $0x2  }
0xf3: {  	s0 =	sand.u32 $0xFFFFFE00, s0;
	s1 =	sshra.s32 s1, $0x2;
	s12 =	spop (v2sf)  }
0xf4: {  	s0 =	sor.u32 s11, s0;
	s1 =	sadd.s32 s17, s1;
	s11 =	sand.u32 $0x7F, s12;
	(v2sf) =	vpush v0, $0x4  }
0xf5: {  	v1 =	vld [tilespmem:s1+$0x300];
	s1 =	sshll.u32 s12, $0x2;
	s12 =	sadd.s32 $0x10, s12;
	s14 =	spop (v2sf)  }
0xf6: {  	s11 =	sshll.u32 s11, $0x2;
	s1 =	sand.u32 $0xFFFFFE00, s1;
	s19 =	sand.u32 $0x7F, s14  }
0xf7: {  	s1 =	sor.u32 s11, s1;
	s11 =	sand.u32 $0x7F, s12;
	s12 =	sshll.u32 s12, $0x2  }
0xf8: {  	s20 =	sshll.u32 s14, $0x2;
	s1 =	sshra.s32 s1, $0x2;
	s12 =	sand.u32 $0xFFFFFE00, s12  }
0xf9: {  	s0 =	sshra.s32 s0, $0x2;
	s20 =	sand.u32 $0xFFFFFE00, s20;
	s19 =	sshll.u32 s19, $0x2  }
0xfa: {  	s0 =	sadd.s32 s17, s0;
	s11 =	sshll.u32 s11, $0x2;
	s19 =	sor.u32 s19, s20;
	[tilespmem:s17+$0x8300] =	vst v1;
	(v2sf) =	vpush v0, $0x5  }
0xfb: {  	s11 =	sor.u32 s11, s12;
	s12 =	sadd.s32 $0x10, s14;
	v1 =	vld [tilespmem:s0+$0x300];
	s0 =	sshra.s32 s19, $0x2  }
0xfc: {  	s11 =	sshra.s32 s11, $0x2;
	s14 =	sand.u32 $0x7F, s12;
	s12 =	sshll.u32 s12, $0x2  }
0xfd: {  	s12 =	sand.u32 $0xFFFFFE00, s12;
	s14 =	sshll.u32 s14, $0x2;
	s20 =	spop (v2sf)  }
0xfe: {  	s12 =	sor.u32 s14, s12;
	s14 =	sand.u32 $0x7F, s20;
	s21 =	sshll.u32 s20, $0x2  }
0xff: {  	s19 =	sshra.s32 s12, $0x2;
	s12 =	sand.u32 $0xFFFFFE00, s21;
	s14 =	sshll.u32 s14, $0x2  }
0x100: {  	s1 =	sadd.s32 s17, s1;
	[tilespmem:s17+$0x8310] =	vst v1;
	s12 =	sor.u32 s14, s12;
	s14 =	sadd.s32 $0x10, s20;
	(v2sf) =	vpush v0, $0x6  }
0x101: {  	v1 =	vld [tilespmem:s1+$0x380];
	s1 =	sshra.s32 s12, $0x2;
	s12 =	sand.u32 $0x7F, s14;
	s20 =	sshll.u32 s14, $0x2  }
0x102: {  	s14 =	sadd.s32 s17, s1;
	s1 =	sand.u32 $0xFFFFFE00, s20;
	s12 =	sshll.u32 s12, $0x2  }
0x103: {  	s1 =	sor.u32 s12, s1;
	s20 =	spop (v2sf)  }
0x104: {  	s1 =	sshra.s32 s1, $0x2;
	s21 =	sand.u32 $0x7F, s20;
	s22 =	sshll.u32 s20, $0x2  }
0x105: {  	s12 =	sadd.s32 s17, s1;
	s1 =	sand.u32 $0xFFFFFE00, s22;
	s21 =	sshll.u32 s21, $0x2  }
0x106: {  	s11 =	sadd.s32 s17, s11;
	s20 =	sadd.s32 $0x10, s20;
	[tilespmem:s17+$0x8380] =	vst v1;
	s1 =	sor.u32 s21, s1;
	(v2sf) =	vpush v0, $0x7  }
0x107: {  	s21 =	sand.u32 $0x7F, s20;
	s20 =	sshll.u32 s20, $0x2;
	v1 =	vld [tilespmem:s11+$0x380];
	s1 =	sshra.s32 s1, $0x2  }
0x108: {  	s11 =	sadd.s32 s17, s1;
	s1 =	sand.u32 $0xFFFFFE00, s20;
	s20 =	sshll.u32 s21, $0x2  }
0x109: {  	s1 =	sor.u32 s20, s1;
	s20 =	spop (v2sf);
	(v2sf) =	vpush v0, $0x8  }
0x10a: {  	s1 =	sshra.s32 s1, $0x2;
	s21 =	sand.u32 $0x7F, s20;
	s22 =	sshll.u32 s20, $0x2  }
0x10b: {  	s1 =	sadd.s32 s17, s1;
	s22 =	sand.u32 $0xFFFFFE00, s22;
	s21 =	sshll.u32 s21, $0x2  }
0x10c: {  	s0 =	sadd.s32 s17, s0;
	s20 =	sadd.s32 $0x10, s20;
	[tilespmem:s17+$0x8390] =	vst v1;
	s21 =	sor.u32 s21, s22  }
0x10d: {  	v1 =	vld [tilespmem:s0+$0x400];
	s0 =	sshra.s32 s21, $0x2;
	s21 =	sand.u32 $0x7F, s20;
	s20 =	sshll.u32 s20, $0x2  }
0x10e: {  	s0 =	sadd.s32 s17, s0;
	s20 =	sand.u32 $0xFFFFFE00, s20;
	s21 =	sshll.u32 s21, $0x2  }
0x10f: {  	s20 =	sor.u32 s21, s20;
	s21 =	spop (v2sf)  }
0x110: {  	s20 =	sshra.s32 s20, $0x2;
	s22 =	sand.u32 $0x7F, s21;
	s23 =	sshll.u32 s21, $0x2  }
0x111: {  	s30 =	sadd.s32 s17, s20;
	s20 =	sand.u32 $0xFFFFFE00, s23;
	s22 =	sshll.u32 s22, $0x2;
	(v2sf) =	vpush v0, $0x9  }
0x112: {  	s19 =	sadd.s32 s17, s19;
	s21 =	sadd.s32 $0x10, s21;
	[tilespmem:s17+$0x8400] =	vst v1;
	s20 =	sor.u32 s22, s20  }
0x113: {  	v1 =	vld [tilespmem:s19+$0x400];
	s19 =	sshra.s32 s20, $0x2;
	s20 =	sand.u32 $0x7F, s21;
	s21 =	sshll.u32 s21, $0x2  }
0x114: {  	s25 =	sadd.s32 s17, s19;
	s19 =	sand.u32 $0xFFFFFE00, s21;
	s20 =	sshll.u32 s20, $0x2;
	(v2sf) =	vpush v0, $0xA  }
0x115: {  	s19 =	sor.u32 s20, s19;
	s20 =	spop (v2sf)  }
0x116: {  	s19 =	sshra.s32 s19, $0x2;
	s21 =	sand.u32 $0x7F, s20;
	s23 =	sshll.u32 s20, $0x2  }
0x117: {  	s22 =	sadd.s32 s17, s19;
	s19 =	sand.u32 $0xFFFFFE00, s23;
	s21 =	sshll.u32 s21, $0x2  }
0x118: {  	s20 =	sadd.s32 $0x10, s20;
	[tilespmem:s17+$0x8410] =	vst v1;
	s19 =	sor.u32 s21, s19;
	s21 =	spop (v2sf)  }
0x119: {  	s23 =	sand.u32 $0x7F, s20;
	s20 =	sshll.u32 s20, $0x2;
	v1 =	vld [tilespmem:s14+$0x480];
	s14 =	sshra.s32 s19, $0x2  }
0x11a: {  	s19 =	sadd.s32 s17, s14;
	s14 =	sand.u32 $0xFFFFFE00, s20;
	s20 =	sshll.u32 s23, $0x2  }
0x11b: {  	s23 =	sshll.u32 s21, $0x2;
	s14 =	sor.u32 s20, s14;
	s20 =	sand.u32 $0x7F, s21  }
0x11c: {  	s23 =	sand.u32 $0xFFFFFE00, s23;
	s14 =	sshra.s32 s14, $0x2;
	s24 =	sshll.u32 s20, $0x2;
	(v2sf) =	vpush v0, $0xB  }
0x11d: {  	s21 =	sadd.s32 $0x10, s21;
	s20 =	sadd.s32 s17, s14;
	s14 =	sor.u32 s24, s23  }
0x11e: {  	s23 =	sand.u32 $0x7F, s21;
	s24 =	sshll.u32 s21, $0x2;
	[tilespmem:s17+$0x8480] =	vst v1;
	s14 =	sshra.s32 s14, $0x2  }
0x11f: {  	v1 =	vld [tilespmem:s12+$0x480];
	s21 =	sadd.s32 s17, s14;
	s12 =	sand.u32 $0xFFFFFE00, s24;
	s14 =	sshll.u32 s23, $0x2;
	(v2sf) =	vpush v0, $0xC  }
0x120: {  	s12 =	sor.u32 s14, s12;
	s14 =	spop (v2sf)  }
0x121: {  	s12 =	sshra.s32 s12, $0x2;
	s24 =	sand.u32 $0x7F, s14;
	s26 =	sshll.u32 s14, $0x2  }
0x122: {  	s23 =	sadd.s32 s17, s12;
	s12 =	sand.u32 $0xFFFFFE00, s26;
	s24 =	sshll.u32 s24, $0x2  }
0x123: {  	s14 =	sadd.s32 $0x10, s14;
	s12 =	sor.u32 s24, s12;
	s28 =	spop (v2sf)  }
0x124: {  	s26 =	sand.u32 $0x7F, s14;
	s14 =	sshll.u32 s14, $0x2;
	[tilespmem:s17+$0x8490] =	vst v1;
	s12 =	sshra.s32 s12, $0x2  }
0x125: {  	v1 =	vld [tilespmem:s11+$0x500];
	s24 =	sadd.s32 s17, s12;
	s11 =	sand.u32 $0xFFFFFE00, s14;
	s12 =	sshll.u32 s26, $0x2  }
0x126: {  	s14 =	sshll.u32 s28, $0x2;
	s11 =	sor.u32 s12, s11;
	s12 =	sand.u32 $0x7F, s28  }
0x127: {  	s14 =	sand.u32 $0xFFFFFE00, s14;
	s11 =	sshra.s32 s11, $0x2;
	s12 =	sshll.u32 s12, $0x2;
	(v2sf) =	vpush v0, $0xD  }
0x128: {  	s26 =	sadd.s32 s17, s11;
	s11 =	sor.u32 s12, s14;
	s12 =	sadd.s32 $0x10, s28  }
0x129: {  	s11 =	sshra.s32 s11, $0x2;
	s14 =	sand.u32 $0x7F, s12;
	s12 =	sshll.u32 s12, $0x2  }
0x12a: {  	[tilespmem:s17+$0x8500] =	vst v1;
	s28 =	sadd.s32 s17, s11;
	s11 =	sand.u32 $0xFFFFFE00, s12;
	s12 =	sshll.u32 s14, $0x2;
	(v2sf) =	vpush v0, $0xE  }
0x12b: {  	v1 =	vld [tilespmem:s1+$0x500];
	s1 =	sor.u32 s12, s11;
	s11 =	spop (v2sf)  }
0x12c: {  	s1 =	sshra.s32 s1, $0x2;
	s12 =	sand.u32 $0x7F, s11;
	s14 =	sshll.u32 s11, $0x2  }
0x12d: {  	s29 =	sadd.s32 s17, s1;
	s1 =	sand.u32 $0xFFFFFE00, s14;
	s12 =	sshll.u32 s12, $0x2  }
0x12e: {  	s11 =	sadd.s32 $0x10, s11;
	s1 =	sor.u32 s12, s1;
	s12 =	spop (v2sf)  }
0x12f: {  	s14 =	sand.u32 $0x7F, s11;
	s11 =	sshll.u32 s11, $0x2;
	s1 =	sshra.s32 s1, $0x2  }
0x130: {  	[tilespmem:s17+$0x8510] =	vst v1;
	s31 =	sadd.s32 s17, s1;
	s1 =	sand.u32 $0xFFFFFE00, s11;
	s11 =	sshll.u32 s14, $0x2  }
0x131: {  	v1 =	vld [tilespmem:s0+$0x580];
	s0 =	sor.u32 s11, s1;
	s1 =	sand.u32 $0x7F, s12;
	s11 =	sshll.u32 s12, $0x2  }
0x132: {  	s0 =	sshra.s32 s0, $0x2;
	s11 =	sand.u32 $0xFFFFFE00, s11;
	s1 =	sshll.u32 s1, $0x2;
	(v2sf) =	vpush v0, $0xF  }
0x133: {  	s0 =	sadd.s32 s17, s0;
	s1 =	sor.u32 s1, s11;
	s11 =	sadd.s32 $0x10, s12  }
0x134: {  	s1 =	sshra.s32 s1, $0x2;
	s12 =	sand.u32 $0x7F, s11;
	s11 =	sshll.u32 s11, $0x2  }
0x135: {  	s1 =	sadd.s32 s17, s1;
	s11 =	sand.u32 $0xFFFFFE00, s11;
	s12 =	sshll.u32 s12, $0x2  }
0x136: {  	[tilespmem:s17+$0x8580] =	vst v1;
	s11 =	sor.u32 s12, s11;
	s12 =	spop (v2sf)  }
0x137: {  	v0 =	vld [tilespmem:s30+$0x580];
	s11 =	sshra.s32 s11, $0x2;
	s14 =	sand.u32 $0x7F, s12;
	s2 =	sshll.u32 s12, $0x2  }
0x138: {  	s30 =	sadd.s32 s17, s11;
	s2 =	sand.u32 $0xFFFFFE00, s2;
	s11 =	sshll.u32 s14, $0x2  }
0x139: {  	s2 =	sor.u32 s11, s2;
	s11 =	sadd.s32 $0x10, s12;
	s12 =	spop (v2sf)  }
0x13a: {  	s2 =	sshra.s32 s2, $0x2;
	s14 =	sand.u32 $0x7F, s11;
	s3 =	sshll.u32 s11, $0x2  }
0x13b: {  	s11 =	sadd.s32 s17, s2;
	s2 =	sand.u32 $0xFFFFFE00, s3;
	s3 =	sshll.u32 s14, $0x2  }
0x13c: {  	s14 =	sshll.u32 s12, $0x2;
	[tilespmem:s17+$0x8590] =	vst v0;
	s2 =	sor.u32 s3, s2;
	s3 =	sand.u32 $0x7F, s12  }
0x13d: {  	s14 =	sand.u32 $0xFFFFFE00, s14;
	v0 =	vld [tilespmem:s25+$0x600];
	s2 =	sshra.s32 s2, $0x2;
	s3 =	sshll.u32 s3, $0x2  }
0x13e: {  	s25 =	sadd.s32 s17, s2;
	s2 =	sor.u32 s3, s14;
	s3 =	sadd.s32 $0x10, s12  }
0x13f: {  	s2 =	sshra.s32 s2, $0x2;
	s14 =	sand.u32 $0x7F, s3;
	s3 =	sshll.u32 s3, $0x2  }
0x140: {  	s12 =	sadd.s32 s17, s2;
	s2 =	sand.u32 $0xFFFFFE00, s3;
	s3 =	sshll.u32 s14, $0x2  }
0x141: {  	s2 =	sor.u32 s3, s2;
	s3 =	spop (v2sf)  }
0x142: {  	[tilespmem:s17+$0x8600] =	vst v0;
	s2 =	sshra.s32 s2, $0x2;
	s14 =	sand.u32 $0x7F, s3;
	s4 =	sshll.u32 s3, $0x2  }
0x143: {  	v0 =	vld [tilespmem:s22+$0x600];
	s22 =	sadd.s32 s17, s2;
	s2 =	sand.u32 $0xFFFFFE00, s4;
	s4 =	sshll.u32 s14, $0x2  }
0x144: {  	s3 =	sadd.s32 $0x10, s3;
	s2 =	sor.u32 s4, s2  }
0x145: {  	s4 =	sand.u32 $0x7F, s3;
	s3 =	sshll.u32 s3, $0x2;
	s2 =	sshra.s32 s2, $0x2  }
0x146: {  	s14 =	sadd.s32 s17, s2;
	s2 =	sand.u32 $0xFFFFFE00, s3;
	s3 =	sshll.u32 s4, $0x2  }
0x147: {  	s2 =	sor.u32 s3, s2  }
0x148: {  	[tilespmem:s17+$0x8610] =	vst v0;
	s2 =	sshra.s32 s2, $0x2  }
0x149: {  	v0 =	vld [tilespmem:s19+$0x680];
	s19 =	sadd.s32 s17, s2;
	_ =	sdelay $0x4  }
0x14a: {  	[tilespmem:s17+$0x8680] =	vst v0  }
0x14b: {  	v0 =	vld [tilespmem:s20+$0x680];
	_ =	sdelay $0x4  }
0x14c: {  	[tilespmem:s17+$0x8690] =	vst v0  }
0x14d: {  	v0 =	vld [tilespmem:s21+$0x700];
	_ =	sdelay $0x4  }
0x14e: {  	[tilespmem:s17+$0x8700] =	vst v0  }
0x14f: {  	v0 =	vld [tilespmem:s23+$0x700];
	_ =	sdelay $0x4  }
0x150: {  	[tilespmem:s17+$0x8710] =	vst v0  }
0x151: {  	v0 =	vld [tilespmem:s24+$0x780];
	_ =	sdelay $0x4  }
0x152: {  	[tilespmem:s17+$0x8780] =	vst v0  }
0x153: {  	v0 =	vld [tilespmem:s26+$0x780];
	_ =	sdelay $0x4  }
0x154: {  	[tilespmem:s17+$0x8790] =	vst v0  }
0x155: {  	v0 =	vld [tilespmem:s28+$0x800];
	_ =	sdelay $0x4  }
0x156: {  	[tilespmem:s17+$0x8800] =	vst v0  }
0x157: {  	v0 =	vld [tilespmem:s29+$0x800];
	_ =	sdelay $0x4  }
0x158: {  	[tilespmem:s17+$0x8810] =	vst v0  }
0x159: {  	v0 =	vld [tilespmem:s31+$0x880];
	_ =	sdelay $0x4  }
0x15a: {  	[tilespmem:s17+$0x8880] =	vst v0  }
0x15b: {  	v0 =	vld [tilespmem:s0+$0x880];
	_ =	sdelay $0x4  }
0x15c: {  	[tilespmem:s17+$0x8890] =	vst v0  }
0x15d: {  	v0 =	vld [tilespmem:s1+$0x900];
	_ =	sdelay $0x4  }
0x15e: {  	[tilespmem:s17+$0x8900] =	vst v0  }
0x15f: {  	v0 =	vld [tilespmem:s30+$0x900];
	_ =	sdelay $0x4  }
0x160: {  	[tilespmem:s17+$0x8910] =	vst v0  }
0x161: {  	v0 =	vld [tilespmem:s11+$0x980];
	_ =	sdelay $0x4  }
0x162: {  	[tilespmem:s17+$0x8980] =	vst v0  }
0x163: {  	v0 =	vld [tilespmem:s25+$0x980];
	_ =	sdelay $0x4  }
0x164: {  	[tilespmem:s17+$0x8990] =	vst v0  }
0x165: {  	v0 =	vld [tilespmem:s12+$0xA00];
	_ =	sdelay $0x4  }
0x166: {  	[tilespmem:s17+$0x8A00] =	vst v0  }
0x167: {  	v0 =	vld [tilespmem:s22+$0xA00];
	_ =	sdelay $0x4  }
0x168: {  	[tilespmem:s17+$0x8A10] =	vst v0  }
0x169: {  	v0 =	vld [tilespmem:s14+$0xA80];
	_ =	sdelay $0x1  }
.Ltmp1:
0x16a: {  	(pc) =	sbr.rel @p0 .LBB2_4-.Ltmp1, $3  }
0x16b: {  	_ =	sdelay $0x1  }
0x16c: {  	[tilespmem:s17+$0x8A80] =	vst v0  }
0x16d: {  	v0 =	vld [tilespmem:s19+$0xA80]  }
0x16e: {  	_ =	sdelay $0x3  }
0x16f: {  	s0 =	simm.s32 $0x0;
	s1 =	simm.s32 $0x8300;
	[tilespmem:s17+$0x8A90] =	vst v0  }
0x170: {  	[hbm4b:s6+s0] =	stream.linear.scatter [tilespmem:s1], [sflag:$0x2], $0x8000, $0x38;
	[tilespmem:$0x10300] =	vst v63  }
0x171: {  	_ =	swait.ge [sflag:s10], $0x8000  }
0x172: {  	[sflag:s10] =	ssyncset.done $0x0  }
0x173: {  	[sflag:s10] =	ssyncadd.s32 $0xFFFF8000  }
0x174: {  	[tilespmem:s0], [sflag:$0x2] =	stream.linear.gather [hbm4b:s7+s0], $0x100, $0x38;
	[tilespmem:$0x10300] =	vst v63  }
0x175: {  	_ =	swait.ge [sflag:s10], $0x100  }
0x176: {  	[sflag:s10] =	ssyncset.done $0x0  }
0x177: {  	s0 =	simm.s32 $0x0;
	[sflag:s10] =	ssyncadd.s32 $0xFFFFFF00  }
0x178: {  	v0 =	vld [tilespmem:s0+$0x0]  }
0x179: {  	s1 =	simm.s32 $0x40  }
.LBB2_6:
0x17a: {  	_ = 	snop  }
0x17b: {  	p0 =	sne.s32 s1, $0x3C0  }
.Ltmp2:
0x17c: {  	_ = 	snop;
	(pc) =	sbr.rel @p0 .LBB2_6-.Ltmp2, $4  }
0x17d: {  	v1 =	vshrl.u32 v0, $0x2  }
0x17e: {  	s2 =	sshra.s32 s1, $0x2;
	v3 =	vand.u32 $0x7F, v0;
	v2 =	vand.u32 $0x3FFFFF80, v1;
	v1 =	vand.u32 $0x60, v1  }
0x17f: {  	v0 =	vld [tilespmem:s2+$0x0];
	v2 =	vor.u32 v3, v2;
	[tilespmem:s0+$0x200] =	vst v1  }
0x180: {  	s1 =	sadd.s32 $0x40, s1;
	[tilespmem:s0+$0x100] =	vst v2;
	s0 =	smov.u32 s2  }
0x181: {  	_ =	sdelay $0x2  }
0x182: {  	v1 =	vshrl.u32 v0, $0x2  }
0x183: {  	v0 =	vand.u32 $0x7F, v0;
	v2 =	vand.u32 $0x3FFFFF80, v1;
	v1 =	vand.u32 $0x60, v1  }
0x184: {  	v0 =	vor.u32 v0, v2;
	[tilespmem:s0+$0x200] =	vst v1  }
0x185: {  	s21 =	rddreg [dreg:$0x5];
	s1 =	simm.s32 $0x100;
	s2 =	simm.s32 $0x300;
	[tilespmem:s0+$0x100] =	vst v0  }
0x186: {  	[tilespmem:s2], [sflag:$0x1] =	stream.indirect.gather [hbm4b:s21+s1], $0x80, s1, s1, $0xb8;
	[tilespmem:$0x10300] =	vst v63  }
0x187: {  	_ =	swait.ge [sflag:s13], $0x8000  }
0x188: {  	[sflag:s13] =	ssyncset.done $0x0  }
0x189: {  	s16 =	simm.s32 $0x200;
	[sflag:s13] =	ssyncadd.s32 $0xFFFF8000  }
0x18a: {  	v0 =	vld [tilespmem:s16+$0x0];
	_ =	sdelay $0x4  }
0x18b: {  	(v2sf) =	vpush v0, $0x0;
	_ =	sdelay $0xb  }
0x18c: {  	(v2sf) =	vpush v0, $0x1;
	_ =	sdelay $0x2  }
0x18d: {  	s22 =	spop (v2sf)  }
0x18e: {  	s23 =	sand.u32 $0x7F, s22;
	s24 =	sshll.u32 s22, $0x2  }
0x18f: {  	s2 =	sand.u32 $0xFFFFFE00, s24;
	s1 =	sshll.u32 s23, $0x2  }
0x190: {  	s1 =	sor.u32 s1, s2  }
0x191: {  	s1 =	sshra.s32 s1, $0x2  }
0x192: {  	s1 =	sadd.s32 $0x0, s1  }
0x193: {  	s0 =	sadd.s32 $0x10, s22;
	v1 =	vld [tilespmem:s1+$0x300]  }
0x194: {  	s25 =	sand.u32 $0x7F, s0;
	s0 =	sshll.u32 s0, $0x2  }
0x195: {  	s0 =	sand.u32 $0xFFFFFE00, s0;
	s1 =	sshll.u32 s25, $0x2  }
0x196: {  	(v2sf) =	vpush v0, $0x2;
	s0 =	sor.u32 s1, s0  }
0x197: {  	s17 =	simm.s32 $0x0;
	s0 =	sshra.s32 s0, $0x2  }
0x198: {  	s0 =	sadd.s32 $0x0, s0;
	[tilespmem:s17+$0x8300] =	vst v1  }
0x199: {  	s26 =	spop (v2sf);
	v1 =	vld [tilespmem:s0+$0x300]  }
0x19a: {  	s28 =	sand.u32 $0x7F, s26;
	s29 =	sshll.u32 s26, $0x2  }
0x19b: {  	s2 =	sand.u32 $0xFFFFFE00, s29;
	s0 =	sshll.u32 s28, $0x2  }
0x19c: {  	s0 =	sor.u32 s0, s2  }
0x19d: {  	s0 =	sshra.s32 s0, $0x2  }
0x19e: {  	s0 =	sadd.s32 $0x0, s0;
	[tilespmem:s17+$0x8310] =	vst v1  }
0x19f: {  	s1 =	sadd.s32 $0x10, s26;
	v1 =	vld [tilespmem:s0+$0x380]  }
0x1a0: {  	s30 =	sand.u32 $0x7F, s1;
	s1 =	sshll.u32 s1, $0x2  }
0x1a1: {  	s1 =	sand.u32 $0xFFFFFE00, s1;
	s0 =	sshll.u32 s30, $0x2  }
0x1a2: {  	(v2sf) =	vpush v0, $0x3;
	s0 =	sor.u32 s0, s1  }
0x1a3: {  	s0 =	sshra.s32 s0, $0x2  }
0x1a4: {  	s0 =	sadd.s32 $0x0, s0;
	[tilespmem:s17+$0x8380] =	vst v1  }
0x1a5: {  	s31 =	spop (v2sf);
	v1 =	vld [tilespmem:s0+$0x380]  }
0x1a6: {  	s3 =	sand.u32 $0x7F, s31;
	s4 =	sshll.u32 s31, $0x2  }
0x1a7: {  	s2 =	sand.u32 $0xFFFFFE00, s4;
	s0 =	sshll.u32 s3, $0x2  }
0x1a8: {  	s0 =	sor.u32 s0, s2  }
0x1a9: {  	s0 =	sshra.s32 s0, $0x2  }
0x1aa: {  	s0 =	sadd.s32 $0x0, s0;
	[tilespmem:s17+$0x8390] =	vst v1  }
0x1ab: {  	s1 =	sadd.s32 $0x10, s31;
	v1 =	vld [tilespmem:s0+$0x400]  }
0x1ac: {  	s11 =	sand.u32 $0x7F, s1;
	s1 =	sshll.u32 s1, $0x2  }
0x1ad: {  	s1 =	sand.u32 $0xFFFFFE00, s1;
	s0 =	sshll.u32 s11, $0x2  }
0x1ae: {  	(v2sf) =	vpush v0, $0x4;
	s0 =	sor.u32 s0, s1  }
0x1af: {  	s0 =	sshra.s32 s0, $0x2  }
0x1b0: {  	s0 =	sadd.s32 $0x0, s0;
	[tilespmem:s17+$0x8400] =	vst v1  }
0x1b1: {  	s12 =	spop (v2sf);
	v1 =	vld [tilespmem:s0+$0x400]  }
0x1b2: {  	s14 =	sand.u32 $0x7F, s12;
	s18 =	sshll.u32 s12, $0x2  }
0x1b3: {  	s2 =	sand.u32 $0xFFFFFE00, s18;
	s0 =	sshll.u32 s14, $0x2  }
0x1b4: {  	s0 =	sor.u32 s0, s2  }
0x1b5: {  	s0 =	sshra.s32 s0, $0x2  }
0x1b6: {  	s0 =	sadd.s32 $0x0, s0;
	[tilespmem:s17+$0x8410] =	vst v1  }
0x1b7: {  	s1 =	sadd.s32 $0x10, s12;
	v1 =	vld [tilespmem:s0+$0x480]  }
0x1b8: {  	s19 =	sand.u32 $0x7F, s1;
	s1 =	sshll.u32 s1, $0x2  }
0x1b9: {  	s1 =	sand.u32 $0xFFFFFE00, s1;
	s0 =	sshll.u32 s19, $0x2  }
0x1ba: {  	(v2sf) =	vpush v0, $0x5;
	s0 =	sor.u32 s0, s1  }
0x1bb: {  	s0 =	sshra.s32 s0, $0x2  }
0x1bc: {  	s0 =	sadd.s32 $0x0, s0;
	[tilespmem:s17+$0x8480] =	vst v1  }
0x1bd: {  	s20 =	spop (v2sf);
	v1 =	vld [tilespmem:s0+$0x480]  }
0x1be: {  	s21 =	sand.u32 $0x7F, s20;
	s22 =	sshll.u32 s20, $0x2  }
0x1bf: {  	s2 =	sand.u32 $0xFFFFFE00, s22;
	s0 =	sshll.u32 s21, $0x2  }
0x1c0: {  	s0 =	sor.u32 s0, s2  }
0x1c1: {  	s0 =	sshra.s32 s0, $0x2  }
0x1c2: {  	s0 =	sadd.s32 $0x0, s0;
	[tilespmem:s17+$0x8490] =	vst v1  }
0x1c3: {  	s1 =	sadd.s32 $0x10, s20;
	v1 =	vld [tilespmem:s0+$0x500]  }
0x1c4: {  	s23 =	sand.u32 $0x7F, s1;
	s1 =	sshll.u32 s1, $0x2  }
0x1c5: {  	s1 =	sand.u32 $0xFFFFFE00, s1;
	s0 =	sshll.u32 s23, $0x2  }
0x1c6: {  	(v2sf) =	vpush v0, $0x6;
	s0 =	sor.u32 s0, s1  }
0x1c7: {  	s0 =	sshra.s32 s0, $0x2  }
0x1c8: {  	s0 =	sadd.s32 $0x0, s0;
	[tilespmem:s17+$0x8500] =	vst v1  }
0x1c9: {  	s24 =	spop (v2sf);
	v1 =	vld [tilespmem:s0+$0x500]  }
0x1ca: {  	s25 =	sand.u32 $0x7F, s24;
	s26 =	sshll.u32 s24, $0x2  }
0x1cb: {  	s2 =	sand.u32 $0xFFFFFE00, s26;
	s0 =	sshll.u32 s25, $0x2  }
0x1cc: {  	s0 =	sor.u32 s0, s2  }
0x1cd: {  	s0 =	sshra.s32 s0, $0x2  }
0x1ce: {  	s0 =	sadd.s32 $0x0, s0;
	[tilespmem:s17+$0x8510] =	vst v1  }
0x1cf: {  	s1 =	sadd.s32 $0x10, s24;
	v1 =	vld [tilespmem:s0+$0x580]  }
0x1d0: {  	s28 =	sand.u32 $0x7F, s1;
	s1 =	sshll.u32 s1, $0x2  }
0x1d1: {  	s1 =	sand.u32 $0xFFFFFE00, s1;
	s0 =	sshll.u32 s28, $0x2  }
0x1d2: {  	(v2sf) =	vpush v0, $0x7;
	s0 =	sor.u32 s0, s1  }
0x1d3: {  	s0 =	sshra.s32 s0, $0x2  }
0x1d4: {  	s0 =	sadd.s32 $0x0, s0;
	[tilespmem:s17+$0x8580] =	vst v1  }
0x1d5: {  	s29 =	spop (v2sf);
	v1 =	vld [tilespmem:s0+$0x580]  }
0x1d6: {  	s30 =	sand.u32 $0x7F, s29;
	s31 =	sshll.u32 s29, $0x2  }
0x1d7: {  	s2 =	sand.u32 $0xFFFFFE00, s31;
	s0 =	sshll.u32 s30, $0x2  }
0x1d8: {  	s0 =	sor.u32 s0, s2  }
0x1d9: {  	s0 =	sshra.s32 s0, $0x2  }
0x1da: {  	s0 =	sadd.s32 $0x0, s0;
	[tilespmem:s17+$0x8590] =	vst v1  }
0x1db: {  	s1 =	sadd.s32 $0x10, s29;
	v1 =	vld [tilespmem:s0+$0x600]  }
0x1dc: {  	s2 =	sand.u32 $0x7F, s1;
	s1 =	sshll.u32 s1, $0x2  }
0x1dd: {  	s1 =	sand.u32 $0xFFFFFE00, s1;
	s0 =	sshll.u32 s2, $0x2  }
0x1de: {  	(v2sf) =	vpush v0, $0x8;
	s0 =	sor.u32 s0, s1  }
0x1df: {  	s0 =	sshra.s32 s0, $0x2  }
0x1e0: {  	s0 =	sadd.s32 $0x0, s0;
	[tilespmem:s17+$0x8600] =	vst v1  }
0x1e1: {  	s3 =	spop (v2sf);
	v1 =	vld [tilespmem:s0+$0x600]  }
0x1e2: {  	s4 =	sand.u32 $0x7F, s3;
	s11 =	sshll.u32 s3, $0x2  }
0x1e3: {  	s2 =	sand.u32 $0xFFFFFE00, s11;
	s0 =	sshll.u32 s4, $0x2  }
0x1e4: {  	s0 =	sor.u32 s0, s2  }
0x1e5: {  	s0 =	sshra.s32 s0, $0x2  }
0x1e6: {  	s0 =	sadd.s32 $0x0, s0;
	[tilespmem:s17+$0x8610] =	vst v1  }
0x1e7: {  	s1 =	sadd.s32 $0x10, s3;
	v1 =	vld [tilespmem:s0+$0x680]  }
0x1e8: {  	s12 =	sand.u32 $0x7F, s1;
	s1 =	sshll.u32 s1, $0x2  }
0x1e9: {  	s1 =	sand.u32 $0xFFFFFE00, s1;
	s0 =	sshll.u32 s12, $0x2  }
0x1ea: {  	(v2sf) =	vpush v0, $0x9;
	s0 =	sor.u32 s0, s1  }
0x1eb: {  	s0 =	sshra.s32 s0, $0x2  }
0x1ec: {  	s0 =	sadd.s32 $0x0, s0;
	[tilespmem:s17+$0x8680] =	vst v1  }
0x1ed: {  	s14 =	spop (v2sf);
	v1 =	vld [tilespmem:s0+$0x680]  }
0x1ee: {  	s18 =	sand.u32 $0x7F, s14;
	s19 =	sshll.u32 s14, $0x2  }
0x1ef: {  	s2 =	sand.u32 $0xFFFFFE00, s19;
	s0 =	sshll.u32 s18, $0x2  }
0x1f0: {  	s0 =	sor.u32 s0, s2  }
0x1f1: {  	s0 =	sshra.s32 s0, $0x2  }
0x1f2: {  	s0 =	sadd.s32 $0x0, s0;
	[tilespmem:s17+$0x8690] =	vst v1  }
0x1f3: {  	s1 =	sadd.s32 $0x10, s14;
	v1 =	vld [tilespmem:s0+$0x700]  }
0x1f4: {  	s20 =	sand.u32 $0x7F, s1;
	s1 =	sshll.u32 s1, $0x2  }
0x1f5: {  	s1 =	sand.u32 $0xFFFFFE00, s1;
	s0 =	sshll.u32 s20, $0x2  }
0x1f6: {  	(v2sf) =	vpush v0, $0xA;
	s0 =	sor.u32 s0, s1  }
0x1f7: {  	s0 =	sshra.s32 s0, $0x2  }
0x1f8: {  	s0 =	sadd.s32 $0x0, s0;
	[tilespmem:s17+$0x8700] =	vst v1  }
0x1f9: {  	s21 =	spop (v2sf);
	v1 =	vld [tilespmem:s0+$0x700]  }
0x1fa: {  	s22 =	sand.u32 $0x7F, s21;
	s23 =	sshll.u32 s21, $0x2  }
0x1fb: {  	s2 =	sand.u32 $0xFFFFFE00, s23;
	s0 =	sshll.u32 s22, $0x2  }
0x1fc: {  	s0 =	sor.u32 s0, s2  }
0x1fd: {  	s0 =	sshra.s32 s0, $0x2  }
0x1fe: {  	s0 =	sadd.s32 $0x0, s0;
	[tilespmem:s17+$0x8710] =	vst v1  }
0x1ff: {  	s1 =	sadd.s32 $0x10, s21;
	v1 =	vld [tilespmem:s0+$0x780]  }
0x200: {  	s24 =	sand.u32 $0x7F, s1;
	s1 =	sshll.u32 s1, $0x2  }
0x201: {  	s1 =	sand.u32 $0xFFFFFE00, s1;
	s0 =	sshll.u32 s24, $0x2  }
0x202: {  	(v2sf) =	vpush v0, $0xB;
	s0 =	sor.u32 s0, s1  }
0x203: {  	s0 =	sshra.s32 s0, $0x2  }
0x204: {  	s0 =	sadd.s32 $0x0, s0;
	[tilespmem:s17+$0x8780] =	vst v1  }
0x205: {  	s25 =	spop (v2sf);
	v1 =	vld [tilespmem:s0+$0x780]  }
0x206: {  	s26 =	sand.u32 $0x7F, s25;
	s28 =	sshll.u32 s25, $0x2  }
0x207: {  	s2 =	sand.u32 $0xFFFFFE00, s28;
	s0 =	sshll.u32 s26, $0x2  }
0x208: {  	s0 =	sor.u32 s0, s2  }
0x209: {  	s0 =	sshra.s32 s0, $0x2  }
0x20a: {  	s0 =	sadd.s32 $0x0, s0;
	[tilespmem:s17+$0x8790] =	vst v1  }
0x20b: {  	s1 =	sadd.s32 $0x10, s25;
	v1 =	vld [tilespmem:s0+$0x800]  }
0x20c: {  	s29 =	sand.u32 $0x7F, s1;
	s1 =	sshll.u32 s1, $0x2  }
0x20d: {  	s1 =	sand.u32 $0xFFFFFE00, s1;
	s0 =	sshll.u32 s29, $0x2  }
0x20e: {  	(v2sf) =	vpush v0, $0xC;
	s0 =	sor.u32 s0, s1  }
0x20f: {  	s0 =	sshra.s32 s0, $0x2  }
0x210: {  	s0 =	sadd.s32 $0x0, s0;
	[tilespmem:s17+$0x8800] =	vst v1  }
0x211: {  	s30 =	spop (v2sf);
	v1 =	vld [tilespmem:s0+$0x800]  }
0x212: {  	s31 =	sand.u32 $0x7F, s30;
	s3 =	sshll.u32 s30, $0x2  }
0x213: {  	s2 =	sand.u32 $0xFFFFFE00, s3;
	s0 =	sshll.u32 s31, $0x2  }
0x214: {  	s0 =	sor.u32 s0, s2  }
0x215: {  	s0 =	sshra.s32 s0, $0x2  }
0x216: {  	s0 =	sadd.s32 $0x0, s0;
	[tilespmem:s17+$0x8810] =	vst v1  }
0x217: {  	s1 =	sadd.s32 $0x10, s30;
	v1 =	vld [tilespmem:s0+$0x880]  }
0x218: {  	s4 =	sand.u32 $0x7F, s1;
	s1 =	sshll.u32 s1, $0x2  }
0x219: {  	s1 =	sand.u32 $0xFFFFFE00, s1;
	s0 =	sshll.u32 s4, $0x2  }
0x21a: {  	(v2sf) =	vpush v0, $0xD;
	s0 =	sor.u32 s0, s1  }
0x21b: {  	s0 =	sshra.s32 s0, $0x2  }
0x21c: {  	s0 =	sadd.s32 $0x0, s0;
	[tilespmem:s17+$0x8880] =	vst v1  }
0x21d: {  	s11 =	spop (v2sf);
	v1 =	vld [tilespmem:s0+$0x880]  }
0x21e: {  	s12 =	sand.u32 $0x7F, s11;
	s14 =	sshll.u32 s11, $0x2  }
0x21f: {  	s2 =	sand.u32 $0xFFFFFE00, s14;
	s0 =	sshll.u32 s12, $0x2  }
0x220: {  	s0 =	sor.u32 s0, s2  }
0x221: {  	s0 =	sshra.s32 s0, $0x2  }
0x222: {  	s0 =	sadd.s32 $0x0, s0;
	[tilespmem:s17+$0x8890] =	vst v1  }
0x223: {  	s1 =	sadd.s32 $0x10, s11;
	v1 =	vld [tilespmem:s0+$0x900]  }
0x224: {  	s18 =	sand.u32 $0x7F, s1;
	s1 =	sshll.u32 s1, $0x2  }
0x225: {  	s1 =	sand.u32 $0xFFFFFE00, s1;
	s0 =	sshll.u32 s18, $0x2  }
0x226: {  	(v2sf) =	vpush v0, $0xE;
	s0 =	sor.u32 s0, s1  }
0x227: {  	s0 =	sshra.s32 s0, $0x2  }
0x228: {  	s0 =	sadd.s32 $0x0, s0;
	[tilespmem:s17+$0x8900] =	vst v1  }
0x229: {  	s19 =	spop (v2sf);
	v1 =	vld [tilespmem:s0+$0x900]  }
0x22a: {  	s20 =	sand.u32 $0x7F, s19;
	s21 =	sshll.u32 s19, $0x2  }
0x22b: {  	s2 =	sand.u32 $0xFFFFFE00, s21;
	s0 =	sshll.u32 s20, $0x2  }
0x22c: {  	s0 =	sor.u32 s0, s2  }
0x22d: {  	s0 =	sshra.s32 s0, $0x2  }
0x22e: {  	s0 =	sadd.s32 $0x0, s0;
	[tilespmem:s17+$0x8910] =	vst v1  }
0x22f: {  	s1 =	sadd.s32 $0x10, s19;
	v1 =	vld [tilespmem:s0+$0x980]  }
0x230: {  	s22 =	sand.u32 $0x7F, s1;
	s1 =	sshll.u32 s1, $0x2  }
0x231: {  	s1 =	sand.u32 $0xFFFFFE00, s1;
	s0 =	sshll.u32 s22, $0x2  }
0x232: {  	(v2sf) =	vpush v0, $0xF;
	s0 =	sor.u32 s0, s1  }
0x233: {  	s0 =	sshra.s32 s0, $0x2  }
0x234: {  	s0 =	sadd.s32 $0x0, s0;
	[tilespmem:s17+$0x8980] =	vst v1  }
0x235: {  	s23 =	spop (v2sf);
	v0 =	vld [tilespmem:s0+$0x980]  }
0x236: {  	s24 =	sand.u32 $0x7F, s23;
	s25 =	sshll.u32 s23, $0x2  }
0x237: {  	s2 =	sand.u32 $0xFFFFFE00, s25;
	s0 =	sshll.u32 s24, $0x2  }
0x238: {  	s0 =	sor.u32 s0, s2  }
0x239: {  	s0 =	sshra.s32 s0, $0x2  }
0x23a: {  	s0 =	sadd.s32 $0x0, s0;
	[tilespmem:s17+$0x8990] =	vst v0  }
0x23b: {  	s1 =	sadd.s32 $0x10, s23;
	v0 =	vld [tilespmem:s0+$0xA00]  }
0x23c: {  	s26 =	sand.u32 $0x7F, s1;
	s1 =	sshll.u32 s1, $0x2  }
0x23d: {  	s1 =	sand.u32 $0xFFFFFE00, s1;
	s0 =	sshll.u32 s26, $0x2  }
0x23e: {  	s0 =	sor.u32 s0, s1  }
0x23f: {  	s0 =	sshra.s32 s0, $0x2  }
0x240: {  	s0 =	sadd.s32 $0x0, s0;
	[tilespmem:s17+$0x8A00] =	vst v0  }
0x241: {  	s28 =	spop (v2sf);
	v0 =	vld [tilespmem:s0+$0xA00]  }
0x242: {  	s29 =	sand.u32 $0x7F, s28;
	s30 =	sshll.u32 s28, $0x2  }
0x243: {  	s2 =	sand.u32 $0xFFFFFE00, s30;
	s0 =	sshll.u32 s29, $0x2  }
0x244: {  	s0 =	sor.u32 s0, s2  }
0x245: {  	s0 =	sshra.s32 s0, $0x2  }
0x246: {  	s0 =	sadd.s32 $0x0, s0;
	[tilespmem:s17+$0x8A10] =	vst v0  }
0x247: {  	s1 =	sadd.s32 $0x10, s28;
	v0 =	vld [tilespmem:s0+$0xA80]  }
0x248: {  	s31 =	sand.u32 $0x7F, s1;
	s1 =	sshll.u32 s1, $0x2  }
0x249: {  	s1 =	sand.u32 $0xFFFFFE00, s1;
	s0 =	sshll.u32 s31, $0x2  }
0x24a: {  	s0 =	sor.u32 s0, s1  }
0x24b: {  	s0 =	sshra.s32 s0, $0x2  }
0x24c: {  	s0 =	sadd.s32 $0x0, s0;
	[tilespmem:s17+$0x8A80] =	vst v0  }
0x24d: {  	s18 =	simm.s32 $0x2000;
	v0 =	vld [tilespmem:s0+$0xA80]  }
.LBB2_8:
0x24e: {  	_ =	sdelay $0x2  }
0x24f: {  	p0 =	sne.s32 s18, $0x1E000  }
0x250: {  	s16 =	sadd.s32 $0x10, s16;
	s0 =	smov.u32 s18;
	s18 =	sadd.s32 $0x2000, s18;
	[tilespmem:s17+$0x8A90] =	vst v0  }
0x251: {  	v0 =	vld [tilespmem:s16+$0x0];
	_ =	sdelay $0x4  }
0x252: {  	(v2sf) =	vpush v0, $0x0;
	_ =	sdelay $0x3  }
0x253: {  	(v2sf) =	vpush v0, $0x1;
	_ =	sdelay $0x1  }
0x254: {  	(v2sf) =	vpush v0, $0x2;
	_ =	sdelay $0x7  }
0x255: {  	(v2sf) =	vpush v0, $0x3  }
0x256: {  	s17 =	sshra.s32 s0, $0x2;
	s0 =	spop (v2sf)  }
0x257: {  	s1 =	sand.u32 $0x7F, s0;
	s2 =	sshll.u32 s0, $0x2;
	s0 =	sadd.s32 $0x10, s0  }
0x258: {  	s2 =	sand.u32 $0xFFFFFE00, s2;
	s1 =	sshll.u32 s1, $0x2;
	s3 =	sand.u32 $0x7F, s0  }
0x259: {  	s0 =	sshll.u32 s0, $0x2;
	s1 =	sor.u32 s1, s2;
	s2 =	sshll.u32 s3, $0x2  }
0x25a: {  	s0 =	sand.u32 $0xFFFFFE00, s0;
	s1 =	sshra.s32 s1, $0x2;
	s3 =	spop (v2sf)  }
0x25b: {  	s0 =	sor.u32 s2, s0;
	s1 =	sadd.s32 s17, s1;
	s2 =	sand.u32 $0x7F, s3;
	(v2sf) =	vpush v0, $0x4  }
0x25c: {  	v1 =	vld [tilespmem:s1+$0x300];
	s1 =	sshll.u32 s3, $0x2;
	s3 =	sadd.s32 $0x10, s3;
	s4 =	spop (v2sf)  }
0x25d: {  	s2 =	sshll.u32 s2, $0x2;
	s1 =	sand.u32 $0xFFFFFE00, s1;
	s11 =	sand.u32 $0x7F, s4  }
0x25e: {  	s1 =	sor.u32 s2, s1;
	s2 =	sand.u32 $0x7F, s3;
	s3 =	sshll.u32 s3, $0x2  }
0x25f: {  	s12 =	sshll.u32 s4, $0x2;
	s1 =	sshra.s32 s1, $0x2;
	s3 =	sand.u32 $0xFFFFFE00, s3  }
0x260: {  	s0 =	sshra.s32 s0, $0x2;
	s12 =	sand.u32 $0xFFFFFE00, s12;
	s11 =	sshll.u32 s11, $0x2  }
0x261: {  	s0 =	sadd.s32 s17, s0;
	s2 =	sshll.u32 s2, $0x2;
	s11 =	sor.u32 s11, s12;
	[tilespmem:s17+$0x8300] =	vst v1;
	(v2sf) =	vpush v0, $0x5  }
0x262: {  	s2 =	sor.u32 s2, s3;
	s3 =	sadd.s32 $0x10, s4;
	v1 =	vld [tilespmem:s0+$0x300];
	s0 =	sshra.s32 s11, $0x2  }
0x263: {  	s2 =	sshra.s32 s2, $0x2;
	s4 =	sand.u32 $0x7F, s3;
	s3 =	sshll.u32 s3, $0x2  }
0x264: {  	s3 =	sand.u32 $0xFFFFFE00, s3;
	s4 =	sshll.u32 s4, $0x2;
	s11 =	spop (v2sf)  }
0x265: {  	s3 =	sor.u32 s4, s3;
	s4 =	sand.u32 $0x7F, s11;
	s12 =	sshll.u32 s11, $0x2  }
0x266: {  	s19 =	sshra.s32 s3, $0x2;
	s3 =	sand.u32 $0xFFFFFE00, s12;
	s4 =	sshll.u32 s4, $0x2  }
0x267: {  	s1 =	sadd.s32 s17, s1;
	[tilespmem:s17+$0x8310] =	vst v1;
	s3 =	sor.u32 s4, s3;
	s4 =	sadd.s32 $0x10, s11;
	(v2sf) =	vpush v0, $0x6  }
0x268: {  	v1 =	vld [tilespmem:s1+$0x380];
	s1 =	sshra.s32 s3, $0x2;
	s3 =	sand.u32 $0x7F, s4;
	s4 =	sshll.u32 s4, $0x2  }
0x269: {  	s14 =	sadd.s32 s17, s1;
	s1 =	sand.u32 $0xFFFFFE00, s4;
	s3 =	sshll.u32 s3, $0x2  }
0x26a: {  	s1 =	sor.u32 s3, s1;
	s3 =	spop (v2sf)  }
0x26b: {  	s1 =	sshra.s32 s1, $0x2;
	s4 =	sand.u32 $0x7F, s3;
	s11 =	sshll.u32 s3, $0x2  }
0x26c: {  	s12 =	sadd.s32 s17, s1;
	s1 =	sand.u32 $0xFFFFFE00, s11;
	s4 =	sshll.u32 s4, $0x2  }
0x26d: {  	s2 =	sadd.s32 s17, s2;
	s3 =	sadd.s32 $0x10, s3;
	[tilespmem:s17+$0x8380] =	vst v1;
	s1 =	sor.u32 s4, s1;
	(v2sf) =	vpush v0, $0x7  }
0x26e: {  	v1 =	vld [tilespmem:s2+$0x380];
	s1 =	sshra.s32 s1, $0x2;
	s2 =	sand.u32 $0x7F, s3;
	s3 =	sshll.u32 s3, $0x2  }
0x26f: {  	s11 =	sadd.s32 s17, s1;
	s1 =	sand.u32 $0xFFFFFE00, s3;
	s2 =	sshll.u32 s2, $0x2  }
0x270: {  	s1 =	sor.u32 s2, s1;
	s2 =	spop (v2sf);
	(v2sf) =	vpush v0, $0x8  }
0x271: {  	s1 =	sshra.s32 s1, $0x2;
	s3 =	sand.u32 $0x7F, s2;
	s4 =	sshll.u32 s2, $0x2  }
0x272: {  	s1 =	sadd.s32 s17, s1;
	s4 =	sand.u32 $0xFFFFFE00, s4;
	s3 =	sshll.u32 s3, $0x2  }
0x273: {  	s0 =	sadd.s32 s17, s0;
	s2 =	sadd.s32 $0x10, s2;
	[tilespmem:s17+$0x8390] =	vst v1;
	s3 =	sor.u32 s3, s4  }
0x274: {  	v1 =	vld [tilespmem:s0+$0x400];
	s0 =	sshra.s32 s3, $0x2;
	s3 =	sand.u32 $0x7F, s2;
	s2 =	sshll.u32 s2, $0x2  }
0x275: {  	s0 =	sadd.s32 s17, s0;
	s2 =	sand.u32 $0xFFFFFE00, s2;
	s3 =	sshll.u32 s3, $0x2  }
0x276: {  	s2 =	sor.u32 s3, s2;
	s3 =	spop (v2sf)  }
0x277: {  	s2 =	sshra.s32 s2, $0x2;
	s4 =	sand.u32 $0x7F, s3;
	s20 =	sshll.u32 s3, $0x2  }
0x278: {  	s30 =	sadd.s32 s17, s2;
	s2 =	sand.u32 $0xFFFFFE00, s20;
	s4 =	sshll.u32 s4, $0x2;
	(v2sf) =	vpush v0, $0x9  }
0x279: {  	s19 =	sadd.s32 s17, s19;
	s3 =	sadd.s32 $0x10, s3;
	[tilespmem:s17+$0x8400] =	vst v1;
	s2 =	sor.u32 s4, s2  }
0x27a: {  	s4 =	sand.u32 $0x7F, s3;
	s3 =	sshll.u32 s3, $0x2;
	v1 =	vld [tilespmem:s19+$0x400];
	s2 =	sshra.s32 s2, $0x2  }
0x27b: {  	s25 =	sadd.s32 s17, s2;
	s2 =	sand.u32 $0xFFFFFE00, s3;
	s3 =	sshll.u32 s4, $0x2;
	(v2sf) =	vpush v0, $0xA  }
0x27c: {  	s2 =	sor.u32 s3, s2;
	s3 =	spop (v2sf)  }
0x27d: {  	s2 =	sshra.s32 s2, $0x2;
	s4 =	sand.u32 $0x7F, s3;
	s19 =	sshll.u32 s3, $0x2  }
0x27e: {  	s22 =	sadd.s32 s17, s2;
	s2 =	sand.u32 $0xFFFFFE00, s19;
	s4 =	sshll.u32 s4, $0x2  }
0x27f: {  	s3 =	sadd.s32 $0x10, s3;
	[tilespmem:s17+$0x8410] =	vst v1;
	s2 =	sor.u32 s4, s2;
	s4 =	spop (v2sf)  }
0x280: {  	v1 =	vld [tilespmem:s14+$0x480];
	s2 =	sshra.s32 s2, $0x2;
	s14 =	sand.u32 $0x7F, s3;
	s3 =	sshll.u32 s3, $0x2  }
0x281: {  	s19 =	sadd.s32 s17, s2;
	s2 =	sand.u32 $0xFFFFFE00, s3;
	s3 =	sshll.u32 s14, $0x2  }
0x282: {  	s14 =	sshll.u32 s4, $0x2;
	s2 =	sor.u32 s3, s2;
	s3 =	sand.u32 $0x7F, s4  }
0x283: {  	s14 =	sand.u32 $0xFFFFFE00, s14;
	s2 =	sshra.s32 s2, $0x2;
	s3 =	sshll.u32 s3, $0x2;
	(v2sf) =	vpush v0, $0xB  }
0x284: {  	s20 =	sadd.s32 s17, s2;
	s2 =	sor.u32 s3, s14;
	s3 =	sadd.s32 $0x10, s4  }
0x285: {  	[tilespmem:s17+$0x8480] =	vst v1;
	s2 =	sshra.s32 s2, $0x2;
	s4 =	sand.u32 $0x7F, s3;
	s3 =	sshll.u32 s3, $0x2  }
0x286: {  	v1 =	vld [tilespmem:s12+$0x480];
	s21 =	sadd.s32 s17, s2;
	s2 =	sand.u32 $0xFFFFFE00, s3;
	s3 =	sshll.u32 s4, $0x2;
	(v2sf) =	vpush v0, $0xC  }
0x287: {  	s2 =	sor.u32 s3, s2;
	s3 =	spop (v2sf)  }
0x288: {  	s2 =	sshra.s32 s2, $0x2;
	s4 =	sand.u32 $0x7F, s3;
	s12 =	sshll.u32 s3, $0x2  }
0x289: {  	s23 =	sadd.s32 s17, s2;
	s2 =	sand.u32 $0xFFFFFE00, s12;
	s4 =	sshll.u32 s4, $0x2  }
0x28a: {  	s3 =	sadd.s32 $0x10, s3;
	s2 =	sor.u32 s4, s2;
	s4 =	spop (v2sf)  }
0x28b: {  	s12 =	sand.u32 $0x7F, s3;
	s3 =	sshll.u32 s3, $0x2;
	[tilespmem:s17+$0x8490] =	vst v1;
	s2 =	sshra.s32 s2, $0x2  }
0x28c: {  	v1 =	vld [tilespmem:s11+$0x500];
	s24 =	sadd.s32 s17, s2;
	s2 =	sand.u32 $0xFFFFFE00, s3;
	s3 =	sshll.u32 s12, $0x2  }
0x28d: {  	s11 =	sshll.u32 s4, $0x2;
	s2 =	sor.u32 s3, s2;
	s3 =	sand.u32 $0x7F, s4  }
0x28e: {  	s11 =	sand.u32 $0xFFFFFE00, s11;
	s2 =	sshra.s32 s2, $0x2;
	s3 =	sshll.u32 s3, $0x2;
	(v2sf) =	vpush v0, $0xD  }
0x28f: {  	s26 =	sadd.s32 s17, s2;
	s2 =	sor.u32 s3, s11;
	s3 =	sadd.s32 $0x10, s4  }
0x290: {  	s2 =	sshra.s32 s2, $0x2;
	s4 =	sand.u32 $0x7F, s3;
	s3 =	sshll.u32 s3, $0x2  }
0x291: {  	[tilespmem:s17+$0x8500] =	vst v1;
	s28 =	sadd.s32 s17, s2;
	s2 =	sand.u32 $0xFFFFFE00, s3;
	s3 =	sshll.u32 s4, $0x2;
	(v2sf) =	vpush v0, $0xE  }
0x292: {  	v1 =	vld [tilespmem:s1+$0x500];
	s1 =	sor.u32 s3, s2;
	s2 =	spop (v2sf)  }
0x293: {  	s1 =	sshra.s32 s1, $0x2;
	s3 =	sand.u32 $0x7F, s2;
	s4 =	sshll.u32 s2, $0x2  }
0x294: {  	s29 =	sadd.s32 s17, s1;
	s1 =	sand.u32 $0xFFFFFE00, s4;
	s3 =	sshll.u32 s3, $0x2  }
0x295: {  	s2 =	sadd.s32 $0x10, s2;
	s1 =	sor.u32 s3, s1;
	s3 =	spop (v2sf)  }
0x296: {  	s4 =	sand.u32 $0x7F, s2;
	s2 =	sshll.u32 s2, $0x2;
	s1 =	sshra.s32 s1, $0x2  }
0x297: {  	[tilespmem:s17+$0x8510] =	vst v1;
	s31 =	sadd.s32 s17, s1;
	s1 =	sand.u32 $0xFFFFFE00, s2;
	s2 =	sshll.u32 s4, $0x2  }
0x298: {  	v1 =	vld [tilespmem:s0+$0x580];
	s0 =	sor.u32 s2, s1;
	s1 =	sand.u32 $0x7F, s3;
	s2 =	sshll.u32 s3, $0x2  }
0x299: {  	s0 =	sshra.s32 s0, $0x2;
	s2 =	sand.u32 $0xFFFFFE00, s2;
	s1 =	sshll.u32 s1, $0x2;
	(v2sf) =	vpush v0, $0xF  }
0x29a: {  	s0 =	sadd.s32 s17, s0;
	s1 =	sor.u32 s1, s2;
	s2 =	sadd.s32 $0x10, s3  }
0x29b: {  	s1 =	sshra.s32 s1, $0x2;
	s3 =	sand.u32 $0x7F, s2;
	s2 =	sshll.u32 s2, $0x2  }
0x29c: {  	s1 =	sadd.s32 s17, s1;
	s2 =	sand.u32 $0xFFFFFE00, s2;
	s3 =	sshll.u32 s3, $0x2  }
0x29d: {  	[tilespmem:s17+$0x8580] =	vst v1;
	s2 =	sor.u32 s3, s2;
	s3 =	spop (v2sf)  }
0x29e: {  	v0 =	vld [tilespmem:s30+$0x580];
	s2 =	sshra.s32 s2, $0x2;
	s4 =	sand.u32 $0x7F, s3;
	s11 =	sshll.u32 s3, $0x2  }
0x29f: {  	s30 =	sadd.s32 s17, s2;
	s2 =	sand.u32 $0xFFFFFE00, s11;
	s4 =	sshll.u32 s4, $0x2  }
0x2a0: {  	s3 =	sadd.s32 $0x10, s3;
	s2 =	sor.u32 s4, s2;
	s4 =	spop (v2sf)  }
0x2a1: {  	s12 =	sand.u32 $0x7F, s3;
	s3 =	sshll.u32 s3, $0x2;
	s2 =	sshra.s32 s2, $0x2  }
0x2a2: {  	s11 =	sadd.s32 s17, s2;
	s2 =	sand.u32 $0xFFFFFE00, s3;
	s3 =	sshll.u32 s12, $0x2  }
0x2a3: {  	s12 =	sshll.u32 s4, $0x2;
	[tilespmem:s17+$0x8590] =	vst v0;
	s2 =	sor.u32 s3, s2;
	s3 =	sand.u32 $0x7F, s4  }
0x2a4: {  	s14 =	sand.u32 $0xFFFFFE00, s12;
	v0 =	vld [tilespmem:s25+$0x600];
	s2 =	sshra.s32 s2, $0x2;
	s3 =	sshll.u32 s3, $0x2  }
0x2a5: {  	s12 =	sadd.s32 s17, s2;
	s2 =	sor.u32 s3, s14;
	s3 =	sadd.s32 $0x10, s4  }
0x2a6: {  	s2 =	sshra.s32 s2, $0x2;
	s4 =	sand.u32 $0x7F, s3;
	s3 =	sshll.u32 s3, $0x2  }
0x2a7: {  	s25 =	sadd.s32 s17, s2;
	s2 =	sand.u32 $0xFFFFFE00, s3;
	s3 =	sshll.u32 s4, $0x2  }
0x2a8: {  	s2 =	sor.u32 s3, s2;
	s3 =	spop (v2sf)  }
0x2a9: {  	[tilespmem:s17+$0x8600] =	vst v0;
	s2 =	sshra.s32 s2, $0x2;
	s4 =	sand.u32 $0x7F, s3;
	s14 =	sshll.u32 s3, $0x2  }
0x2aa: {  	v0 =	vld [tilespmem:s22+$0x600];
	s22 =	sadd.s32 s17, s2;
	s2 =	sand.u32 $0xFFFFFE00, s14;
	s4 =	sshll.u32 s4, $0x2  }
0x2ab: {  	s3 =	sadd.s32 $0x10, s3;
	s2 =	sor.u32 s4, s2  }
0x2ac: {  	s4 =	sand.u32 $0x7F, s3;
	s3 =	sshll.u32 s3, $0x2;
	s2 =	sshra.s32 s2, $0x2  }
0x2ad: {  	s14 =	sadd.s32 s17, s2;
	s2 =	sand.u32 $0xFFFFFE00, s3;
	s3 =	sshll.u32 s4, $0x2  }
0x2ae: {  	s2 =	sor.u32 s3, s2  }
0x2af: {  	[tilespmem:s17+$0x8610] =	vst v0;
	s2 =	sshra.s32 s2, $0x2  }
0x2b0: {  	v0 =	vld [tilespmem:s19+$0x680];
	s19 =	sadd.s32 s17, s2;
	_ =	sdelay $0x4  }
0x2b1: {  	[tilespmem:s17+$0x8680] =	vst v0  }
0x2b2: {  	v0 =	vld [tilespmem:s20+$0x680];
	_ =	sdelay $0x4  }
0x2b3: {  	[tilespmem:s17+$0x8690] =	vst v0  }
0x2b4: {  	v0 =	vld [tilespmem:s21+$0x700];
	_ =	sdelay $0x4  }
0x2b5: {  	[tilespmem:s17+$0x8700] =	vst v0  }
0x2b6: {  	v0 =	vld [tilespmem:s23+$0x700];
	_ =	sdelay $0x4  }
0x2b7: {  	[tilespmem:s17+$0x8710] =	vst v0  }
0x2b8: {  	v0 =	vld [tilespmem:s24+$0x780];
	_ =	sdelay $0x4  }
0x2b9: {  	[tilespmem:s17+$0x8780] =	vst v0  }
0x2ba: {  	v0 =	vld [tilespmem:s26+$0x780];
	_ =	sdelay $0x4  }
0x2bb: {  	[tilespmem:s17+$0x8790] =	vst v0  }
0x2bc: {  	v0 =	vld [tilespmem:s28+$0x800];
	_ =	sdelay $0x4  }
0x2bd: {  	[tilespmem:s17+$0x8800] =	vst v0  }
0x2be: {  	v0 =	vld [tilespmem:s29+$0x800];
	_ =	sdelay $0x4  }
0x2bf: {  	[tilespmem:s17+$0x8810] =	vst v0  }
0x2c0: {  	v0 =	vld [tilespmem:s31+$0x880];
	_ =	sdelay $0x4  }
0x2c1: {  	[tilespmem:s17+$0x8880] =	vst v0  }
0x2c2: {  	v0 =	vld [tilespmem:s0+$0x880];
	_ =	sdelay $0x4  }
0x2c3: {  	[tilespmem:s17+$0x8890] =	vst v0  }
0x2c4: {  	v0 =	vld [tilespmem:s1+$0x900];
	_ =	sdelay $0x4  }
0x2c5: {  	[tilespmem:s17+$0x8900] =	vst v0  }
0x2c6: {  	v0 =	vld [tilespmem:s30+$0x900];
	_ =	sdelay $0x4  }
0x2c7: {  	[tilespmem:s17+$0x8910] =	vst v0  }
0x2c8: {  	v0 =	vld [tilespmem:s11+$0x980];
	_ =	sdelay $0x4  }
0x2c9: {  	[tilespmem:s17+$0x8980] =	vst v0  }
0x2ca: {  	v0 =	vld [tilespmem:s12+$0x980];
	_ =	sdelay $0x4  }
0x2cb: {  	[tilespmem:s17+$0x8990] =	vst v0  }
0x2cc: {  	v0 =	vld [tilespmem:s25+$0xA00];
	_ =	sdelay $0x4  }
0x2cd: {  	[tilespmem:s17+$0x8A00] =	vst v0  }
0x2ce: {  	v0 =	vld [tilespmem:s22+$0xA00];
	_ =	sdelay $0x4  }
0x2cf: {  	[tilespmem:s17+$0x8A10] =	vst v0  }
0x2d0: {  	v0 =	vld [tilespmem:s14+$0xA80];
	_ =	sdelay $0x1  }
.Ltmp3:
0x2d1: {  	(pc) =	sbr.rel @p0 .LBB2_8-.Ltmp3, $3  }
0x2d2: {  	_ =	sdelay $0x1  }
0x2d3: {  	[tilespmem:s17+$0x8A80] =	vst v0  }
0x2d4: {  	v0 =	vld [tilespmem:s19+$0xA80]  }
0x2d5: {  	_ =	sdelay $0x1  }
0x2d6: {  	s15 =	sadd.s32 $0x1, s15  }
0x2d7: {  	p0 =	sne.s32 s15, s9  }
.Ltmp4:
0x2d8: {  	s2 =	simm.s32 $0x0;
	s0 =	simm.s32 $0x8300;
	[tilespmem:s17+$0x8A90] =	vst v0;
	(pc) =	sbr.rel @p0 .LBB2_1-.Ltmp4, $4  }
0x2d9: {  	[hbm4b:s8+s2] =	stream.linear.scatter [tilespmem:s0], [sflag:$0x2], $0x8000, $0x38;
	[tilespmem:$0x10300] =	vst v63  }
0x2da: {  	_ =	swait.ge [sflag:s10], $0x8000  }
0x2db: {  	[sflag:s10] =	ssyncset.done $0x0  }
0x2dc: {  	[sflag:s10] =	ssyncadd.s32 $0xFFFF8000  }
0x2dd: {  	_ =	sfence.sel $0x180000  }
0x2de: {  	[bflag:$0x0] =	sbarrier.arrive $0xFFFF  }
0x2df: {  	_ =	strace $0x90000047  }
0x2e0: {  	s0 =	stileid.u32;
	[bflag:$0x2] =	sbarrier.arrive $0xFFFF  }
0x2e1: {  	p0 =	sne.s32 s0, $0x0;
	s0 =	rddreg [dreg:$0x3]  }
0x2e2: {  	s0 =	sadd.s32 @!p0 $0x100000, s0  }
0x2e3: {  	[sflag:s0] =	ssyncadd.tile.s32 @!p0 $0x1;
	_ =	shalt  }
.Lfunc_end2:
_tile_overlayer_lowered:
.L_overlay_start_2:
0x2e4: {  	(tag) =	ssettag $0x2  }
0x2e5: {  	s0 =	rddreg [dreg:$0x0];
	s2 =	stileid.u32  }
0x2e6: {  	s1 =	rddreg [dreg:$0x1];
	p0 =	sne.s32 s2, $0x0  }
0x2e7: {  	s3 =	rddreg [dreg:$0x2];
	[bflag:$0x3] =	sbarrier.arrive $0xFFFF;
	s2 =	simm.s32 @!p0 $0x1C02  }
0x2e8: {  	[timem:s3], [sflag:s2] =	dma.local @!p0 [hbm:s0], s1  }
0x2e9: {  	s0 =	simm.s32 @!p0 $0x2  }
0x2ea: {  	_ =	swait.ge @!p0 [sflag:s0], s1  }
0x2eb: {  	s1 =	ssub.s32 @!p0 $0x0, s1;
	[sflag:s0] =	ssyncset.done @!p0 $0x0  }
0x2ec: {  	[sflag:s0] =	ssyncadd.s32 @!p0 s1  }
0x2ed: {  	[bflag:$0x3] =	sbarrier.arrive $0xFFFF  }
0x2ee: {  	_ =	shalt  }

</sc_bundles>
